<compile_context>
chip_gen: v7x
topology: tpu7x:2x2x1
jax: 0.10.2.dev20260603
libtpu: 0.0.44.dev20260713+nightly
codegen_flags: <defaults>
</compile_context>

<pallas_src>
import jax
import jax.numpy as jnp
import numpy as np
from jax import lax
from jax.experimental import pallas as pl
from jax.experimental.pallas import tpu as pltpu
from jax.experimental.pallas import tpu_sc as plsc

_DIM = 128
_BUCKET = 64
_LANES = 16
_NBUF = 4
_NEG = -3.4028234663852886e38


def _sc_body(k_hbm, w_hbm, bk_hbm, ws_hbm, wbuf, kb0, kb1, kb2, kb3,
             obk, ows, sem0, sem1, sem2, sem3):
    bh = k_hbm.shape[0]
    ngrp = _DIM // _LANES
    wid = lax.axis_index("s") * 2 + lax.axis_index("c")
    pd = pl.ds(2 * wid, 2)

    pltpu.sync_copy(w_hbm.at[pd], wbuf)

    bufs = (kb0, kb1, kb2, kb3)
    sems = (sem0, sem1, sem2, sem3)
    zero = jnp.zeros((_LANES,), jnp.float32)

    def accumulate(kb, bh_idx):
        for jj in range(2):
            def s_body(u, accs):
                new = list(accs)
                for v in range(2):
                    s = 2 * u + v
                    wv = wbuf[jj, s]
                    for g in range(ngrp):
                        row = kb[jj, s, pl.ds(_LANES * g, _LANES)]
                        new[g] = new[g] + row
                        new[ngrp + g] = new[ngrp + g] + wv * row
                return tuple(new)

            accs = lax.fori_loop(0, _BUCKET // 2, s_body, (zero,) * (2 * ngrp))
            base = bh_idx * _DIM
            for g in range(ngrp):
                obk[jj, pl.ds(base + _LANES * g, _LANES)] = accs[g]
                ows[jj, pl.ds(base + _LANES * g, _LANES)] = accs[ngrp + g]

    for c in range(_NBUF):
        pltpu.async_copy(k_hbm.at[c, pd], bufs[c], sems[c])

    def t_body(t, carry):
        for b in range(_NBUF):
            c = _NBUF * t + b
            pltpu.make_async_copy(k_hbm.at[c, pd], bufs[b], sems[b]).wait()
            accumulate(bufs[b], c)

            @pl.when(c + _NBUF < bh)
            def _():
                pltpu.async_copy(k_hbm.at[c + _NBUF, pd], bufs[b], sems[b])

        return carry

    lax.fori_loop(0, bh // _NBUF, t_body, 0)

    pltpu.sync_copy(obk, bk_hbm.at[pd])
    pltpu.sync_copy(ows, ws_hbm.at[pd])


def _k_side_sc(k4, wtab):
    bh, nb = k4.shape[0], k4.shape[1]
    out_t = jax.ShapeDtypeStruct((nb, bh * _DIM), jnp.float32)
    kbuf = pltpu.VMEM((2, _BUCKET, _DIM), jnp.float32)
    f = pl.kernel(
        _sc_body,
        out_type=(out_t, out_t),
        mesh=plsc.VectorSubcoreMesh(core_axis_name="c", subcore_axis_name="s",
                                    num_cores=2, num_subcores=16),
        scratch_types=[
            pltpu.VMEM((2, _BUCKET, _LANES), jnp.float32),
            kbuf, kbuf, kbuf, kbuf,
            pltpu.VMEM((2, bh * _DIM), jnp.float32),
            pltpu.VMEM((2, bh * _DIM), jnp.float32),
            pltpu.SemaphoreType.DMA,
            pltpu.SemaphoreType.DMA,
            pltpu.SemaphoreType.DMA,
            pltpu.SemaphoreType.DMA,
        ],
    )
    return f(k4, wtab)


def _qside_body(q_ref, sq_ref):
    q3 = q_ref[0]
    nb = q3.shape[0]
    f32 = jnp.float32

    r64 = lax.broadcasted_iota(jnp.int32, (nb, _BUCKET), 0)
    c64 = lax.broadcasted_iota(jnp.int32, (nb, _BUCKET), 1)

    bq = jnp.sum(q3, axis=1)
    l_strict = (r64 > c64).astype(f32)
    pq = jnp.dot(l_strict, bq, preferred_element_type=f32,
                 precision=lax.Precision.HIGHEST)
    inv_cnt = 1.0 / (_BUCKET * r64[:, :1] + 1).astype(f32)
    sq_ref[0] = (pq + q3[:, 0, :]) * inv_cnt


def _tail_body(scale_ref, sq_ref, bk_ref, ws_ref, o_ref):
    bh = sq_ref.shape[0]
    nb = sq_ref.shape[1]
    f32 = jnp.float32
    scale = scale_ref[0]

    r64 = lax.broadcasted_iota(jnp.int32, (nb, _BUCKET), 0)
    c64 = lax.broadcasted_iota(jnp.int32, (nb, _BUCKET), 1)

    rinv = 1.0 / (_BUCKET * r64 + c64 + 1).astype(f32)
    h = jnp.sum(rinv, axis=1, keepdims=True)

    l_strict = (r64 > c64).astype(f32)
    pk2 = jnp.dot(l_strict, bk_ref[...], preferred_element_type=f32,
                  precision=lax.Precision.HIGHEST)
    sk2 = pk2 * h + ws_ref[...]

    ccol = lax.broadcasted_iota(jnp.int32, (nb, _DIM), 1)
    for b in range(bh):
        sq = sq_ref[b]
        sk = sk2[:, b * _DIM:(b + 1) * _DIM]
        r_core = lax.dot_general(sq, sk, (((1,), (1,)), ((), ())),
                                 preferred_element_type=f32) * scale
        r_core = jnp.where(c64 >= r64, _NEG, r_core)

        m = jnp.maximum(jnp.max(r_core, axis=1, keepdims=True), 0.0)
        e = jnp.exp(r_core - m)
        p0 = jnp.exp(-m)
        s = p0 + jnp.sum(e, axis=1, keepdims=True)
        p_core = e / s
        p0 = p0 / s
        v = jnp.maximum(jnp.max(p_core, axis=1, keepdims=True), p0)
        cand = jnp.where(p_core == v, c64 + 1, 2 * _BUCKET)
        amin = jnp.min(cand, axis=1, keepdims=True)
        amin = jnp.where(p0 == v, 0, amin)

        o_ref[b] = jnp.where(ccol == amin, v, 0.0)


def kernel(q, k, topk):
    bh, seq, dim = q.shape
    nb = seq // _BUCKET
    q4 = q.reshape(bh, nb, _BUCKET, dim)
    k4 = k.reshape(bh, nb, _BUCKET, dim)
    scale = (jnp.asarray(topk, jnp.float32) * (dim ** -0.5)).reshape(1)

    pos = np.arange(seq, dtype=np.float32).reshape(nb, _BUCKET)
    rinv = 1.0 / (pos + 1.0)
    w = np.cumsum(rinv[:, ::-1], axis=1)[:, ::-1]
    wtab = jnp.asarray(
        np.ascontiguousarray(
            np.broadcast_to(w[:, :, None], (nb, _BUCKET, _LANES))))

    bk2, ws2 = _k_side_sc(k4, wtab)

    sqs = pl.pallas_call(
        _qside_body,
        grid=(bh,),
        in_specs=[
            pl.BlockSpec((1, nb, _BUCKET, dim), lambda b: (b, 0, 0, 0)),
        ],
        out_specs=pl.BlockSpec((1, nb, _DIM), lambda b: (b, 0, 0)),
        out_shape=jax.ShapeDtypeStruct((bh, nb, _DIM), jnp.float32),
        compiler_params=pltpu.CompilerParams(
            dimension_semantics=("arbitrary",),
        ),
    )(q4)

    out = pl.pallas_call(
        _tail_body,
        in_specs=[
            pl.BlockSpec(memory_space=pltpu.SMEM),
            pl.BlockSpec((bh, nb, _DIM), lambda: (0, 0, 0)),
            pl.BlockSpec((nb, bh * _DIM), lambda: (0, 0)),
            pl.BlockSpec((nb, bh * _DIM), lambda: (0, 0)),
        ],
        out_specs=pl.BlockSpec((bh, nb, _DIM), lambda: (0, 0, 0)),
        out_shape=jax.ShapeDtypeStruct((bh, nb, _DIM), jnp.float32),
    )(scale, sqs, bk2, ws2)
    return out[:, :, : nb + 1]

# --- scband reference (transcript-rebuilt; emitter-appended) ---
"""Pipeline reference for scband-causal-attention-sort-net-1580547971845 (READ-ONLY COPY).

The authoritative reference and input builder live on the scoring server;
editing this copy changes nothing except your own understanding.
"""

import jax, jax.numpy as jnp
import numpy as np

HEADS = 16
BUCKET_SIZE = 64
DIM = 128
TEMPERATURE = 1.0


def cumavg(t, axis):
    r = jnp.arange(1, t.shape[axis] + 1, dtype=t.dtype)
    shape = [1] * t.ndim
    shape[axis] = t.shape[axis]
    return jnp.cumsum(t, axis=axis) / r.reshape(shape)


def bucket_(buckets, t, axis=1):
    shape = list(t.shape)
    shape[axis:axis + 1] = [buckets, -1]
    return t.reshape(shape)


def differentiable_topk(x, k, temperature=1.0):
    *lead, n, d = x.shape
    topk_tensors = []
    for i in range(k):
        is_last = i == k - 1
        sm = jax.nn.softmax(x / temperature, axis=-1)
        values, indices = jax.lax.top_k(sm, 1)
        oh = jax.nn.one_hot(indices[..., 0], d, dtype=x.dtype)
        topks = oh * values
        topk_tensors.append(topks)
        if not is_last:
            x = jnp.where(oh > 0, -jnp.inf, x)
    out = jnp.concatenate(topk_tensors, axis=-1)
    return out.reshape(*lead, k * n, d)


def max_neg_value(t):
    return -jnp.finfo(t.dtype).max


def mask_reordering_matrix(R, topk, temperature):
    buckets = R.shape[1]
    mask_value = max_neg_value(R)
    i, j = jnp.triu_indices(buckets)
    m2 = jnp.zeros((buckets, R.shape[2]), dtype=bool).at[i, j + topk].set(True)
    R = jnp.where(m2[None, :, :], mask_value, R)
    return differentiable_topk(R, topk, temperature)


def setup_inputs(seed: int = 0):
    key = jax.random.key(seed)
    k1, k2 = jax.random.split(key)
    bh = 2 * HEADS  # batch=2, heads=16
    seq = 4096
    q = jax.random.normal(k1, (bh, seq, DIM), dtype=jnp.float32)
    kk = jax.random.normal(k2, (bh, seq, DIM), dtype=jnp.float32)
    return {"q": q, "k": kk, "topk": 1}


def reference(q, k, topk=1):
    topk_static = 1
    buckets = q.shape[1] // BUCKET_SIZE
    kv_buckets = k.shape[1] // BUCKET_SIZE
    q_r = bucket_(buckets, cumavg(q, axis=1))
    k_r = bucket_(kv_buckets, cumavg(k, axis=1))
    sq = q_r[:, :, 0]
    sk = k_r.sum(axis=2)
    sk = jnp.pad(sk, ((0, 0), (topk_static, 0), (0, 0)))
    R = jnp.einsum('bie,bje->bij', sq, sk) * (DIM ** -0.5)
    R = R * jnp.asarray(topk, dtype=R.dtype)
    return mask_reordering_matrix(R, topk_static, TEMPERATURE)

if __name__ == "__main__":
    import jax
    _d = setup_inputs()
    print(jax.jit(kernel)(*tuple(_d.values())))

</pallas_src>

<mosaic_0001>
#map = affine_map<(d0, d1) -> (0, 0, 0, 0)>
#map1 = affine_map<(d0, d1) -> (0, 0, 0)>
#map2 = affine_map<(d0, d1) -> (0, 0)>
module attributes {stable_mosaic.version = 14 : i64} {
  func.func @_sc_body(%arg0: i32, %arg1: i32, %arg2: memref<32x64x64x128xf32, #tpu.memory_space<hbm>>, %arg3: memref<64x64x16xf32, #tpu.memory_space<hbm>>, %arg4: memref<64x4096xf32, #tpu.memory_space<hbm>>, %arg5: memref<64x4096xf32, #tpu.memory_space<hbm>>, %arg6: memref<2x64x16xf32, #tpu.memory_space<vmem>>, %arg7: memref<2x64x128xf32, #tpu.memory_space<vmem>>, %arg8: memref<2x64x128xf32, #tpu.memory_space<vmem>>, %arg9: memref<2x64x128xf32, #tpu.memory_space<vmem>>, %arg10: memref<2x64x128xf32, #tpu.memory_space<vmem>>, %arg11: memref<2x4096xf32, #tpu.memory_space<vmem>>, %arg12: memref<2x4096xf32, #tpu.memory_space<vmem>>, %arg13: memref<!tpu.dma_semaphore, #tpu.memory_space<semaphore_mem>>, %arg14: memref<!tpu.dma_semaphore, #tpu.memory_space<semaphore_mem>>, %arg15: memref<!tpu.dma_semaphore, #tpu.memory_space<semaphore_mem>>, %arg16: memref<!tpu.dma_semaphore, #tpu.memory_space<semaphore_mem>>) attributes {dimension_semantics = [#tpu.dimension_semantics<core_parallel>, #tpu.dimension_semantics<subcore_parallel>], iteration_bounds = array<i64: 2, 16>, scalar_prefetch = 0 : i64, scratch_operands = 11 : i64, tpu.core_type = #tpu.core_type<sc_vector_subcore>, window_params = [{transform_indices = #map}, {transform_indices = #map1}, {transform_indices = #map2}, {transform_indices = #map2}]} {
    %mul3A = arith.constant 2 : i32
    %mul3A_0 = arith.muli %arg1, %mul3A : i32
    %add3A = arith.addi %mul3A_0, %arg0 : i32
    %mul3A_1 = arith.constant 2 : i32
    %mul3A_2 = arith.muli %mul3A_1, %add3A : i32
    "tpu.region"() ({
      %run_scoped3A = tpu.sem_alloc : memref<!tpu.dma_semaphore, #tpu.memory_space<semaphore_mem>>
      %dma_start3A_44 = arith.constant 0 : i32
      %dma_start3A_45 = arith.constant 0 : i32
      %dma_start3A_46 = tpu.memref_slice %arg3[%mul3A_2, %dma_start3A_44, %dma_start3A_45] : memref<64x64x16xf32, #tpu.memory_space<hbm>> -> memref<2x64x16xf32, #tpu.memory_space<hbm>>
      %dma_start3A_47 = arith.constant 0 : i32
      %dma_start3A_48 = arith.constant 0 : i32
      %dma_start3A_49 = tpu.memref_slice %arg3[%mul3A_2, %dma_start3A_47, %dma_start3A_48] : memref<64x64x16xf32, #tpu.memory_space<hbm>> -> memref<2x64x16xf32, #tpu.memory_space<hbm>>
      tpu.enqueue_dma source(%dma_start3A_49 : memref<2x64x16xf32, #tpu.memory_space<hbm>>) target(%arg6 : memref<2x64x16xf32, #tpu.memory_space<vmem>>) target_semaphore(%run_scoped3A : memref<!tpu.dma_semaphore, #tpu.memory_space<semaphore_mem>>)
      %dma_wait3A = arith.constant 0 : i32
      %dma_wait3A_50 = arith.constant 0 : i32
      %dma_wait3A_51 = tpu.memref_slice %arg3[%mul3A_2, %dma_wait3A, %dma_wait3A_50] : memref<64x64x16xf32, #tpu.memory_space<hbm>> -> memref<2x64x16xf32, #tpu.memory_space<hbm>>
      %dma_wait3A_52 = arith.constant 0 : i32
      %dma_wait3A_53 = arith.constant 0 : i32
      %dma_wait3A_54 = tpu.memref_slice %arg3[%mul3A_2, %dma_wait3A_52, %dma_wait3A_53] : memref<64x64x16xf32, #tpu.memory_space<hbm>> -> memref<2x64x16xf32, #tpu.memory_space<hbm>>
      tpu.wait_dma2 semaphore(%run_scoped3A : memref<!tpu.dma_semaphore, #tpu.memory_space<semaphore_mem>>) src(%dma_wait3A_54 : memref<2x64x16xf32, #tpu.memory_space<hbm>>) dst(%arg6 : memref<2x64x16xf32, #tpu.memory_space<vmem>>)
      tpu.yield
    }) : () -> ()
    %broadcast_in_dim3A = arith.constant 0.000000e+00 : f32
    %broadcast_in_dim3A_3 = vector.broadcast %broadcast_in_dim3A : f32 to vector<16xf32>
    %dma_start3A = arith.constant 0 : i32
    %dma_start3A_4 = arith.constant 0 : i32
    %dma_start3A_5 = arith.constant 0 : i32
    %dma_start3A_6 = tpu.memref_slice %arg2[%dma_start3A, %mul3A_2, %dma_start3A_4, %dma_start3A_5] : memref<32x64x64x128xf32, #tpu.memory_space<hbm>> -> memref<1x2x64x128xf32, #tpu.memory_space<hbm>>
    %dma_start3A_7 = tpu.memref_squeeze %dma_start3A_6 : memref<1x2x64x128xf32, #tpu.memory_space<hbm>> -> memref<2x64x128xf32, #tpu.memory_space<hbm>>
    %dma_start3A_8 = arith.constant 0 : i32
    %dma_start3A_9 = arith.constant 0 : i32
    %dma_start3A_10 = tpu.memref_slice %arg2[%dma_start3A, %mul3A_2, %dma_start3A_8, %dma_start3A_9] : memref<32x64x64x128xf32, #tpu.memory_space<hbm>> -> memref<1x2x64x128xf32, #tpu.memory_space<hbm>>
    %dma_start3A_11 = tpu.memref_squeeze %dma_start3A_10 : memref<1x2x64x128xf32, #tpu.memory_space<hbm>> -> memref<2x64x128xf32, #tpu.memory_space<hbm>>
    tpu.enqueue_dma source(%dma_start3A_11 : memref<2x64x128xf32, #tpu.memory_space<hbm>>) target(%arg7 : memref<2x64x128xf32, #tpu.memory_space<vmem>>) target_semaphore(%arg13 : memref<!tpu.dma_semaphore, #tpu.memory_space<semaphore_mem>>)
    %dma_start3A_12 = arith.constant 1 : i32
    %dma_start3A_13 = arith.constant 0 : i32
    %dma_start3A_14 = arith.constant 0 : i32
    %dma_start3A_15 = tpu.memref_slice %arg2[%dma_start3A_12, %mul3A_2, %dma_start3A_13, %dma_start3A_14] : memref<32x64x64x128xf32, #tpu.memory_space<hbm>> -> memref<1x2x64x128xf32, #tpu.memory_space<hbm>>
    %dma_start3A_16 = tpu.memref_squeeze %dma_start3A_15 : memref<1x2x64x128xf32, #tpu.memory_space<hbm>> -> memref<2x64x128xf32, #tpu.memory_space<hbm>>
    %dma_start3A_17 = arith.constant 0 : i32
    %dma_start3A_18 = arith.constant 0 : i32
    %dma_start3A_19 = tpu.memref_slice %arg2[%dma_start3A_12, %mul3A_2, %dma_start3A_17, %dma_start3A_18] : memref<32x64x64x128xf32, #tpu.memory_space<hbm>> -> memref<1x2x64x128xf32, #tpu.memory_space<hbm>>
    %dma_start3A_20 = tpu.memref_squeeze %dma_start3A_19 : memref<1x2x64x128xf32, #tpu.memory_space<hbm>> -> memref<2x64x128xf32, #tpu.memory_space<hbm>>
    tpu.enqueue_dma source(%dma_start3A_20 : memref<2x64x128xf32, #tpu.memory_space<hbm>>) target(%arg8 : memref<2x64x128xf32, #tpu.memory_space<vmem>>) target_semaphore(%arg14 : memref<!tpu.dma_semaphore, #tpu.memory_space<semaphore_mem>>)
    %dma_start3A_21 = arith.constant 2 : i32
    %dma_start3A_22 = arith.constant 0 : i32
    %dma_start3A_23 = arith.constant 0 : i32
    %dma_start3A_24 = tpu.memref_slice %arg2[%dma_start3A_21, %mul3A_2, %dma_start3A_22, %dma_start3A_23] : memref<32x64x64x128xf32, #tpu.memory_space<hbm>> -> memref<1x2x64x128xf32, #tpu.memory_space<hbm>>
    %dma_start3A_25 = tpu.memref_squeeze %dma_start3A_24 : memref<1x2x64x128xf32, #tpu.memory_space<hbm>> -> memref<2x64x128xf32, #tpu.memory_space<hbm>>
    %dma_start3A_26 = arith.constant 0 : i32
    %dma_start3A_27 = arith.constant 0 : i32
    %dma_start3A_28 = tpu.memref_slice %arg2[%dma_start3A_21, %mul3A_2, %dma_start3A_26, %dma_start3A_27] : memref<32x64x64x128xf32, #tpu.memory_space<hbm>> -> memref<1x2x64x128xf32, #tpu.memory_space<hbm>>
    %dma_start3A_29 = tpu.memref_squeeze %dma_start3A_28 : memref<1x2x64x128xf32, #tpu.memory_space<hbm>> -> memref<2x64x128xf32, #tpu.memory_space<hbm>>
    tpu.enqueue_dma source(%dma_start3A_29 : memref<2x64x128xf32, #tpu.memory_space<hbm>>) target(%arg9 : memref<2x64x128xf32, #tpu.memory_space<vmem>>) target_semaphore(%arg15 : memref<!tpu.dma_semaphore, #tpu.memory_space<semaphore_mem>>)
    %dma_start3A_30 = arith.constant 3 : i32
    %dma_start3A_31 = arith.constant 0 : i32
    %dma_start3A_32 = arith.constant 0 : i32
    %dma_start3A_33 = tpu.memref_slice %arg2[%dma_start3A_30, %mul3A_2, %dma_start3A_31, %dma_start3A_32] : memref<32x64x64x128xf32, #tpu.memory_space<hbm>> -> memref<1x2x64x128xf32, #tpu.memory_space<hbm>>
    %dma_start3A_34 = tpu.memref_squeeze %dma_start3A_33 : memref<1x2x64x128xf32, #tpu.memory_space<hbm>> -> memref<2x64x128xf32, #tpu.memory_space<hbm>>
    %dma_start3A_35 = arith.constant 0 : i32
    %dma_start3A_36 = arith.constant 0 : i32
    %dma_start3A_37 = tpu.memref_slice %arg2[%dma_start3A_30, %mul3A_2, %dma_start3A_35, %dma_start3A_36] : memref<32x64x64x128xf32, #tpu.memory_space<hbm>> -> memref<1x2x64x128xf32, #tpu.memory_space<hbm>>
    %dma_start3A_38 = tpu.memref_squeeze %dma_start3A_37 : memref<1x2x64x128xf32, #tpu.memory_space<hbm>> -> memref<2x64x128xf32, #tpu.memory_space<hbm>>
    tpu.enqueue_dma source(%dma_start3A_38 : memref<2x64x128xf32, #tpu.memory_space<hbm>>) target(%arg10 : memref<2x64x128xf32, #tpu.memory_space<vmem>>) target_semaphore(%arg16 : memref<!tpu.dma_semaphore, #tpu.memory_space<semaphore_mem>>)
    %scan3A = arith.constant 0 : i32
    %scan3A_39 = arith.constant 0 : i32
    %scan3A_40 = arith.constant 8 : i32
    %scan3A_41 = arith.addi %scan3A_39, %scan3A_40 : i32
    %scan3A_42 = arith.constant 1 : i32
    scf.for %scan3A_44 = %scan3A_39 to %scan3A_41 step %scan3A_42  : i32 {
      %mul3A_45 = arith.constant 4 : i32
      %mul3A_46 = arith.muli %mul3A_45, %scan3A_44 : i32
      %add3A_47 = arith.constant 0 : i32
      %add3A_48 = arith.addi %mul3A_46, %add3A_47 : i32
      %dma_wait3A = arith.constant 0 : i32
      %dma_wait3A_49 = arith.constant 0 : i32
      %dma_wait3A_50 = tpu.memref_slice %arg2[%add3A_48, %mul3A_2, %dma_wait3A, %dma_wait3A_49] : memref<32x64x64x128xf32, #tpu.memory_space<hbm>> -> memref<1x2x64x128xf32, #tpu.memory_space<hbm>>
      %dma_wait3A_51 = tpu.memref_squeeze %dma_wait3A_50 : memref<1x2x64x128xf32, #tpu.memory_space<hbm>> -> memref<2x64x128xf32, #tpu.memory_space<hbm>>
      %dma_wait3A_52 = arith.constant 0 : i32
      %dma_wait3A_53 = arith.constant 0 : i32
      %dma_wait3A_54 = tpu.memref_slice %arg2[%add3A_48, %mul3A_2, %dma_wait3A_52, %dma_wait3A_53] : memref<32x64x64x128xf32, #tpu.memory_space<hbm>> -> memref<1x2x64x128xf32, #tpu.memory_space<hbm>>
      %dma_wait3A_55 = tpu.memref_squeeze %dma_wait3A_54 : memref<1x2x64x128xf32, #tpu.memory_space<hbm>> -> memref<2x64x128xf32, #tpu.memory_space<hbm>>
      tpu.wait_dma2 semaphore(%arg13 : memref<!tpu.dma_semaphore, #tpu.memory_space<semaphore_mem>>) src(%dma_wait3A_55 : memref<2x64x128xf32, #tpu.memory_space<hbm>>) dst(%arg7 : memref<2x64x128xf32, #tpu.memory_space<vmem>>)
      %scan3A_56 = arith.constant 0 : i32
      %scan3A_57 = arith.constant 32 : i32
      %scan3A_58 = arith.addi %scan3A_56, %scan3A_57 : i32
      %scan3A_59 = arith.constant 1 : i32
      %scan3A_60:16 = scf.for %scan3A_1204 = %scan3A_56 to %scan3A_58 step %scan3A_59 iter_args(%scan3A_1205 = %broadcast_in_dim3A_3, %scan3A_1206 = %broadcast_in_dim3A_3, %scan3A_1207 = %broadcast_in_dim3A_3, %scan3A_1208 = %broadcast_in_dim3A_3, %scan3A_1209 = %broadcast_in_dim3A_3, %scan3A_1210 = %broadcast_in_dim3A_3, %scan3A_1211 = %broadcast_in_dim3A_3, %scan3A_1212 = %broadcast_in_dim3A_3, %scan3A_1213 = %broadcast_in_dim3A_3, %scan3A_1214 = %broadcast_in_dim3A_3, %scan3A_1215 = %broadcast_in_dim3A_3, %scan3A_1216 = %broadcast_in_dim3A_3, %scan3A_1217 = %broadcast_in_dim3A_3, %scan3A_1218 = %broadcast_in_dim3A_3, %scan3A_1219 = %broadcast_in_dim3A_3, %scan3A_1220 = %broadcast_in_dim3A_3) -> (vector<16xf32>, vector<16xf32>, vector<16xf32>, vector<16xf32>, vector<16xf32>, vector<16xf32>, vector<16xf32>, vector<16xf32>, vector<16xf32>, vector<16xf32>, vector<16xf32>, vector<16xf32>, vector<16xf32>, vector<16xf32>, vector<16xf32>, vector<16xf32>)  : i32 {
        %mul3A_1221 = arith.constant 2 : i32
        %mul3A_1222 = arith.muli %mul3A_1221, %scan3A_1204 : i32
        %add3A_1223 = arith.constant 0 : i32
        %add3A_1224 = arith.addi %mul3A_1222, %add3A_1223 : i32
        %get3A = arith.constant 0 : i32
        %get3A_1225 = arith.index_cast %get3A : i32 to index
        %get3A_1226 = arith.index_cast %add3A_1224 : i32 to index
        %get3A_1227 = arith.constant 0 : index
        %get3A_1228 = tpu.vector_load %arg6[%get3A_1225, %get3A_1226, %get3A_1227] {strides = array<i32>} : memref<2x64x16xf32, #tpu.memory_space<vmem>>, vector<1x1x16xf32>,
        %get3A_1229 = vector.shape_cast %get3A_1228 : vector<1x1x16xf32> to vector<16xf32>
        %get3A_1230 = arith.constant 0 : i32
        %get3A_1231 = arith.index_cast %get3A_1230 : i32 to index
        %get3A_1232 = arith.index_cast %add3A_1224 : i32 to index
        %get3A_1233 = arith.constant 0 : index
        %get3A_1234 = tpu.vector_load %arg7[%get3A_1231, %get3A_1232, %get3A_1233] {strides = array<i32>} : memref<2x64x128xf32, #tpu.memory_space<vmem>>, vector<1x1x16xf32>,
        %get3A_1235 = vector.shape_cast %get3A_1234 : vector<1x1x16xf32> to vector<16xf32>
        %add3A_1236 = arith.addf %scan3A_1205, %get3A_1235 : vector<16xf32>
        %mul3A_1237 = arith.mulf %get3A_1229, %get3A_1235 : vector<16xf32>
        %add3A_1238 = arith.addf %scan3A_1213, %mul3A_1237 : vector<16xf32>
        %get3A_1239 = arith.constant 0 : i32
        %get3A_1240 = arith.index_cast %get3A_1239 : i32 to index
        %get3A_1241 = arith.index_cast %add3A_1224 : i32 to index
        %get3A_1242 = arith.constant 16 : index
        %get3A_1243 = tpu.vector_load %arg7[%get3A_1240, %get3A_1241, %get3A_1242] {strides = array<i32>} : memref<2x64x128xf32, #tpu.memory_space<vmem>>, vector<1x1x16xf32>,
        %get3A_1244 = vector.shape_cast %get3A_1243 : vector<1x1x16xf32> to vector<16xf32>
        %add3A_1245 = arith.addf %scan3A_1206, %get3A_1244 : vector<16xf32>
        %mul3A_1246 = arith.mulf %get3A_1229, %get3A_1244 : vector<16xf32>
        %add3A_1247 = arith.addf %scan3A_1214, %mul3A_1246 : vector<16xf32>
        %get3A_1248 = arith.constant 0 : i32
        %get3A_1249 = arith.index_cast %get3A_1248 : i32 to index
        %get3A_1250 = arith.index_cast %add3A_1224 : i32 to index
        %get3A_1251 = arith.constant 32 : index
        %get3A_1252 = tpu.vector_load %arg7[%get3A_1249, %get3A_1250, %get3A_1251] {strides = array<i32>} : memref<2x64x128xf32, #tpu.memory_space<vmem>>, vector<1x1x16xf32>,
        %get3A_1253 = vector.shape_cast %get3A_1252 : vector<1x1x16xf32> to vector<16xf32>
        %add3A_1254 = arith.addf %scan3A_1207, %get3A_1253 : vector<16xf32>
        %mul3A_1255 = arith.mulf %get3A_1229, %get3A_1253 : vector<16xf32>
        %add3A_1256 = arith.addf %scan3A_1215, %mul3A_1255 : vector<16xf32>
        %get3A_1257 = arith.constant 0 : i32
        %get3A_1258 = arith.index_cast %get3A_1257 : i32 to index
        %get3A_1259 = arith.index_cast %add3A_1224 : i32 to index
        %get3A_1260 = arith.constant 48 : index
        %get3A_1261 = tpu.vector_load %arg7[%get3A_1258, %get3A_1259, %get3A_1260] {strides = array<i32>} : memref<2x64x128xf32, #tpu.memory_space<vmem>>, vector<1x1x16xf32>,
        %get3A_1262 = vector.shape_cast %get3A_1261 : vector<1x1x16xf32> to vector<16xf32>
        %add3A_1263 = arith.addf %scan3A_1208, %get3A_1262 : vector<16xf32>
        %mul3A_1264 = arith.mulf %get3A_1229, %get3A_1262 : vector<16xf32>
        %add3A_1265 = arith.addf %scan3A_1216, %mul3A_1264 : vector<16xf32>
        %get3A_1266 = arith.constant 0 : i32
        %get3A_1267 = arith.index_cast %get3A_1266 : i32 to index
        %get3A_1268 = arith.index_cast %add3A_1224 : i32 to index
        %get3A_1269 = arith.constant 64 : index
        %get3A_1270 = tpu.vector_load %arg7[%get3A_1267, %get3A_1268, %get3A_1269] {strides = array<i32>} : memref<2x64x128xf32, #tpu.memory_space<vmem>>, vector<1x1x16xf32>,
        %get3A_1271 = vector.shape_cast %get3A_1270 : vector<1x1x16xf32> to vector<16xf32>
        %add3A_1272 = arith.addf %scan3A_1209, %get3A_1271 : vector<16xf32>
        %mul3A_1273 = arith.mulf %get3A_1229, %get3A_1271 : vector<16xf32>
        %add3A_1274 = arith.addf %scan3A_1217, %mul3A_1273 : vector<16xf32>
        %get3A_1275 = arith.constant 0 : i32
        %get3A_1276 = arith.index_cast %get3A_1275 : i32 to index
        %get3A_1277 = arith.index_cast %add3A_1224 : i32 to index
        %get3A_1278 = arith.constant 80 : index
        %get3A_1279 = tpu.vector_load %arg7[%get3A_1276, %get3A_1277, %get3A_1278] {strides = array<i32>} : memref<2x64x128xf32, #tpu.memory_space<vmem>>, vector<1x1x16xf32>,
        %get3A_1280 = vector.shape_cast %get3A_1279 : vector<1x1x16xf32> to vector<16xf32>
        %add3A_1281 = arith.addf %scan3A_1210, %get3A_1280 : vector<16xf32>
        %mul3A_1282 = arith.mulf %get3A_1229, %get3A_1280 : vector<16xf32>
        %add3A_1283 = arith.addf %scan3A_1218, %mul3A_1282 : vector<16xf32>
        %get3A_1284 = arith.constant 0 : i32
        %get3A_1285 = arith.index_cast %get3A_1284 : i32 to index
        %get3A_1286 = arith.index_cast %add3A_1224 : i32 to index
        %get3A_1287 = arith.constant 96 : index
        %get3A_1288 = tpu.vector_load %arg7[%get3A_1285, %get3A_1286, %get3A_1287] {strides = array<i32>} : memref<2x64x128xf32, #tpu.memory_space<vmem>>, vector<1x1x16xf32>,
        %get3A_1289 = vector.shape_cast %get3A_1288 : vector<1x1x16xf32> to vector<16xf32>
        %add3A_1290 = arith.addf %scan3A_1211, %get3A_1289 : vector<16xf32>
        %mul3A_1291 = arith.mulf %get3A_1229, %get3A_1289 : vector<16xf32>
        %add3A_1292 = arith.addf %scan3A_1219, %mul3A_1291 : vector<16xf32>
        %get3A_1293 = arith.constant 0 : i32
        %get3A_1294 = arith.index_cast %get3A_1293 : i32 to index
        %get3A_1295 = arith.index_cast %add3A_1224 : i32 to index
        %get3A_1296 = arith.constant 112 : index
        %get3A_1297 = tpu.vector_load %arg7[%get3A_1294, %get3A_1295, %get3A_1296] {strides = array<i32>} : memref<2x64x128xf32, #tpu.memory_space<vmem>>, vector<1x1x16xf32>,
        %get3A_1298 = vector.shape_cast %get3A_1297 : vector<1x1x16xf32> to vector<16xf32>
        %add3A_1299 = arith.addf %scan3A_1212, %get3A_1298 : vector<16xf32>
        %mul3A_1300 = arith.mulf %get3A_1229, %get3A_1298 : vector<16xf32>
        %add3A_1301 = arith.addf %scan3A_1220, %mul3A_1300 : vector<16xf32>
        %mul3A_1302 = arith.constant 2 : i32
        %mul3A_1303 = arith.muli %mul3A_1302, %scan3A_1204 : i32
        %add3A_1304 = arith.constant 1 : i32
        %add3A_1305 = arith.addi %mul3A_1303, %add3A_1304 : i32
        %get3A_1306 = arith.constant 0 : i32
        %get3A_1307 = arith.index_cast %get3A_1306 : i32 to index
        %get3A_1308 = arith.index_cast %add3A_1305 : i32 to index
        %get3A_1309 = arith.constant 0 : index
        %get3A_1310 = tpu.vector_load %arg6[%get3A_1307, %get3A_1308, %get3A_1309] {strides = array<i32>} : memref<2x64x16xf32, #tpu.memory_space<vmem>>, vector<1x1x16xf32>,
        %get3A_1311 = vector.shape_cast %get3A_1310 : vector<1x1x16xf32> to vector<16xf32>
        %get3A_1312 = arith.constant 0 : i32
        %get3A_1313 = arith.index_cast %get3A_1312 : i32 to index
        %get3A_1314 = arith.index_cast %add3A_1305 : i32 to index
        %get3A_1315 = arith.constant 0 : index
        %get3A_1316 = tpu.vector_load %arg7[%get3A_1313, %get3A_1314, %get3A_1315] {strides = array<i32>} : memref<2x64x128xf32, #tpu.memory_space<vmem>>, vector<1x1x16xf32>,
        %get3A_1317 = vector.shape_cast %get3A_1316 : vector<1x1x16xf32> to vector<16xf32>
        %add3A_1318 = arith.addf %add3A_1236, %get3A_1317 : vector<16xf32>
        %mul3A_1319 = arith.mulf %get3A_1311, %get3A_1317 : vector<16xf32>
        %add3A_1320 = arith.addf %add3A_1238, %mul3A_1319 : vector<16xf32>
        %get3A_1321 = arith.constant 0 : i32
        %get3A_1322 = arith.index_cast %get3A_1321 : i32 to index
        %get3A_1323 = arith.index_cast %add3A_1305 : i32 to index
        %get3A_1324 = arith.constant 16 : index
        %get3A_1325 = tpu.vector_load %arg7[%get3A_1322, %get3A_1323, %get3A_1324] {strides = array<i32>} : memref<2x64x128xf32, #tpu.memory_space<vmem>>, vector<1x1x16xf32>,
        %get3A_1326 = vector.shape_cast %get3A_1325 : vector<1x1x16xf32> to vector<16xf32>
        %add3A_1327 = arith.addf %add3A_1245, %get3A_1326 : vector<16xf32>
        %mul3A_1328 = arith.mulf %get3A_1311, %get3A_1326 : vector<16xf32>
        %add3A_1329 = arith.addf %add3A_1247, %mul3A_1328 : vector<16xf32>
        %get3A_1330 = arith.constant 0 : i32
        %get3A_1331 = arith.index_cast %get3A_1330 : i32 to index
        %get3A_1332 = arith.index_cast %add3A_1305 : i32 to index
        %get3A_1333 = arith.constant 32 : index
        %get3A_1334 = tpu.vector_load %arg7[%get3A_1331, %get3A_1332, %get3A_1333] {strides = array<i32>} : memref<2x64x128xf32, #tpu.memory_space<vmem>>, vector<1x1x16xf32>,
        %get3A_1335 = vector.shape_cast %get3A_1334 : vector<1x1x16xf32> to vector<16xf32>
        %add3A_1336 = arith.addf %add3A_1254, %get3A_1335 : vector<16xf32>
        %mul3A_1337 = arith.mulf %get3A_1311, %get3A_1335 : vector<16xf32>
        %add3A_1338 = arith.addf %add3A_1256, %mul3A_1337 : vector<16xf32>
        %get3A_1339 = arith.constant 0 : i32
        %get3A_1340 = arith.index_cast %get3A_1339 : i32 to index
        %get3A_1341 = arith.index_cast %add3A_1305 : i32 to index
        %get3A_1342 = arith.constant 48 : index
        %get3A_1343 = tpu.vector_load %arg7[%get3A_1340, %get3A_1341, %get3A_1342] {strides = array<i32>} : memref<2x64x128xf32, #tpu.memory_space<vmem>>, vector<1x1x16xf32>,
        %get3A_1344 = vector.shape_cast %get3A_1343 : vector<1x1x16xf32> to vector<16xf32>
        %add3A_1345 = arith.addf %add3A_1263, %get3A_1344 : vector<16xf32>
        %mul3A_1346 = arith.mulf %get3A_1311, %get3A_1344 : vector<16xf32>
        %add3A_1347 = arith.addf %add3A_1265, %mul3A_1346 : vector<16xf32>
        %get3A_1348 = arith.constant 0 : i32
        %get3A_1349 = arith.index_cast %get3A_1348 : i32 to index
        %get3A_1350 = arith.index_cast %add3A_1305 : i32 to index
        %get3A_1351 = arith.constant 64 : index
        %get3A_1352 = tpu.vector_load %arg7[%get3A_1349, %get3A_1350, %get3A_1351] {strides = array<i32>} : memref<2x64x128xf32, #tpu.memory_space<vmem>>, vector<1x1x16xf32>,
        %get3A_1353 = vector.shape_cast %get3A_1352 : vector<1x1x16xf32> to vector<16xf32>
        %add3A_1354 = arith.addf %add3A_1272, %get3A_1353 : vector<16xf32>
        %mul3A_1355 = arith.mulf %get3A_1311, %get3A_1353 : vector<16xf32>
        %add3A_1356 = arith.addf %add3A_1274, %mul3A_1355 : vector<16xf32>
        %get3A_1357 = arith.constant 0 : i32
        %get3A_1358 = arith.index_cast %get3A_1357 : i32 to index
        %get3A_1359 = arith.index_cast %add3A_1305 : i32 to index
        %get3A_1360 = arith.constant 80 : index
        %get3A_1361 = tpu.vector_load %arg7[%get3A_1358, %get3A_1359, %get3A_1360] {strides = array<i32>} : memref<2x64x128xf32, #tpu.memory_space<vmem>>, vector<1x1x16xf32>,
        %get3A_1362 = vector.shape_cast %get3A_1361 : vector<1x1x16xf32> to vector<16xf32>
        %add3A_1363 = arith.addf %add3A_1281, %get3A_1362 : vector<16xf32>
        %mul3A_1364 = arith.mulf %get3A_1311, %get3A_1362 : vector<16xf32>
        %add3A_1365 = arith.addf %add3A_1283, %mul3A_1364 : vector<16xf32>
        %get3A_1366 = arith.constant 0 : i32
        %get3A_1367 = arith.index_cast %get3A_1366 : i32 to index
        %get3A_1368 = arith.index_cast %add3A_1305 : i32 to index
        %get3A_1369 = arith.constant 96 : index
        %get3A_1370 = tpu.vector_load %arg7[%get3A_1367, %get3A_1368, %get3A_1369] {strides = array<i32>} : memref<2x64x128xf32, #tpu.memory_space<vmem>>, vector<1x1x16xf32>,
        %get3A_1371 = vector.shape_cast %get3A_1370 : vector<1x1x16xf32> to vector<16xf32>
        %add3A_1372 = arith.addf %add3A_1290, %get3A_1371 : vector<16xf32>
        %mul3A_1373 = arith.mulf %get3A_1311, %get3A_1371 : vector<16xf32>
        %add3A_1374 = arith.addf %add3A_1292, %mul3A_1373 : vector<16xf32>
        %get3A_1375 = arith.constant 0 : i32
        %get3A_1376 = arith.index_cast %get3A_1375 : i32 to index
        %get3A_1377 = arith.index_cast %add3A_1305 : i32 to index
        %get3A_1378 = arith.constant 112 : index
        %get3A_1379 = tpu.vector_load %arg7[%get3A_1376, %get3A_1377, %get3A_1378] {strides = array<i32>} : memref<2x64x128xf32, #tpu.memory_space<vmem>>, vector<1x1x16xf32>,
        %get3A_1380 = vector.shape_cast %get3A_1379 : vector<1x1x16xf32> to vector<16xf32>
        %add3A_1381 = arith.addf %add3A_1299, %get3A_1380 : vector<16xf32>
        %mul3A_1382 = arith.mulf %get3A_1311, %get3A_1380 : vector<16xf32>
        %add3A_1383 = arith.addf %add3A_1301, %mul3A_1382 : vector<16xf32>
        scf.yield %add3A_1318, %add3A_1327, %add3A_1336, %add3A_1345, %add3A_1354, %add3A_1363, %add3A_1372, %add3A_1381, %add3A_1320, %add3A_1329, %add3A_1338, %add3A_1347, %add3A_1356, %add3A_1365, %add3A_1374, %add3A_1383 : vector<16xf32>, vector<16xf32>, vector<16xf32>, vector<16xf32>, vector<16xf32>, vector<16xf32>, vector<16xf32>, vector<16xf32>, vector<16xf32>, vector<16xf32>, vector<16xf32>, vector<16xf32>, vector<16xf32>, vector<16xf32>, vector<16xf32>, vector<16xf32>
      }
      %scan3A_61 = arith.constant 32 : i32
      %mul3A_62 = arith.constant 128 : i32
      %mul3A_63 = arith.muli %add3A_48, %mul3A_62 : i32
      %add3A_64 = arith.constant 0 : i32
      %add3A_65 = arith.addi %mul3A_63, %add3A_64 : i32
      %swap3A = arith.constant 0 : i32
      %swap3A_66 = arith.index_cast %swap3A : i32 to index
      %swap3A_67 = arith.index_cast %add3A_65 : i32 to index
      %swap3A_68 = tpu.vector_load %arg11[%swap3A_66, %swap3A_67] {strides = array<i32>} : memref<2x4096xf32, #tpu.memory_space<vmem>>, vector<1x16xf32>,
      %swap3A_69 = vector.shape_cast %swap3A_68 : vector<1x16xf32> to vector<16xf32>
      %swap3A_70 = vector.shape_cast %scan3A_60#0 : vector<16xf32> to vector<1x16xf32>
      tpu.vector_store %arg11[%swap3A_66, %swap3A_67], %swap3A_70 {strides = array<i32>} : memref<2x4096xf32, #tpu.memory_space<vmem>>, vector<1x16xf32>,
      %add3A_71 = arith.constant 0 : i32
      %add3A_72 = arith.addi %mul3A_63, %add3A_71 : i32
      %swap3A_73 = arith.constant 0 : i32
      %swap3A_74 = arith.index_cast %swap3A_73 : i32 to index
      %swap3A_75 = arith.index_cast %add3A_72 : i32 to index
      %swap3A_76 = tpu.vector_load %arg12[%swap3A_74, %swap3A_75] {strides = array<i32>} : memref<2x4096xf32, #tpu.memory_space<vmem>>, vector<1x16xf32>,
      %swap3A_77 = vector.shape_cast %swap3A_76 : vector<1x16xf32> to vector<16xf32>
      %swap3A_78 = vector.shape_cast %scan3A_60#8 : vector<16xf32> to vector<1x16xf32>
      tpu.vector_store %arg12[%swap3A_74, %swap3A_75], %swap3A_78 {strides = array<i32>} : memref<2x4096xf32, #tpu.memory_space<vmem>>, vector<1x16xf32>,
      %add3A_79 = arith.constant 16 : i32
      %add3A_80 = arith.addi %mul3A_63, %add3A_79 : i32
      %swap3A_81 = arith.constant 0 : i32
      %swap3A_82 = arith.index_cast %swap3A_81 : i32 to index
      %swap3A_83 = arith.index_cast %add3A_80 : i32 to index
      %swap3A_84 = tpu.vector_load %arg11[%swap3A_82, %swap3A_83] {strides = array<i32>} : memref<2x4096xf32, #tpu.memory_space<vmem>>, vector<1x16xf32>,
      %swap3A_85 = vector.shape_cast %swap3A_84 : vector<1x16xf32> to vector<16xf32>
      %swap3A_86 = vector.shape_cast %scan3A_60#1 : vector<16xf32> to vector<1x16xf32>
      tpu.vector_store %arg11[%swap3A_82, %swap3A_83], %swap3A_86 {strides = array<i32>} : memref<2x4096xf32, #tpu.memory_space<vmem>>, vector<1x16xf32>,
      %add3A_87 = arith.constant 16 : i32
      %add3A_88 = arith.addi %mul3A_63, %add3A_87 : i32
      %swap3A_89 = arith.constant 0 : i32
      %swap3A_90 = arith.index_cast %swap3A_89 : i32 to index
      %swap3A_91 = arith.index_cast %add3A_88 : i32 to index
      %swap3A_92 = tpu.vector_load %arg12[%swap3A_90, %swap3A_91] {strides = array<i32>} : memref<2x4096xf32, #tpu.memory_space<vmem>>, vector<1x16xf32>,
      %swap3A_93 = vector.shape_cast %swap3A_92 : vector<1x16xf32> to vector<16xf32>
      %swap3A_94 = vector.shape_cast %scan3A_60#9 : vector<16xf32> to vector<1x16xf32>
      tpu.vector_store %arg12[%swap3A_90, %swap3A_91], %swap3A_94 {strides = array<i32>} : memref<2x4096xf32, #tpu.memory_space<vmem>>, vector<1x16xf32>,
      %add3A_95 = arith.constant 32 : i32
      %add3A_96 = arith.addi %mul3A_63, %add3A_95 : i32
      %swap3A_97 = arith.constant 0 : i32
      %swap3A_98 = arith.index_cast %swap3A_97 : i32 to index
      %swap3A_99 = arith.index_cast %add3A_96 : i32 to index
      %swap3A_100 = tpu.vector_load %arg11[%swap3A_98, %swap3A_99] {strides = array<i32>} : memref<2x4096xf32, #tpu.memory_space<vmem>>, vector<1x16xf32>,
      %swap3A_101 = vector.shape_cast %swap3A_100 : vector<1x16xf32> to vector<16xf32>
      %swap3A_102 = vector.shape_cast %scan3A_60#2 : vector<16xf32> to vector<1x16xf32>
      tpu.vector_store %arg11[%swap3A_98, %swap3A_99], %swap3A_102 {strides = array<i32>} : memref<2x4096xf32, #tpu.memory_space<vmem>>, vector<1x16xf32>,
      %add3A_103 = arith.constant 32 : i32
      %add3A_104 = arith.addi %mul3A_63, %add3A_103 : i32
      %swap3A_105 = arith.constant 0 : i32
      %swap3A_106 = arith.index_cast %swap3A_105 : i32 to index
      %swap3A_107 = arith.index_cast %add3A_104 : i32 to index
      %swap3A_108 = tpu.vector_load %arg12[%swap3A_106, %swap3A_107] {strides = array<i32>} : memref<2x4096xf32, #tpu.memory_space<vmem>>, vector<1x16xf32>,
      %swap3A_109 = vector.shape_cast %swap3A_108 : vector<1x16xf32> to vector<16xf32>
      %swap3A_110 = vector.shape_cast %scan3A_60#10 : vector<16xf32> to vector<1x16xf32>
      tpu.vector_store %arg12[%swap3A_106, %swap3A_107], %swap3A_110 {strides = array<i32>} : memref<2x4096xf32, #tpu.memory_space<vmem>>, vector<1x16xf32>,
      %add3A_111 = arith.constant 48 : i32
      %add3A_112 = arith.addi %mul3A_63, %add3A_111 : i32
      %swap3A_113 = arith.constant 0 : i32
      %swap3A_114 = arith.index_cast %swap3A_113 : i32 to index
      %swap3A_115 = arith.index_cast %add3A_112 : i32 to index
      %swap3A_116 = tpu.vector_load %arg11[%swap3A_114, %swap3A_115] {strides = array<i32>} : memref<2x4096xf32, #tpu.memory_space<vmem>>, vector<1x16xf32>,
      %swap3A_117 = vector.shape_cast %swap3A_116 : vector<1x16xf32> to vector<16xf32>
      %swap3A_118 = vector.shape_cast %scan3A_60#3 : vector<16xf32> to vector<1x16xf32>
      tpu.vector_store %arg11[%swap3A_114, %swap3A_115], %swap3A_118 {strides = array<i32>} : memref<2x4096xf32, #tpu.memory_space<vmem>>, vector<1x16xf32>,
      %add3A_119 = arith.constant 48 : i32
      %add3A_120 = arith.addi %mul3A_63, %add3A_119 : i32
      %swap3A_121 = arith.constant 0 : i32
      %swap3A_122 = arith.index_cast %swap3A_121 : i32 to index
      %swap3A_123 = arith.index_cast %add3A_120 : i32 to index
      %swap3A_124 = tpu.vector_load %arg12[%swap3A_122, %swap3A_123] {strides = array<i32>} : memref<2x4096xf32, #tpu.memory_space<vmem>>, vector<1x16xf32>,
      %swap3A_125 = vector.shape_cast %swap3A_124 : vector<1x16xf32> to vector<16xf32>
      %swap3A_126 = vector.shape_cast %scan3A_60#11 : vector<16xf32> to vector<1x16xf32>
      tpu.vector_store %arg12[%swap3A_122, %swap3A_123], %swap3A_126 {strides = array<i32>} : memref<2x4096xf32, #tpu.memory_space<vmem>>, vector<1x16xf32>,
      %add3A_127 = arith.constant 64 : i32
      %add3A_128 = arith.addi %mul3A_63, %add3A_127 : i32
      %swap3A_129 = arith.constant 0 : i32
      %swap3A_130 = arith.index_cast %swap3A_129 : i32 to index
      %swap3A_131 = arith.index_cast %add3A_128 : i32 to index
      %swap3A_132 = tpu.vector_load %arg11[%swap3A_130, %swap3A_131] {strides = array<i32>} : memref<2x4096xf32, #tpu.memory_space<vmem>>, vector<1x16xf32>,
      %swap3A_133 = vector.shape_cast %swap3A_132 : vector<1x16xf32> to vector<16xf32>
      %swap3A_134 = vector.shape_cast %scan3A_60#4 : vector<16xf32> to vector<1x16xf32>
      tpu.vector_store %arg11[%swap3A_130, %swap3A_131], %swap3A_134 {strides = array<i32>} : memref<2x4096xf32, #tpu.memory_space<vmem>>, vector<1x16xf32>,
      %add3A_135 = arith.constant 64 : i32
      %add3A_136 = arith.addi %mul3A_63, %add3A_135 : i32
      %swap3A_137 = arith.constant 0 : i32
      %swap3A_138 = arith.index_cast %swap3A_137 : i32 to index
      %swap3A_139 = arith.index_cast %add3A_136 : i32 to index
      %swap3A_140 = tpu.vector_load %arg12[%swap3A_138, %swap3A_139] {strides = array<i32>} : memref<2x4096xf32, #tpu.memory_space<vmem>>, vector<1x16xf32>,
      %swap3A_141 = vector.shape_cast %swap3A_140 : vector<1x16xf32> to vector<16xf32>
      %swap3A_142 = vector.shape_cast %scan3A_60#12 : vector<16xf32> to vector<1x16xf32>
      tpu.vector_store %arg12[%swap3A_138, %swap3A_139], %swap3A_142 {strides = array<i32>} : memref<2x4096xf32, #tpu.memory_space<vmem>>, vector<1x16xf32>,
      %add3A_143 = arith.constant 80 : i32
      %add3A_144 = arith.addi %mul3A_63, %add3A_143 : i32
      %swap3A_145 = arith.constant 0 : i32
      %swap3A_146 = arith.index_cast %swap3A_145 : i32 to index
      %swap3A_147 = arith.index_cast %add3A_144 : i32 to index
      %swap3A_148 = tpu.vector_load %arg11[%swap3A_146, %swap3A_147] {strides = array<i32>} : memref<2x4096xf32, #tpu.memory_space<vmem>>, vector<1x16xf32>,
      %swap3A_149 = vector.shape_cast %swap3A_148 : vector<1x16xf32> to vector<16xf32>
      %swap3A_150 = vector.shape_cast %scan3A_60#5 : vector<16xf32> to vector<1x16xf32>
      tpu.vector_store %arg11[%swap3A_146, %swap3A_147], %swap3A_150 {strides = array<i32>} : memref<2x4096xf32, #tpu.memory_space<vmem>>, vector<1x16xf32>,
      %add3A_151 = arith.constant 80 : i32
      %add3A_152 = arith.addi %mul3A_63, %add3A_151 : i32
      %swap3A_153 = arith.constant 0 : i32
      %swap3A_154 = arith.index_cast %swap3A_153 : i32 to index
      %swap3A_155 = arith.index_cast %add3A_152 : i32 to index
      %swap3A_156 = tpu.vector_load %arg12[%swap3A_154, %swap3A_155] {strides = array<i32>} : memref<2x4096xf32, #tpu.memory_space<vmem>>, vector<1x16xf32>,
      %swap3A_157 = vector.shape_cast %swap3A_156 : vector<1x16xf32> to vector<16xf32>
      %swap3A_158 = vector.shape_cast %scan3A_60#13 : vector<16xf32> to vector<1x16xf32>
      tpu.vector_store %arg12[%swap3A_154, %swap3A_155], %swap3A_158 {strides = array<i32>} : memref<2x4096xf32, #tpu.memory_space<vmem>>, vector<1x16xf32>,
      %add3A_159 = arith.constant 96 : i32
      %add3A_160 = arith.addi %mul3A_63, %add3A_159 : i32
      %swap3A_161 = arith.constant 0 : i32
      %swap3A_162 = arith.index_cast %swap3A_161 : i32 to index
      %swap3A_163 = arith.index_cast %add3A_160 : i32 to index
      %swap3A_164 = tpu.vector_load %arg11[%swap3A_162, %swap3A_163] {strides = array<i32>} : memref<2x4096xf32, #tpu.memory_space<vmem>>, vector<1x16xf32>,
      %swap3A_165 = vector.shape_cast %swap3A_164 : vector<1x16xf32> to vector<16xf32>
      %swap3A_166 = vector.shape_cast %scan3A_60#6 : vector<16xf32> to vector<1x16xf32>
      tpu.vector_store %arg11[%swap3A_162, %swap3A_163], %swap3A_166 {strides = array<i32>} : memref<2x4096xf32, #tpu.memory_space<vmem>>, vector<1x16xf32>,
      %add3A_167 = arith.constant 96 : i32
      %add3A_168 = arith.addi %mul3A_63, %add3A_167 : i32
      %swap3A_169 = arith.constant 0 : i32
      %swap3A_170 = arith.index_cast %swap3A_169 : i32 to index
      %swap3A_171 = arith.index_cast %add3A_168 : i32 to index
      %swap3A_172 = tpu.vector_load %arg12[%swap3A_170, %swap3A_171] {strides = array<i32>} : memref<2x4096xf32, #tpu.memory_space<vmem>>, vector<1x16xf32>,
      %swap3A_173 = vector.shape_cast %swap3A_172 : vector<1x16xf32> to vector<16xf32>
      %swap3A_174 = vector.shape_cast %scan3A_60#14 : vector<16xf32> to vector<1x16xf32>
      tpu.vector_store %arg12[%swap3A_170, %swap3A_171], %swap3A_174 {strides = array<i32>} : memref<2x4096xf32, #tpu.memory_space<vmem>>, vector<1x16xf32>,
      %add3A_175 = arith.constant 112 : i32
      %add3A_176 = arith.addi %mul3A_63, %add3A_175 : i32
      %swap3A_177 = arith.constant 0 : i32
      %swap3A_178 = arith.index_cast %swap3A_177 : i32 to index
      %swap3A_179 = arith.index_cast %add3A_176 : i32 to index
      %swap3A_180 = tpu.vector_load %arg11[%swap3A_178, %swap3A_179] {strides = array<i32>} : memref<2x4096xf32, #tpu.memory_space<vmem>>, vector<1x16xf32>,
      %swap3A_181 = vector.shape_cast %swap3A_180 : vector<1x16xf32> to vector<16xf32>
      %swap3A_182 = vector.shape_cast %scan3A_60#7 : vector<16xf32> to vector<1x16xf32>
      tpu.vector_store %arg11[%swap3A_178, %swap3A_179], %swap3A_182 {strides = array<i32>} : memref<2x4096xf32, #tpu.memory_space<vmem>>, vector<1x16xf32>,
      %add3A_183 = arith.constant 112 : i32
      %add3A_184 = arith.addi %mul3A_63, %add3A_183 : i32
      %swap3A_185 = arith.constant 0 : i32
      %swap3A_186 = arith.index_cast %swap3A_185 : i32 to index
      %swap3A_187 = arith.index_cast %add3A_184 : i32 to index
      %swap3A_188 = tpu.vector_load %arg12[%swap3A_186, %swap3A_187] {strides = array<i32>} : memref<2x4096xf32, #tpu.memory_space<vmem>>, vector<1x16xf32>,
      %swap3A_189 = vector.shape_cast %swap3A_188 : vector<1x16xf32> to vector<16xf32>
      %swap3A_190 = vector.shape_cast %scan3A_60#15 : vector<16xf32> to vector<1x16xf32>
      tpu.vector_store %arg12[%swap3A_186, %swap3A_187], %swap3A_190 {strides = array<i32>} : memref<2x4096xf32, #tpu.memory_space<vmem>>, vector<1x16xf32>,
      %scan3A_191 = arith.constant 0 : i32
      %scan3A_192 = arith.constant 32 : i32
      %scan3A_193 = arith.addi %scan3A_191, %scan3A_192 : i32
      %scan3A_194 = arith.constant 1 : i32
      %scan3A_195:16 = scf.for %scan3A_1204 = %scan3A_191 to %scan3A_193 step %scan3A_194 iter_args(%scan3A_1205 = %broadcast_in_dim3A_3, %scan3A_1206 = %broadcast_in_dim3A_3, %scan3A_1207 = %broadcast_in_dim3A_3, %scan3A_1208 = %broadcast_in_dim3A_3, %scan3A_1209 = %broadcast_in_dim3A_3, %scan3A_1210 = %broadcast_in_dim3A_3, %scan3A_1211 = %broadcast_in_dim3A_3, %scan3A_1212 = %broadcast_in_dim3A_3, %scan3A_1213 = %broadcast_in_dim3A_3, %scan3A_1214 = %broadcast_in_dim3A_3, %scan3A_1215 = %broadcast_in_dim3A_3, %scan3A_1216 = %broadcast_in_dim3A_3, %scan3A_1217 = %broadcast_in_dim3A_3, %scan3A_1218 = %broadcast_in_dim3A_3, %scan3A_1219 = %broadcast_in_dim3A_3, %scan3A_1220 = %broadcast_in_dim3A_3) -> (vector<16xf32>, vector<16xf32>, vector<16xf32>, vector<16xf32>, vector<16xf32>, vector<16xf32>, vector<16xf32>, vector<16xf32>, vector<16xf32>, vector<16xf32>, vector<16xf32>, vector<16xf32>, vector<16xf32>, vector<16xf32>, vector<16xf32>, vector<16xf32>)  : i32 {
        %mul3A_1221 = arith.constant 2 : i32
        %mul3A_1222 = arith.muli %mul3A_1221, %scan3A_1204 : i32
        %add3A_1223 = arith.constant 0 : i32
        %add3A_1224 = arith.addi %mul3A_1222, %add3A_1223 : i32
        %get3A = arith.constant 1 : i32
        %get3A_1225 = arith.index_cast %get3A : i32 to index
        %get3A_1226 = arith.index_cast %add3A_1224 : i32 to index
        %get3A_1227 = arith.constant 0 : index
        %get3A_1228 = tpu.vector_load %arg6[%get3A_1225, %get3A_1226, %get3A_1227] {strides = array<i32>} : memref<2x64x16xf32, #tpu.memory_space<vmem>>, vector<1x1x16xf32>,
        %get3A_1229 = vector.shape_cast %get3A_1228 : vector<1x1x16xf32> to vector<16xf32>
        %get3A_1230 = arith.constant 1 : i32
        %get3A_1231 = arith.index_cast %get3A_1230 : i32 to index
        %get3A_1232 = arith.index_cast %add3A_1224 : i32 to index
        %get3A_1233 = arith.constant 0 : index
        %get3A_1234 = tpu.vector_load %arg7[%get3A_1231, %get3A_1232, %get3A_1233] {strides = array<i32>} : memref<2x64x128xf32, #tpu.memory_space<vmem>>, vector<1x1x16xf32>,
        %get3A_1235 = vector.shape_cast %get3A_1234 : vector<1x1x16xf32> to vector<16xf32>
        %add3A_1236 = arith.addf %scan3A_1205, %get3A_1235 : vector<16xf32>
        %mul3A_1237 = arith.mulf %get3A_1229, %get3A_1235 : vector<16xf32>
        %add3A_1238 = arith.addf %scan3A_1213, %mul3A_1237 : vector<16xf32>
        %get3A_1239 = arith.constant 1 : i32
        %get3A_1240 = arith.index_cast %get3A_1239 : i32 to index
        %get3A_1241 = arith.index_cast %add3A_1224 : i32 to index
        %get3A_1242 = arith.constant 16 : index
        %get3A_1243 = tpu.vector_load %arg7[%get3A_1240, %get3A_1241, %get3A_1242] {strides = array<i32>} : memref<2x64x128xf32, #tpu.memory_space<vmem>>, vector<1x1x16xf32>,
        %get3A_1244 = vector.shape_cast %get3A_1243 : vector<1x1x16xf32> to vector<16xf32>
        %add3A_1245 = arith.addf %scan3A_1206, %get3A_1244 : vector<16xf32>
        %mul3A_1246 = arith.mulf %get3A_1229, %get3A_1244 : vector<16xf32>
        %add3A_1247 = arith.addf %scan3A_1214, %mul3A_1246 : vector<16xf32>
        %get3A_1248 = arith.constant 1 : i32
        %get3A_1249 = arith.index_cast %get3A_1248 : i32 to index
        %get3A_1250 = arith.index_cast %add3A_1224 : i32 to index
        %get3A_1251 = arith.constant 32 : index
        %get3A_1252 = tpu.vector_load %arg7[%get3A_1249, %get3A_1250, %get3A_1251] {strides = array<i32>} : memref<2x64x128xf32, #tpu.memory_space<vmem>>, vector<1x1x16xf32>,
        %get3A_1253 = vector.shape_cast %get3A_1252 : vector<1x1x16xf32> to vector<16xf32>
        %add3A_1254 = arith.addf %scan3A_1207, %get3A_1253 : vector<16xf32>
        %mul3A_1255 = arith.mulf %get3A_1229, %get3A_1253 : vector<16xf32>
        %add3A_1256 = arith.addf %scan3A_1215, %mul3A_1255 : vector<16xf32>
        %get3A_1257 = arith.constant 1 : i32
        %get3A_1258 = arith.index_cast %get3A_1257 : i32 to index
        %get3A_1259 = arith.index_cast %add3A_1224 : i32 to index
        %get3A_1260 = arith.constant 48 : index
        %get3A_1261 = tpu.vector_load %arg7[%get3A_1258, %get3A_1259, %get3A_1260] {strides = array<i32>} : memref<2x64x128xf32, #tpu.memory_space<vmem>>, vector<1x1x16xf32>,
        %get3A_1262 = vector.shape_cast %get3A_1261 : vector<1x1x16xf32> to vector<16xf32>
        %add3A_1263 = arith.addf %scan3A_1208, %get3A_1262 : vector<16xf32>
        %mul3A_1264 = arith.mulf %get3A_1229, %get3A_1262 : vector<16xf32>
        %add3A_1265 = arith.addf %scan3A_1216, %mul3A_1264 : vector<16xf32>
        %get3A_1266 = arith.constant 1 : i32
        %get3A_1267 = arith.index_cast %get3A_1266 : i32 to index
        %get3A_1268 = arith.index_cast %add3A_1224 : i32 to index
        %get3A_1269 = arith.constant 64 : index
        %get3A_1270 = tpu.vector_load %arg7[%get3A_1267, %get3A_1268, %get3A_1269] {strides = array<i32>} : memref<2x64x128xf32, #tpu.memory_space<vmem>>, vector<1x1x16xf32>,
        %get3A_1271 = vector.shape_cast %get3A_1270 : vector<1x1x16xf32> to vector<16xf32>
        %add3A_1272 = arith.addf %scan3A_1209, %get3A_1271 : vector<16xf32>
        %mul3A_1273 = arith.mulf %get3A_1229, %get3A_1271 : vector<16xf32>
        %add3A_1274 = arith.addf %scan3A_1217, %mul3A_1273 : vector<16xf32>
        %get3A_1275 = arith.constant 1 : i32
        %get3A_1276 = arith.index_cast %get3A_1275 : i32 to index
        %get3A_1277 = arith.index_cast %add3A_1224 : i32 to index
        %get3A_1278 = arith.constant 80 : index
        %get3A_1279 = tpu.vector_load %arg7[%get3A_1276, %get3A_1277, %get3A_1278] {strides = array<i32>} : memref<2x64x128xf32, #tpu.memory_space<vmem>>, vector<1x1x16xf32>,
        %get3A_1280 = vector.shape_cast %get3A_1279 : vector<1x1x16xf32> to vector<16xf32>
        %add3A_1281 = arith.addf %scan3A_1210, %get3A_1280 : vector<16xf32>
        %mul3A_1282 = arith.mulf %get3A_1229, %get3A_1280 : vector<16xf32>
        %add3A_1283 = arith.addf %scan3A_1218, %mul3A_1282 : vector<16xf32>
        %get3A_1284 = arith.constant 1 : i32
        %get3A_1285 = arith.index_cast %get3A_1284 : i32 to index
        %get3A_1286 = arith.index_cast %add3A_1224 : i32 to index
        %get3A_1287 = arith.constant 96 : index
        %get3A_1288 = tpu.vector_load %arg7[%get3A_1285, %get3A_1286, %get3A_1287] {strides = array<i32>} : memref<2x64x128xf32, #tpu.memory_space<vmem>>, vector<1x1x16xf32>,
        %get3A_1289 = vector.shape_cast %get3A_1288 : vector<1x1x16xf32> to vector<16xf32>
        %add3A_1290 = arith.addf %scan3A_1211, %get3A_1289 : vector<16xf32>
        %mul3A_1291 = arith.mulf %get3A_1229, %get3A_1289 : vector<16xf32>
        %add3A_1292 = arith.addf %scan3A_1219, %mul3A_1291 : vector<16xf32>
        %get3A_1293 = arith.constant 1 : i32
        %get3A_1294 = arith.index_cast %get3A_1293 : i32 to index
        %get3A_1295 = arith.index_cast %add3A_1224 : i32 to index
        %get3A_1296 = arith.constant 112 : index
        %get3A_1297 = tpu.vector_load %arg7[%get3A_1294, %get3A_1295, %get3A_1296] {strides = array<i32>} : memref<2x64x128xf32, #tpu.memory_space<vmem>>, vector<1x1x16xf32>,
        %get3A_1298 = vector.shape_cast %get3A_1297 : vector<1x1x16xf32> to vector<16xf32>
        %add3A_1299 = arith.addf %scan3A_1212, %get3A_1298 : vector<16xf32>
        %mul3A_1300 = arith.mulf %get3A_1229, %get3A_1298 : vector<16xf32>
        %add3A_1301 = arith.addf %scan3A_1220, %mul3A_1300 : vector<16xf32>
        %mul3A_1302 = arith.constant 2 : i32
        %mul3A_1303 = arith.muli %mul3A_1302, %scan3A_1204 : i32
        %add3A_1304 = arith.constant 1 : i32
        %add3A_1305 = arith.addi %mul3A_1303, %add3A_1304 : i32
        %get3A_1306 = arith.constant 1 : i32
        %get3A_1307 = arith.index_cast %get3A_1306 : i32 to index
        %get3A_1308 = arith.index_cast %add3A_1305 : i32 to index
        %get3A_1309 = arith.constant 0 : index
        %get3A_1310 = tpu.vector_load %arg6[%get3A_1307, %get3A_1308, %get3A_1309] {strides = array<i32>} : memref<2x64x16xf32, #tpu.memory_space<vmem>>, vector<1x1x16xf32>,
        %get3A_1311 = vector.shape_cast %get3A_1310 : vector<1x1x16xf32> to vector<16xf32>
        %get3A_1312 = arith.constant 1 : i32
        %get3A_1313 = arith.index_cast %get3A_1312 : i32 to index
        %get3A_1314 = arith.index_cast %add3A_1305 : i32 to index
        %get3A_1315 = arith.constant 0 : index
        %get3A_1316 = tpu.vector_load %arg7[%get3A_1313, %get3A_1314, %get3A_1315] {strides = array<i32>} : memref<2x64x128xf32, #tpu.memory_space<vmem>>, vector<1x1x16xf32>,
        %get3A_1317 = vector.shape_cast %get3A_1316 : vector<1x1x16xf32> to vector<16xf32>
        %add3A_1318 = arith.addf %add3A_1236, %get3A_1317 : vector<16xf32>
        %mul3A_1319 = arith.mulf %get3A_1311, %get3A_1317 : vector<16xf32>
        %add3A_1320 = arith.addf %add3A_1238, %mul3A_1319 : vector<16xf32>
        %get3A_1321 = arith.constant 1 : i32
        %get3A_1322 = arith.index_cast %get3A_1321 : i32 to index
        %get3A_1323 = arith.index_cast %add3A_1305 : i32 to index
        %get3A_1324 = arith.constant 16 : index
        %get3A_1325 = tpu.vector_load %arg7[%get3A_1322, %get3A_1323, %get3A_1324] {strides = array<i32>} : memref<2x64x128xf32, #tpu.memory_space<vmem>>, vector<1x1x16xf32>,
        %get3A_1326 = vector.shape_cast %get3A_1325 : vector<1x1x16xf32> to vector<16xf32>
        %add3A_1327 = arith.addf %add3A_1245, %get3A_1326 : vector<16xf32>
        %mul3A_1328 = arith.mulf %get3A_1311, %get3A_1326 : vector<16xf32>
        %add3A_1329 = arith.addf %add3A_1247, %mul3A_1328 : vector<16xf32>
        %get3A_1330 = arith.constant 1 : i32
        %get3A_1331 = arith.index_cast %get3A_1330 : i32 to index
        %get3A_1332 = arith.index_cast %add3A_1305 : i32 to index
        %get3A_1333 = arith.constant 32 : index
        %get3A_1334 = tpu.vector_load %arg7[%get3A_1331, %get3A_1332, %get3A_1333] {strides = array<i32>} : memref<2x64x128xf32, #tpu.memory_space<vmem>>, vector<1x1x16xf32>,
        %get3A_1335 = vector.shape_cast %get3A_1334 : vector<1x1x16xf32> to vector<16xf32>
        %add3A_1336 = arith.addf %add3A_1254, %get3A_1335 : vector<16xf32>
        %mul3A_1337 = arith.mulf %get3A_1311, %get3A_1335 : vector<16xf32>
        %add3A_1338 = arith.addf %add3A_1256, %mul3A_1337 : vector<16xf32>
        %get3A_1339 = arith.constant 1 : i32
        %get3A_1340 = arith.index_cast %get3A_1339 : i32 to index
        %get3A_1341 = arith.index_cast %add3A_1305 : i32 to index
        %get3A_1342 = arith.constant 48 : index
        %get3A_1343 = tpu.vector_load %arg7[%get3A_1340, %get3A_1341, %get3A_1342] {strides = array<i32>} : memref<2x64x128xf32, #tpu.memory_space<vmem>>, vector<1x1x16xf32>,
        %get3A_1344 = vector.shape_cast %get3A_1343 : vector<1x1x16xf32> to vector<16xf32>
        %add3A_1345 = arith.addf %add3A_1263, %get3A_1344 : vector<16xf32>
        %mul3A_1346 = arith.mulf %get3A_1311, %get3A_1344 : vector<16xf32>
        %add3A_1347 = arith.addf %add3A_1265, %mul3A_1346 : vector<16xf32>
        %get3A_1348 = arith.constant 1 : i32
        %get3A_1349 = arith.index_cast %get3A_1348 : i32 to index
        %get3A_1350 = arith.index_cast %add3A_1305 : i32 to index
        %get3A_1351 = arith.constant 64 : index
        %get3A_1352 = tpu.vector_load %arg7[%get3A_1349, %get3A_1350, %get3A_1351] {strides = array<i32>} : memref<2x64x128xf32, #tpu.memory_space<vmem>>, vector<1x1x16xf32>,
        %get3A_1353 = vector.shape_cast %get3A_1352 : vector<1x1x16xf32> to vector<16xf32>
        %add3A_1354 = arith.addf %add3A_1272, %get3A_1353 : vector<16xf32>
        %mul3A_1355 = arith.mulf %get3A_1311, %get3A_1353 : vector<16xf32>
        %add3A_1356 = arith.addf %add3A_1274, %mul3A_1355 : vector<16xf32>
        %get3A_1357 = arith.constant 1 : i32
        %get3A_1358 = arith.index_cast %get3A_1357 : i32 to index
        %get3A_1359 = arith.index_cast %add3A_1305 : i32 to index
        %get3A_1360 = arith.constant 80 : index
        %get3A_1361 = tpu.vector_load %arg7[%get3A_1358, %get3A_1359, %get3A_1360] {strides = array<i32>} : memref<2x64x128xf32, #tpu.memory_space<vmem>>, vector<1x1x16xf32>,
        %get3A_1362 = vector.shape_cast %get3A_1361 : vector<1x1x16xf32> to vector<16xf32>
        %add3A_1363 = arith.addf %add3A_1281, %get3A_1362 : vector<16xf32>
        %mul3A_1364 = arith.mulf %get3A_1311, %get3A_1362 : vector<16xf32>
        %add3A_1365 = arith.addf %add3A_1283, %mul3A_1364 : vector<16xf32>
        %get3A_1366 = arith.constant 1 : i32
        %get3A_1367 = arith.index_cast %get3A_1366 : i32 to index
        %get3A_1368 = arith.index_cast %add3A_1305 : i32 to index
        %get3A_1369 = arith.constant 96 : index
        %get3A_1370 = tpu.vector_load %arg7[%get3A_1367, %get3A_1368, %get3A_1369] {strides = array<i32>} : memref<2x64x128xf32, #tpu.memory_space<vmem>>, vector<1x1x16xf32>,
        %get3A_1371 = vector.shape_cast %get3A_1370 : vector<1x1x16xf32> to vector<16xf32>
        %add3A_1372 = arith.addf %add3A_1290, %get3A_1371 : vector<16xf32>
        %mul3A_1373 = arith.mulf %get3A_1311, %get3A_1371 : vector<16xf32>
        %add3A_1374 = arith.addf %add3A_1292, %mul3A_1373 : vector<16xf32>
        %get3A_1375 = arith.constant 1 : i32
        %get3A_1376 = arith.index_cast %get3A_1375 : i32 to index
        %get3A_1377 = arith.index_cast %add3A_1305 : i32 to index
        %get3A_1378 = arith.constant 112 : index
        %get3A_1379 = tpu.vector_load %arg7[%get3A_1376, %get3A_1377, %get3A_1378] {strides = array<i32>} : memref<2x64x128xf32, #tpu.memory_space<vmem>>, vector<1x1x16xf32>,
        %get3A_1380 = vector.shape_cast %get3A_1379 : vector<1x1x16xf32> to vector<16xf32>
        %add3A_1381 = arith.addf %add3A_1299, %get3A_1380 : vector<16xf32>
        %mul3A_1382 = arith.mulf %get3A_1311, %get3A_1380 : vector<16xf32>
        %add3A_1383 = arith.addf %add3A_1301, %mul3A_1382 : vector<16xf32>
        scf.yield %add3A_1318, %add3A_1327, %add3A_1336, %add3A_1345, %add3A_1354, %add3A_1363, %add3A_1372, %add3A_1381, %add3A_1320, %add3A_1329, %add3A_1338, %add3A_1347, %add3A_1356, %add3A_1365, %add3A_1374, %add3A_1383 : vector<16xf32>, vector<16xf32>, vector<16xf32>, vector<16xf32>, vector<16xf32>, vector<16xf32>, vector<16xf32>, vector<16xf32>, vector<16xf32>, vector<16xf32>, vector<16xf32>, vector<16xf32>, vector<16xf32>, vector<16xf32>, vector<16xf32>, vector<16xf32>
      }
      %scan3A_196 = arith.constant 32 : i32
      %mul3A_197 = arith.constant 128 : i32
      %mul3A_198 = arith.muli %add3A_48, %mul3A_197 : i32
      %add3A_199 = arith.constant 0 : i32
      %add3A_200 = arith.addi %mul3A_198, %add3A_199 : i32
      %swap3A_201 = arith.constant 1 : i32
      %swap3A_202 = arith.index_cast %swap3A_201 : i32 to index
      %swap3A_203 = arith.index_cast %add3A_200 : i32 to index
      %swap3A_204 = tpu.vector_load %arg11[%swap3A_202, %swap3A_203] {strides = array<i32>} : memref<2x4096xf32, #tpu.memory_space<vmem>>, vector<1x16xf32>,
      %swap3A_205 = vector.shape_cast %swap3A_204 : vector<1x16xf32> to vector<16xf32>
      %swap3A_206 = vector.shape_cast %scan3A_195#0 : vector<16xf32> to vector<1x16xf32>
      tpu.vector_store %arg11[%swap3A_202, %swap3A_203], %swap3A_206 {strides = array<i32>} : memref<2x4096xf32, #tpu.memory_space<vmem>>, vector<1x16xf32>,
      %add3A_207 = arith.constant 0 : i32
      %add3A_208 = arith.addi %mul3A_198, %add3A_207 : i32
      %swap3A_209 = arith.constant 1 : i32
      %swap3A_210 = arith.index_cast %swap3A_209 : i32 to index
      %swap3A_211 = arith.index_cast %add3A_208 : i32 to index
      %swap3A_212 = tpu.vector_load %arg12[%swap3A_210, %swap3A_211] {strides = array<i32>} : memref<2x4096xf32, #tpu.memory_space<vmem>>, vector<1x16xf32>,
      %swap3A_213 = vector.shape_cast %swap3A_212 : vector<1x16xf32> to vector<16xf32>
      %swap3A_214 = vector.shape_cast %scan3A_195#8 : vector<16xf32> to vector<1x16xf32>
      tpu.vector_store %arg12[%swap3A_210, %swap3A_211], %swap3A_214 {strides = array<i32>} : memref<2x4096xf32, #tpu.memory_space<vmem>>, vector<1x16xf32>,
      %add3A_215 = arith.constant 16 : i32
      %add3A_216 = arith.addi %mul3A_198, %add3A_215 : i32
      %swap3A_217 = arith.constant 1 : i32
      %swap3A_218 = arith.index_cast %swap3A_217 : i32 to index
      %swap3A_219 = arith.index_cast %add3A_216 : i32 to index
      %swap3A_220 = tpu.vector_load %arg11[%swap3A_218, %swap3A_219] {strides = array<i32>} : memref<2x4096xf32, #tpu.memory_space<vmem>>, vector<1x16xf32>,
      %swap3A_221 = vector.shape_cast %swap3A_220 : vector<1x16xf32> to vector<16xf32>
      %swap3A_222 = vector.shape_cast %scan3A_195#1 : vector<16xf32> to vector<1x16xf32>
      tpu.vector_store %arg11[%swap3A_218, %swap3A_219], %swap3A_222 {strides = array<i32>} : memref<2x4096xf32, #tpu.memory_space<vmem>>, vector<1x16xf32>,
      %add3A_223 = arith.constant 16 : i32
      %add3A_224 = arith.addi %mul3A_198, %add3A_223 : i32
      %swap3A_225 = arith.constant 1 : i32
      %swap3A_226 = arith.index_cast %swap3A_225 : i32 to index
      %swap3A_227 = arith.index_cast %add3A_224 : i32 to index
      %swap3A_228 = tpu.vector_load %arg12[%swap3A_226, %swap3A_227] {strides = array<i32>} : memref<2x4096xf32, #tpu.memory_space<vmem>>, vector<1x16xf32>,
      %swap3A_229 = vector.shape_cast %swap3A_228 : vector<1x16xf32> to vector<16xf32>
      %swap3A_230 = vector.shape_cast %scan3A_195#9 : vector<16xf32> to vector<1x16xf32>
      tpu.vector_store %arg12[%swap3A_226, %swap3A_227], %swap3A_230 {strides = array<i32>} : memref<2x4096xf32, #tpu.memory_space<vmem>>, vector<1x16xf32>,
      %add3A_231 = arith.constant 32 : i32
      %add3A_232 = arith.addi %mul3A_198, %add3A_231 : i32
      %swap3A_233 = arith.constant 1 : i32
      %swap3A_234 = arith.index_cast %swap3A_233 : i32 to index
      %swap3A_235 = arith.index_cast %add3A_232 : i32 to index
      %swap3A_236 = tpu.vector_load %arg11[%swap3A_234, %swap3A_235] {strides = array<i32>} : memref<2x4096xf32, #tpu.memory_space<vmem>>, vector<1x16xf32>,
      %swap3A_237 = vector.shape_cast %swap3A_236 : vector<1x16xf32> to vector<16xf32>
      %swap3A_238 = vector.shape_cast %scan3A_195#2 : vector<16xf32> to vector<1x16xf32>
      tpu.vector_store %arg11[%swap3A_234, %swap3A_235], %swap3A_238 {strides = array<i32>} : memref<2x4096xf32, #tpu.memory_space<vmem>>, vector<1x16xf32>,
      %add3A_239 = arith.constant 32 : i32
      %add3A_240 = arith.addi %mul3A_198, %add3A_239 : i32
      %swap3A_241 = arith.constant 1 : i32
      %swap3A_242 = arith.index_cast %swap3A_241 : i32 to index
      %swap3A_243 = arith.index_cast %add3A_240 : i32 to index
      %swap3A_244 = tpu.vector_load %arg12[%swap3A_242, %swap3A_243] {strides = array<i32>} : memref<2x4096xf32, #tpu.memory_space<vmem>>, vector<1x16xf32>,
      %swap3A_245 = vector.shape_cast %swap3A_244 : vector<1x16xf32> to vector<16xf32>
      %swap3A_246 = vector.shape_cast %scan3A_195#10 : vector<16xf32> to vector<1x16xf32>
      tpu.vector_store %arg12[%swap3A_242, %swap3A_243], %swap3A_246 {strides = array<i32>} : memref<2x4096xf32, #tpu.memory_space<vmem>>, vector<1x16xf32>,
      %add3A_247 = arith.constant 48 : i32
      %add3A_248 = arith.addi %mul3A_198, %add3A_247 : i32
      %swap3A_249 = arith.constant 1 : i32
      %swap3A_250 = arith.index_cast %swap3A_249 : i32 to index
      %swap3A_251 = arith.index_cast %add3A_248 : i32 to index
      %swap3A_252 = tpu.vector_load %arg11[%swap3A_250, %swap3A_251] {strides = array<i32>} : memref<2x4096xf32, #tpu.memory_space<vmem>>, vector<1x16xf32>,
      %swap3A_253 = vector.shape_cast %swap3A_252 : vector<1x16xf32> to vector<16xf32>
      %swap3A_254 = vector.shape_cast %scan3A_195#3 : vector<16xf32> to vector<1x16xf32>
      tpu.vector_store %arg11[%swap3A_250, %swap3A_251], %swap3A_254 {strides = array<i32>} : memref<2x4096xf32, #tpu.memory_space<vmem>>, vector<1x16xf32>,
      %add3A_255 = arith.constant 48 : i32
      %add3A_256 = arith.addi %mul3A_198, %add3A_255 : i32
      %swap3A_257 = arith.constant 1 : i32
      %swap3A_258 = arith.index_cast %swap3A_257 : i32 to index
      %swap3A_259 = arith.index_cast %add3A_256 : i32 to index
      %swap3A_260 = tpu.vector_load %arg12[%swap3A_258, %swap3A_259] {strides = array<i32>} : memref<2x4096xf32, #tpu.memory_space<vmem>>, vector<1x16xf32>,
      %swap3A_261 = vector.shape_cast %swap3A_260 : vector<1x16xf32> to vector<16xf32>
      %swap3A_262 = vector.shape_cast %scan3A_195#11 : vector<16xf32> to vector<1x16xf32>
      tpu.vector_store %arg12[%swap3A_258, %swap3A_259], %swap3A_262 {strides = array<i32>} : memref<2x4096xf32, #tpu.memory_space<vmem>>, vector<1x16xf32>,
      %add3A_263 = arith.constant 64 : i32
      %add3A_264 = arith.addi %mul3A_198, %add3A_263 : i32
      %swap3A_265 = arith.constant 1 : i32
      %swap3A_266 = arith.index_cast %swap3A_265 : i32 to index
      %swap3A_267 = arith.index_cast %add3A_264 : i32 to index
      %swap3A_268 = tpu.vector_load %arg11[%swap3A_266, %swap3A_267] {strides = array<i32>} : memref<2x4096xf32, #tpu.memory_space<vmem>>, vector<1x16xf32>,
      %swap3A_269 = vector.shape_cast %swap3A_268 : vector<1x16xf32> to vector<16xf32>
      %swap3A_270 = vector.shape_cast %scan3A_195#4 : vector<16xf32> to vector<1x16xf32>
      tpu.vector_store %arg11[%swap3A_266, %swap3A_267], %swap3A_270 {strides = array<i32>} : memref<2x4096xf32, #tpu.memory_space<vmem>>, vector<1x16xf32>,
      %add3A_271 = arith.constant 64 : i32
      %add3A_272 = arith.addi %mul3A_198, %add3A_271 : i32
      %swap3A_273 = arith.constant 1 : i32
      %swap3A_274 = arith.index_cast %swap3A_273 : i32 to index
      %swap3A_275 = arith.index_cast %add3A_272 : i32 to index
      %swap3A_276 = tpu.vector_load %arg12[%swap3A_274, %swap3A_275] {strides = array<i32>} : memref<2x4096xf32, #tpu.memory_space<vmem>>, vector<1x16xf32>,
      %swap3A_277 = vector.shape_cast %swap3A_276 : vector<1x16xf32> to vector<16xf32>
      %swap3A_278 = vector.shape_cast %scan3A_195#12 : vector<16xf32> to vector<1x16xf32>
      tpu.vector_store %arg12[%swap3A_274, %swap3A_275], %swap3A_278 {strides = array<i32>} : memref<2x4096xf32, #tpu.memory_space<vmem>>, vector<1x16xf32>,
      %add3A_279 = arith.constant 80 : i32
      %add3A_280 = arith.addi %mul3A_198, %add3A_279 : i32
      %swap3A_281 = arith.constant 1 : i32
      %swap3A_282 = arith.index_cast %swap3A_281 : i32 to index
      %swap3A_283 = arith.index_cast %add3A_280 : i32 to index
      %swap3A_284 = tpu.vector_load %arg11[%swap3A_282, %swap3A_283] {strides = array<i32>} : memref<2x4096xf32, #tpu.memory_space<vmem>>, vector<1x16xf32>,
      %swap3A_285 = vector.shape_cast %swap3A_284 : vector<1x16xf32> to vector<16xf32>
      %swap3A_286 = vector.shape_cast %scan3A_195#5 : vector<16xf32> to vector<1x16xf32>
      tpu.vector_store %arg11[%swap3A_282, %swap3A_283], %swap3A_286 {strides = array<i32>} : memref<2x4096xf32, #tpu.memory_space<vmem>>, vector<1x16xf32>,
      %add3A_287 = arith.constant 80 : i32
      %add3A_288 = arith.addi %mul3A_198, %add3A_287 : i32
      %swap3A_289 = arith.constant 1 : i32
      %swap3A_290 = arith.index_cast %swap3A_289 : i32 to index
      %swap3A_291 = arith.index_cast %add3A_288 : i32 to index
      %swap3A_292 = tpu.vector_load %arg12[%swap3A_290, %swap3A_291] {strides = array<i32>} : memref<2x4096xf32, #tpu.memory_space<vmem>>, vector<1x16xf32>,
      %swap3A_293 = vector.shape_cast %swap3A_292 : vector<1x16xf32> to vector<16xf32>
      %swap3A_294 = vector.shape_cast %scan3A_195#13 : vector<16xf32> to vector<1x16xf32>
      tpu.vector_store %arg12[%swap3A_290, %swap3A_291], %swap3A_294 {strides = array<i32>} : memref<2x4096xf32, #tpu.memory_space<vmem>>, vector<1x16xf32>,
      %add3A_295 = arith.constant 96 : i32
      %add3A_296 = arith.addi %mul3A_198, %add3A_295 : i32
      %swap3A_297 = arith.constant 1 : i32
      %swap3A_298 = arith.index_cast %swap3A_297 : i32 to index
      %swap3A_299 = arith.index_cast %add3A_296 : i32 to index
      %swap3A_300 = tpu.vector_load %arg11[%swap3A_298, %swap3A_299] {strides = array<i32>} : memref<2x4096xf32, #tpu.memory_space<vmem>>, vector<1x16xf32>,
      %swap3A_301 = vector.shape_cast %swap3A_300 : vector<1x16xf32> to vector<16xf32>
      %swap3A_302 = vector.shape_cast %scan3A_195#6 : vector<16xf32> to vector<1x16xf32>
      tpu.vector_store %arg11[%swap3A_298, %swap3A_299], %swap3A_302 {strides = array<i32>} : memref<2x4096xf32, #tpu.memory_space<vmem>>, vector<1x16xf32>,
      %add3A_303 = arith.constant 96 : i32
      %add3A_304 = arith.addi %mul3A_198, %add3A_303 : i32
      %swap3A_305 = arith.constant 1 : i32
      %swap3A_306 = arith.index_cast %swap3A_305 : i32 to index
      %swap3A_307 = arith.index_cast %add3A_304 : i32 to index
      %swap3A_308 = tpu.vector_load %arg12[%swap3A_306, %swap3A_307] {strides = array<i32>} : memref<2x4096xf32, #tpu.memory_space<vmem>>, vector<1x16xf32>,
      %swap3A_309 = vector.shape_cast %swap3A_308 : vector<1x16xf32> to vector<16xf32>
      %swap3A_310 = vector.shape_cast %scan3A_195#14 : vector<16xf32> to vector<1x16xf32>
      tpu.vector_store %arg12[%swap3A_306, %swap3A_307], %swap3A_310 {strides = array<i32>} : memref<2x4096xf32, #tpu.memory_space<vmem>>, vector<1x16xf32>,
      %add3A_311 = arith.constant 112 : i32
      %add3A_312 = arith.addi %mul3A_198, %add3A_311 : i32
      %swap3A_313 = arith.constant 1 : i32
      %swap3A_314 = arith.index_cast %swap3A_313 : i32 to index
      %swap3A_315 = arith.index_cast %add3A_312 : i32 to index
      %swap3A_316 = tpu.vector_load %arg11[%swap3A_314, %swap3A_315] {strides = array<i32>} : memref<2x4096xf32, #tpu.memory_space<vmem>>, vector<1x16xf32>,
      %swap3A_317 = vector.shape_cast %swap3A_316 : vector<1x16xf32> to vector<16xf32>
      %swap3A_318 = vector.shape_cast %scan3A_195#7 : vector<16xf32> to vector<1x16xf32>
      tpu.vector_store %arg11[%swap3A_314, %swap3A_315], %swap3A_318 {strides = array<i32>} : memref<2x4096xf32, #tpu.memory_space<vmem>>, vector<1x16xf32>,
      %add3A_319 = arith.constant 112 : i32
      %add3A_320 = arith.addi %mul3A_198, %add3A_319 : i32
      %swap3A_321 = arith.constant 1 : i32
      %swap3A_322 = arith.index_cast %swap3A_321 : i32 to index
      %swap3A_323 = arith.index_cast %add3A_320 : i32 to index
      %swap3A_324 = tpu.vector_load %arg12[%swap3A_322, %swap3A_323] {strides = array<i32>} : memref<2x4096xf32, #tpu.memory_space<vmem>>, vector<1x16xf32>,
      %swap3A_325 = vector.shape_cast %swap3A_324 : vector<1x16xf32> to vector<16xf32>
      %swap3A_326 = vector.shape_cast %scan3A_195#15 : vector<16xf32> to vector<1x16xf32>
      tpu.vector_store %arg12[%swap3A_322, %swap3A_323], %swap3A_326 {strides = array<i32>} : memref<2x4096xf32, #tpu.memory_space<vmem>>, vector<1x16xf32>,
      %add3A_327 = arith.constant 4 : i32
      %add3A_328 = arith.addi %add3A_48, %add3A_327 : i32
      %lt3A = arith.constant 32 : i32
      %lt3A_329 = arith.cmpi slt, %add3A_328, %lt3A : i32
      %convert_element_type3A = arith.extui %lt3A_329 : i1 to i32
      %cond3A = arith.constant 0 : i32
      %cond3A_330 = arith.cmpi ne, %convert_element_type3A, %cond3A : i32
      scf.if %cond3A_330 {
        %add3A_1204 = arith.constant 4 : i32
        %add3A_1205 = arith.addi %add3A_48, %add3A_1204 : i32
        %dma_start3A_1206 = arith.constant 0 : i32
        %dma_start3A_1207 = arith.constant 0 : i32
        %dma_start3A_1208 = tpu.memref_slice %arg2[%add3A_1205, %mul3A_2, %dma_start3A_1206, %dma_start3A_1207] : memref<32x64x64x128xf32, #tpu.memory_space<hbm>> -> memref<1x2x64x128xf32, #tpu.memory_space<hbm>>
        %dma_start3A_1209 = tpu.memref_squeeze %dma_start3A_1208 : memref<1x2x64x128xf32, #tpu.memory_space<hbm>> -> memref<2x64x128xf32, #tpu.memory_space<hbm>>
        %dma_start3A_1210 = arith.constant 0 : i32
        %dma_start3A_1211 = arith.constant 0 : i32
        %dma_start3A_1212 = tpu.memref_slice %arg2[%add3A_1205, %mul3A_2, %dma_start3A_1210, %dma_start3A_1211] : memref<32x64x64x128xf32, #tpu.memory_space<hbm>> -> memref<1x2x64x128xf32, #tpu.memory_space<hbm>>
        %dma_start3A_1213 = tpu.memref_squeeze %dma_start3A_1212 : memref<1x2x64x128xf32, #tpu.memory_space<hbm>> -> memref<2x64x128xf32, #tpu.memory_space<hbm>>
        tpu.enqueue_dma source(%dma_start3A_1213 : memref<2x64x128xf32, #tpu.memory_space<hbm>>) target(%arg7 : memref<2x64x128xf32, #tpu.memory_space<vmem>>) target_semaphore(%arg13 : memref<!tpu.dma_semaphore, #tpu.memory_space<semaphore_mem>>)
      } else {
      }
      %mul3A_331 = arith.constant 4 : i32
      %mul3A_332 = arith.muli %mul3A_331, %scan3A_44 : i32
      %add3A_333 = arith.constant 1 : i32
      %add3A_334 = arith.addi %mul3A_332, %add3A_333 : i32
      %dma_wait3A_335 = arith.constant 0 : i32
      %dma_wait3A_336 = arith.constant 0 : i32
      %dma_wait3A_337 = tpu.memref_slice %arg2[%add3A_334, %mul3A_2, %dma_wait3A_335, %dma_wait3A_336] : memref<32x64x64x128xf32, #tpu.memory_space<hbm>> -> memref<1x2x64x128xf32, #tpu.memory_space<hbm>>
      %dma_wait3A_338 = tpu.memref_squeeze %dma_wait3A_337 : memref<1x2x64x128xf32, #tpu.memory_space<hbm>> -> memref<2x64x128xf32, #tpu.memory_space<hbm>>
      %dma_wait3A_339 = arith.constant 0 : i32
      %dma_wait3A_340 = arith.constant 0 : i32
      %dma_wait3A_341 = tpu.memref_slice %arg2[%add3A_334, %mul3A_2, %dma_wait3A_339, %dma_wait3A_340] : memref<32x64x64x128xf32, #tpu.memory_space<hbm>> -> memref<1x2x64x128xf32, #tpu.memory_space<hbm>>
      %dma_wait3A_342 = tpu.memref_squeeze %dma_wait3A_341 : memref<1x2x64x128xf32, #tpu.memory_space<hbm>> -> memref<2x64x128xf32, #tpu.memory_space<hbm>>
      tpu.wait_dma2 semaphore(%arg14 : memref<!tpu.dma_semaphore, #tpu.memory_space<semaphore_mem>>) src(%dma_wait3A_342 : memref<2x64x128xf32, #tpu.memory_space<hbm>>) dst(%arg8 : memref<2x64x128xf32, #tpu.memory_space<vmem>>)
      %scan3A_343 = arith.constant 0 : i32
      %scan3A_344 = arith.constant 32 : i32
      %scan3A_345 = arith.addi %scan3A_343, %scan3A_344 : i32
      %scan3A_346 = arith.constant 1 : i32
      %scan3A_347:16 = scf.for %scan3A_1204 = %scan3A_343 to %scan3A_345 step %scan3A_346 iter_args(%scan3A_1205 = %broadcast_in_dim3A_3, %scan3A_1206 = %broadcast_in_dim3A_3, %scan3A_1207 = %broadcast_in_dim3A_3, %scan3A_1208 = %broadcast_in_dim3A_3, %scan3A_1209 = %broadcast_in_dim3A_3, %scan3A_1210 = %broadcast_in_dim3A_3, %scan3A_1211 = %broadcast_in_dim3A_3, %scan3A_1212 = %broadcast_in_dim3A_3, %scan3A_1213 = %broadcast_in_dim3A_3, %scan3A_1214 = %broadcast_in_dim3A_3, %scan3A_1215 = %broadcast_in_dim3A_3, %scan3A_1216 = %broadcast_in_dim3A_3, %scan3A_1217 = %broadcast_in_dim3A_3, %scan3A_1218 = %broadcast_in_dim3A_3, %scan3A_1219 = %broadcast_in_dim3A_3, %scan3A_1220 = %broadcast_in_dim3A_3) -> (vector<16xf32>, vector<16xf32>, vector<16xf32>, vector<16xf32>, vector<16xf32>, vector<16xf32>, vector<16xf32>, vector<16xf32>, vector<16xf32>, vector<16xf32>, vector<16xf32>, vector<16xf32>, vector<16xf32>, vector<16xf32>, vector<16xf32>, vector<16xf32>)  : i32 {
        %mul3A_1221 = arith.constant 2 : i32
        %mul3A_1222 = arith.muli %mul3A_1221, %scan3A_1204 : i32
        %add3A_1223 = arith.constant 0 : i32
        %add3A_1224 = arith.addi %mul3A_1222, %add3A_1223 : i32
        %get3A = arith.constant 0 : i32
        %get3A_1225 = arith.index_cast %get3A : i32 to index
        %get3A_1226 = arith.index_cast %add3A_1224 : i32 to index
        %get3A_1227 = arith.constant 0 : index
        %get3A_1228 = tpu.vector_load %arg6[%get3A_1225, %get3A_1226, %get3A_1227] {strides = array<i32>} : memref<2x64x16xf32, #tpu.memory_space<vmem>>, vector<1x1x16xf32>,
        %get3A_1229 = vector.shape_cast %get3A_1228 : vector<1x1x16xf32> to vector<16xf32>
        %get3A_1230 = arith.constant 0 : i32
        %get3A_1231 = arith.index_cast %get3A_1230 : i32 to index
        %get3A_1232 = arith.index_cast %add3A_1224 : i32 to index
        %get3A_1233 = arith.constant 0 : index
        %get3A_1234 = tpu.vector_load %arg8[%get3A_1231, %get3A_1232, %get3A_1233] {strides = array<i32>} : memref<2x64x128xf32, #tpu.memory_space<vmem>>, vector<1x1x16xf32>,
        %get3A_1235 = vector.shape_cast %get3A_1234 : vector<1x1x16xf32> to vector<16xf32>
        %add3A_1236 = arith.addf %scan3A_1205, %get3A_1235 : vector<16xf32>
        %mul3A_1237 = arith.mulf %get3A_1229, %get3A_1235 : vector<16xf32>
        %add3A_1238 = arith.addf %scan3A_1213, %mul3A_1237 : vector<16xf32>
        %get3A_1239 = arith.constant 0 : i32
        %get3A_1240 = arith.index_cast %get3A_1239 : i32 to index
        %get3A_1241 = arith.index_cast %add3A_1224 : i32 to index
        %get3A_1242 = arith.constant 16 : index
        %get3A_1243 = tpu.vector_load %arg8[%get3A_1240, %get3A_1241, %get3A_1242] {strides = array<i32>} : memref<2x64x128xf32, #tpu.memory_space<vmem>>, vector<1x1x16xf32>,
        %get3A_1244 = vector.shape_cast %get3A_1243 : vector<1x1x16xf32> to vector<16xf32>
        %add3A_1245 = arith.addf %scan3A_1206, %get3A_1244 : vector<16xf32>
        %mul3A_1246 = arith.mulf %get3A_1229, %get3A_1244 : vector<16xf32>
        %add3A_1247 = arith.addf %scan3A_1214, %mul3A_1246 : vector<16xf32>
        %get3A_1248 = arith.constant 0 : i32
        %get3A_1249 = arith.index_cast %get3A_1248 : i32 to index
        %get3A_1250 = arith.index_cast %add3A_1224 : i32 to index
        %get3A_1251 = arith.constant 32 : index
        %get3A_1252 = tpu.vector_load %arg8[%get3A_1249, %get3A_1250, %get3A_1251] {strides = array<i32>} : memref<2x64x128xf32, #tpu.memory_space<vmem>>, vector<1x1x16xf32>,
        %get3A_1253 = vector.shape_cast %get3A_1252 : vector<1x1x16xf32> to vector<16xf32>
        %add3A_1254 = arith.addf %scan3A_1207, %get3A_1253 : vector<16xf32>
        %mul3A_1255 = arith.mulf %get3A_1229, %get3A_1253 : vector<16xf32>
        %add3A_1256 = arith.addf %scan3A_1215, %mul3A_1255 : vector<16xf32>
        %get3A_1257 = arith.constant 0 : i32
        %get3A_1258 = arith.index_cast %get3A_1257 : i32 to index
        %get3A_1259 = arith.index_cast %add3A_1224 : i32 to index
        %get3A_1260 = arith.constant 48 : index
        %get3A_1261 = tpu.vector_load %arg8[%get3A_1258, %get3A_1259, %get3A_1260] {strides = array<i32>} : memref<2x64x128xf32, #tpu.memory_space<vmem>>, vector<1x1x16xf32>,
        %get3A_1262 = vector.shape_cast %get3A_1261 : vector<1x1x16xf32> to vector<16xf32>
        %add3A_1263 = arith.addf %scan3A_1208, %get3A_1262 : vector<16xf32>
        %mul3A_1264 = arith.mulf %get3A_1229, %get3A_1262 : vector<16xf32>
        %add3A_1265 = arith.addf %scan3A_1216, %mul3A_1264 : vector<16xf32>
        %get3A_1266 = arith.constant 0 : i32
        %get3A_1267 = arith.index_cast %get3A_1266 : i32 to index
        %get3A_1268 = arith.index_cast %add3A_1224 : i32 to index
        %get3A_1269 = arith.constant 64 : index
        %get3A_1270 = tpu.vector_load %arg8[%get3A_1267, %get3A_1268, %get3A_1269] {strides = array<i32>} : memref<2x64x128xf32, #tpu.memory_space<vmem>>, vector<1x1x16xf32>,
        %get3A_1271 = vector.shape_cast %get3A_1270 : vector<1x1x16xf32> to vector<16xf32>
        %add3A_1272 = arith.addf %scan3A_1209, %get3A_1271 : vector<16xf32>
        %mul3A_1273 = arith.mulf %get3A_1229, %get3A_1271 : vector<16xf32>
        %add3A_1274 = arith.addf %scan3A_1217, %mul3A_1273 : vector<16xf32>
        %get3A_1275 = arith.constant 0 : i32
        %get3A_1276 = arith.index_cast %get3A_1275 : i32 to index
        %get3A_1277 = arith.index_cast %add3A_1224 : i32 to index
        %get3A_1278 = arith.constant 80 : index
        %get3A_1279 = tpu.vector_load %arg8[%get3A_1276, %get3A_1277, %get3A_1278] {strides = array<i32>} : memref<2x64x128xf32, #tpu.memory_space<vmem>>, vector<1x1x16xf32>,
        %get3A_1280 = vector.shape_cast %get3A_1279 : vector<1x1x16xf32> to vector<16xf32>
        %add3A_1281 = arith.addf %scan3A_1210, %get3A_1280 : vector<16xf32>
        %mul3A_1282 = arith.mulf %get3A_1229, %get3A_1280 : vector<16xf32>
        %add3A_1283 = arith.addf %scan3A_1218, %mul3A_1282 : vector<16xf32>
        %get3A_1284 = arith.constant 0 : i32
        %get3A_1285 = arith.index_cast %get3A_1284 : i32 to index
        %get3A_1286 = arith.index_cast %add3A_1224 : i32 to index
        %get3A_1287 = arith.constant 96 : index
        %get3A_1288 = tpu.vector_load %arg8[%get3A_1285, %get3A_1286, %get3A_1287] {strides = array<i32>} : memref<2x64x128xf32, #tpu.memory_space<vmem>>, vector<1x1x16xf32>,
        %get3A_1289 = vector.shape_cast %get3A_1288 : vector<1x1x16xf32> to vector<16xf32>
        %add3A_1290 = arith.addf %scan3A_1211, %get3A_1289 : vector<16xf32>
        %mul3A_1291 = arith.mulf %get3A_1229, %get3A_1289 : vector<16xf32>
        %add3A_1292 = arith.addf %scan3A_1219, %mul3A_1291 : vector<16xf32>
        %get3A_1293 = arith.constant 0 : i32
        %get3A_1294 = arith.index_cast %get3A_1293 : i32 to index
        %get3A_1295 = arith.index_cast %add3A_1224 : i32 to index
        %get3A_1296 = arith.constant 112 : index
        %get3A_1297 = tpu.vector_load %arg8[%get3A_1294, %get3A_1295, %get3A_1296] {strides = array<i32>} : memref<2x64x128xf32, #tpu.memory_space<vmem>>, vector<1x1x16xf32>,
        %get3A_1298 = vector.shape_cast %get3A_1297 : vector<1x1x16xf32> to vector<16xf32>
        %add3A_1299 = arith.addf %scan3A_1212, %get3A_1298 : vector<16xf32>
        %mul3A_1300 = arith.mulf %get3A_1229, %get3A_1298 : vector<16xf32>
        %add3A_1301 = arith.addf %scan3A_1220, %mul3A_1300 : vector<16xf32>
        %mul3A_1302 = arith.constant 2 : i32
        %mul3A_1303 = arith.muli %mul3A_1302, %scan3A_1204 : i32
        %add3A_1304 = arith.constant 1 : i32
        %add3A_1305 = arith.addi %mul3A_1303, %add3A_1304 : i32
        %get3A_1306 = arith.constant 0 : i32
        %get3A_1307 = arith.index_cast %get3A_1306 : i32 to index
        %get3A_1308 = arith.index_cast %add3A_1305 : i32 to index
        %get3A_1309 = arith.constant 0 : index
        %get3A_1310 = tpu.vector_load %arg6[%get3A_1307, %get3A_1308, %get3A_1309] {strides = array<i32>} : memref<2x64x16xf32, #tpu.memory_space<vmem>>, vector<1x1x16xf32>,
        %get3A_1311 = vector.shape_cast %get3A_1310 : vector<1x1x16xf32> to vector<16xf32>
        %get3A_1312 = arith.constant 0 : i32
        %get3A_1313 = arith.index_cast %get3A_1312 : i32 to index
        %get3A_1314 = arith.index_cast %add3A_1305 : i32 to index
        %get3A_1315 = arith.constant 0 : index
        %get3A_1316 = tpu.vector_load %arg8[%get3A_1313, %get3A_1314, %get3A_1315] {strides = array<i32>} : memref<2x64x128xf32, #tpu.memory_space<vmem>>, vector<1x1x16xf32>,
        %get3A_1317 = vector.shape_cast %get3A_1316 : vector<1x1x16xf32> to vector<16xf32>
        %add3A_1318 = arith.addf %add3A_1236, %get3A_1317 : vector<16xf32>
        %mul3A_1319 = arith.mulf %get3A_1311, %get3A_1317 : vector<16xf32>
        %add3A_1320 = arith.addf %add3A_1238, %mul3A_1319 : vector<16xf32>
        %get3A_1321 = arith.constant 0 : i32
        %get3A_1322 = arith.index_cast %get3A_1321 : i32 to index
        %get3A_1323 = arith.index_cast %add3A_1305 : i32 to index
        %get3A_1324 = arith.constant 16 : index
        %get3A_1325 = tpu.vector_load %arg8[%get3A_1322, %get3A_1323, %get3A_1324] {strides = array<i32>} : memref<2x64x128xf32, #tpu.memory_space<vmem>>, vector<1x1x16xf32>,
        %get3A_1326 = vector.shape_cast %get3A_1325 : vector<1x1x16xf32> to vector<16xf32>
        %add3A_1327 = arith.addf %add3A_1245, %get3A_1326 : vector<16xf32>
        %mul3A_1328 = arith.mulf %get3A_1311, %get3A_1326 : vector<16xf32>
        %add3A_1329 = arith.addf %add3A_1247, %mul3A_1328 : vector<16xf32>
        %get3A_1330 = arith.constant 0 : i32
        %get3A_1331 = arith.index_cast %get3A_1330 : i32 to index
        %get3A_1332 = arith.index_cast %add3A_1305 : i32 to index
        %get3A_1333 = arith.constant 32 : index
        %get3A_1334 = tpu.vector_load %arg8[%get3A_1331, %get3A_1332, %get3A_1333] {strides = array<i32>} : memref<2x64x128xf32, #tpu.memory_space<vmem>>, vector<1x1x16xf32>,
        %get3A_1335 = vector.shape_cast %get3A_1334 : vector<1x1x16xf32> to vector<16xf32>
        %add3A_1336 = arith.addf %add3A_1254, %get3A_1335 : vector<16xf32>
        %mul3A_1337 = arith.mulf %get3A_1311, %get3A_1335 : vector<16xf32>
        %add3A_1338 = arith.addf %add3A_1256, %mul3A_1337 : vector<16xf32>
        %get3A_1339 = arith.constant 0 : i32
        %get3A_1340 = arith.index_cast %get3A_1339 : i32 to index
        %get3A_1341 = arith.index_cast %add3A_1305 : i32 to index
        %get3A_1342 = arith.constant 48 : index
        %get3A_1343 = tpu.vector_load %arg8[%get3A_1340, %get3A_1341, %get3A_1342] {strides = array<i32>} : memref<2x64x128xf32, #tpu.memory_space<vmem>>, vector<1x1x16xf32>,
        %get3A_1344 = vector.shape_cast %get3A_1343 : vector<1x1x16xf32> to vector<16xf32>
        %add3A_1345 = arith.addf %add3A_1263, %get3A_1344 : vector<16xf32>
        %mul3A_1346 = arith.mulf %get3A_1311, %get3A_1344 : vector<16xf32>
        %add3A_1347 = arith.addf %add3A_1265, %mul3A_1346 : vector<16xf32>
        %get3A_1348 = arith.constant 0 : i32
        %get3A_1349 = arith.index_cast %get3A_1348 : i32 to index
        %get3A_1350 = arith.index_cast %add3A_1305 : i32 to index
        %get3A_1351 = arith.constant 64 : index
        %get3A_1352 = tpu.vector_load %arg8[%get3A_1349, %get3A_1350, %get3A_1351] {strides = array<i32>} : memref<2x64x128xf32, #tpu.memory_space<vmem>>, vector<1x1x16xf32>,
        %get3A_1353 = vector.shape_cast %get3A_1352 : vector<1x1x16xf32> to vector<16xf32>
        %add3A_1354 = arith.addf %add3A_1272, %get3A_1353 : vector<16xf32>
        %mul3A_1355 = arith.mulf %get3A_1311, %get3A_1353 : vector<16xf32>
        %add3A_1356 = arith.addf %add3A_1274, %mul3A_1355 : vector<16xf32>
        %get3A_1357 = arith.constant 0 : i32
        %get3A_1358 = arith.index_cast %get3A_1357 : i32 to index
        %get3A_1359 = arith.index_cast %add3A_1305 : i32 to index
        %get3A_1360 = arith.constant 80 : index
        %get3A_1361 = tpu.vector_load %arg8[%get3A_1358, %get3A_1359, %get3A_1360] {strides = array<i32>} : memref<2x64x128xf32, #tpu.memory_space<vmem>>, vector<1x1x16xf32>,
        %get3A_1362 = vector.shape_cast %get3A_1361 : vector<1x1x16xf32> to vector<16xf32>
        %add3A_1363 = arith.addf %add3A_1281, %get3A_1362 : vector<16xf32>
        %mul3A_1364 = arith.mulf %get3A_1311, %get3A_1362 : vector<16xf32>
        %add3A_1365 = arith.addf %add3A_1283, %mul3A_1364 : vector<16xf32>
        %get3A_1366 = arith.constant 0 : i32
        %get3A_1367 = arith.index_cast %get3A_1366 : i32 to index
        %get3A_1368 = arith.index_cast %add3A_1305 : i32 to index
        %get3A_1369 = arith.constant 96 : index
        %get3A_1370 = tpu.vector_load %arg8[%get3A_1367, %get3A_1368, %get3A_1369] {strides = array<i32>} : memref<2x64x128xf32, #tpu.memory_space<vmem>>, vector<1x1x16xf32>,
        %get3A_1371 = vector.shape_cast %get3A_1370 : vector<1x1x16xf32> to vector<16xf32>
        %add3A_1372 = arith.addf %add3A_1290, %get3A_1371 : vector<16xf32>
        %mul3A_1373 = arith.mulf %get3A_1311, %get3A_1371 : vector<16xf32>
        %add3A_1374 = arith.addf %add3A_1292, %mul3A_1373 : vector<16xf32>
        %get3A_1375 = arith.constant 0 : i32
        %get3A_1376 = arith.index_cast %get3A_1375 : i32 to index
        %get3A_1377 = arith.index_cast %add3A_1305 : i32 to index
        %get3A_1378 = arith.constant 112 : index
        %get3A_1379 = tpu.vector_load %arg8[%get3A_1376, %get3A_1377, %get3A_1378] {strides = array<i32>} : memref<2x64x128xf32, #tpu.memory_space<vmem>>, vector<1x1x16xf32>,
        %get3A_1380 = vector.shape_cast %get3A_1379 : vector<1x1x16xf32> to vector<16xf32>
        %add3A_1381 = arith.addf %add3A_1299, %get3A_1380 : vector<16xf32>
        %mul3A_1382 = arith.mulf %get3A_1311, %get3A_1380 : vector<16xf32>
        %add3A_1383 = arith.addf %add3A_1301, %mul3A_1382 : vector<16xf32>
        scf.yield %add3A_1318, %add3A_1327, %add3A_1336, %add3A_1345, %add3A_1354, %add3A_1363, %add3A_1372, %add3A_1381, %add3A_1320, %add3A_1329, %add3A_1338, %add3A_1347, %add3A_1356, %add3A_1365, %add3A_1374, %add3A_1383 : vector<16xf32>, vector<16xf32>, vector<16xf32>, vector<16xf32>, vector<16xf32>, vector<16xf32>, vector<16xf32>, vector<16xf32>, vector<16xf32>, vector<16xf32>, vector<16xf32>, vector<16xf32>, vector<16xf32>, vector<16xf32>, vector<16xf32>, vector<16xf32>
      }
      %scan3A_348 = arith.constant 32 : i32
      %mul3A_349 = arith.constant 128 : i32
      %mul3A_350 = arith.muli %add3A_334, %mul3A_349 : i32
      %add3A_351 = arith.constant 0 : i32
      %add3A_352 = arith.addi %mul3A_350, %add3A_351 : i32
      %swap3A_353 = arith.constant 0 : i32
      %swap3A_354 = arith.index_cast %swap3A_353 : i32 to index
      %swap3A_355 = arith.index_cast %add3A_352 : i32 to index
      %swap3A_356 = tpu.vector_load %arg11[%swap3A_354, %swap3A_355] {strides = array<i32>} : memref<2x4096xf32, #tpu.memory_space<vmem>>, vector<1x16xf32>,
      %swap3A_357 = vector.shape_cast %swap3A_356 : vector<1x16xf32> to vector<16xf32>
      %swap3A_358 = vector.shape_cast %scan3A_347#0 : vector<16xf32> to vector<1x16xf32>
      tpu.vector_store %arg11[%swap3A_354, %swap3A_355], %swap3A_358 {strides = array<i32>} : memref<2x4096xf32, #tpu.memory_space<vmem>>, vector<1x16xf32>,
      %add3A_359 = arith.constant 0 : i32
      %add3A_360 = arith.addi %mul3A_350, %add3A_359 : i32
      %swap3A_361 = arith.constant 0 : i32
      %swap3A_362 = arith.index_cast %swap3A_361 : i32 to index
      %swap3A_363 = arith.index_cast %add3A_360 : i32 to index
      %swap3A_364 = tpu.vector_load %arg12[%swap3A_362, %swap3A_363] {strides = array<i32>} : memref<2x4096xf32, #tpu.memory_space<vmem>>, vector<1x16xf32>,
      %swap3A_365 = vector.shape_cast %swap3A_364 : vector<1x16xf32> to vector<16xf32>
      %swap3A_366 = vector.shape_cast %scan3A_347#8 : vector<16xf32> to vector<1x16xf32>
      tpu.vector_store %arg12[%swap3A_362, %swap3A_363], %swap3A_366 {strides = array<i32>} : memref<2x4096xf32, #tpu.memory_space<vmem>>, vector<1x16xf32>,
      %add3A_367 = arith.constant 16 : i32
      %add3A_368 = arith.addi %mul3A_350, %add3A_367 : i32
      %swap3A_369 = arith.constant 0 : i32
      %swap3A_370 = arith.index_cast %swap3A_369 : i32 to index
      %swap3A_371 = arith.index_cast %add3A_368 : i32 to index
      %swap3A_372 = tpu.vector_load %arg11[%swap3A_370, %swap3A_371] {strides = array<i32>} : memref<2x4096xf32, #tpu.memory_space<vmem>>, vector<1x16xf32>,
      %swap3A_373 = vector.shape_cast %swap3A_372 : vector<1x16xf32> to vector<16xf32>
      %swap3A_374 = vector.shape_cast %scan3A_347#1 : vector<16xf32> to vector<1x16xf32>
      tpu.vector_store %arg11[%swap3A_370, %swap3A_371], %swap3A_374 {strides = array<i32>} : memref<2x4096xf32, #tpu.memory_space<vmem>>, vector<1x16xf32>,
      %add3A_375 = arith.constant 16 : i32
      %add3A_376 = arith.addi %mul3A_350, %add3A_375 : i32
      %swap3A_377 = arith.constant 0 : i32
      %swap3A_378 = arith.index_cast %swap3A_377 : i32 to index
      %swap3A_379 = arith.index_cast %add3A_376 : i32 to index
      %swap3A_380 = tpu.vector_load %arg12[%swap3A_378, %swap3A_379] {strides = array<i32>} : memref<2x4096xf32, #tpu.memory_space<vmem>>, vector<1x16xf32>,
      %swap3A_381 = vector.shape_cast %swap3A_380 : vector<1x16xf32> to vector<16xf32>
      %swap3A_382 = vector.shape_cast %scan3A_347#9 : vector<16xf32> to vector<1x16xf32>
      tpu.vector_store %arg12[%swap3A_378, %swap3A_379], %swap3A_382 {strides = array<i32>} : memref<2x4096xf32, #tpu.memory_space<vmem>>, vector<1x16xf32>,
      %add3A_383 = arith.constant 32 : i32
      %add3A_384 = arith.addi %mul3A_350, %add3A_383 : i32
      %swap3A_385 = arith.constant 0 : i32
      %swap3A_386 = arith.index_cast %swap3A_385 : i32 to index
      %swap3A_387 = arith.index_cast %add3A_384 : i32 to index
      %swap3A_388 = tpu.vector_load %arg11[%swap3A_386, %swap3A_387] {strides = array<i32>} : memref<2x4096xf32, #tpu.memory_space<vmem>>, vector<1x16xf32>,
      %swap3A_389 = vector.shape_cast %swap3A_388 : vector<1x16xf32> to vector<16xf32>
      %swap3A_390 = vector.shape_cast %scan3A_347#2 : vector<16xf32> to vector<1x16xf32>
      tpu.vector_store %arg11[%swap3A_386, %swap3A_387], %swap3A_390 {strides = array<i32>} : memref<2x4096xf32, #tpu.memory_space<vmem>>, vector<1x16xf32>,
      %add3A_391 = arith.constant 32 : i32
      %add3A_392 = arith.addi %mul3A_350, %add3A_391 : i32
      %swap3A_393 = arith.constant 0 : i32
      %swap3A_394 = arith.index_cast %swap3A_393 : i32 to index
      %swap3A_395 = arith.index_cast %add3A_392 : i32 to index
      %swap3A_396 = tpu.vector_load %arg12[%swap3A_394, %swap3A_395] {strides = array<i32>} : memref<2x4096xf32, #tpu.memory_space<vmem>>, vector<1x16xf32>,
      %swap3A_397 = vector.shape_cast %swap3A_396 : vector<1x16xf32> to vector<16xf32>
      %swap3A_398 = vector.shape_cast %scan3A_347#10 : vector<16xf32> to vector<1x16xf32>
      tpu.vector_store %arg12[%swap3A_394, %swap3A_395], %swap3A_398 {strides = array<i32>} : memref<2x4096xf32, #tpu.memory_space<vmem>>, vector<1x16xf32>,
      %add3A_399 = arith.constant 48 : i32
      %add3A_400 = arith.addi %mul3A_350, %add3A_399 : i32
      %swap3A_401 = arith.constant 0 : i32
      %swap3A_402 = arith.index_cast %swap3A_401 : i32 to index
      %swap3A_403 = arith.index_cast %add3A_400 : i32 to index
      %swap3A_404 = tpu.vector_load %arg11[%swap3A_402, %swap3A_403] {strides = array<i32>} : memref<2x4096xf32, #tpu.memory_space<vmem>>, vector<1x16xf32>,
      %swap3A_405 = vector.shape_cast %swap3A_404 : vector<1x16xf32> to vector<16xf32>
      %swap3A_406 = vector.shape_cast %scan3A_347#3 : vector<16xf32> to vector<1x16xf32>
      tpu.vector_store %arg11[%swap3A_402, %swap3A_403], %swap3A_406 {strides = array<i32>} : memref<2x4096xf32, #tpu.memory_space<vmem>>, vector<1x16xf32>,
      %add3A_407 = arith.constant 48 : i32
      %add3A_408 = arith.addi %mul3A_350, %add3A_407 : i32
      %swap3A_409 = arith.constant 0 : i32
      %swap3A_410 = arith.index_cast %swap3A_409 : i32 to index
      %swap3A_411 = arith.index_cast %add3A_408 : i32 to index
      %swap3A_412 = tpu.vector_load %arg12[%swap3A_410, %swap3A_411] {strides = array<i32>} : memref<2x4096xf32, #tpu.memory_space<vmem>>, vector<1x16xf32>,
      %swap3A_413 = vector.shape_cast %swap3A_412 : vector<1x16xf32> to vector<16xf32>
      %swap3A_414 = vector.shape_cast %scan3A_347#11 : vector<16xf32> to vector<1x16xf32>
      tpu.vector_store %arg12[%swap3A_410, %swap3A_411], %swap3A_414 {strides = array<i32>} : memref<2x4096xf32, #tpu.memory_space<vmem>>, vector<1x16xf32>,
      %add3A_415 = arith.constant 64 : i32
      %add3A_416 = arith.addi %mul3A_350, %add3A_415 : i32
      %swap3A_417 = arith.constant 0 : i32
      %swap3A_418 = arith.index_cast %swap3A_417 : i32 to index
      %swap3A_419 = arith.index_cast %add3A_416 : i32 to index
      %swap3A_420 = tpu.vector_load %arg11[%swap3A_418, %swap3A_419] {strides = array<i32>} : memref<2x4096xf32, #tpu.memory_space<vmem>>, vector<1x16xf32>,
      %swap3A_421 = vector.shape_cast %swap3A_420 : vector<1x16xf32> to vector<16xf32>
      %swap3A_422 = vector.shape_cast %scan3A_347#4 : vector<16xf32> to vector<1x16xf32>
      tpu.vector_store %arg11[%swap3A_418, %swap3A_419], %swap3A_422 {strides = array<i32>} : memref<2x4096xf32, #tpu.memory_space<vmem>>, vector<1x16xf32>,
      %add3A_423 = arith.constant 64 : i32
      %add3A_424 = arith.addi %mul3A_350, %add3A_423 : i32
      %swap3A_425 = arith.constant 0 : i32
      %swap3A_426 = arith.index_cast %swap3A_425 : i32 to index
      %swap3A_427 = arith.index_cast %add3A_424 : i32 to index
      %swap3A_428 = tpu.vector_load %arg12[%swap3A_426, %swap3A_427] {strides = array<i32>} : memref<2x4096xf32, #tpu.memory_space<vmem>>, vector<1x16xf32>,
      %swap3A_429 = vector.shape_cast %swap3A_428 : vector<1x16xf32> to vector<16xf32>
      %swap3A_430 = vector.shape_cast %scan3A_347#12 : vector<16xf32> to vector<1x16xf32>
      tpu.vector_store %arg12[%swap3A_426, %swap3A_427], %swap3A_430 {strides = array<i32>} : memref<2x4096xf32, #tpu.memory_space<vmem>>, vector<1x16xf32>,
      %add3A_431 = arith.constant 80 : i32
      %add3A_432 = arith.addi %mul3A_350, %add3A_431 : i32
      %swap3A_433 = arith.constant 0 : i32
      %swap3A_434 = arith.index_cast %swap3A_433 : i32 to index
      %swap3A_435 = arith.index_cast %add3A_432 : i32 to index
      %swap3A_436 = tpu.vector_load %arg11[%swap3A_434, %swap3A_435] {strides = array<i32>} : memref<2x4096xf32, #tpu.memory_space<vmem>>, vector<1x16xf32>,
      %swap3A_437 = vector.shape_cast %swap3A_436 : vector<1x16xf32> to vector<16xf32>
      %swap3A_438 = vector.shape_cast %scan3A_347#5 : vector<16xf32> to vector<1x16xf32>
      tpu.vector_store %arg11[%swap3A_434, %swap3A_435], %swap3A_438 {strides = array<i32>} : memref<2x4096xf32, #tpu.memory_space<vmem>>, vector<1x16xf32>,
      %add3A_439 = arith.constant 80 : i32
      %add3A_440 = arith.addi %mul3A_350, %add3A_439 : i32
      %swap3A_441 = arith.constant 0 : i32
      %swap3A_442 = arith.index_cast %swap3A_441 : i32 to index
      %swap3A_443 = arith.index_cast %add3A_440 : i32 to index
      %swap3A_444 = tpu.vector_load %arg12[%swap3A_442, %swap3A_443] {strides = array<i32>} : memref<2x4096xf32, #tpu.memory_space<vmem>>, vector<1x16xf32>,
      %swap3A_445 = vector.shape_cast %swap3A_444 : vector<1x16xf32> to vector<16xf32>
      %swap3A_446 = vector.shape_cast %scan3A_347#13 : vector<16xf32> to vector<1x16xf32>
      tpu.vector_store %arg12[%swap3A_442, %swap3A_443], %swap3A_446 {strides = array<i32>} : memref<2x4096xf32, #tpu.memory_space<vmem>>, vector<1x16xf32>,
      %add3A_447 = arith.constant 96 : i32
      %add3A_448 = arith.addi %mul3A_350, %add3A_447 : i32
      %swap3A_449 = arith.constant 0 : i32
      %swap3A_450 = arith.index_cast %swap3A_449 : i32 to index
      %swap3A_451 = arith.index_cast %add3A_448 : i32 to index
      %swap3A_452 = tpu.vector_load %arg11[%swap3A_450, %swap3A_451] {strides = array<i32>} : memref<2x4096xf32, #tpu.memory_space<vmem>>, vector<1x16xf32>,
      %swap3A_453 = vector.shape_cast %swap3A_452 : vector<1x16xf32> to vector<16xf32>
      %swap3A_454 = vector.shape_cast %scan3A_347#6 : vector<16xf32> to vector<1x16xf32>
      tpu.vector_store %arg11[%swap3A_450, %swap3A_451], %swap3A_454 {strides = array<i32>} : memref<2x4096xf32, #tpu.memory_space<vmem>>, vector<1x16xf32>,
      %add3A_455 = arith.constant 96 : i32
      %add3A_456 = arith.addi %mul3A_350, %add3A_455 : i32
      %swap3A_457 = arith.constant 0 : i32
      %swap3A_458 = arith.index_cast %swap3A_457 : i32 to index
      %swap3A_459 = arith.index_cast %add3A_456 : i32 to index
      %swap3A_460 = tpu.vector_load %arg12[%swap3A_458, %swap3A_459] {strides = array<i32>} : memref<2x4096xf32, #tpu.memory_space<vmem>>, vector<1x16xf32>,
      %swap3A_461 = vector.shape_cast %swap3A_460 : vector<1x16xf32> to vector<16xf32>
      %swap3A_462 = vector.shape_cast %scan3A_347#14 : vector<16xf32> to vector<1x16xf32>
      tpu.vector_store %arg12[%swap3A_458, %swap3A_459], %swap3A_462 {strides = array<i32>} : memref<2x4096xf32, #tpu.memory_space<vmem>>, vector<1x16xf32>,
      %add3A_463 = arith.constant 112 : i32
      %add3A_464 = arith.addi %mul3A_350, %add3A_463 : i32
      %swap3A_465 = arith.constant 0 : i32
      %swap3A_466 = arith.index_cast %swap3A_465 : i32 to index
      %swap3A_467 = arith.index_cast %add3A_464 : i32 to index
      %swap3A_468 = tpu.vector_load %arg11[%swap3A_466, %swap3A_467] {strides = array<i32>} : memref<2x4096xf32, #tpu.memory_space<vmem>>, vector<1x16xf32>,
      %swap3A_469 = vector.shape_cast %swap3A_468 : vector<1x16xf32> to vector<16xf32>
      %swap3A_470 = vector.shape_cast %scan3A_347#7 : vector<16xf32> to vector<1x16xf32>
      tpu.vector_store %arg11[%swap3A_466, %swap3A_467], %swap3A_470 {strides = array<i32>} : memref<2x4096xf32, #tpu.memory_space<vmem>>, vector<1x16xf32>,
      %add3A_471 = arith.constant 112 : i32
      %add3A_472 = arith.addi %mul3A_350, %add3A_471 : i32
      %swap3A_473 = arith.constant 0 : i32
      %swap3A_474 = arith.index_cast %swap3A_473 : i32 to index
      %swap3A_475 = arith.index_cast %add3A_472 : i32 to index
      %swap3A_476 = tpu.vector_load %arg12[%swap3A_474, %swap3A_475] {strides = array<i32>} : memref<2x4096xf32, #tpu.memory_space<vmem>>, vector<1x16xf32>,
      %swap3A_477 = vector.shape_cast %swap3A_476 : vector<1x16xf32> to vector<16xf32>
      %swap3A_478 = vector.shape_cast %scan3A_347#15 : vector<16xf32> to vector<1x16xf32>
      tpu.vector_store %arg12[%swap3A_474, %swap3A_475], %swap3A_478 {strides = array<i32>} : memref<2x4096xf32, #tpu.memory_space<vmem>>, vector<1x16xf32>,
      %scan3A_479 = arith.constant 0 : i32
      %scan3A_480 = arith.constant 32 : i32
      %scan3A_481 = arith.addi %scan3A_479, %scan3A_480 : i32
      %scan3A_482 = arith.constant 1 : i32
      %scan3A_483:16 = scf.for %scan3A_1204 = %scan3A_479 to %scan3A_481 step %scan3A_482 iter_args(%scan3A_1205 = %broadcast_in_dim3A_3, %scan3A_1206 = %broadcast_in_dim3A_3, %scan3A_1207 = %broadcast_in_dim3A_3, %scan3A_1208 = %broadcast_in_dim3A_3, %scan3A_1209 = %broadcast_in_dim3A_3, %scan3A_1210 = %broadcast_in_dim3A_3, %scan3A_1211 = %broadcast_in_dim3A_3, %scan3A_1212 = %broadcast_in_dim3A_3, %scan3A_1213 = %broadcast_in_dim3A_3, %scan3A_1214 = %broadcast_in_dim3A_3, %scan3A_1215 = %broadcast_in_dim3A_3, %scan3A_1216 = %broadcast_in_dim3A_3, %scan3A_1217 = %broadcast_in_dim3A_3, %scan3A_1218 = %broadcast_in_dim3A_3, %scan3A_1219 = %broadcast_in_dim3A_3, %scan3A_1220 = %broadcast_in_dim3A_3) -> (vector<16xf32>, vector<16xf32>, vector<16xf32>, vector<16xf32>, vector<16xf32>, vector<16xf32>, vector<16xf32>, vector<16xf32>, vector<16xf32>, vector<16xf32>, vector<16xf32>, vector<16xf32>, vector<16xf32>, vector<16xf32>, vector<16xf32>, vector<16xf32>)  : i32 {
        %mul3A_1221 = arith.constant 2 : i32
        %mul3A_1222 = arith.muli %mul3A_1221, %scan3A_1204 : i32
        %add3A_1223 = arith.constant 0 : i32
        %add3A_1224 = arith.addi %mul3A_1222, %add3A_1223 : i32
        %get3A = arith.constant 1 : i32
        %get3A_1225 = arith.index_cast %get3A : i32 to index
        %get3A_1226 = arith.index_cast %add3A_1224 : i32 to index
        %get3A_1227 = arith.constant 0 : index
        %get3A_1228 = tpu.vector_load %arg6[%get3A_1225, %get3A_1226, %get3A_1227] {strides = array<i32>} : memref<2x64x16xf32, #tpu.memory_space<vmem>>, vector<1x1x16xf32>,
        %get3A_1229 = vector.shape_cast %get3A_1228 : vector<1x1x16xf32> to vector<16xf32>
        %get3A_1230 = arith.constant 1 : i32
        %get3A_1231 = arith.index_cast %get3A_1230 : i32 to index
        %get3A_1232 = arith.index_cast %add3A_1224 : i32 to index
        %get3A_1233 = arith.constant 0 : index
        %get3A_1234 = tpu.vector_load %arg8[%get3A_1231, %get3A_1232, %get3A_1233] {strides = array<i32>} : memref<2x64x128xf32, #tpu.memory_space<vmem>>, vector<1x1x16xf32>,
        %get3A_1235 = vector.shape_cast %get3A_1234 : vector<1x1x16xf32> to vector<16xf32>
        %add3A_1236 = arith.addf %scan3A_1205, %get3A_1235 : vector<16xf32>
        %mul3A_1237 = arith.mulf %get3A_1229, %get3A_1235 : vector<16xf32>
        %add3A_1238 = arith.addf %scan3A_1213, %mul3A_1237 : vector<16xf32>
        %get3A_1239 = arith.constant 1 : i32
        %get3A_1240 = arith.index_cast %get3A_1239 : i32 to index
        %get3A_1241 = arith.index_cast %add3A_1224 : i32 to index
        %get3A_1242 = arith.constant 16 : index
        %get3A_1243 = tpu.vector_load %arg8[%get3A_1240, %get3A_1241, %get3A_1242] {strides = array<i32>} : memref<2x64x128xf32, #tpu.memory_space<vmem>>, vector<1x1x16xf32>,
        %get3A_1244 = vector.shape_cast %get3A_1243 : vector<1x1x16xf32> to vector<16xf32>
        %add3A_1245 = arith.addf %scan3A_1206, %get3A_1244 : vector<16xf32>
        %mul3A_1246 = arith.mulf %get3A_1229, %get3A_1244 : vector<16xf32>
        %add3A_1247 = arith.addf %scan3A_1214, %mul3A_1246 : vector<16xf32>
        %get3A_1248 = arith.constant 1 : i32
        %get3A_1249 = arith.index_cast %get3A_1248 : i32 to index
        %get3A_1250 = arith.index_cast %add3A_1224 : i32 to index
        %get3A_1251 = arith.constant 32 : index
        %get3A_1252 = tpu.vector_load %arg8[%get3A_1249, %get3A_1250, %get3A_1251] {strides = array<i32>} : memref<2x64x128xf32, #tpu.memory_space<vmem>>, vector<1x1x16xf32>,
        %get3A_1253 = vector.shape_cast %get3A_1252 : vector<1x1x16xf32> to vector<16xf32>
        %add3A_1254 = arith.addf %scan3A_1207, %get3A_1253 : vector<16xf32>
        %mul3A_1255 = arith.mulf %get3A_1229, %get3A_1253 : vector<16xf32>
        %add3A_1256 = arith.addf %scan3A_1215, %mul3A_1255 : vector<16xf32>
        %get3A_1257 = arith.constant 1 : i32
        %get3A_1258 = arith.index_cast %get3A_1257 : i32 to index
        %get3A_1259 = arith.index_cast %add3A_1224 : i32 to index
        %get3A_1260 = arith.constant 48 : index
        %get3A_1261 = tpu.vector_load %arg8[%get3A_1258, %get3A_1259, %get3A_1260] {strides = array<i32>} : memref<2x64x128xf32, #tpu.memory_space<vmem>>, vector<1x1x16xf32>,
        %get3A_1262 = vector.shape_cast %get3A_1261 : vector<1x1x16xf32> to vector<16xf32>
        %add3A_1263 = arith.addf %scan3A_1208, %get3A_1262 : vector<16xf32>
        %mul3A_1264 = arith.mulf %get3A_1229, %get3A_1262 : vector<16xf32>
        %add3A_1265 = arith.addf %scan3A_1216, %mul3A_1264 : vector<16xf32>
        %get3A_1266 = arith.constant 1 : i32
        %get3A_1267 = arith.index_cast %get3A_1266 : i32 to index
        %get3A_1268 = arith.index_cast %add3A_1224 : i32 to index
        %get3A_1269 = arith.constant 64 : index
        %get3A_1270 = tpu.vector_load %arg8[%get3A_1267, %get3A_1268, %get3A_1269] {strides = array<i32>} : memref<2x64x128xf32, #tpu.memory_space<vmem>>, vector<1x1x16xf32>,
        %get3A_1271 = vector.shape_cast %get3A_1270 : vector<1x1x16xf32> to vector<16xf32>
        %add3A_1272 = arith.addf %scan3A_1209, %get3A_1271 : vector<16xf32>
        %mul3A_1273 = arith.mulf %get3A_1229, %get3A_1271 : vector<16xf32>
        %add3A_1274 = arith.addf %scan3A_1217, %mul3A_1273 : vector<16xf32>
        %get3A_1275 = arith.constant 1 : i32
        %get3A_1276 = arith.index_cast %get3A_1275 : i32 to index
        %get3A_1277 = arith.index_cast %add3A_1224 : i32 to index
        %get3A_1278 = arith.constant 80 : index
        %get3A_1279 = tpu.vector_load %arg8[%get3A_1276, %get3A_1277, %get3A_1278] {strides = array<i32>} : memref<2x64x128xf32, #tpu.memory_space<vmem>>, vector<1x1x16xf32>,
        %get3A_1280 = vector.shape_cast %get3A_1279 : vector<1x1x16xf32> to vector<16xf32>
        %add3A_1281 = arith.addf %scan3A_1210, %get3A_1280 : vector<16xf32>
        %mul3A_1282 = arith.mulf %get3A_1229, %get3A_1280 : vector<16xf32>
        %add3A_1283 = arith.addf %scan3A_1218, %mul3A_1282 : vector<16xf32>
        %get3A_1284 = arith.constant 1 : i32
        %get3A_1285 = arith.index_cast %get3A_1284 : i32 to index
        %get3A_1286 = arith.index_cast %add3A_1224 : i32 to index
        %get3A_1287 = arith.constant 96 : index
        %get3A_1288 = tpu.vector_load %arg8[%get3A_1285, %get3A_1286, %get3A_1287] {strides = array<i32>} : memref<2x64x128xf32, #tpu.memory_space<vmem>>, vector<1x1x16xf32>,
        %get3A_1289 = vector.shape_cast %get3A_1288 : vector<1x1x16xf32> to vector<16xf32>
        %add3A_1290 = arith.addf %scan3A_1211, %get3A_1289 : vector<16xf32>
        %mul3A_1291 = arith.mulf %get3A_1229, %get3A_1289 : vector<16xf32>
        %add3A_1292 = arith.addf %scan3A_1219, %mul3A_1291 : vector<16xf32>
        %get3A_1293 = arith.constant 1 : i32
        %get3A_1294 = arith.index_cast %get3A_1293 : i32 to index
        %get3A_1295 = arith.index_cast %add3A_1224 : i32 to index
        %get3A_1296 = arith.constant 112 : index
        %get3A_1297 = tpu.vector_load %arg8[%get3A_1294, %get3A_1295, %get3A_1296] {strides = array<i32>} : memref<2x64x128xf32, #tpu.memory_space<vmem>>, vector<1x1x16xf32>,
        %get3A_1298 = vector.shape_cast %get3A_1297 : vector<1x1x16xf32> to vector<16xf32>
        %add3A_1299 = arith.addf %scan3A_1212, %get3A_1298 : vector<16xf32>
        %mul3A_1300 = arith.mulf %get3A_1229, %get3A_1298 : vector<16xf32>
        %add3A_1301 = arith.addf %scan3A_1220, %mul3A_1300 : vector<16xf32>
        %mul3A_1302 = arith.constant 2 : i32
        %mul3A_1303 = arith.muli %mul3A_1302, %scan3A_1204 : i32
        %add3A_1304 = arith.constant 1 : i32
        %add3A_1305 = arith.addi %mul3A_1303, %add3A_1304 : i32
        %get3A_1306 = arith.constant 1 : i32
        %get3A_1307 = arith.index_cast %get3A_1306 : i32 to index
        %get3A_1308 = arith.index_cast %add3A_1305 : i32 to index
        %get3A_1309 = arith.constant 0 : index
        %get3A_1310 = tpu.vector_load %arg6[%get3A_1307, %get3A_1308, %get3A_1309] {strides = array<i32>} : memref<2x64x16xf32, #tpu.memory_space<vmem>>, vector<1x1x16xf32>,
        %get3A_1311 = vector.shape_cast %get3A_1310 : vector<1x1x16xf32> to vector<16xf32>
        %get3A_1312 = arith.constant 1 : i32
        %get3A_1313 = arith.index_cast %get3A_1312 : i32 to index
        %get3A_1314 = arith.index_cast %add3A_1305 : i32 to index
        %get3A_1315 = arith.constant 0 : index
        %get3A_1316 = tpu.vector_load %arg8[%get3A_1313, %get3A_1314, %get3A_1315] {strides = array<i32>} : memref<2x64x128xf32, #tpu.memory_space<vmem>>, vector<1x1x16xf32>,
        %get3A_1317 = vector.shape_cast %get3A_1316 : vector<1x1x16xf32> to vector<16xf32>
        %add3A_1318 = arith.addf %add3A_1236, %get3A_1317 : vector<16xf32>
        %mul3A_1319 = arith.mulf %get3A_1311, %get3A_1317 : vector<16xf32>
        %add3A_1320 = arith.addf %add3A_1238, %mul3A_1319 : vector<16xf32>
        %get3A_1321 = arith.constant 1 : i32
        %get3A_1322 = arith.index_cast %get3A_1321 : i32 to index
        %get3A_1323 = arith.index_cast %add3A_1305 : i32 to index
        %get3A_1324 = arith.constant 16 : index
        %get3A_1325 = tpu.vector_load %arg8[%get3A_1322, %get3A_1323, %get3A_1324] {strides = array<i32>} : memref<2x64x128xf32, #tpu.memory_space<vmem>>, vector<1x1x16xf32>,
        %get3A_1326 = vector.shape_cast %get3A_1325 : vector<1x1x16xf32> to vector<16xf32>
        %add3A_1327 = arith.addf %add3A_1245, %get3A_1326 : vector<16xf32>
        %mul3A_1328 = arith.mulf %get3A_1311, %get3A_1326 : vector<16xf32>
        %add3A_1329 = arith.addf %add3A_1247, %mul3A_1328 : vector<16xf32>
        %get3A_1330 = arith.constant 1 : i32
        %get3A_1331 = arith.index_cast %get3A_1330 : i32 to index
        %get3A_1332 = arith.index_cast %add3A_1305 : i32 to index
        %get3A_1333 = arith.constant 32 : index
        %get3A_1334 = tpu.vector_load %arg8[%get3A_1331, %get3A_1332, %get3A_1333] {strides = array<i32>} : memref<2x64x128xf32, #tpu.memory_space<vmem>>, vector<1x1x16xf32>,
        %get3A_1335 = vector.shape_cast %get3A_1334 : vector<1x1x16xf32> to vector<16xf32>
        %add3A_1336 = arith.addf %add3A_1254, %get3A_1335 : vector<16xf32>
        %mul3A_1337 = arith.mulf %get3A_1311, %get3A_1335 : vector<16xf32>
        %add3A_1338 = arith.addf %add3A_1256, %mul3A_1337 : vector<16xf32>
        %get3A_1339 = arith.constant 1 : i32
        %get3A_1340 = arith.index_cast %get3A_1339 : i32 to index
        %get3A_1341 = arith.index_cast %add3A_1305 : i32 to index
        %get3A_1342 = arith.constant 48 : index
        %get3A_1343 = tpu.vector_load %arg8[%get3A_1340, %get3A_1341, %get3A_1342] {strides = array<i32>} : memref<2x64x128xf32, #tpu.memory_space<vmem>>, vector<1x1x16xf32>,
        %get3A_1344 = vector.shape_cast %get3A_1343 : vector<1x1x16xf32> to vector<16xf32>
        %add3A_1345 = arith.addf %add3A_1263, %get3A_1344 : vector<16xf32>
        %mul3A_1346 = arith.mulf %get3A_1311, %get3A_1344 : vector<16xf32>
        %add3A_1347 = arith.addf %add3A_1265, %mul3A_1346 : vector<16xf32>
        %get3A_1348 = arith.constant 1 : i32
        %get3A_1349 = arith.index_cast %get3A_1348 : i32 to index
        %get3A_1350 = arith.index_cast %add3A_1305 : i32 to index
        %get3A_1351 = arith.constant 64 : index
        %get3A_1352 = tpu.vector_load %arg8[%get3A_1349, %get3A_1350, %get3A_1351] {strides = array<i32>} : memref<2x64x128xf32, #tpu.memory_space<vmem>>, vector<1x1x16xf32>,
        %get3A_1353 = vector.shape_cast %get3A_1352 : vector<1x1x16xf32> to vector<16xf32>
        %add3A_1354 = arith.addf %add3A_1272, %get3A_1353 : vector<16xf32>
        %mul3A_1355 = arith.mulf %get3A_1311, %get3A_1353 : vector<16xf32>
        %add3A_1356 = arith.addf %add3A_1274, %mul3A_1355 : vector<16xf32>
        %get3A_1357 = arith.constant 1 : i32
        %get3A_1358 = arith.index_cast %get3A_1357 : i32 to index
        %get3A_1359 = arith.index_cast %add3A_1305 : i32 to index
        %get3A_1360 = arith.constant 80 : index
        %get3A_1361 = tpu.vector_load %arg8[%get3A_1358, %get3A_1359, %get3A_1360] {strides = array<i32>} : memref<2x64x128xf32, #tpu.memory_space<vmem>>, vector<1x1x16xf32>,
        %get3A_1362 = vector.shape_cast %get3A_1361 : vector<1x1x16xf32> to vector<16xf32>
        %add3A_1363 = arith.addf %add3A_1281, %get3A_1362 : vector<16xf32>
        %mul3A_1364 = arith.mulf %get3A_1311, %get3A_1362 : vector<16xf32>
        %add3A_1365 = arith.addf %add3A_1283, %mul3A_1364 : vector<16xf32>
        %get3A_1366 = arith.constant 1 : i32
        %get3A_1367 = arith.index_cast %get3A_1366 : i32 to index
        %get3A_1368 = arith.index_cast %add3A_1305 : i32 to index
        %get3A_1369 = arith.constant 96 : index
        %get3A_1370 = tpu.vector_load %arg8[%get3A_1367, %get3A_1368, %get3A_1369] {strides = array<i32>} : memref<2x64x128xf32, #tpu.memory_space<vmem>>, vector<1x1x16xf32>,
        %get3A_1371 = vector.shape_cast %get3A_1370 : vector<1x1x16xf32> to vector<16xf32>
        %add3A_1372 = arith.addf %add3A_1290, %get3A_1371 : vector<16xf32>
        %mul3A_1373 = arith.mulf %get3A_1311, %get3A_1371 : vector<16xf32>
        %add3A_1374 = arith.addf %add3A_1292, %mul3A_1373 : vector<16xf32>
        %get3A_1375 = arith.constant 1 : i32
        %get3A_1376 = arith.index_cast %get3A_1375 : i32 to index
        %get3A_1377 = arith.index_cast %add3A_1305 : i32 to index
        %get3A_1378 = arith.constant 112 : index
        %get3A_1379 = tpu.vector_load %arg8[%get3A_1376, %get3A_1377, %get3A_1378] {strides = array<i32>} : memref<2x64x128xf32, #tpu.memory_space<vmem>>, vector<1x1x16xf32>,
        %get3A_1380 = vector.shape_cast %get3A_1379 : vector<1x1x16xf32> to vector<16xf32>
        %add3A_1381 = arith.addf %add3A_1299, %get3A_1380 : vector<16xf32>
        %mul3A_1382 = arith.mulf %get3A_1311, %get3A_1380 : vector<16xf32>
        %add3A_1383 = arith.addf %add3A_1301, %mul3A_1382 : vector<16xf32>
        scf.yield %add3A_1318, %add3A_1327, %add3A_1336, %add3A_1345, %add3A_1354, %add3A_1363, %add3A_1372, %add3A_1381, %add3A_1320, %add3A_1329, %add3A_1338, %add3A_1347, %add3A_1356, %add3A_1365, %add3A_1374, %add3A_1383 : vector<16xf32>, vector<16xf32>, vector<16xf32>, vector<16xf32>, vector<16xf32>, vector<16xf32>, vector<16xf32>, vector<16xf32>, vector<16xf32>, vector<16xf32>, vector<16xf32>, vector<16xf32>, vector<16xf32>, vector<16xf32>, vector<16xf32>, vector<16xf32>
      }
      %scan3A_484 = arith.constant 32 : i32
      %mul3A_485 = arith.constant 128 : i32
      %mul3A_486 = arith.muli %add3A_334, %mul3A_485 : i32
      %add3A_487 = arith.constant 0 : i32
      %add3A_488 = arith.addi %mul3A_486, %add3A_487 : i32
      %swap3A_489 = arith.constant 1 : i32
      %swap3A_490 = arith.index_cast %swap3A_489 : i32 to index
      %swap3A_491 = arith.index_cast %add3A_488 : i32 to index
      %swap3A_492 = tpu.vector_load %arg11[%swap3A_490, %swap3A_491] {strides = array<i32>} : memref<2x4096xf32, #tpu.memory_space<vmem>>, vector<1x16xf32>,
      %swap3A_493 = vector.shape_cast %swap3A_492 : vector<1x16xf32> to vector<16xf32>
      %swap3A_494 = vector.shape_cast %scan3A_483#0 : vector<16xf32> to vector<1x16xf32>
      tpu.vector_store %arg11[%swap3A_490, %swap3A_491], %swap3A_494 {strides = array<i32>} : memref<2x4096xf32, #tpu.memory_space<vmem>>, vector<1x16xf32>,
      %add3A_495 = arith.constant 0 : i32
      %add3A_496 = arith.addi %mul3A_486, %add3A_495 : i32
      %swap3A_497 = arith.constant 1 : i32
      %swap3A_498 = arith.index_cast %swap3A_497 : i32 to index
      %swap3A_499 = arith.index_cast %add3A_496 : i32 to index
      %swap3A_500 = tpu.vector_load %arg12[%swap3A_498, %swap3A_499] {strides = array<i32>} : memref<2x4096xf32, #tpu.memory_space<vmem>>, vector<1x16xf32>,
      %swap3A_501 = vector.shape_cast %swap3A_500 : vector<1x16xf32> to vector<16xf32>
      %swap3A_502 = vector.shape_cast %scan3A_483#8 : vector<16xf32> to vector<1x16xf32>
      tpu.vector_store %arg12[%swap3A_498, %swap3A_499], %swap3A_502 {strides = array<i32>} : memref<2x4096xf32, #tpu.memory_space<vmem>>, vector<1x16xf32>,
      %add3A_503 = arith.constant 16 : i32
      %add3A_504 = arith.addi %mul3A_486, %add3A_503 : i32
      %swap3A_505 = arith.constant 1 : i32
      %swap3A_506 = arith.index_cast %swap3A_505 : i32 to index
      %swap3A_507 = arith.index_cast %add3A_504 : i32 to index
      %swap3A_508 = tpu.vector_load %arg11[%swap3A_506, %swap3A_507] {strides = array<i32>} : memref<2x4096xf32, #tpu.memory_space<vmem>>, vector<1x16xf32>,
      %swap3A_509 = vector.shape_cast %swap3A_508 : vector<1x16xf32> to vector<16xf32>
      %swap3A_510 = vector.shape_cast %scan3A_483#1 : vector<16xf32> to vector<1x16xf32>
      tpu.vector_store %arg11[%swap3A_506, %swap3A_507], %swap3A_510 {strides = array<i32>} : memref<2x4096xf32, #tpu.memory_space<vmem>>, vector<1x16xf32>,
      %add3A_511 = arith.constant 16 : i32
      %add3A_512 = arith.addi %mul3A_486, %add3A_511 : i32
      %swap3A_513 = arith.constant 1 : i32
      %swap3A_514 = arith.index_cast %swap3A_513 : i32 to index
      %swap3A_515 = arith.index_cast %add3A_512 : i32 to index
      %swap3A_516 = tpu.vector_load %arg12[%swap3A_514, %swap3A_515] {strides = array<i32>} : memref<2x4096xf32, #tpu.memory_space<vmem>>, vector<1x16xf32>,
      %swap3A_517 = vector.shape_cast %swap3A_516 : vector<1x16xf32> to vector<16xf32>
      %swap3A_518 = vector.shape_cast %scan3A_483#9 : vector<16xf32> to vector<1x16xf32>
      tpu.vector_store %arg12[%swap3A_514, %swap3A_515], %swap3A_518 {strides = array<i32>} : memref<2x4096xf32, #tpu.memory_space<vmem>>, vector<1x16xf32>,
      %add3A_519 = arith.constant 32 : i32
      %add3A_520 = arith.addi %mul3A_486, %add3A_519 : i32
      %swap3A_521 = arith.constant 1 : i32
      %swap3A_522 = arith.index_cast %swap3A_521 : i32 to index
      %swap3A_523 = arith.index_cast %add3A_520 : i32 to index
      %swap3A_524 = tpu.vector_load %arg11[%swap3A_522, %swap3A_523] {strides = array<i32>} : memref<2x4096xf32, #tpu.memory_space<vmem>>, vector<1x16xf32>,
      %swap3A_525 = vector.shape_cast %swap3A_524 : vector<1x16xf32> to vector<16xf32>
      %swap3A_526 = vector.shape_cast %scan3A_483#2 : vector<16xf32> to vector<1x16xf32>
      tpu.vector_store %arg11[%swap3A_522, %swap3A_523], %swap3A_526 {strides = array<i32>} : memref<2x4096xf32, #tpu.memory_space<vmem>>, vector<1x16xf32>,
      %add3A_527 = arith.constant 32 : i32
      %add3A_528 = arith.addi %mul3A_486, %add3A_527 : i32
      %swap3A_529 = arith.constant 1 : i32
      %swap3A_530 = arith.index_cast %swap3A_529 : i32 to index
      %swap3A_531 = arith.index_cast %add3A_528 : i32 to index
      %swap3A_532 = tpu.vector_load %arg12[%swap3A_530, %swap3A_531] {strides = array<i32>} : memref<2x4096xf32, #tpu.memory_space<vmem>>, vector<1x16xf32>,
      %swap3A_533 = vector.shape_cast %swap3A_532 : vector<1x16xf32> to vector<16xf32>
      %swap3A_534 = vector.shape_cast %scan3A_483#10 : vector<16xf32> to vector<1x16xf32>
      tpu.vector_store %arg12[%swap3A_530, %swap3A_531], %swap3A_534 {strides = array<i32>} : memref<2x4096xf32, #tpu.memory_space<vmem>>, vector<1x16xf32>,
      %add3A_535 = arith.constant 48 : i32
      %add3A_536 = arith.addi %mul3A_486, %add3A_535 : i32
      %swap3A_537 = arith.constant 1 : i32
      %swap3A_538 = arith.index_cast %swap3A_537 : i32 to index
      %swap3A_539 = arith.index_cast %add3A_536 : i32 to index
      %swap3A_540 = tpu.vector_load %arg11[%swap3A_538, %swap3A_539] {strides = array<i32>} : memref<2x4096xf32, #tpu.memory_space<vmem>>, vector<1x16xf32>,
      %swap3A_541 = vector.shape_cast %swap3A_540 : vector<1x16xf32> to vector<16xf32>
      %swap3A_542 = vector.shape_cast %scan3A_483#3 : vector<16xf32> to vector<1x16xf32>
      tpu.vector_store %arg11[%swap3A_538, %swap3A_539], %swap3A_542 {strides = array<i32>} : memref<2x4096xf32, #tpu.memory_space<vmem>>, vector<1x16xf32>,
      %add3A_543 = arith.constant 48 : i32
      %add3A_544 = arith.addi %mul3A_486, %add3A_543 : i32
      %swap3A_545 = arith.constant 1 : i32
      %swap3A_546 = arith.index_cast %swap3A_545 : i32 to index
      %swap3A_547 = arith.index_cast %add3A_544 : i32 to index
      %swap3A_548 = tpu.vector_load %arg12[%swap3A_546, %swap3A_547] {strides = array<i32>} : memref<2x4096xf32, #tpu.memory_space<vmem>>, vector<1x16xf32>,
      %swap3A_549 = vector.shape_cast %swap3A_548 : vector<1x16xf32> to vector<16xf32>
      %swap3A_550 = vector.shape_cast %scan3A_483#11 : vector<16xf32> to vector<1x16xf32>
      tpu.vector_store %arg12[%swap3A_546, %swap3A_547], %swap3A_550 {strides = array<i32>} : memref<2x4096xf32, #tpu.memory_space<vmem>>, vector<1x16xf32>,
      %add3A_551 = arith.constant 64 : i32
      %add3A_552 = arith.addi %mul3A_486, %add3A_551 : i32
      %swap3A_553 = arith.constant 1 : i32
      %swap3A_554 = arith.index_cast %swap3A_553 : i32 to index
      %swap3A_555 = arith.index_cast %add3A_552 : i32 to index
      %swap3A_556 = tpu.vector_load %arg11[%swap3A_554, %swap3A_555] {strides = array<i32>} : memref<2x4096xf32, #tpu.memory_space<vmem>>, vector<1x16xf32>,
      %swap3A_557 = vector.shape_cast %swap3A_556 : vector<1x16xf32> to vector<16xf32>
      %swap3A_558 = vector.shape_cast %scan3A_483#4 : vector<16xf32> to vector<1x16xf32>
      tpu.vector_store %arg11[%swap3A_554, %swap3A_555], %swap3A_558 {strides = array<i32>} : memref<2x4096xf32, #tpu.memory_space<vmem>>, vector<1x16xf32>,
      %add3A_559 = arith.constant 64 : i32
      %add3A_560 = arith.addi %mul3A_486, %add3A_559 : i32
      %swap3A_561 = arith.constant 1 : i32
      %swap3A_562 = arith.index_cast %swap3A_561 : i32 to index
      %swap3A_563 = arith.index_cast %add3A_560 : i32 to index
      %swap3A_564 = tpu.vector_load %arg12[%swap3A_562, %swap3A_563] {strides = array<i32>} : memref<2x4096xf32, #tpu.memory_space<vmem>>, vector<1x16xf32>,
      %swap3A_565 = vector.shape_cast %swap3A_564 : vector<1x16xf32> to vector<16xf32>
      %swap3A_566 = vector.shape_cast %scan3A_483#12 : vector<16xf32> to vector<1x16xf32>
      tpu.vector_store %arg12[%swap3A_562, %swap3A_563], %swap3A_566 {strides = array<i32>} : memref<2x4096xf32, #tpu.memory_space<vmem>>, vector<1x16xf32>,
      %add3A_567 = arith.constant 80 : i32
      %add3A_568 = arith.addi %mul3A_486, %add3A_567 : i32
      %swap3A_569 = arith.constant 1 : i32
      %swap3A_570 = arith.index_cast %swap3A_569 : i32 to index
      %swap3A_571 = arith.index_cast %add3A_568 : i32 to index
      %swap3A_572 = tpu.vector_load %arg11[%swap3A_570, %swap3A_571] {strides = array<i32>} : memref<2x4096xf32, #tpu.memory_space<vmem>>, vector<1x16xf32>,
      %swap3A_573 = vector.shape_cast %swap3A_572 : vector<1x16xf32> to vector<16xf32>
      %swap3A_574 = vector.shape_cast %scan3A_483#5 : vector<16xf32> to vector<1x16xf32>
      tpu.vector_store %arg11[%swap3A_570, %swap3A_571], %swap3A_574 {strides = array<i32>} : memref<2x4096xf32, #tpu.memory_space<vmem>>, vector<1x16xf32>,
      %add3A_575 = arith.constant 80 : i32
      %add3A_576 = arith.addi %mul3A_486, %add3A_575 : i32
      %swap3A_577 = arith.constant 1 : i32
      %swap3A_578 = arith.index_cast %swap3A_577 : i32 to index
      %swap3A_579 = arith.index_cast %add3A_576 : i32 to index
      %swap3A_580 = tpu.vector_load %arg12[%swap3A_578, %swap3A_579] {strides = array<i32>} : memref<2x4096xf32, #tpu.memory_space<vmem>>, vector<1x16xf32>,
      %swap3A_581 = vector.shape_cast %swap3A_580 : vector<1x16xf32> to vector<16xf32>
      %swap3A_582 = vector.shape_cast %scan3A_483#13 : vector<16xf32> to vector<1x16xf32>
      tpu.vector_store %arg12[%swap3A_578, %swap3A_579], %swap3A_582 {strides = array<i32>} : memref<2x4096xf32, #tpu.memory_space<vmem>>, vector<1x16xf32>,
      %add3A_583 = arith.constant 96 : i32
      %add3A_584 = arith.addi %mul3A_486, %add3A_583 : i32
      %swap3A_585 = arith.constant 1 : i32
      %swap3A_586 = arith.index_cast %swap3A_585 : i32 to index
      %swap3A_587 = arith.index_cast %add3A_584 : i32 to index
      %swap3A_588 = tpu.vector_load %arg11[%swap3A_586, %swap3A_587] {strides = array<i32>} : memref<2x4096xf32, #tpu.memory_space<vmem>>, vector<1x16xf32>,
      %swap3A_589 = vector.shape_cast %swap3A_588 : vector<1x16xf32> to vector<16xf32>
      %swap3A_590 = vector.shape_cast %scan3A_483#6 : vector<16xf32> to vector<1x16xf32>
      tpu.vector_store %arg11[%swap3A_586, %swap3A_587], %swap3A_590 {strides = array<i32>} : memref<2x4096xf32, #tpu.memory_space<vmem>>, vector<1x16xf32>,
      %add3A_591 = arith.constant 96 : i32
      %add3A_592 = arith.addi %mul3A_486, %add3A_591 : i32
      %swap3A_593 = arith.constant 1 : i32
      %swap3A_594 = arith.index_cast %swap3A_593 : i32 to index
      %swap3A_595 = arith.index_cast %add3A_592 : i32 to index
      %swap3A_596 = tpu.vector_load %arg12[%swap3A_594, %swap3A_595] {strides = array<i32>} : memref<2x4096xf32, #tpu.memory_space<vmem>>, vector<1x16xf32>,
      %swap3A_597 = vector.shape_cast %swap3A_596 : vector<1x16xf32> to vector<16xf32>
      %swap3A_598 = vector.shape_cast %scan3A_483#14 : vector<16xf32> to vector<1x16xf32>
      tpu.vector_store %arg12[%swap3A_594, %swap3A_595], %swap3A_598 {strides = array<i32>} : memref<2x4096xf32, #tpu.memory_space<vmem>>, vector<1x16xf32>,
      %add3A_599 = arith.constant 112 : i32
      %add3A_600 = arith.addi %mul3A_486, %add3A_599 : i32
      %swap3A_601 = arith.constant 1 : i32
      %swap3A_602 = arith.index_cast %swap3A_601 : i32 to index
      %swap3A_603 = arith.index_cast %add3A_600 : i32 to index
      %swap3A_604 = tpu.vector_load %arg11[%swap3A_602, %swap3A_603] {strides = array<i32>} : memref<2x4096xf32, #tpu.memory_space<vmem>>, vector<1x16xf32>,
      %swap3A_605 = vector.shape_cast %swap3A_604 : vector<1x16xf32> to vector<16xf32>
      %swap3A_606 = vector.shape_cast %scan3A_483#7 : vector<16xf32> to vector<1x16xf32>
      tpu.vector_store %arg11[%swap3A_602, %swap3A_603], %swap3A_606 {strides = array<i32>} : memref<2x4096xf32, #tpu.memory_space<vmem>>, vector<1x16xf32>,
      %add3A_607 = arith.constant 112 : i32
      %add3A_608 = arith.addi %mul3A_486, %add3A_607 : i32
      %swap3A_609 = arith.constant 1 : i32
      %swap3A_610 = arith.index_cast %swap3A_609 : i32 to index
      %swap3A_611 = arith.index_cast %add3A_608 : i32 to index
      %swap3A_612 = tpu.vector_load %arg12[%swap3A_610, %swap3A_611] {strides = array<i32>} : memref<2x4096xf32, #tpu.memory_space<vmem>>, vector<1x16xf32>,
      %swap3A_613 = vector.shape_cast %swap3A_612 : vector<1x16xf32> to vector<16xf32>
      %swap3A_614 = vector.shape_cast %scan3A_483#15 : vector<16xf32> to vector<1x16xf32>
      tpu.vector_store %arg12[%swap3A_610, %swap3A_611], %swap3A_614 {strides = array<i32>} : memref<2x4096xf32, #tpu.memory_space<vmem>>, vector<1x16xf32>,
      %add3A_615 = arith.constant 4 : i32
      %add3A_616 = arith.addi %add3A_334, %add3A_615 : i32
      %lt3A_617 = arith.constant 32 : i32
      %lt3A_618 = arith.cmpi slt, %add3A_616, %lt3A_617 : i32
      %convert_element_type3A_619 = arith.extui %lt3A_618 : i1 to i32
      %cond3A_620 = arith.constant 0 : i32
      %cond3A_621 = arith.cmpi ne, %convert_element_type3A_619, %cond3A_620 : i32
      scf.if %cond3A_621 {
        %add3A_1204 = arith.constant 4 : i32
        %add3A_1205 = arith.addi %add3A_334, %add3A_1204 : i32
        %dma_start3A_1206 = arith.constant 0 : i32
        %dma_start3A_1207 = arith.constant 0 : i32
        %dma_start3A_1208 = tpu.memref_slice %arg2[%add3A_1205, %mul3A_2, %dma_start3A_1206, %dma_start3A_1207] : memref<32x64x64x128xf32, #tpu.memory_space<hbm>> -> memref<1x2x64x128xf32, #tpu.memory_space<hbm>>
        %dma_start3A_1209 = tpu.memref_squeeze %dma_start3A_1208 : memref<1x2x64x128xf32, #tpu.memory_space<hbm>> -> memref<2x64x128xf32, #tpu.memory_space<hbm>>
        %dma_start3A_1210 = arith.constant 0 : i32
        %dma_start3A_1211 = arith.constant 0 : i32
        %dma_start3A_1212 = tpu.memref_slice %arg2[%add3A_1205, %mul3A_2, %dma_start3A_1210, %dma_start3A_1211] : memref<32x64x64x128xf32, #tpu.memory_space<hbm>> -> memref<1x2x64x128xf32, #tpu.memory_space<hbm>>
        %dma_start3A_1213 = tpu.memref_squeeze %dma_start3A_1212 : memref<1x2x64x128xf32, #tpu.memory_space<hbm>> -> memref<2x64x128xf32, #tpu.memory_space<hbm>>
        tpu.enqueue_dma source(%dma_start3A_1213 : memref<2x64x128xf32, #tpu.memory_space<hbm>>) target(%arg8 : memref<2x64x128xf32, #tpu.memory_space<vmem>>) target_semaphore(%arg14 : memref<!tpu.dma_semaphore, #tpu.memory_space<semaphore_mem>>)
      } else {
      }
      %mul3A_622 = arith.constant 4 : i32
      %mul3A_623 = arith.muli %mul3A_622, %scan3A_44 : i32
      %add3A_624 = arith.constant 2 : i32
      %add3A_625 = arith.addi %mul3A_623, %add3A_624 : i32
      %dma_wait3A_626 = arith.constant 0 : i32
      %dma_wait3A_627 = arith.constant 0 : i32
      %dma_wait3A_628 = tpu.memref_slice %arg2[%add3A_625, %mul3A_2, %dma_wait3A_626, %dma_wait3A_627] : memref<32x64x64x128xf32, #tpu.memory_space<hbm>> -> memref<1x2x64x128xf32, #tpu.memory_space<hbm>>
      %dma_wait3A_629 = tpu.memref_squeeze %dma_wait3A_628 : memref<1x2x64x128xf32, #tpu.memory_space<hbm>> -> memref<2x64x128xf32, #tpu.memory_space<hbm>>
      %dma_wait3A_630 = arith.constant 0 : i32
      %dma_wait3A_631 = arith.constant 0 : i32
      %dma_wait3A_632 = tpu.memref_slice %arg2[%add3A_625, %mul3A_2, %dma_wait3A_630, %dma_wait3A_631] : memref<32x64x64x128xf32, #tpu.memory_space<hbm>> -> memref<1x2x64x128xf32, #tpu.memory_space<hbm>>
      %dma_wait3A_633 = tpu.memref_squeeze %dma_wait3A_632 : memref<1x2x64x128xf32, #tpu.memory_space<hbm>> -> memref<2x64x128xf32, #tpu.memory_space<hbm>>
      tpu.wait_dma2 semaphore(%arg15 : memref<!tpu.dma_semaphore, #tpu.memory_space<semaphore_mem>>) src(%dma_wait3A_633 : memref<2x64x128xf32, #tpu.memory_space<hbm>>) dst(%arg9 : memref<2x64x128xf32, #tpu.memory_space<vmem>>)
      %scan3A_634 = arith.constant 0 : i32
      %scan3A_635 = arith.constant 32 : i32
      %scan3A_636 = arith.addi %scan3A_634, %scan3A_635 : i32
      %scan3A_637 = arith.constant 1 : i32
      %scan3A_638:16 = scf.for %scan3A_1204 = %scan3A_634 to %scan3A_636 step %scan3A_637 iter_args(%scan3A_1205 = %broadcast_in_dim3A_3, %scan3A_1206 = %broadcast_in_dim3A_3, %scan3A_1207 = %broadcast_in_dim3A_3, %scan3A_1208 = %broadcast_in_dim3A_3, %scan3A_1209 = %broadcast_in_dim3A_3, %scan3A_1210 = %broadcast_in_dim3A_3, %scan3A_1211 = %broadcast_in_dim3A_3, %scan3A_1212 = %broadcast_in_dim3A_3, %scan3A_1213 = %broadcast_in_dim3A_3, %scan3A_1214 = %broadcast_in_dim3A_3, %scan3A_1215 = %broadcast_in_dim3A_3, %scan3A_1216 = %broadcast_in_dim3A_3, %scan3A_1217 = %broadcast_in_dim3A_3, %scan3A_1218 = %broadcast_in_dim3A_3, %scan3A_1219 = %broadcast_in_dim3A_3, %scan3A_1220 = %broadcast_in_dim3A_3) -> (vector<16xf32>, vector<16xf32>, vector<16xf32>, vector<16xf32>, vector<16xf32>, vector<16xf32>, vector<16xf32>, vector<16xf32>, vector<16xf32>, vector<16xf32>, vector<16xf32>, vector<16xf32>, vector<16xf32>, vector<16xf32>, vector<16xf32>, vector<16xf32>)  : i32 {
        %mul3A_1221 = arith.constant 2 : i32
        %mul3A_1222 = arith.muli %mul3A_1221, %scan3A_1204 : i32
        %add3A_1223 = arith.constant 0 : i32
        %add3A_1224 = arith.addi %mul3A_1222, %add3A_1223 : i32
        %get3A = arith.constant 0 : i32
        %get3A_1225 = arith.index_cast %get3A : i32 to index
        %get3A_1226 = arith.index_cast %add3A_1224 : i32 to index
        %get3A_1227 = arith.constant 0 : index
        %get3A_1228 = tpu.vector_load %arg6[%get3A_1225, %get3A_1226, %get3A_1227] {strides = array<i32>} : memref<2x64x16xf32, #tpu.memory_space<vmem>>, vector<1x1x16xf32>,
        %get3A_1229 = vector.shape_cast %get3A_1228 : vector<1x1x16xf32> to vector<16xf32>
        %get3A_1230 = arith.constant 0 : i32
        %get3A_1231 = arith.index_cast %get3A_1230 : i32 to index
        %get3A_1232 = arith.index_cast %add3A_1224 : i32 to index
        %get3A_1233 = arith.constant 0 : index
        %get3A_1234 = tpu.vector_load %arg9[%get3A_1231, %get3A_1232, %get3A_1233] {strides = array<i32>} : memref<2x64x128xf32, #tpu.memory_space<vmem>>, vector<1x1x16xf32>,
        %get3A_1235 = vector.shape_cast %get3A_1234 : vector<1x1x16xf32> to vector<16xf32>
        %add3A_1236 = arith.addf %scan3A_1205, %get3A_1235 : vector<16xf32>
        %mul3A_1237 = arith.mulf %get3A_1229, %get3A_1235 : vector<16xf32>
        %add3A_1238 = arith.addf %scan3A_1213, %mul3A_1237 : vector<16xf32>
        %get3A_1239 = arith.constant 0 : i32
        %get3A_1240 = arith.index_cast %get3A_1239 : i32 to index
        %get3A_1241 = arith.index_cast %add3A_1224 : i32 to index
        %get3A_1242 = arith.constant 16 : index
        %get3A_1243 = tpu.vector_load %arg9[%get3A_1240, %get3A_1241, %get3A_1242] {strides = array<i32>} : memref<2x64x128xf32, #tpu.memory_space<vmem>>, vector<1x1x16xf32>,
        %get3A_1244 = vector.shape_cast %get3A_1243 : vector<1x1x16xf32> to vector<16xf32>
        %add3A_1245 = arith.addf %scan3A_1206, %get3A_1244 : vector<16xf32>
        %mul3A_1246 = arith.mulf %get3A_1229, %get3A_1244 : vector<16xf32>
        %add3A_1247 = arith.addf %scan3A_1214, %mul3A_1246 : vector<16xf32>
        %get3A_1248 = arith.constant 0 : i32
        %get3A_1249 = arith.index_cast %get3A_1248 : i32 to index
        %get3A_1250 = arith.index_cast %add3A_1224 : i32 to index
        %get3A_1251 = arith.constant 32 : index
        %get3A_1252 = tpu.vector_load %arg9[%get3A_1249, %get3A_1250, %get3A_1251] {strides = array<i32>} : memref<2x64x128xf32, #tpu.memory_space<vmem>>, vector<1x1x16xf32>,
        %get3A_1253 = vector.shape_cast %get3A_1252 : vector<1x1x16xf32> to vector<16xf32>
        %add3A_1254 = arith.addf %scan3A_1207, %get3A_1253 : vector<16xf32>
        %mul3A_1255 = arith.mulf %get3A_1229, %get3A_1253 : vector<16xf32>
        %add3A_1256 = arith.addf %scan3A_1215, %mul3A_1255 : vector<16xf32>
        %get3A_1257 = arith.constant 0 : i32
        %get3A_1258 = arith.index_cast %get3A_1257 : i32 to index
        %get3A_1259 = arith.index_cast %add3A_1224 : i32 to index
        %get3A_1260 = arith.constant 48 : index
        %get3A_1261 = tpu.vector_load %arg9[%get3A_1258, %get3A_1259, %get3A_1260] {strides = array<i32>} : memref<2x64x128xf32, #tpu.memory_space<vmem>>, vector<1x1x16xf32>,
        %get3A_1262 = vector.shape_cast %get3A_1261 : vector<1x1x16xf32> to vector<16xf32>
        %add3A_1263 = arith.addf %scan3A_1208, %get3A_1262 : vector<16xf32>
        %mul3A_1264 = arith.mulf %get3A_1229, %get3A_1262 : vector<16xf32>
        %add3A_1265 = arith.addf %scan3A_1216, %mul3A_1264 : vector<16xf32>
        %get3A_1266 = arith.constant 0 : i32
        %get3A_1267 = arith.index_cast %get3A_1266 : i32 to index
        %get3A_1268 = arith.index_cast %add3A_1224 : i32 to index
        %get3A_1269 = arith.constant 64 : index
        %get3A_1270 = tpu.vector_load %arg9[%get3A_1267, %get3A_1268, %get3A_1269] {strides = array<i32>} : memref<2x64x128xf32, #tpu.memory_space<vmem>>, vector<1x1x16xf32>,
        %get3A_1271 = vector.shape_cast %get3A_1270 : vector<1x1x16xf32> to vector<16xf32>
        %add3A_1272 = arith.addf %scan3A_1209, %get3A_1271 : vector<16xf32>
        %mul3A_1273 = arith.mulf %get3A_1229, %get3A_1271 : vector<16xf32>
        %add3A_1274 = arith.addf %scan3A_1217, %mul3A_1273 : vector<16xf32>
        %get3A_1275 = arith.constant 0 : i32
        %get3A_1276 = arith.index_cast %get3A_1275 : i32 to index
        %get3A_1277 = arith.index_cast %add3A_1224 : i32 to index
        %get3A_1278 = arith.constant 80 : index
        %get3A_1279 = tpu.vector_load %arg9[%get3A_1276, %get3A_1277, %get3A_1278] {strides = array<i32>} : memref<2x64x128xf32, #tpu.memory_space<vmem>>, vector<1x1x16xf32>,
        %get3A_1280 = vector.shape_cast %get3A_1279 : vector<1x1x16xf32> to vector<16xf32>
        %add3A_1281 = arith.addf %scan3A_1210, %get3A_1280 : vector<16xf32>
        %mul3A_1282 = arith.mulf %get3A_1229, %get3A_1280 : vector<16xf32>
        %add3A_1283 = arith.addf %scan3A_1218, %mul3A_1282 : vector<16xf32>
        %get3A_1284 = arith.constant 0 : i32
        %get3A_1285 = arith.index_cast %get3A_1284 : i32 to index
        %get3A_1286 = arith.index_cast %add3A_1224 : i32 to index
        %get3A_1287 = arith.constant 96 : index
        %get3A_1288 = tpu.vector_load %arg9[%get3A_1285, %get3A_1286, %get3A_1287] {strides = array<i32>} : memref<2x64x128xf32, #tpu.memory_space<vmem>>, vector<1x1x16xf32>,
        %get3A_1289 = vector.shape_cast %get3A_1288 : vector<1x1x16xf32> to vector<16xf32>
        %add3A_1290 = arith.addf %scan3A_1211, %get3A_1289 : vector<16xf32>
        %mul3A_1291 = arith.mulf %get3A_1229, %get3A_1289 : vector<16xf32>
        %add3A_1292 = arith.addf %scan3A_1219, %mul3A_1291 : vector<16xf32>
        %get3A_1293 = arith.constant 0 : i32
        %get3A_1294 = arith.index_cast %get3A_1293 : i32 to index
        %get3A_1295 = arith.index_cast %add3A_1224 : i32 to index
        %get3A_1296 = arith.constant 112 : index
        %get3A_1297 = tpu.vector_load %arg9[%get3A_1294, %get3A_1295, %get3A_1296] {strides = array<i32>} : memref<2x64x128xf32, #tpu.memory_space<vmem>>, vector<1x1x16xf32>,
        %get3A_1298 = vector.shape_cast %get3A_1297 : vector<1x1x16xf32> to vector<16xf32>
        %add3A_1299 = arith.addf %scan3A_1212, %get3A_1298 : vector<16xf32>
        %mul3A_1300 = arith.mulf %get3A_1229, %get3A_1298 : vector<16xf32>
        %add3A_1301 = arith.addf %scan3A_1220, %mul3A_1300 : vector<16xf32>
        %mul3A_1302 = arith.constant 2 : i32
        %mul3A_1303 = arith.muli %mul3A_1302, %scan3A_1204 : i32
        %add3A_1304 = arith.constant 1 : i32
        %add3A_1305 = arith.addi %mul3A_1303, %add3A_1304 : i32
        %get3A_1306 = arith.constant 0 : i32
        %get3A_1307 = arith.index_cast %get3A_1306 : i32 to index
        %get3A_1308 = arith.index_cast %add3A_1305 : i32 to index
        %get3A_1309 = arith.constant 0 : index
        %get3A_1310 = tpu.vector_load %arg6[%get3A_1307, %get3A_1308, %get3A_1309] {strides = array<i32>} : memref<2x64x16xf32, #tpu.memory_space<vmem>>, vector<1x1x16xf32>,
        %get3A_1311 = vector.shape_cast %get3A_1310 : vector<1x1x16xf32> to vector<16xf32>
        %get3A_1312 = arith.constant 0 : i32
        %get3A_1313 = arith.index_cast %get3A_1312 : i32 to index
        %get3A_1314 = arith.index_cast %add3A_1305 : i32 to index
        %get3A_1315 = arith.constant 0 : index
        %get3A_1316 = tpu.vector_load %arg9[%get3A_1313, %get3A_1314, %get3A_1315] {strides = array<i32>} : memref<2x64x128xf32, #tpu.memory_space<vmem>>, vector<1x1x16xf32>,
        %get3A_1317 = vector.shape_cast %get3A_1316 : vector<1x1x16xf32> to vector<16xf32>
        %add3A_1318 = arith.addf %add3A_1236, %get3A_1317 : vector<16xf32>
        %mul3A_1319 = arith.mulf %get3A_1311, %get3A_1317 : vector<16xf32>
        %add3A_1320 = arith.addf %add3A_1238, %mul3A_1319 : vector<16xf32>
        %get3A_1321 = arith.constant 0 : i32
        %get3A_1322 = arith.index_cast %get3A_1321 : i32 to index
        %get3A_1323 = arith.index_cast %add3A_1305 : i32 to index
        %get3A_1324 = arith.constant 16 : index
        %get3A_1325 = tpu.vector_load %arg9[%get3A_1322, %get3A_1323, %get3A_1324] {strides = array<i32>} : memref<2x64x128xf32, #tpu.memory_space<vmem>>, vector<1x1x16xf32>,
        %get3A_1326 = vector.shape_cast %get3A_1325 : vector<1x1x16xf32> to vector<16xf32>
        %add3A_1327 = arith.addf %add3A_1245, %get3A_1326 : vector<16xf32>
        %mul3A_1328 = arith.mulf %get3A_1311, %get3A_1326 : vector<16xf32>
        %add3A_1329 = arith.addf %add3A_1247, %mul3A_1328 : vector<16xf32>
        %get3A_1330 = arith.constant 0 : i32
        %get3A_1331 = arith.index_cast %get3A_1330 : i32 to index
        %get3A_1332 = arith.index_cast %add3A_1305 : i32 to index
        %get3A_1333 = arith.constant 32 : index
        %get3A_1334 = tpu.vector_load %arg9[%get3A_1331, %get3A_1332, %get3A_1333] {strides = array<i32>} : memref<2x64x128xf32, #tpu.memory_space<vmem>>, vector<1x1x16xf32>,
        %get3A_1335 = vector.shape_cast %get3A_1334 : vector<1x1x16xf32> to vector<16xf32>
        %add3A_1336 = arith.addf %add3A_1254, %get3A_1335 : vector<16xf32>
        %mul3A_1337 = arith.mulf %get3A_1311, %get3A_1335 : vector<16xf32>
        %add3A_1338 = arith.addf %add3A_1256, %mul3A_1337 : vector<16xf32>
        %get3A_1339 = arith.constant 0 : i32
        %get3A_1340 = arith.index_cast %get3A_1339 : i32 to index
        %get3A_1341 = arith.index_cast %add3A_1305 : i32 to index
        %get3A_1342 = arith.constant 48 : index
        %get3A_1343 = tpu.vector_load %arg9[%get3A_1340, %get3A_1341, %get3A_1342] {strides = array<i32>} : memref<2x64x128xf32, #tpu.memory_space<vmem>>, vector<1x1x16xf32>,
        %get3A_1344 = vector.shape_cast %get3A_1343 : vector<1x1x16xf32> to vector<16xf32>
        %add3A_1345 = arith.addf %add3A_1263, %get3A_1344 : vector<16xf32>
        %mul3A_1346 = arith.mulf %get3A_1311, %get3A_1344 : vector<16xf32>
        %add3A_1347 = arith.addf %add3A_1265, %mul3A_1346 : vector<16xf32>
        %get3A_1348 = arith.constant 0 : i32
        %get3A_1349 = arith.index_cast %get3A_1348 : i32 to index
        %get3A_1350 = arith.index_cast %add3A_1305 : i32 to index
        %get3A_1351 = arith.constant 64 : index
        %get3A_1352 = tpu.vector_load %arg9[%get3A_1349, %get3A_1350, %get3A_1351] {strides = array<i32>} : memref<2x64x128xf32, #tpu.memory_space<vmem>>, vector<1x1x16xf32>,
        %get3A_1353 = vector.shape_cast %get3A_1352 : vector<1x1x16xf32> to vector<16xf32>
        %add3A_1354 = arith.addf %add3A_1272, %get3A_1353 : vector<16xf32>
        %mul3A_1355 = arith.mulf %get3A_1311, %get3A_1353 : vector<16xf32>
        %add3A_1356 = arith.addf %add3A_1274, %mul3A_1355 : vector<16xf32>
        %get3A_1357 = arith.constant 0 : i32
        %get3A_1358 = arith.index_cast %get3A_1357 : i32 to index
        %get3A_1359 = arith.index_cast %add3A_1305 : i32 to index
        %get3A_1360 = arith.constant 80 : index
        %get3A_1361 = tpu.vector_load %arg9[%get3A_1358, %get3A_1359, %get3A_1360] {strides = array<i32>} : memref<2x64x128xf32, #tpu.memory_space<vmem>>, vector<1x1x16xf32>,
        %get3A_1362 = vector.shape_cast %get3A_1361 : vector<1x1x16xf32> to vector<16xf32>
        %add3A_1363 = arith.addf %add3A_1281, %get3A_1362 : vector<16xf32>
        %mul3A_1364 = arith.mulf %get3A_1311, %get3A_1362 : vector<16xf32>
        %add3A_1365 = arith.addf %add3A_1283, %mul3A_1364 : vector<16xf32>
        %get3A_1366 = arith.constant 0 : i32
        %get3A_1367 = arith.index_cast %get3A_1366 : i32 to index
        %get3A_1368 = arith.index_cast %add3A_1305 : i32 to index
        %get3A_1369 = arith.constant 96 : index
        %get3A_1370 = tpu.vector_load %arg9[%get3A_1367, %get3A_1368, %get3A_1369] {strides = array<i32>} : memref<2x64x128xf32, #tpu.memory_space<vmem>>, vector<1x1x16xf32>,
        %get3A_1371 = vector.shape_cast %get3A_1370 : vector<1x1x16xf32> to vector<16xf32>
        %add3A_1372 = arith.addf %add3A_1290, %get3A_1371 : vector<16xf32>
        %mul3A_1373 = arith.mulf %get3A_1311, %get3A_1371 : vector<16xf32>
        %add3A_1374 = arith.addf %add3A_1292, %mul3A_1373 : vector<16xf32>
        %get3A_1375 = arith.constant 0 : i32
        %get3A_1376 = arith.index_cast %get3A_1375 : i32 to index
        %get3A_1377 = arith.index_cast %add3A_1305 : i32 to index
        %get3A_1378 = arith.constant 112 : index
        %get3A_1379 = tpu.vector_load %arg9[%get3A_1376, %get3A_1377, %get3A_1378] {strides = array<i32>} : memref<2x64x128xf32, #tpu.memory_space<vmem>>, vector<1x1x16xf32>,
        %get3A_1380 = vector.shape_cast %get3A_1379 : vector<1x1x16xf32> to vector<16xf32>
        %add3A_1381 = arith.addf %add3A_1299, %get3A_1380 : vector<16xf32>
        %mul3A_1382 = arith.mulf %get3A_1311, %get3A_1380 : vector<16xf32>
        %add3A_1383 = arith.addf %add3A_1301, %mul3A_1382 : vector<16xf32>
        scf.yield %add3A_1318, %add3A_1327, %add3A_1336, %add3A_1345, %add3A_1354, %add3A_1363, %add3A_1372, %add3A_1381, %add3A_1320, %add3A_1329, %add3A_1338, %add3A_1347, %add3A_1356, %add3A_1365, %add3A_1374, %add3A_1383 : vector<16xf32>, vector<16xf32>, vector<16xf32>, vector<16xf32>, vector<16xf32>, vector<16xf32>, vector<16xf32>, vector<16xf32>, vector<16xf32>, vector<16xf32>, vector<16xf32>, vector<16xf32>, vector<16xf32>, vector<16xf32>, vector<16xf32>, vector<16xf32>
      }
      %scan3A_639 = arith.constant 32 : i32
      %mul3A_640 = arith.constant 128 : i32
      %mul3A_641 = arith.muli %add3A_625, %mul3A_640 : i32
      %add3A_642 = arith.constant 0 : i32
      %add3A_643 = arith.addi %mul3A_641, %add3A_642 : i32
      %swap3A_644 = arith.constant 0 : i32
      %swap3A_645 = arith.index_cast %swap3A_644 : i32 to index
      %swap3A_646 = arith.index_cast %add3A_643 : i32 to index
      %swap3A_647 = tpu.vector_load %arg11[%swap3A_645, %swap3A_646] {strides = array<i32>} : memref<2x4096xf32, #tpu.memory_space<vmem>>, vector<1x16xf32>,
      %swap3A_648 = vector.shape_cast %swap3A_647 : vector<1x16xf32> to vector<16xf32>
      %swap3A_649 = vector.shape_cast %scan3A_638#0 : vector<16xf32> to vector<1x16xf32>
      tpu.vector_store %arg11[%swap3A_645, %swap3A_646], %swap3A_649 {strides = array<i32>} : memref<2x4096xf32, #tpu.memory_space<vmem>>, vector<1x16xf32>,
      %add3A_650 = arith.constant 0 : i32
      %add3A_651 = arith.addi %mul3A_641, %add3A_650 : i32
      %swap3A_652 = arith.constant 0 : i32
      %swap3A_653 = arith.index_cast %swap3A_652 : i32 to index
      %swap3A_654 = arith.index_cast %add3A_651 : i32 to index
      %swap3A_655 = tpu.vector_load %arg12[%swap3A_653, %swap3A_654] {strides = array<i32>} : memref<2x4096xf32, #tpu.memory_space<vmem>>, vector<1x16xf32>,
      %swap3A_656 = vector.shape_cast %swap3A_655 : vector<1x16xf32> to vector<16xf32>
      %swap3A_657 = vector.shape_cast %scan3A_638#8 : vector<16xf32> to vector<1x16xf32>
      tpu.vector_store %arg12[%swap3A_653, %swap3A_654], %swap3A_657 {strides = array<i32>} : memref<2x4096xf32, #tpu.memory_space<vmem>>, vector<1x16xf32>,
      %add3A_658 = arith.constant 16 : i32
      %add3A_659 = arith.addi %mul3A_641, %add3A_658 : i32
      %swap3A_660 = arith.constant 0 : i32
      %swap3A_661 = arith.index_cast %swap3A_660 : i32 to index
      %swap3A_662 = arith.index_cast %add3A_659 : i32 to index
      %swap3A_663 = tpu.vector_load %arg11[%swap3A_661, %swap3A_662] {strides = array<i32>} : memref<2x4096xf32, #tpu.memory_space<vmem>>, vector<1x16xf32>,
      %swap3A_664 = vector.shape_cast %swap3A_663 : vector<1x16xf32> to vector<16xf32>
      %swap3A_665 = vector.shape_cast %scan3A_638#1 : vector<16xf32> to vector<1x16xf32>
      tpu.vector_store %arg11[%swap3A_661, %swap3A_662], %swap3A_665 {strides = array<i32>} : memref<2x4096xf32, #tpu.memory_space<vmem>>, vector<1x16xf32>,
      %add3A_666 = arith.constant 16 : i32
      %add3A_667 = arith.addi %mul3A_641, %add3A_666 : i32
      %swap3A_668 = arith.constant 0 : i32
      %swap3A_669 = arith.index_cast %swap3A_668 : i32 to index
      %swap3A_670 = arith.index_cast %add3A_667 : i32 to index
      %swap3A_671 = tpu.vector_load %arg12[%swap3A_669, %swap3A_670] {strides = array<i32>} : memref<2x4096xf32, #tpu.memory_space<vmem>>, vector<1x16xf32>,
      %swap3A_672 = vector.shape_cast %swap3A_671 : vector<1x16xf32> to vector<16xf32>
      %swap3A_673 = vector.shape_cast %scan3A_638#9 : vector<16xf32> to vector<1x16xf32>
      tpu.vector_store %arg12[%swap3A_669, %swap3A_670], %swap3A_673 {strides = array<i32>} : memref<2x4096xf32, #tpu.memory_space<vmem>>, vector<1x16xf32>,
      %add3A_674 = arith.constant 32 : i32
      %add3A_675 = arith.addi %mul3A_641, %add3A_674 : i32
      %swap3A_676 = arith.constant 0 : i32
      %swap3A_677 = arith.index_cast %swap3A_676 : i32 to index
      %swap3A_678 = arith.index_cast %add3A_675 : i32 to index
      %swap3A_679 = tpu.vector_load %arg11[%swap3A_677, %swap3A_678] {strides = array<i32>} : memref<2x4096xf32, #tpu.memory_space<vmem>>, vector<1x16xf32>,
      %swap3A_680 = vector.shape_cast %swap3A_679 : vector<1x16xf32> to vector<16xf32>
      %swap3A_681 = vector.shape_cast %scan3A_638#2 : vector<16xf32> to vector<1x16xf32>
      tpu.vector_store %arg11[%swap3A_677, %swap3A_678], %swap3A_681 {strides = array<i32>} : memref<2x4096xf32, #tpu.memory_space<vmem>>, vector<1x16xf32>,
      %add3A_682 = arith.constant 32 : i32
      %add3A_683 = arith.addi %mul3A_641, %add3A_682 : i32
      %swap3A_684 = arith.constant 0 : i32
      %swap3A_685 = arith.index_cast %swap3A_684 : i32 to index
      %swap3A_686 = arith.index_cast %add3A_683 : i32 to index
      %swap3A_687 = tpu.vector_load %arg12[%swap3A_685, %swap3A_686] {strides = array<i32>} : memref<2x4096xf32, #tpu.memory_space<vmem>>, vector<1x16xf32>,
      %swap3A_688 = vector.shape_cast %swap3A_687 : vector<1x16xf32> to vector<16xf32>
      %swap3A_689 = vector.shape_cast %scan3A_638#10 : vector<16xf32> to vector<1x16xf32>
      tpu.vector_store %arg12[%swap3A_685, %swap3A_686], %swap3A_689 {strides = array<i32>} : memref<2x4096xf32, #tpu.memory_space<vmem>>, vector<1x16xf32>,
      %add3A_690 = arith.constant 48 : i32
      %add3A_691 = arith.addi %mul3A_641, %add3A_690 : i32
      %swap3A_692 = arith.constant 0 : i32
      %swap3A_693 = arith.index_cast %swap3A_692 : i32 to index
      %swap3A_694 = arith.index_cast %add3A_691 : i32 to index
      %swap3A_695 = tpu.vector_load %arg11[%swap3A_693, %swap3A_694] {strides = array<i32>} : memref<2x4096xf32, #tpu.memory_space<vmem>>, vector<1x16xf32>,
      %swap3A_696 = vector.shape_cast %swap3A_695 : vector<1x16xf32> to vector<16xf32>
      %swap3A_697 = vector.shape_cast %scan3A_638#3 : vector<16xf32> to vector<1x16xf32>
      tpu.vector_store %arg11[%swap3A_693, %swap3A_694], %swap3A_697 {strides = array<i32>} : memref<2x4096xf32, #tpu.memory_space<vmem>>, vector<1x16xf32>,
      %add3A_698 = arith.constant 48 : i32
      %add3A_699 = arith.addi %mul3A_641, %add3A_698 : i32
      %swap3A_700 = arith.constant 0 : i32
      %swap3A_701 = arith.index_cast %swap3A_700 : i32 to index
      %swap3A_702 = arith.index_cast %add3A_699 : i32 to index
      %swap3A_703 = tpu.vector_load %arg12[%swap3A_701, %swap3A_702] {strides = array<i32>} : memref<2x4096xf32, #tpu.memory_space<vmem>>, vector<1x16xf32>,
      %swap3A_704 = vector.shape_cast %swap3A_703 : vector<1x16xf32> to vector<16xf32>
      %swap3A_705 = vector.shape_cast %scan3A_638#11 : vector<16xf32> to vector<1x16xf32>
      tpu.vector_store %arg12[%swap3A_701, %swap3A_702], %swap3A_705 {strides = array<i32>} : memref<2x4096xf32, #tpu.memory_space<vmem>>, vector<1x16xf32>,
      %add3A_706 = arith.constant 64 : i32
      %add3A_707 = arith.addi %mul3A_641, %add3A_706 : i32
      %swap3A_708 = arith.constant 0 : i32
      %swap3A_709 = arith.index_cast %swap3A_708 : i32 to index
      %swap3A_710 = arith.index_cast %add3A_707 : i32 to index
      %swap3A_711 = tpu.vector_load %arg11[%swap3A_709, %swap3A_710] {strides = array<i32>} : memref<2x4096xf32, #tpu.memory_space<vmem>>, vector<1x16xf32>,
      %swap3A_712 = vector.shape_cast %swap3A_711 : vector<1x16xf32> to vector<16xf32>
      %swap3A_713 = vector.shape_cast %scan3A_638#4 : vector<16xf32> to vector<1x16xf32>
      tpu.vector_store %arg11[%swap3A_709, %swap3A_710], %swap3A_713 {strides = array<i32>} : memref<2x4096xf32, #tpu.memory_space<vmem>>, vector<1x16xf32>,
      %add3A_714 = arith.constant 64 : i32
      %add3A_715 = arith.addi %mul3A_641, %add3A_714 : i32
      %swap3A_716 = arith.constant 0 : i32
      %swap3A_717 = arith.index_cast %swap3A_716 : i32 to index
      %swap3A_718 = arith.index_cast %add3A_715 : i32 to index
      %swap3A_719 = tpu.vector_load %arg12[%swap3A_717, %swap3A_718] {strides = array<i32>} : memref<2x4096xf32, #tpu.memory_space<vmem>>, vector<1x16xf32>,
      %swap3A_720 = vector.shape_cast %swap3A_719 : vector<1x16xf32> to vector<16xf32>
      %swap3A_721 = vector.shape_cast %scan3A_638#12 : vector<16xf32> to vector<1x16xf32>
      tpu.vector_store %arg12[%swap3A_717, %swap3A_718], %swap3A_721 {strides = array<i32>} : memref<2x4096xf32, #tpu.memory_space<vmem>>, vector<1x16xf32>,
      %add3A_722 = arith.constant 80 : i32
      %add3A_723 = arith.addi %mul3A_641, %add3A_722 : i32
      %swap3A_724 = arith.constant 0 : i32
      %swap3A_725 = arith.index_cast %swap3A_724 : i32 to index
      %swap3A_726 = arith.index_cast %add3A_723 : i32 to index
      %swap3A_727 = tpu.vector_load %arg11[%swap3A_725, %swap3A_726] {strides = array<i32>} : memref<2x4096xf32, #tpu.memory_space<vmem>>, vector<1x16xf32>,
      %swap3A_728 = vector.shape_cast %swap3A_727 : vector<1x16xf32> to vector<16xf32>
      %swap3A_729 = vector.shape_cast %scan3A_638#5 : vector<16xf32> to vector<1x16xf32>
      tpu.vector_store %arg11[%swap3A_725, %swap3A_726], %swap3A_729 {strides = array<i32>} : memref<2x4096xf32, #tpu.memory_space<vmem>>, vector<1x16xf32>,
      %add3A_730 = arith.constant 80 : i32
      %add3A_731 = arith.addi %mul3A_641, %add3A_730 : i32
      %swap3A_732 = arith.constant 0 : i32
      %swap3A_733 = arith.index_cast %swap3A_732 : i32 to index
      %swap3A_734 = arith.index_cast %add3A_731 : i32 to index
      %swap3A_735 = tpu.vector_load %arg12[%swap3A_733, %swap3A_734] {strides = array<i32>} : memref<2x4096xf32, #tpu.memory_space<vmem>>, vector<1x16xf32>,
      %swap3A_736 = vector.shape_cast %swap3A_735 : vector<1x16xf32> to vector<16xf32>
      %swap3A_737 = vector.shape_cast %scan3A_638#13 : vector<16xf32> to vector<1x16xf32>
      tpu.vector_store %arg12[%swap3A_733, %swap3A_734], %swap3A_737 {strides = array<i32>} : memref<2x4096xf32, #tpu.memory_space<vmem>>, vector<1x16xf32>,
      %add3A_738 = arith.constant 96 : i32
      %add3A_739 = arith.addi %mul3A_641, %add3A_738 : i32
      %swap3A_740 = arith.constant 0 : i32
      %swap3A_741 = arith.index_cast %swap3A_740 : i32 to index
      %swap3A_742 = arith.index_cast %add3A_739 : i32 to index
      %swap3A_743 = tpu.vector_load %arg11[%swap3A_741, %swap3A_742] {strides = array<i32>} : memref<2x4096xf32, #tpu.memory_space<vmem>>, vector<1x16xf32>,
      %swap3A_744 = vector.shape_cast %swap3A_743 : vector<1x16xf32> to vector<16xf32>
      %swap3A_745 = vector.shape_cast %scan3A_638#6 : vector<16xf32> to vector<1x16xf32>
      tpu.vector_store %arg11[%swap3A_741, %swap3A_742], %swap3A_745 {strides = array<i32>} : memref<2x4096xf32, #tpu.memory_space<vmem>>, vector<1x16xf32>,
      %add3A_746 = arith.constant 96 : i32
      %add3A_747 = arith.addi %mul3A_641, %add3A_746 : i32
      %swap3A_748 = arith.constant 0 : i32
      %swap3A_749 = arith.index_cast %swap3A_748 : i32 to index
      %swap3A_750 = arith.index_cast %add3A_747 : i32 to index
      %swap3A_751 = tpu.vector_load %arg12[%swap3A_749, %swap3A_750] {strides = array<i32>} : memref<2x4096xf32, #tpu.memory_space<vmem>>, vector<1x16xf32>,
      %swap3A_752 = vector.shape_cast %swap3A_751 : vector<1x16xf32> to vector<16xf32>
      %swap3A_753 = vector.shape_cast %scan3A_638#14 : vector<16xf32> to vector<1x16xf32>
      tpu.vector_store %arg12[%swap3A_749, %swap3A_750], %swap3A_753 {strides = array<i32>} : memref<2x4096xf32, #tpu.memory_space<vmem>>, vector<1x16xf32>,
      %add3A_754 = arith.constant 112 : i32
      %add3A_755 = arith.addi %mul3A_641, %add3A_754 : i32
      %swap3A_756 = arith.constant 0 : i32
      %swap3A_757 = arith.index_cast %swap3A_756 : i32 to index
      %swap3A_758 = arith.index_cast %add3A_755 : i32 to index
      %swap3A_759 = tpu.vector_load %arg11[%swap3A_757, %swap3A_758] {strides = array<i32>} : memref<2x4096xf32, #tpu.memory_space<vmem>>, vector<1x16xf32>,
      %swap3A_760 = vector.shape_cast %swap3A_759 : vector<1x16xf32> to vector<16xf32>
      %swap3A_761 = vector.shape_cast %scan3A_638#7 : vector<16xf32> to vector<1x16xf32>
      tpu.vector_store %arg11[%swap3A_757, %swap3A_758], %swap3A_761 {strides = array<i32>} : memref<2x4096xf32, #tpu.memory_space<vmem>>, vector<1x16xf32>,
      %add3A_762 = arith.constant 112 : i32
      %add3A_763 = arith.addi %mul3A_641, %add3A_762 : i32
      %swap3A_764 = arith.constant 0 : i32
      %swap3A_765 = arith.index_cast %swap3A_764 : i32 to index
      %swap3A_766 = arith.index_cast %add3A_763 : i32 to index
      %swap3A_767 = tpu.vector_load %arg12[%swap3A_765, %swap3A_766] {strides = array<i32>} : memref<2x4096xf32, #tpu.memory_space<vmem>>, vector<1x16xf32>,
      %swap3A_768 = vector.shape_cast %swap3A_767 : vector<1x16xf32> to vector<16xf32>
      %swap3A_769 = vector.shape_cast %scan3A_638#15 : vector<16xf32> to vector<1x16xf32>
      tpu.vector_store %arg12[%swap3A_765, %swap3A_766], %swap3A_769 {strides = array<i32>} : memref<2x4096xf32, #tpu.memory_space<vmem>>, vector<1x16xf32>,
      %scan3A_770 = arith.constant 0 : i32
      %scan3A_771 = arith.constant 32 : i32
      %scan3A_772 = arith.addi %scan3A_770, %scan3A_771 : i32
      %scan3A_773 = arith.constant 1 : i32
      %scan3A_774:16 = scf.for %scan3A_1204 = %scan3A_770 to %scan3A_772 step %scan3A_773 iter_args(%scan3A_1205 = %broadcast_in_dim3A_3, %scan3A_1206 = %broadcast_in_dim3A_3, %scan3A_1207 = %broadcast_in_dim3A_3, %scan3A_1208 = %broadcast_in_dim3A_3, %scan3A_1209 = %broadcast_in_dim3A_3, %scan3A_1210 = %broadcast_in_dim3A_3, %scan3A_1211 = %broadcast_in_dim3A_3, %scan3A_1212 = %broadcast_in_dim3A_3, %scan3A_1213 = %broadcast_in_dim3A_3, %scan3A_1214 = %broadcast_in_dim3A_3, %scan3A_1215 = %broadcast_in_dim3A_3, %scan3A_1216 = %broadcast_in_dim3A_3, %scan3A_1217 = %broadcast_in_dim3A_3, %scan3A_1218 = %broadcast_in_dim3A_3, %scan3A_1219 = %broadcast_in_dim3A_3, %scan3A_1220 = %broadcast_in_dim3A_3) -> (vector<16xf32>, vector<16xf32>, vector<16xf32>, vector<16xf32>, vector<16xf32>, vector<16xf32>, vector<16xf32>, vector<16xf32>, vector<16xf32>, vector<16xf32>, vector<16xf32>, vector<16xf32>, vector<16xf32>, vector<16xf32>, vector<16xf32>, vector<16xf32>)  : i32 {
        %mul3A_1221 = arith.constant 2 : i32
        %mul3A_1222 = arith.muli %mul3A_1221, %scan3A_1204 : i32
        %add3A_1223 = arith.constant 0 : i32
        %add3A_1224 = arith.addi %mul3A_1222, %add3A_1223 : i32
        %get3A = arith.constant 1 : i32
        %get3A_1225 = arith.index_cast %get3A : i32 to index
        %get3A_1226 = arith.index_cast %add3A_1224 : i32 to index
        %get3A_1227 = arith.constant 0 : index
        %get3A_1228 = tpu.vector_load %arg6[%get3A_1225, %get3A_1226, %get3A_1227] {strides = array<i32>} : memref<2x64x16xf32, #tpu.memory_space<vmem>>, vector<1x1x16xf32>,
        %get3A_1229 = vector.shape_cast %get3A_1228 : vector<1x1x16xf32> to vector<16xf32>
        %get3A_1230 = arith.constant 1 : i32
        %get3A_1231 = arith.index_cast %get3A_1230 : i32 to index
        %get3A_1232 = arith.index_cast %add3A_1224 : i32 to index
        %get3A_1233 = arith.constant 0 : index
        %get3A_1234 = tpu.vector_load %arg9[%get3A_1231, %get3A_1232, %get3A_1233] {strides = array<i32>} : memref<2x64x128xf32, #tpu.memory_space<vmem>>, vector<1x1x16xf32>,
        %get3A_1235 = vector.shape_cast %get3A_1234 : vector<1x1x16xf32> to vector<16xf32>
        %add3A_1236 = arith.addf %scan3A_1205, %get3A_1235 : vector<16xf32>
        %mul3A_1237 = arith.mulf %get3A_1229, %get3A_1235 : vector<16xf32>
        %add3A_1238 = arith.addf %scan3A_1213, %mul3A_1237 : vector<16xf32>
        %get3A_1239 = arith.constant 1 : i32
        %get3A_1240 = arith.index_cast %get3A_1239 : i32 to index
        %get3A_1241 = arith.index_cast %add3A_1224 : i32 to index
        %get3A_1242 = arith.constant 16 : index
        %get3A_1243 = tpu.vector_load %arg9[%get3A_1240, %get3A_1241, %get3A_1242] {strides = array<i32>} : memref<2x64x128xf32, #tpu.memory_space<vmem>>, vector<1x1x16xf32>,
        %get3A_1244 = vector.shape_cast %get3A_1243 : vector<1x1x16xf32> to vector<16xf32>
        %add3A_1245 = arith.addf %scan3A_1206, %get3A_1244 : vector<16xf32>
        %mul3A_1246 = arith.mulf %get3A_1229, %get3A_1244 : vector<16xf32>
        %add3A_1247 = arith.addf %scan3A_1214, %mul3A_1246 : vector<16xf32>
        %get3A_1248 = arith.constant 1 : i32
        %get3A_1249 = arith.index_cast %get3A_1248 : i32 to index
        %get3A_1250 = arith.index_cast %add3A_1224 : i32 to index
        %get3A_1251 = arith.constant 32 : index
        %get3A_1252 = tpu.vector_load %arg9[%get3A_1249, %get3A_1250, %get3A_1251] {strides = array<i32>} : memref<2x64x128xf32, #tpu.memory_space<vmem>>, vector<1x1x16xf32>,
        %get3A_1253 = vector.shape_cast %get3A_1252 : vector<1x1x16xf32> to vector<16xf32>
        %add3A_1254 = arith.addf %scan3A_1207, %get3A_1253 : vector<16xf32>
        %mul3A_1255 = arith.mulf %get3A_1229, %get3A_1253 : vector<16xf32>
        %add3A_1256 = arith.addf %scan3A_1215, %mul3A_1255 : vector<16xf32>
        %get3A_1257 = arith.constant 1 : i32
        %get3A_1258 = arith.index_cast %get3A_1257 : i32 to index
        %get3A_1259 = arith.index_cast %add3A_1224 : i32 to index
        %get3A_1260 = arith.constant 48 : index
        %get3A_1261 = tpu.vector_load %arg9[%get3A_1258, %get3A_1259, %get3A_1260] {strides = array<i32>} : memref<2x64x128xf32, #tpu.memory_space<vmem>>, vector<1x1x16xf32>,
        %get3A_1262 = vector.shape_cast %get3A_1261 : vector<1x1x16xf32> to vector<16xf32>
        %add3A_1263 = arith.addf %scan3A_1208, %get3A_1262 : vector<16xf32>
        %mul3A_1264 = arith.mulf %get3A_1229, %get3A_1262 : vector<16xf32>
        %add3A_1265 = arith.addf %scan3A_1216, %mul3A_1264 : vector<16xf32>
        %get3A_1266 = arith.constant 1 : i32
        %get3A_1267 = arith.index_cast %get3A_1266 : i32 to index
        %get3A_1268 = arith.index_cast %add3A_1224 : i32 to index
        %get3A_1269 = arith.constant 64 : index
        %get3A_1270 = tpu.vector_load %arg9[%get3A_1267, %get3A_1268, %get3A_1269] {strides = array<i32>} : memref<2x64x128xf32, #tpu.memory_space<vmem>>, vector<1x1x16xf32>,
        %get3A_1271 = vector.shape_cast %get3A_1270 : vector<1x1x16xf32> to vector<16xf32>
        %add3A_1272 = arith.addf %scan3A_1209, %get3A_1271 : vector<16xf32>
        %mul3A_1273 = arith.mulf %get3A_1229, %get3A_1271 : vector<16xf32>
        %add3A_1274 = arith.addf %scan3A_1217, %mul3A_1273 : vector<16xf32>
        %get3A_1275 = arith.constant 1 : i32
        %get3A_1276 = arith.index_cast %get3A_1275 : i32 to index
        %get3A_1277 = arith.index_cast %add3A_1224 : i32 to index
        %get3A_1278 = arith.constant 80 : index
        %get3A_1279 = tpu.vector_load %arg9[%get3A_1276, %get3A_1277, %get3A_1278] {strides = array<i32>} : memref<2x64x128xf32, #tpu.memory_space<vmem>>, vector<1x1x16xf32>,
        %get3A_1280 = vector.shape_cast %get3A_1279 : vector<1x1x16xf32> to vector<16xf32>
        %add3A_1281 = arith.addf %scan3A_1210, %get3A_1280 : vector<16xf32>
        %mul3A_1282 = arith.mulf %get3A_1229, %get3A_1280 : vector<16xf32>
        %add3A_1283 = arith.addf %scan3A_1218, %mul3A_1282 : vector<16xf32>
        %get3A_1284 = arith.constant 1 : i32
        %get3A_1285 = arith.index_cast %get3A_1284 : i32 to index
        %get3A_1286 = arith.index_cast %add3A_1224 : i32 to index
        %get3A_1287 = arith.constant 96 : index
        %get3A_1288 = tpu.vector_load %arg9[%get3A_1285, %get3A_1286, %get3A_1287] {strides = array<i32>} : memref<2x64x128xf32, #tpu.memory_space<vmem>>, vector<1x1x16xf32>,
        %get3A_1289 = vector.shape_cast %get3A_1288 : vector<1x1x16xf32> to vector<16xf32>
        %add3A_1290 = arith.addf %scan3A_1211, %get3A_1289 : vector<16xf32>
        %mul3A_1291 = arith.mulf %get3A_1229, %get3A_1289 : vector<16xf32>
        %add3A_1292 = arith.addf %scan3A_1219, %mul3A_1291 : vector<16xf32>
        %get3A_1293 = arith.constant 1 : i32
        %get3A_1294 = arith.index_cast %get3A_1293 : i32 to index
        %get3A_1295 = arith.index_cast %add3A_1224 : i32 to index
        %get3A_1296 = arith.constant 112 : index
        %get3A_1297 = tpu.vector_load %arg9[%get3A_1294, %get3A_1295, %get3A_1296] {strides = array<i32>} : memref<2x64x128xf32, #tpu.memory_space<vmem>>, vector<1x1x16xf32>,
        %get3A_1298 = vector.shape_cast %get3A_1297 : vector<1x1x16xf32> to vector<16xf32>
        %add3A_1299 = arith.addf %scan3A_1212, %get3A_1298 : vector<16xf32>
        %mul3A_1300 = arith.mulf %get3A_1229, %get3A_1298 : vector<16xf32>
        %add3A_1301 = arith.addf %scan3A_1220, %mul3A_1300 : vector<16xf32>
        %mul3A_1302 = arith.constant 2 : i32
        %mul3A_1303 = arith.muli %mul3A_1302, %scan3A_1204 : i32
        %add3A_1304 = arith.constant 1 : i32
        %add3A_1305 = arith.addi %mul3A_1303, %add3A_1304 : i32
        %get3A_1306 = arith.constant 1 : i32
        %get3A_1307 = arith.index_cast %get3A_1306 : i32 to index
        %get3A_1308 = arith.index_cast %add3A_1305 : i32 to index
        %get3A_1309 = arith.constant 0 : index
        %get3A_1310 = tpu.vector_load %arg6[%get3A_1307, %get3A_1308, %get3A_1309] {strides = array<i32>} : memref<2x64x16xf32, #tpu.memory_space<vmem>>, vector<1x1x16xf32>,
        %get3A_1311 = vector.shape_cast %get3A_1310 : vector<1x1x16xf32> to vector<16xf32>
        %get3A_1312 = arith.constant 1 : i32
        %get3A_1313 = arith.index_cast %get3A_1312 : i32 to index
        %get3A_1314 = arith.index_cast %add3A_1305 : i32 to index
        %get3A_1315 = arith.constant 0 : index
        %get3A_1316 = tpu.vector_load %arg9[%get3A_1313, %get3A_1314, %get3A_1315] {strides = array<i32>} : memref<2x64x128xf32, #tpu.memory_space<vmem>>, vector<1x1x16xf32>,
        %get3A_1317 = vector.shape_cast %get3A_1316 : vector<1x1x16xf32> to vector<16xf32>
        %add3A_1318 = arith.addf %add3A_1236, %get3A_1317 : vector<16xf32>
        %mul3A_1319 = arith.mulf %get3A_1311, %get3A_1317 : vector<16xf32>
        %add3A_1320 = arith.addf %add3A_1238, %mul3A_1319 : vector<16xf32>
        %get3A_1321 = arith.constant 1 : i32
        %get3A_1322 = arith.index_cast %get3A_1321 : i32 to index
        %get3A_1323 = arith.index_cast %add3A_1305 : i32 to index
        %get3A_1324 = arith.constant 16 : index
        %get3A_1325 = tpu.vector_load %arg9[%get3A_1322, %get3A_1323, %get3A_1324] {strides = array<i32>} : memref<2x64x128xf32, #tpu.memory_space<vmem>>, vector<1x1x16xf32>,
        %get3A_1326 = vector.shape_cast %get3A_1325 : vector<1x1x16xf32> to vector<16xf32>
        %add3A_1327 = arith.addf %add3A_1245, %get3A_1326 : vector<16xf32>
        %mul3A_1328 = arith.mulf %get3A_1311, %get3A_1326 : vector<16xf32>
        %add3A_1329 = arith.addf %add3A_1247, %mul3A_1328 : vector<16xf32>
        %get3A_1330 = arith.constant 1 : i32
        %get3A_1331 = arith.index_cast %get3A_1330 : i32 to index
        %get3A_1332 = arith.index_cast %add3A_1305 : i32 to index
        %get3A_1333 = arith.constant 32 : index
        %get3A_1334 = tpu.vector_load %arg9[%get3A_1331, %get3A_1332, %get3A_1333] {strides = array<i32>} : memref<2x64x128xf32, #tpu.memory_space<vmem>>, vector<1x1x16xf32>,
        %get3A_1335 = vector.shape_cast %get3A_1334 : vector<1x1x16xf32> to vector<16xf32>
        %add3A_1336 = arith.addf %add3A_1254, %get3A_1335 : vector<16xf32>
        %mul3A_1337 = arith.mulf %get3A_1311, %get3A_1335 : vector<16xf32>
        %add3A_1338 = arith.addf %add3A_1256, %mul3A_1337 : vector<16xf32>
        %get3A_1339 = arith.constant 1 : i32
        %get3A_1340 = arith.index_cast %get3A_1339 : i32 to index
        %get3A_1341 = arith.index_cast %add3A_1305 : i32 to index
        %get3A_1342 = arith.constant 48 : index
        %get3A_1343 = tpu.vector_load %arg9[%get3A_1340, %get3A_1341, %get3A_1342] {strides = array<i32>} : memref<2x64x128xf32, #tpu.memory_space<vmem>>, vector<1x1x16xf32>,
        %get3A_1344 = vector.shape_cast %get3A_1343 : vector<1x1x16xf32> to vector<16xf32>
        %add3A_1345 = arith.addf %add3A_1263, %get3A_1344 : vector<16xf32>
        %mul3A_1346 = arith.mulf %get3A_1311, %get3A_1344 : vector<16xf32>
        %add3A_1347 = arith.addf %add3A_1265, %mul3A_1346 : vector<16xf32>
        %get3A_1348 = arith.constant 1 : i32
        %get3A_1349 = arith.index_cast %get3A_1348 : i32 to index
        %get3A_1350 = arith.index_cast %add3A_1305 : i32 to index
        %get3A_1351 = arith.constant 64 : index
        %get3A_1352 = tpu.vector_load %arg9[%get3A_1349, %get3A_1350, %get3A_1351] {strides = array<i32>} : memref<2x64x128xf32, #tpu.memory_space<vmem>>, vector<1x1x16xf32>,
        %get3A_1353 = vector.shape_cast %get3A_1352 : vector<1x1x16xf32> to vector<16xf32>
        %add3A_1354 = arith.addf %add3A_1272, %get3A_1353 : vector<16xf32>
        %mul3A_1355 = arith.mulf %get3A_1311, %get3A_1353 : vector<16xf32>
        %add3A_1356 = arith.addf %add3A_1274, %mul3A_1355 : vector<16xf32>
        %get3A_1357 = arith.constant 1 : i32
        %get3A_1358 = arith.index_cast %get3A_1357 : i32 to index
        %get3A_1359 = arith.index_cast %add3A_1305 : i32 to index
        %get3A_1360 = arith.constant 80 : index
        %get3A_1361 = tpu.vector_load %arg9[%get3A_1358, %get3A_1359, %get3A_1360] {strides = array<i32>} : memref<2x64x128xf32, #tpu.memory_space<vmem>>, vector<1x1x16xf32>,
        %get3A_1362 = vector.shape_cast %get3A_1361 : vector<1x1x16xf32> to vector<16xf32>
        %add3A_1363 = arith.addf %add3A_1281, %get3A_1362 : vector<16xf32>
        %mul3A_1364 = arith.mulf %get3A_1311, %get3A_1362 : vector<16xf32>
        %add3A_1365 = arith.addf %add3A_1283, %mul3A_1364 : vector<16xf32>
        %get3A_1366 = arith.constant 1 : i32
        %get3A_1367 = arith.index_cast %get3A_1366 : i32 to index
        %get3A_1368 = arith.index_cast %add3A_1305 : i32 to index
        %get3A_1369 = arith.constant 96 : index
        %get3A_1370 = tpu.vector_load %arg9[%get3A_1367, %get3A_1368, %get3A_1369] {strides = array<i32>} : memref<2x64x128xf32, #tpu.memory_space<vmem>>, vector<1x1x16xf32>,
        %get3A_1371 = vector.shape_cast %get3A_1370 : vector<1x1x16xf32> to vector<16xf32>
        %add3A_1372 = arith.addf %add3A_1290, %get3A_1371 : vector<16xf32>
        %mul3A_1373 = arith.mulf %get3A_1311, %get3A_1371 : vector<16xf32>
        %add3A_1374 = arith.addf %add3A_1292, %mul3A_1373 : vector<16xf32>
        %get3A_1375 = arith.constant 1 : i32
        %get3A_1376 = arith.index_cast %get3A_1375 : i32 to index
        %get3A_1377 = arith.index_cast %add3A_1305 : i32 to index
        %get3A_1378 = arith.constant 112 : index
        %get3A_1379 = tpu.vector_load %arg9[%get3A_1376, %get3A_1377, %get3A_1378] {strides = array<i32>} : memref<2x64x128xf32, #tpu.memory_space<vmem>>, vector<1x1x16xf32>,
        %get3A_1380 = vector.shape_cast %get3A_1379 : vector<1x1x16xf32> to vector<16xf32>
        %add3A_1381 = arith.addf %add3A_1299, %get3A_1380 : vector<16xf32>
        %mul3A_1382 = arith.mulf %get3A_1311, %get3A_1380 : vector<16xf32>
        %add3A_1383 = arith.addf %add3A_1301, %mul3A_1382 : vector<16xf32>
        scf.yield %add3A_1318, %add3A_1327, %add3A_1336, %add3A_1345, %add3A_1354, %add3A_1363, %add3A_1372, %add3A_1381, %add3A_1320, %add3A_1329, %add3A_1338, %add3A_1347, %add3A_1356, %add3A_1365, %add3A_1374, %add3A_1383 : vector<16xf32>, vector<16xf32>, vector<16xf32>, vector<16xf32>, vector<16xf32>, vector<16xf32>, vector<16xf32>, vector<16xf32>, vector<16xf32>, vector<16xf32>, vector<16xf32>, vector<16xf32>, vector<16xf32>, vector<16xf32>, vector<16xf32>, vector<16xf32>
      }
      %scan3A_775 = arith.constant 32 : i32
      %mul3A_776 = arith.constant 128 : i32
      %mul3A_777 = arith.muli %add3A_625, %mul3A_776 : i32
      %add3A_778 = arith.constant 0 : i32
      %add3A_779 = arith.addi %mul3A_777, %add3A_778 : i32
      %swap3A_780 = arith.constant 1 : i32
      %swap3A_781 = arith.index_cast %swap3A_780 : i32 to index
      %swap3A_782 = arith.index_cast %add3A_779 : i32 to index
      %swap3A_783 = tpu.vector_load %arg11[%swap3A_781, %swap3A_782] {strides = array<i32>} : memref<2x4096xf32, #tpu.memory_space<vmem>>, vector<1x16xf32>,
      %swap3A_784 = vector.shape_cast %swap3A_783 : vector<1x16xf32> to vector<16xf32>
      %swap3A_785 = vector.shape_cast %scan3A_774#0 : vector<16xf32> to vector<1x16xf32>
      tpu.vector_store %arg11[%swap3A_781, %swap3A_782], %swap3A_785 {strides = array<i32>} : memref<2x4096xf32, #tpu.memory_space<vmem>>, vector<1x16xf32>,
      %add3A_786 = arith.constant 0 : i32
      %add3A_787 = arith.addi %mul3A_777, %add3A_786 : i32
      %swap3A_788 = arith.constant 1 : i32
      %swap3A_789 = arith.index_cast %swap3A_788 : i32 to index
      %swap3A_790 = arith.index_cast %add3A_787 : i32 to index
      %swap3A_791 = tpu.vector_load %arg12[%swap3A_789, %swap3A_790] {strides = array<i32>} : memref<2x4096xf32, #tpu.memory_space<vmem>>, vector<1x16xf32>,
      %swap3A_792 = vector.shape_cast %swap3A_791 : vector<1x16xf32> to vector<16xf32>
      %swap3A_793 = vector.shape_cast %scan3A_774#8 : vector<16xf32> to vector<1x16xf32>
      tpu.vector_store %arg12[%swap3A_789, %swap3A_790], %swap3A_793 {strides = array<i32>} : memref<2x4096xf32, #tpu.memory_space<vmem>>, vector<1x16xf32>,
      %add3A_794 = arith.constant 16 : i32
      %add3A_795 = arith.addi %mul3A_777, %add3A_794 : i32
      %swap3A_796 = arith.constant 1 : i32
      %swap3A_797 = arith.index_cast %swap3A_796 : i32 to index
      %swap3A_798 = arith.index_cast %add3A_795 : i32 to index
      %swap3A_799 = tpu.vector_load %arg11[%swap3A_797, %swap3A_798] {strides = array<i32>} : memref<2x4096xf32, #tpu.memory_space<vmem>>, vector<1x16xf32>,
      %swap3A_800 = vector.shape_cast %swap3A_799 : vector<1x16xf32> to vector<16xf32>
      %swap3A_801 = vector.shape_cast %scan3A_774#1 : vector<16xf32> to vector<1x16xf32>
      tpu.vector_store %arg11[%swap3A_797, %swap3A_798], %swap3A_801 {strides = array<i32>} : memref<2x4096xf32, #tpu.memory_space<vmem>>, vector<1x16xf32>,
      %add3A_802 = arith.constant 16 : i32
      %add3A_803 = arith.addi %mul3A_777, %add3A_802 : i32
      %swap3A_804 = arith.constant 1 : i32
      %swap3A_805 = arith.index_cast %swap3A_804 : i32 to index
      %swap3A_806 = arith.index_cast %add3A_803 : i32 to index
      %swap3A_807 = tpu.vector_load %arg12[%swap3A_805, %swap3A_806] {strides = array<i32>} : memref<2x4096xf32, #tpu.memory_space<vmem>>, vector<1x16xf32>,
      %swap3A_808 = vector.shape_cast %swap3A_807 : vector<1x16xf32> to vector<16xf32>
      %swap3A_809 = vector.shape_cast %scan3A_774#9 : vector<16xf32> to vector<1x16xf32>
      tpu.vector_store %arg12[%swap3A_805, %swap3A_806], %swap3A_809 {strides = array<i32>} : memref<2x4096xf32, #tpu.memory_space<vmem>>, vector<1x16xf32>,
      %add3A_810 = arith.constant 32 : i32
      %add3A_811 = arith.addi %mul3A_777, %add3A_810 : i32
      %swap3A_812 = arith.constant 1 : i32
      %swap3A_813 = arith.index_cast %swap3A_812 : i32 to index
      %swap3A_814 = arith.index_cast %add3A_811 : i32 to index
      %swap3A_815 = tpu.vector_load %arg11[%swap3A_813, %swap3A_814] {strides = array<i32>} : memref<2x4096xf32, #tpu.memory_space<vmem>>, vector<1x16xf32>,
      %swap3A_816 = vector.shape_cast %swap3A_815 : vector<1x16xf32> to vector<16xf32>
      %swap3A_817 = vector.shape_cast %scan3A_774#2 : vector<16xf32> to vector<1x16xf32>
      tpu.vector_store %arg11[%swap3A_813, %swap3A_814], %swap3A_817 {strides = array<i32>} : memref<2x4096xf32, #tpu.memory_space<vmem>>, vector<1x16xf32>,
      %add3A_818 = arith.constant 32 : i32
      %add3A_819 = arith.addi %mul3A_777, %add3A_818 : i32
      %swap3A_820 = arith.constant 1 : i32
      %swap3A_821 = arith.index_cast %swap3A_820 : i32 to index
      %swap3A_822 = arith.index_cast %add3A_819 : i32 to index
      %swap3A_823 = tpu.vector_load %arg12[%swap3A_821, %swap3A_822] {strides = array<i32>} : memref<2x4096xf32, #tpu.memory_space<vmem>>, vector<1x16xf32>,
      %swap3A_824 = vector.shape_cast %swap3A_823 : vector<1x16xf32> to vector<16xf32>
      %swap3A_825 = vector.shape_cast %scan3A_774#10 : vector<16xf32> to vector<1x16xf32>
      tpu.vector_store %arg12[%swap3A_821, %swap3A_822], %swap3A_825 {strides = array<i32>} : memref<2x4096xf32, #tpu.memory_space<vmem>>, vector<1x16xf32>,
      %add3A_826 = arith.constant 48 : i32
      %add3A_827 = arith.addi %mul3A_777, %add3A_826 : i32
      %swap3A_828 = arith.constant 1 : i32
      %swap3A_829 = arith.index_cast %swap3A_828 : i32 to index
      %swap3A_830 = arith.index_cast %add3A_827 : i32 to index
      %swap3A_831 = tpu.vector_load %arg11[%swap3A_829, %swap3A_830] {strides = array<i32>} : memref<2x4096xf32, #tpu.memory_space<vmem>>, vector<1x16xf32>,
      %swap3A_832 = vector.shape_cast %swap3A_831 : vector<1x16xf32> to vector<16xf32>
      %swap3A_833 = vector.shape_cast %scan3A_774#3 : vector<16xf32> to vector<1x16xf32>
      tpu.vector_store %arg11[%swap3A_829, %swap3A_830], %swap3A_833 {strides = array<i32>} : memref<2x4096xf32, #tpu.memory_space<vmem>>, vector<1x16xf32>,
      %add3A_834 = arith.constant 48 : i32
      %add3A_835 = arith.addi %mul3A_777, %add3A_834 : i32
      %swap3A_836 = arith.constant 1 : i32
      %swap3A_837 = arith.index_cast %swap3A_836 : i32 to index
      %swap3A_838 = arith.index_cast %add3A_835 : i32 to index
      %swap3A_839 = tpu.vector_load %arg12[%swap3A_837, %swap3A_838] {strides = array<i32>} : memref<2x4096xf32, #tpu.memory_space<vmem>>, vector<1x16xf32>,
      %swap3A_840 = vector.shape_cast %swap3A_839 : vector<1x16xf32> to vector<16xf32>
      %swap3A_841 = vector.shape_cast %scan3A_774#11 : vector<16xf32> to vector<1x16xf32>
      tpu.vector_store %arg12[%swap3A_837, %swap3A_838], %swap3A_841 {strides = array<i32>} : memref<2x4096xf32, #tpu.memory_space<vmem>>, vector<1x16xf32>,
      %add3A_842 = arith.constant 64 : i32
      %add3A_843 = arith.addi %mul3A_777, %add3A_842 : i32
      %swap3A_844 = arith.constant 1 : i32
      %swap3A_845 = arith.index_cast %swap3A_844 : i32 to index
      %swap3A_846 = arith.index_cast %add3A_843 : i32 to index
      %swap3A_847 = tpu.vector_load %arg11[%swap3A_845, %swap3A_846] {strides = array<i32>} : memref<2x4096xf32, #tpu.memory_space<vmem>>, vector<1x16xf32>,
      %swap3A_848 = vector.shape_cast %swap3A_847 : vector<1x16xf32> to vector<16xf32>
      %swap3A_849 = vector.shape_cast %scan3A_774#4 : vector<16xf32> to vector<1x16xf32>
      tpu.vector_store %arg11[%swap3A_845, %swap3A_846], %swap3A_849 {strides = array<i32>} : memref<2x4096xf32, #tpu.memory_space<vmem>>, vector<1x16xf32>,
      %add3A_850 = arith.constant 64 : i32
      %add3A_851 = arith.addi %mul3A_777, %add3A_850 : i32
      %swap3A_852 = arith.constant 1 : i32
      %swap3A_853 = arith.index_cast %swap3A_852 : i32 to index
      %swap3A_854 = arith.index_cast %add3A_851 : i32 to index
      %swap3A_855 = tpu.vector_load %arg12[%swap3A_853, %swap3A_854] {strides = array<i32>} : memref<2x4096xf32, #tpu.memory_space<vmem>>, vector<1x16xf32>,
      %swap3A_856 = vector.shape_cast %swap3A_855 : vector<1x16xf32> to vector<16xf32>
      %swap3A_857 = vector.shape_cast %scan3A_774#12 : vector<16xf32> to vector<1x16xf32>
      tpu.vector_store %arg12[%swap3A_853, %swap3A_854], %swap3A_857 {strides = array<i32>} : memref<2x4096xf32, #tpu.memory_space<vmem>>, vector<1x16xf32>,
      %add3A_858 = arith.constant 80 : i32
      %add3A_859 = arith.addi %mul3A_777, %add3A_858 : i32
      %swap3A_860 = arith.constant 1 : i32
      %swap3A_861 = arith.index_cast %swap3A_860 : i32 to index
      %swap3A_862 = arith.index_cast %add3A_859 : i32 to index
      %swap3A_863 = tpu.vector_load %arg11[%swap3A_861, %swap3A_862] {strides = array<i32>} : memref<2x4096xf32, #tpu.memory_space<vmem>>, vector<1x16xf32>,
      %swap3A_864 = vector.shape_cast %swap3A_863 : vector<1x16xf32> to vector<16xf32>
      %swap3A_865 = vector.shape_cast %scan3A_774#5 : vector<16xf32> to vector<1x16xf32>
      tpu.vector_store %arg11[%swap3A_861, %swap3A_862], %swap3A_865 {strides = array<i32>} : memref<2x4096xf32, #tpu.memory_space<vmem>>, vector<1x16xf32>,
      %add3A_866 = arith.constant 80 : i32
      %add3A_867 = arith.addi %mul3A_777, %add3A_866 : i32
      %swap3A_868 = arith.constant 1 : i32
      %swap3A_869 = arith.index_cast %swap3A_868 : i32 to index
      %swap3A_870 = arith.index_cast %add3A_867 : i32 to index
      %swap3A_871 = tpu.vector_load %arg12[%swap3A_869, %swap3A_870] {strides = array<i32>} : memref<2x4096xf32, #tpu.memory_space<vmem>>, vector<1x16xf32>,
      %swap3A_872 = vector.shape_cast %swap3A_871 : vector<1x16xf32> to vector<16xf32>
      %swap3A_873 = vector.shape_cast %scan3A_774#13 : vector<16xf32> to vector<1x16xf32>
      tpu.vector_store %arg12[%swap3A_869, %swap3A_870], %swap3A_873 {strides = array<i32>} : memref<2x4096xf32, #tpu.memory_space<vmem>>, vector<1x16xf32>,
      %add3A_874 = arith.constant 96 : i32
      %add3A_875 = arith.addi %mul3A_777, %add3A_874 : i32
      %swap3A_876 = arith.constant 1 : i32
      %swap3A_877 = arith.index_cast %swap3A_876 : i32 to index
      %swap3A_878 = arith.index_cast %add3A_875 : i32 to index
      %swap3A_879 = tpu.vector_load %arg11[%swap3A_877, %swap3A_878] {strides = array<i32>} : memref<2x4096xf32, #tpu.memory_space<vmem>>, vector<1x16xf32>,
      %swap3A_880 = vector.shape_cast %swap3A_879 : vector<1x16xf32> to vector<16xf32>
      %swap3A_881 = vector.shape_cast %scan3A_774#6 : vector<16xf32> to vector<1x16xf32>
      tpu.vector_store %arg11[%swap3A_877, %swap3A_878], %swap3A_881 {strides = array<i32>} : memref<2x4096xf32, #tpu.memory_space<vmem>>, vector<1x16xf32>,
      %add3A_882 = arith.constant 96 : i32
      %add3A_883 = arith.addi %mul3A_777, %add3A_882 : i32
      %swap3A_884 = arith.constant 1 : i32
      %swap3A_885 = arith.index_cast %swap3A_884 : i32 to index
      %swap3A_886 = arith.index_cast %add3A_883 : i32 to index
      %swap3A_887 = tpu.vector_load %arg12[%swap3A_885, %swap3A_886] {strides = array<i32>} : memref<2x4096xf32, #tpu.memory_space<vmem>>, vector<1x16xf32>,
      %swap3A_888 = vector.shape_cast %swap3A_887 : vector<1x16xf32> to vector<16xf32>
      %swap3A_889 = vector.shape_cast %scan3A_774#14 : vector<16xf32> to vector<1x16xf32>
      tpu.vector_store %arg12[%swap3A_885, %swap3A_886], %swap3A_889 {strides = array<i32>} : memref<2x4096xf32, #tpu.memory_space<vmem>>, vector<1x16xf32>,
      %add3A_890 = arith.constant 112 : i32
      %add3A_891 = arith.addi %mul3A_777, %add3A_890 : i32
      %swap3A_892 = arith.constant 1 : i32
      %swap3A_893 = arith.index_cast %swap3A_892 : i32 to index
      %swap3A_894 = arith.index_cast %add3A_891 : i32 to index
      %swap3A_895 = tpu.vector_load %arg11[%swap3A_893, %swap3A_894] {strides = array<i32>} : memref<2x4096xf32, #tpu.memory_space<vmem>>, vector<1x16xf32>,
      %swap3A_896 = vector.shape_cast %swap3A_895 : vector<1x16xf32> to vector<16xf32>
      %swap3A_897 = vector.shape_cast %scan3A_774#7 : vector<16xf32> to vector<1x16xf32>
      tpu.vector_store %arg11[%swap3A_893, %swap3A_894], %swap3A_897 {strides = array<i32>} : memref<2x4096xf32, #tpu.memory_space<vmem>>, vector<1x16xf32>,
      %add3A_898 = arith.constant 112 : i32
      %add3A_899 = arith.addi %mul3A_777, %add3A_898 : i32
      %swap3A_900 = arith.constant 1 : i32
      %swap3A_901 = arith.index_cast %swap3A_900 : i32 to index
      %swap3A_902 = arith.index_cast %add3A_899 : i32 to index
      %swap3A_903 = tpu.vector_load %arg12[%swap3A_901, %swap3A_902] {strides = array<i32>} : memref<2x4096xf32, #tpu.memory_space<vmem>>, vector<1x16xf32>,
      %swap3A_904 = vector.shape_cast %swap3A_903 : vector<1x16xf32> to vector<16xf32>
      %swap3A_905 = vector.shape_cast %scan3A_774#15 : vector<16xf32> to vector<1x16xf32>
      tpu.vector_store %arg12[%swap3A_901, %swap3A_902], %swap3A_905 {strides = array<i32>} : memref<2x4096xf32, #tpu.memory_space<vmem>>, vector<1x16xf32>,
      %add3A_906 = arith.constant 4 : i32
      %add3A_907 = arith.addi %add3A_625, %add3A_906 : i32
      %lt3A_908 = arith.constant 32 : i32
      %lt3A_909 = arith.cmpi slt, %add3A_907, %lt3A_908 : i32
      %convert_element_type3A_910 = arith.extui %lt3A_909 : i1 to i32
      %cond3A_911 = arith.constant 0 : i32
      %cond3A_912 = arith.cmpi ne, %convert_element_type3A_910, %cond3A_911 : i32
      scf.if %cond3A_912 {
        %add3A_1204 = arith.constant 4 : i32
        %add3A_1205 = arith.addi %add3A_625, %add3A_1204 : i32
        %dma_start3A_1206 = arith.constant 0 : i32
        %dma_start3A_1207 = arith.constant 0 : i32
        %dma_start3A_1208 = tpu.memref_slice %arg2[%add3A_1205, %mul3A_2, %dma_start3A_1206, %dma_start3A_1207] : memref<32x64x64x128xf32, #tpu.memory_space<hbm>> -> memref<1x2x64x128xf32, #tpu.memory_space<hbm>>
        %dma_start3A_1209 = tpu.memref_squeeze %dma_start3A_1208 : memref<1x2x64x128xf32, #tpu.memory_space<hbm>> -> memref<2x64x128xf32, #tpu.memory_space<hbm>>
        %dma_start3A_1210 = arith.constant 0 : i32
        %dma_start3A_1211 = arith.constant 0 : i32
        %dma_start3A_1212 = tpu.memref_slice %arg2[%add3A_1205, %mul3A_2, %dma_start3A_1210, %dma_start3A_1211] : memref<32x64x64x128xf32, #tpu.memory_space<hbm>> -> memref<1x2x64x128xf32, #tpu.memory_space<hbm>>
        %dma_start3A_1213 = tpu.memref_squeeze %dma_start3A_1212 : memref<1x2x64x128xf32, #tpu.memory_space<hbm>> -> memref<2x64x128xf32, #tpu.memory_space<hbm>>
        tpu.enqueue_dma source(%dma_start3A_1213 : memref<2x64x128xf32, #tpu.memory_space<hbm>>) target(%arg9 : memref<2x64x128xf32, #tpu.memory_space<vmem>>) target_semaphore(%arg15 : memref<!tpu.dma_semaphore, #tpu.memory_space<semaphore_mem>>)
      } else {
      }
      %mul3A_913 = arith.constant 4 : i32
      %mul3A_914 = arith.muli %mul3A_913, %scan3A_44 : i32
      %add3A_915 = arith.constant 3 : i32
      %add3A_916 = arith.addi %mul3A_914, %add3A_915 : i32
      %dma_wait3A_917 = arith.constant 0 : i32
      %dma_wait3A_918 = arith.constant 0 : i32
      %dma_wait3A_919 = tpu.memref_slice %arg2[%add3A_916, %mul3A_2, %dma_wait3A_917, %dma_wait3A_918] : memref<32x64x64x128xf32, #tpu.memory_space<hbm>> -> memref<1x2x64x128xf32, #tpu.memory_space<hbm>>
      %dma_wait3A_920 = tpu.memref_squeeze %dma_wait3A_919 : memref<1x2x64x128xf32, #tpu.memory_space<hbm>> -> memref<2x64x128xf32, #tpu.memory_space<hbm>>
      %dma_wait3A_921 = arith.constant 0 : i32
      %dma_wait3A_922 = arith.constant 0 : i32
      %dma_wait3A_923 = tpu.memref_slice %arg2[%add3A_916, %mul3A_2, %dma_wait3A_921, %dma_wait3A_922] : memref<32x64x64x128xf32, #tpu.memory_space<hbm>> -> memref<1x2x64x128xf32, #tpu.memory_space<hbm>>
      %dma_wait3A_924 = tpu.memref_squeeze %dma_wait3A_923 : memref<1x2x64x128xf32, #tpu.memory_space<hbm>> -> memref<2x64x128xf32, #tpu.memory_space<hbm>>
      tpu.wait_dma2 semaphore(%arg16 : memref<!tpu.dma_semaphore, #tpu.memory_space<semaphore_mem>>) src(%dma_wait3A_924 : memref<2x64x128xf32, #tpu.memory_space<hbm>>) dst(%arg10 : memref<2x64x128xf32, #tpu.memory_space<vmem>>)
      %scan3A_925 = arith.constant 0 : i32
      %scan3A_926 = arith.constant 32 : i32
      %scan3A_927 = arith.addi %scan3A_925, %scan3A_926 : i32
      %scan3A_928 = arith.constant 1 : i32
      %scan3A_929:16 = scf.for %scan3A_1204 = %scan3A_925 to %scan3A_927 step %scan3A_928 iter_args(%scan3A_1205 = %broadcast_in_dim3A_3, %scan3A_1206 = %broadcast_in_dim3A_3, %scan3A_1207 = %broadcast_in_dim3A_3, %scan3A_1208 = %broadcast_in_dim3A_3, %scan3A_1209 = %broadcast_in_dim3A_3, %scan3A_1210 = %broadcast_in_dim3A_3, %scan3A_1211 = %broadcast_in_dim3A_3, %scan3A_1212 = %broadcast_in_dim3A_3, %scan3A_1213 = %broadcast_in_dim3A_3, %scan3A_1214 = %broadcast_in_dim3A_3, %scan3A_1215 = %broadcast_in_dim3A_3, %scan3A_1216 = %broadcast_in_dim3A_3, %scan3A_1217 = %broadcast_in_dim3A_3, %scan3A_1218 = %broadcast_in_dim3A_3, %scan3A_1219 = %broadcast_in_dim3A_3, %scan3A_1220 = %broadcast_in_dim3A_3) -> (vector<16xf32>, vector<16xf32>, vector<16xf32>, vector<16xf32>, vector<16xf32>, vector<16xf32>, vector<16xf32>, vector<16xf32>, vector<16xf32>, vector<16xf32>, vector<16xf32>, vector<16xf32>, vector<16xf32>, vector<16xf32>, vector<16xf32>, vector<16xf32>)  : i32 {
        %mul3A_1221 = arith.constant 2 : i32
        %mul3A_1222 = arith.muli %mul3A_1221, %scan3A_1204 : i32
        %add3A_1223 = arith.constant 0 : i32
        %add3A_1224 = arith.addi %mul3A_1222, %add3A_1223 : i32
        %get3A = arith.constant 0 : i32
        %get3A_1225 = arith.index_cast %get3A : i32 to index
        %get3A_1226 = arith.index_cast %add3A_1224 : i32 to index
        %get3A_1227 = arith.constant 0 : index
        %get3A_1228 = tpu.vector_load %arg6[%get3A_1225, %get3A_1226, %get3A_1227] {strides = array<i32>} : memref<2x64x16xf32, #tpu.memory_space<vmem>>, vector<1x1x16xf32>,
        %get3A_1229 = vector.shape_cast %get3A_1228 : vector<1x1x16xf32> to vector<16xf32>
        %get3A_1230 = arith.constant 0 : i32
        %get3A_1231 = arith.index_cast %get3A_1230 : i32 to index
        %get3A_1232 = arith.index_cast %add3A_1224 : i32 to index
        %get3A_1233 = arith.constant 0 : index
        %get3A_1234 = tpu.vector_load %arg10[%get3A_1231, %get3A_1232, %get3A_1233] {strides = array<i32>} : memref<2x64x128xf32, #tpu.memory_space<vmem>>, vector<1x1x16xf32>,
        %get3A_1235 = vector.shape_cast %get3A_1234 : vector<1x1x16xf32> to vector<16xf32>
        %add3A_1236 = arith.addf %scan3A_1205, %get3A_1235 : vector<16xf32>
        %mul3A_1237 = arith.mulf %get3A_1229, %get3A_1235 : vector<16xf32>
        %add3A_1238 = arith.addf %scan3A_1213, %mul3A_1237 : vector<16xf32>
        %get3A_1239 = arith.constant 0 : i32
        %get3A_1240 = arith.index_cast %get3A_1239 : i32 to index
        %get3A_1241 = arith.index_cast %add3A_1224 : i32 to index
        %get3A_1242 = arith.constant 16 : index
        %get3A_1243 = tpu.vector_load %arg10[%get3A_1240, %get3A_1241, %get3A_1242] {strides = array<i32>} : memref<2x64x128xf32, #tpu.memory_space<vmem>>, vector<1x1x16xf32>,
        %get3A_1244 = vector.shape_cast %get3A_1243 : vector<1x1x16xf32> to vector<16xf32>
        %add3A_1245 = arith.addf %scan3A_1206, %get3A_1244 : vector<16xf32>
        %mul3A_1246 = arith.mulf %get3A_1229, %get3A_1244 : vector<16xf32>
        %add3A_1247 = arith.addf %scan3A_1214, %mul3A_1246 : vector<16xf32>
        %get3A_1248 = arith.constant 0 : i32
        %get3A_1249 = arith.index_cast %get3A_1248 : i32 to index
        %get3A_1250 = arith.index_cast %add3A_1224 : i32 to index
        %get3A_1251 = arith.constant 32 : index
        %get3A_1252 = tpu.vector_load %arg10[%get3A_1249, %get3A_1250, %get3A_1251] {strides = array<i32>} : memref<2x64x128xf32, #tpu.memory_space<vmem>>, vector<1x1x16xf32>,
        %get3A_1253 = vector.shape_cast %get3A_1252 : vector<1x1x16xf32> to vector<16xf32>
        %add3A_1254 = arith.addf %scan3A_1207, %get3A_1253 : vector<16xf32>
        %mul3A_1255 = arith.mulf %get3A_1229, %get3A_1253 : vector<16xf32>
        %add3A_1256 = arith.addf %scan3A_1215, %mul3A_1255 : vector<16xf32>
        %get3A_1257 = arith.constant 0 : i32
        %get3A_1258 = arith.index_cast %get3A_1257 : i32 to index
        %get3A_1259 = arith.index_cast %add3A_1224 : i32 to index
        %get3A_1260 = arith.constant 48 : index
        %get3A_1261 = tpu.vector_load %arg10[%get3A_1258, %get3A_1259, %get3A_1260] {strides = array<i32>} : memref<2x64x128xf32, #tpu.memory_space<vmem>>, vector<1x1x16xf32>,
        %get3A_1262 = vector.shape_cast %get3A_1261 : vector<1x1x16xf32> to vector<16xf32>
        %add3A_1263 = arith.addf %scan3A_1208, %get3A_1262 : vector<16xf32>
        %mul3A_1264 = arith.mulf %get3A_1229, %get3A_1262 : vector<16xf32>
        %add3A_1265 = arith.addf %scan3A_1216, %mul3A_1264 : vector<16xf32>
        %get3A_1266 = arith.constant 0 : i32
        %get3A_1267 = arith.index_cast %get3A_1266 : i32 to index
        %get3A_1268 = arith.index_cast %add3A_1224 : i32 to index
        %get3A_1269 = arith.constant 64 : index
        %get3A_1270 = tpu.vector_load %arg10[%get3A_1267, %get3A_1268, %get3A_1269] {strides = array<i32>} : memref<2x64x128xf32, #tpu.memory_space<vmem>>, vector<1x1x16xf32>,
        %get3A_1271 = vector.shape_cast %get3A_1270 : vector<1x1x16xf32> to vector<16xf32>
        %add3A_1272 = arith.addf %scan3A_1209, %get3A_1271 : vector<16xf32>
        %mul3A_1273 = arith.mulf %get3A_1229, %get3A_1271 : vector<16xf32>
        %add3A_1274 = arith.addf %scan3A_1217, %mul3A_1273 : vector<16xf32>
        %get3A_1275 = arith.constant 0 : i32
        %get3A_1276 = arith.index_cast %get3A_1275 : i32 to index
        %get3A_1277 = arith.index_cast %add3A_1224 : i32 to index
        %get3A_1278 = arith.constant 80 : index
        %get3A_1279 = tpu.vector_load %arg10[%get3A_1276, %get3A_1277, %get3A_1278] {strides = array<i32>} : memref<2x64x128xf32, #tpu.memory_space<vmem>>, vector<1x1x16xf32>,
        %get3A_1280 = vector.shape_cast %get3A_1279 : vector<1x1x16xf32> to vector<16xf32>
        %add3A_1281 = arith.addf %scan3A_1210, %get3A_1280 : vector<16xf32>
        %mul3A_1282 = arith.mulf %get3A_1229, %get3A_1280 : vector<16xf32>
        %add3A_1283 = arith.addf %scan3A_1218, %mul3A_1282 : vector<16xf32>
        %get3A_1284 = arith.constant 0 : i32
        %get3A_1285 = arith.index_cast %get3A_1284 : i32 to index
        %get3A_1286 = arith.index_cast %add3A_1224 : i32 to index
        %get3A_1287 = arith.constant 96 : index
        %get3A_1288 = tpu.vector_load %arg10[%get3A_1285, %get3A_1286, %get3A_1287] {strides = array<i32>} : memref<2x64x128xf32, #tpu.memory_space<vmem>>, vector<1x1x16xf32>,
        %get3A_1289 = vector.shape_cast %get3A_1288 : vector<1x1x16xf32> to vector<16xf32>
        %add3A_1290 = arith.addf %scan3A_1211, %get3A_1289 : vector<16xf32>
        %mul3A_1291 = arith.mulf %get3A_1229, %get3A_1289 : vector<16xf32>
        %add3A_1292 = arith.addf %scan3A_1219, %mul3A_1291 : vector<16xf32>
        %get3A_1293 = arith.constant 0 : i32
        %get3A_1294 = arith.index_cast %get3A_1293 : i32 to index
        %get3A_1295 = arith.index_cast %add3A_1224 : i32 to index
        %get3A_1296 = arith.constant 112 : index
        %get3A_1297 = tpu.vector_load %arg10[%get3A_1294, %get3A_1295, %get3A_1296] {strides = array<i32>} : memref<2x64x128xf32, #tpu.memory_space<vmem>>, vector<1x1x16xf32>,
        %get3A_1298 = vector.shape_cast %get3A_1297 : vector<1x1x16xf32> to vector<16xf32>
        %add3A_1299 = arith.addf %scan3A_1212, %get3A_1298 : vector<16xf32>
        %mul3A_1300 = arith.mulf %get3A_1229, %get3A_1298 : vector<16xf32>
        %add3A_1301 = arith.addf %scan3A_1220, %mul3A_1300 : vector<16xf32>
        %mul3A_1302 = arith.constant 2 : i32
        %mul3A_1303 = arith.muli %mul3A_1302, %scan3A_1204 : i32
        %add3A_1304 = arith.constant 1 : i32
        %add3A_1305 = arith.addi %mul3A_1303, %add3A_1304 : i32
        %get3A_1306 = arith.constant 0 : i32
        %get3A_1307 = arith.index_cast %get3A_1306 : i32 to index
        %get3A_1308 = arith.index_cast %add3A_1305 : i32 to index
        %get3A_1309 = arith.constant 0 : index
        %get3A_1310 = tpu.vector_load %arg6[%get3A_1307, %get3A_1308, %get3A_1309] {strides = array<i32>} : memref<2x64x16xf32, #tpu.memory_space<vmem>>, vector<1x1x16xf32>,
        %get3A_1311 = vector.shape_cast %get3A_1310 : vector<1x1x16xf32> to vector<16xf32>
        %get3A_1312 = arith.constant 0 : i32
        %get3A_1313 = arith.index_cast %get3A_1312 : i32 to index
        %get3A_1314 = arith.index_cast %add3A_1305 : i32 to index
        %get3A_1315 = arith.constant 0 : index
        %get3A_1316 = tpu.vector_load %arg10[%get3A_1313, %get3A_1314, %get3A_1315] {strides = array<i32>} : memref<2x64x128xf32, #tpu.memory_space<vmem>>, vector<1x1x16xf32>,
        %get3A_1317 = vector.shape_cast %get3A_1316 : vector<1x1x16xf32> to vector<16xf32>
        %add3A_1318 = arith.addf %add3A_1236, %get3A_1317 : vector<16xf32>
        %mul3A_1319 = arith.mulf %get3A_1311, %get3A_1317 : vector<16xf32>
        %add3A_1320 = arith.addf %add3A_1238, %mul3A_1319 : vector<16xf32>
        %get3A_1321 = arith.constant 0 : i32
        %get3A_1322 = arith.index_cast %get3A_1321 : i32 to index
        %get3A_1323 = arith.index_cast %add3A_1305 : i32 to index
        %get3A_1324 = arith.constant 16 : index
        %get3A_1325 = tpu.vector_load %arg10[%get3A_1322, %get3A_1323, %get3A_1324] {strides = array<i32>} : memref<2x64x128xf32, #tpu.memory_space<vmem>>, vector<1x1x16xf32>,
        %get3A_1326 = vector.shape_cast %get3A_1325 : vector<1x1x16xf32> to vector<16xf32>
        %add3A_1327 = arith.addf %add3A_1245, %get3A_1326 : vector<16xf32>
        %mul3A_1328 = arith.mulf %get3A_1311, %get3A_1326 : vector<16xf32>
        %add3A_1329 = arith.addf %add3A_1247, %mul3A_1328 : vector<16xf32>
        %get3A_1330 = arith.constant 0 : i32
        %get3A_1331 = arith.index_cast %get3A_1330 : i32 to index
        %get3A_1332 = arith.index_cast %add3A_1305 : i32 to index
        %get3A_1333 = arith.constant 32 : index
        %get3A_1334 = tpu.vector_load %arg10[%get3A_1331, %get3A_1332, %get3A_1333] {strides = array<i32>} : memref<2x64x128xf32, #tpu.memory_space<vmem>>, vector<1x1x16xf32>,
        %get3A_1335 = vector.shape_cast %get3A_1334 : vector<1x1x16xf32> to vector<16xf32>
        %add3A_1336 = arith.addf %add3A_1254, %get3A_1335 : vector<16xf32>
        %mul3A_1337 = arith.mulf %get3A_1311, %get3A_1335 : vector<16xf32>
        %add3A_1338 = arith.addf %add3A_1256, %mul3A_1337 : vector<16xf32>
        %get3A_1339 = arith.constant 0 : i32
        %get3A_1340 = arith.index_cast %get3A_1339 : i32 to index
        %get3A_1341 = arith.index_cast %add3A_1305 : i32 to index
        %get3A_1342 = arith.constant 48 : index
        %get3A_1343 = tpu.vector_load %arg10[%get3A_1340, %get3A_1341, %get3A_1342] {strides = array<i32>} : memref<2x64x128xf32, #tpu.memory_space<vmem>>, vector<1x1x16xf32>,
        %get3A_1344 = vector.shape_cast %get3A_1343 : vector<1x1x16xf32> to vector<16xf32>
        %add3A_1345 = arith.addf %add3A_1263, %get3A_1344 : vector<16xf32>
        %mul3A_1346 = arith.mulf %get3A_1311, %get3A_1344 : vector<16xf32>
        %add3A_1347 = arith.addf %add3A_1265, %mul3A_1346 : vector<16xf32>
        %get3A_1348 = arith.constant 0 : i32
        %get3A_1349 = arith.index_cast %get3A_1348 : i32 to index
        %get3A_1350 = arith.index_cast %add3A_1305 : i32 to index
        %get3A_1351 = arith.constant 64 : index
        %get3A_1352 = tpu.vector_load %arg10[%get3A_1349, %get3A_1350, %get3A_1351] {strides = array<i32>} : memref<2x64x128xf32, #tpu.memory_space<vmem>>, vector<1x1x16xf32>,
        %get3A_1353 = vector.shape_cast %get3A_1352 : vector<1x1x16xf32> to vector<16xf32>
        %add3A_1354 = arith.addf %add3A_1272, %get3A_1353 : vector<16xf32>
        %mul3A_1355 = arith.mulf %get3A_1311, %get3A_1353 : vector<16xf32>
        %add3A_1356 = arith.addf %add3A_1274, %mul3A_1355 : vector<16xf32>
        %get3A_1357 = arith.constant 0 : i32
        %get3A_1358 = arith.index_cast %get3A_1357 : i32 to index
        %get3A_1359 = arith.index_cast %add3A_1305 : i32 to index
        %get3A_1360 = arith.constant 80 : index
        %get3A_1361 = tpu.vector_load %arg10[%get3A_1358, %get3A_1359, %get3A_1360] {strides = array<i32>} : memref<2x64x128xf32, #tpu.memory_space<vmem>>, vector<1x1x16xf32>,
        %get3A_1362 = vector.shape_cast %get3A_1361 : vector<1x1x16xf32> to vector<16xf32>
        %add3A_1363 = arith.addf %add3A_1281, %get3A_1362 : vector<16xf32>
        %mul3A_1364 = arith.mulf %get3A_1311, %get3A_1362 : vector<16xf32>
        %add3A_1365 = arith.addf %add3A_1283, %mul3A_1364 : vector<16xf32>
        %get3A_1366 = arith.constant 0 : i32
        %get3A_1367 = arith.index_cast %get3A_1366 : i32 to index
        %get3A_1368 = arith.index_cast %add3A_1305 : i32 to index
        %get3A_1369 = arith.constant 96 : index
        %get3A_1370 = tpu.vector_load %arg10[%get3A_1367, %get3A_1368, %get3A_1369] {strides = array<i32>} : memref<2x64x128xf32, #tpu.memory_space<vmem>>, vector<1x1x16xf32>,
        %get3A_1371 = vector.shape_cast %get3A_1370 : vector<1x1x16xf32> to vector<16xf32>
        %add3A_1372 = arith.addf %add3A_1290, %get3A_1371 : vector<16xf32>
        %mul3A_1373 = arith.mulf %get3A_1311, %get3A_1371 : vector<16xf32>
        %add3A_1374 = arith.addf %add3A_1292, %mul3A_1373 : vector<16xf32>
        %get3A_1375 = arith.constant 0 : i32
        %get3A_1376 = arith.index_cast %get3A_1375 : i32 to index
        %get3A_1377 = arith.index_cast %add3A_1305 : i32 to index
        %get3A_1378 = arith.constant 112 : index
        %get3A_1379 = tpu.vector_load %arg10[%get3A_1376, %get3A_1377, %get3A_1378] {strides = array<i32>} : memref<2x64x128xf32, #tpu.memory_space<vmem>>, vector<1x1x16xf32>,
        %get3A_1380 = vector.shape_cast %get3A_1379 : vector<1x1x16xf32> to vector<16xf32>
        %add3A_1381 = arith.addf %add3A_1299, %get3A_1380 : vector<16xf32>
        %mul3A_1382 = arith.mulf %get3A_1311, %get3A_1380 : vector<16xf32>
        %add3A_1383 = arith.addf %add3A_1301, %mul3A_1382 : vector<16xf32>
        scf.yield %add3A_1318, %add3A_1327, %add3A_1336, %add3A_1345, %add3A_1354, %add3A_1363, %add3A_1372, %add3A_1381, %add3A_1320, %add3A_1329, %add3A_1338, %add3A_1347, %add3A_1356, %add3A_1365, %add3A_1374, %add3A_1383 : vector<16xf32>, vector<16xf32>, vector<16xf32>, vector<16xf32>, vector<16xf32>, vector<16xf32>, vector<16xf32>, vector<16xf32>, vector<16xf32>, vector<16xf32>, vector<16xf32>, vector<16xf32>, vector<16xf32>, vector<16xf32>, vector<16xf32>, vector<16xf32>
      }
      %scan3A_930 = arith.constant 32 : i32
      %mul3A_931 = arith.constant 128 : i32
      %mul3A_932 = arith.muli %add3A_916, %mul3A_931 : i32
      %add3A_933 = arith.constant 0 : i32
      %add3A_934 = arith.addi %mul3A_932, %add3A_933 : i32
      %swap3A_935 = arith.constant 0 : i32
      %swap3A_936 = arith.index_cast %swap3A_935 : i32 to index
      %swap3A_937 = arith.index_cast %add3A_934 : i32 to index
      %swap3A_938 = tpu.vector_load %arg11[%swap3A_936, %swap3A_937] {strides = array<i32>} : memref<2x4096xf32, #tpu.memory_space<vmem>>, vector<1x16xf32>,
      %swap3A_939 = vector.shape_cast %swap3A_938 : vector<1x16xf32> to vector<16xf32>
      %swap3A_940 = vector.shape_cast %scan3A_929#0 : vector<16xf32> to vector<1x16xf32>
      tpu.vector_store %arg11[%swap3A_936, %swap3A_937], %swap3A_940 {strides = array<i32>} : memref<2x4096xf32, #tpu.memory_space<vmem>>, vector<1x16xf32>,
      %add3A_941 = arith.constant 0 : i32
      %add3A_942 = arith.addi %mul3A_932, %add3A_941 : i32
      %swap3A_943 = arith.constant 0 : i32
      %swap3A_944 = arith.index_cast %swap3A_943 : i32 to index
      %swap3A_945 = arith.index_cast %add3A_942 : i32 to index
      %swap3A_946 = tpu.vector_load %arg12[%swap3A_944, %swap3A_945] {strides = array<i32>} : memref<2x4096xf32, #tpu.memory_space<vmem>>, vector<1x16xf32>,
      %swap3A_947 = vector.shape_cast %swap3A_946 : vector<1x16xf32> to vector<16xf32>
      %swap3A_948 = vector.shape_cast %scan3A_929#8 : vector<16xf32> to vector<1x16xf32>
      tpu.vector_store %arg12[%swap3A_944, %swap3A_945], %swap3A_948 {strides = array<i32>} : memref<2x4096xf32, #tpu.memory_space<vmem>>, vector<1x16xf32>,
      %add3A_949 = arith.constant 16 : i32
      %add3A_950 = arith.addi %mul3A_932, %add3A_949 : i32
      %swap3A_951 = arith.constant 0 : i32
      %swap3A_952 = arith.index_cast %swap3A_951 : i32 to index
      %swap3A_953 = arith.index_cast %add3A_950 : i32 to index
      %swap3A_954 = tpu.vector_load %arg11[%swap3A_952, %swap3A_953] {strides = array<i32>} : memref<2x4096xf32, #tpu.memory_space<vmem>>, vector<1x16xf32>,
      %swap3A_955 = vector.shape_cast %swap3A_954 : vector<1x16xf32> to vector<16xf32>
      %swap3A_956 = vector.shape_cast %scan3A_929#1 : vector<16xf32> to vector<1x16xf32>
      tpu.vector_store %arg11[%swap3A_952, %swap3A_953], %swap3A_956 {strides = array<i32>} : memref<2x4096xf32, #tpu.memory_space<vmem>>, vector<1x16xf32>,
      %add3A_957 = arith.constant 16 : i32
      %add3A_958 = arith.addi %mul3A_932, %add3A_957 : i32
      %swap3A_959 = arith.constant 0 : i32
      %swap3A_960 = arith.index_cast %swap3A_959 : i32 to index
      %swap3A_961 = arith.index_cast %add3A_958 : i32 to index
      %swap3A_962 = tpu.vector_load %arg12[%swap3A_960, %swap3A_961] {strides = array<i32>} : memref<2x4096xf32, #tpu.memory_space<vmem>>, vector<1x16xf32>,
      %swap3A_963 = vector.shape_cast %swap3A_962 : vector<1x16xf32> to vector<16xf32>
      %swap3A_964 = vector.shape_cast %scan3A_929#9 : vector<16xf32> to vector<1x16xf32>
      tpu.vector_store %arg12[%swap3A_960, %swap3A_961], %swap3A_964 {strides = array<i32>} : memref<2x4096xf32, #tpu.memory_space<vmem>>, vector<1x16xf32>,
      %add3A_965 = arith.constant 32 : i32
      %add3A_966 = arith.addi %mul3A_932, %add3A_965 : i32
      %swap3A_967 = arith.constant 0 : i32
      %swap3A_968 = arith.index_cast %swap3A_967 : i32 to index
      %swap3A_969 = arith.index_cast %add3A_966 : i32 to index
      %swap3A_970 = tpu.vector_load %arg11[%swap3A_968, %swap3A_969] {strides = array<i32>} : memref<2x4096xf32, #tpu.memory_space<vmem>>, vector<1x16xf32>,
      %swap3A_971 = vector.shape_cast %swap3A_970 : vector<1x16xf32> to vector<16xf32>
      %swap3A_972 = vector.shape_cast %scan3A_929#2 : vector<16xf32> to vector<1x16xf32>
      tpu.vector_store %arg11[%swap3A_968, %swap3A_969], %swap3A_972 {strides = array<i32>} : memref<2x4096xf32, #tpu.memory_space<vmem>>, vector<1x16xf32>,
      %add3A_973 = arith.constant 32 : i32
      %add3A_974 = arith.addi %mul3A_932, %add3A_973 : i32
      %swap3A_975 = arith.constant 0 : i32
      %swap3A_976 = arith.index_cast %swap3A_975 : i32 to index
      %swap3A_977 = arith.index_cast %add3A_974 : i32 to index
      %swap3A_978 = tpu.vector_load %arg12[%swap3A_976, %swap3A_977] {strides = array<i32>} : memref<2x4096xf32, #tpu.memory_space<vmem>>, vector<1x16xf32>,
      %swap3A_979 = vector.shape_cast %swap3A_978 : vector<1x16xf32> to vector<16xf32>
      %swap3A_980 = vector.shape_cast %scan3A_929#10 : vector<16xf32> to vector<1x16xf32>
      tpu.vector_store %arg12[%swap3A_976, %swap3A_977], %swap3A_980 {strides = array<i32>} : memref<2x4096xf32, #tpu.memory_space<vmem>>, vector<1x16xf32>,
      %add3A_981 = arith.constant 48 : i32
      %add3A_982 = arith.addi %mul3A_932, %add3A_981 : i32
      %swap3A_983 = arith.constant 0 : i32
      %swap3A_984 = arith.index_cast %swap3A_983 : i32 to index
      %swap3A_985 = arith.index_cast %add3A_982 : i32 to index
      %swap3A_986 = tpu.vector_load %arg11[%swap3A_984, %swap3A_985] {strides = array<i32>} : memref<2x4096xf32, #tpu.memory_space<vmem>>, vector<1x16xf32>,
      %swap3A_987 = vector.shape_cast %swap3A_986 : vector<1x16xf32> to vector<16xf32>
      %swap3A_988 = vector.shape_cast %scan3A_929#3 : vector<16xf32> to vector<1x16xf32>
      tpu.vector_store %arg11[%swap3A_984, %swap3A_985], %swap3A_988 {strides = array<i32>} : memref<2x4096xf32, #tpu.memory_space<vmem>>, vector<1x16xf32>,
      %add3A_989 = arith.constant 48 : i32
      %add3A_990 = arith.addi %mul3A_932, %add3A_989 : i32
      %swap3A_991 = arith.constant 0 : i32
      %swap3A_992 = arith.index_cast %swap3A_991 : i32 to index
      %swap3A_993 = arith.index_cast %add3A_990 : i32 to index
      %swap3A_994 = tpu.vector_load %arg12[%swap3A_992, %swap3A_993] {strides = array<i32>} : memref<2x4096xf32, #tpu.memory_space<vmem>>, vector<1x16xf32>,
      %swap3A_995 = vector.shape_cast %swap3A_994 : vector<1x16xf32> to vector<16xf32>
      %swap3A_996 = vector.shape_cast %scan3A_929#11 : vector<16xf32> to vector<1x16xf32>
      tpu.vector_store %arg12[%swap3A_992, %swap3A_993], %swap3A_996 {strides = array<i32>} : memref<2x4096xf32, #tpu.memory_space<vmem>>, vector<1x16xf32>,
      %add3A_997 = arith.constant 64 : i32
      %add3A_998 = arith.addi %mul3A_932, %add3A_997 : i32
      %swap3A_999 = arith.constant 0 : i32
      %swap3A_1000 = arith.index_cast %swap3A_999 : i32 to index
      %swap3A_1001 = arith.index_cast %add3A_998 : i32 to index
      %swap3A_1002 = tpu.vector_load %arg11[%swap3A_1000, %swap3A_1001] {strides = array<i32>} : memref<2x4096xf32, #tpu.memory_space<vmem>>, vector<1x16xf32>,
      %swap3A_1003 = vector.shape_cast %swap3A_1002 : vector<1x16xf32> to vector<16xf32>
      %swap3A_1004 = vector.shape_cast %scan3A_929#4 : vector<16xf32> to vector<1x16xf32>
      tpu.vector_store %arg11[%swap3A_1000, %swap3A_1001], %swap3A_1004 {strides = array<i32>} : memref<2x4096xf32, #tpu.memory_space<vmem>>, vector<1x16xf32>,
      %add3A_1005 = arith.constant 64 : i32
      %add3A_1006 = arith.addi %mul3A_932, %add3A_1005 : i32
      %swap3A_1007 = arith.constant 0 : i32
      %swap3A_1008 = arith.index_cast %swap3A_1007 : i32 to index
      %swap3A_1009 = arith.index_cast %add3A_1006 : i32 to index
      %swap3A_1010 = tpu.vector_load %arg12[%swap3A_1008, %swap3A_1009] {strides = array<i32>} : memref<2x4096xf32, #tpu.memory_space<vmem>>, vector<1x16xf32>,
      %swap3A_1011 = vector.shape_cast %swap3A_1010 : vector<1x16xf32> to vector<16xf32>
      %swap3A_1012 = vector.shape_cast %scan3A_929#12 : vector<16xf32> to vector<1x16xf32>
      tpu.vector_store %arg12[%swap3A_1008, %swap3A_1009], %swap3A_1012 {strides = array<i32>} : memref<2x4096xf32, #tpu.memory_space<vmem>>, vector<1x16xf32>,
      %add3A_1013 = arith.constant 80 : i32
      %add3A_1014 = arith.addi %mul3A_932, %add3A_1013 : i32
      %swap3A_1015 = arith.constant 0 : i32
      %swap3A_1016 = arith.index_cast %swap3A_1015 : i32 to index
      %swap3A_1017 = arith.index_cast %add3A_1014 : i32 to index
      %swap3A_1018 = tpu.vector_load %arg11[%swap3A_1016, %swap3A_1017] {strides = array<i32>} : memref<2x4096xf32, #tpu.memory_space<vmem>>, vector<1x16xf32>,
      %swap3A_1019 = vector.shape_cast %swap3A_1018 : vector<1x16xf32> to vector<16xf32>
      %swap3A_1020 = vector.shape_cast %scan3A_929#5 : vector<16xf32> to vector<1x16xf32>
      tpu.vector_store %arg11[%swap3A_1016, %swap3A_1017], %swap3A_1020 {strides = array<i32>} : memref<2x4096xf32, #tpu.memory_space<vmem>>, vector<1x16xf32>,
      %add3A_1021 = arith.constant 80 : i32
      %add3A_1022 = arith.addi %mul3A_932, %add3A_1021 : i32
      %swap3A_1023 = arith.constant 0 : i32
      %swap3A_1024 = arith.index_cast %swap3A_1023 : i32 to index
      %swap3A_1025 = arith.index_cast %add3A_1022 : i32 to index
      %swap3A_1026 = tpu.vector_load %arg12[%swap3A_1024, %swap3A_1025] {strides = array<i32>} : memref<2x4096xf32, #tpu.memory_space<vmem>>, vector<1x16xf32>,
      %swap3A_1027 = vector.shape_cast %swap3A_1026 : vector<1x16xf32> to vector<16xf32>
      %swap3A_1028 = vector.shape_cast %scan3A_929#13 : vector<16xf32> to vector<1x16xf32>
      tpu.vector_store %arg12[%swap3A_1024, %swap3A_1025], %swap3A_1028 {strides = array<i32>} : memref<2x4096xf32, #tpu.memory_space<vmem>>, vector<1x16xf32>,
      %add3A_1029 = arith.constant 96 : i32
      %add3A_1030 = arith.addi %mul3A_932, %add3A_1029 : i32
      %swap3A_1031 = arith.constant 0 : i32
      %swap3A_1032 = arith.index_cast %swap3A_1031 : i32 to index
      %swap3A_1033 = arith.index_cast %add3A_1030 : i32 to index
      %swap3A_1034 = tpu.vector_load %arg11[%swap3A_1032, %swap3A_1033] {strides = array<i32>} : memref<2x4096xf32, #tpu.memory_space<vmem>>, vector<1x16xf32>,
      %swap3A_1035 = vector.shape_cast %swap3A_1034 : vector<1x16xf32> to vector<16xf32>
      %swap3A_1036 = vector.shape_cast %scan3A_929#6 : vector<16xf32> to vector<1x16xf32>
      tpu.vector_store %arg11[%swap3A_1032, %swap3A_1033], %swap3A_1036 {strides = array<i32>} : memref<2x4096xf32, #tpu.memory_space<vmem>>, vector<1x16xf32>,
      %add3A_1037 = arith.constant 96 : i32
      %add3A_1038 = arith.addi %mul3A_932, %add3A_1037 : i32
      %swap3A_1039 = arith.constant 0 : i32
      %swap3A_1040 = arith.index_cast %swap3A_1039 : i32 to index
      %swap3A_1041 = arith.index_cast %add3A_1038 : i32 to index
      %swap3A_1042 = tpu.vector_load %arg12[%swap3A_1040, %swap3A_1041] {strides = array<i32>} : memref<2x4096xf32, #tpu.memory_space<vmem>>, vector<1x16xf32>,
      %swap3A_1043 = vector.shape_cast %swap3A_1042 : vector<1x16xf32> to vector<16xf32>
      %swap3A_1044 = vector.shape_cast %scan3A_929#14 : vector<16xf32> to vector<1x16xf32>
      tpu.vector_store %arg12[%swap3A_1040, %swap3A_1041], %swap3A_1044 {strides = array<i32>} : memref<2x4096xf32, #tpu.memory_space<vmem>>, vector<1x16xf32>,
      %add3A_1045 = arith.constant 112 : i32
      %add3A_1046 = arith.addi %mul3A_932, %add3A_1045 : i32
      %swap3A_1047 = arith.constant 0 : i32
      %swap3A_1048 = arith.index_cast %swap3A_1047 : i32 to index
      %swap3A_1049 = arith.index_cast %add3A_1046 : i32 to index
      %swap3A_1050 = tpu.vector_load %arg11[%swap3A_1048, %swap3A_1049] {strides = array<i32>} : memref<2x4096xf32, #tpu.memory_space<vmem>>, vector<1x16xf32>,
      %swap3A_1051 = vector.shape_cast %swap3A_1050 : vector<1x16xf32> to vector<16xf32>
      %swap3A_1052 = vector.shape_cast %scan3A_929#7 : vector<16xf32> to vector<1x16xf32>
      tpu.vector_store %arg11[%swap3A_1048, %swap3A_1049], %swap3A_1052 {strides = array<i32>} : memref<2x4096xf32, #tpu.memory_space<vmem>>, vector<1x16xf32>,
      %add3A_1053 = arith.constant 112 : i32
      %add3A_1054 = arith.addi %mul3A_932, %add3A_1053 : i32
      %swap3A_1055 = arith.constant 0 : i32
      %swap3A_1056 = arith.index_cast %swap3A_1055 : i32 to index
      %swap3A_1057 = arith.index_cast %add3A_1054 : i32 to index
      %swap3A_1058 = tpu.vector_load %arg12[%swap3A_1056, %swap3A_1057] {strides = array<i32>} : memref<2x4096xf32, #tpu.memory_space<vmem>>, vector<1x16xf32>,
      %swap3A_1059 = vector.shape_cast %swap3A_1058 : vector<1x16xf32> to vector<16xf32>
      %swap3A_1060 = vector.shape_cast %scan3A_929#15 : vector<16xf32> to vector<1x16xf32>
      tpu.vector_store %arg12[%swap3A_1056, %swap3A_1057], %swap3A_1060 {strides = array<i32>} : memref<2x4096xf32, #tpu.memory_space<vmem>>, vector<1x16xf32>,
      %scan3A_1061 = arith.constant 0 : i32
      %scan3A_1062 = arith.constant 32 : i32
      %scan3A_1063 = arith.addi %scan3A_1061, %scan3A_1062 : i32
      %scan3A_1064 = arith.constant 1 : i32
      %scan3A_1065:16 = scf.for %scan3A_1204 = %scan3A_1061 to %scan3A_1063 step %scan3A_1064 iter_args(%scan3A_1205 = %broadcast_in_dim3A_3, %scan3A_1206 = %broadcast_in_dim3A_3, %scan3A_1207 = %broadcast_in_dim3A_3, %scan3A_1208 = %broadcast_in_dim3A_3, %scan3A_1209 = %broadcast_in_dim3A_3, %scan3A_1210 = %broadcast_in_dim3A_3, %scan3A_1211 = %broadcast_in_dim3A_3, %scan3A_1212 = %broadcast_in_dim3A_3, %scan3A_1213 = %broadcast_in_dim3A_3, %scan3A_1214 = %broadcast_in_dim3A_3, %scan3A_1215 = %broadcast_in_dim3A_3, %scan3A_1216 = %broadcast_in_dim3A_3, %scan3A_1217 = %broadcast_in_dim3A_3, %scan3A_1218 = %broadcast_in_dim3A_3, %scan3A_1219 = %broadcast_in_dim3A_3, %scan3A_1220 = %broadcast_in_dim3A_3) -> (vector<16xf32>, vector<16xf32>, vector<16xf32>, vector<16xf32>, vector<16xf32>, vector<16xf32>, vector<16xf32>, vector<16xf32>, vector<16xf32>, vector<16xf32>, vector<16xf32>, vector<16xf32>, vector<16xf32>, vector<16xf32>, vector<16xf32>, vector<16xf32>)  : i32 {
        %mul3A_1221 = arith.constant 2 : i32
        %mul3A_1222 = arith.muli %mul3A_1221, %scan3A_1204 : i32
        %add3A_1223 = arith.constant 0 : i32
        %add3A_1224 = arith.addi %mul3A_1222, %add3A_1223 : i32
        %get3A = arith.constant 1 : i32
        %get3A_1225 = arith.index_cast %get3A : i32 to index
        %get3A_1226 = arith.index_cast %add3A_1224 : i32 to index
        %get3A_1227 = arith.constant 0 : index
        %get3A_1228 = tpu.vector_load %arg6[%get3A_1225, %get3A_1226, %get3A_1227] {strides = array<i32>} : memref<2x64x16xf32, #tpu.memory_space<vmem>>, vector<1x1x16xf32>,
        %get3A_1229 = vector.shape_cast %get3A_1228 : vector<1x1x16xf32> to vector<16xf32>
        %get3A_1230 = arith.constant 1 : i32
        %get3A_1231 = arith.index_cast %get3A_1230 : i32 to index
        %get3A_1232 = arith.index_cast %add3A_1224 : i32 to index
        %get3A_1233 = arith.constant 0 : index
        %get3A_1234 = tpu.vector_load %arg10[%get3A_1231, %get3A_1232, %get3A_1233] {strides = array<i32>} : memref<2x64x128xf32, #tpu.memory_space<vmem>>, vector<1x1x16xf32>,
        %get3A_1235 = vector.shape_cast %get3A_1234 : vector<1x1x16xf32> to vector<16xf32>
        %add3A_1236 = arith.addf %scan3A_1205, %get3A_1235 : vector<16xf32>
        %mul3A_1237 = arith.mulf %get3A_1229, %get3A_1235 : vector<16xf32>
        %add3A_1238 = arith.addf %scan3A_1213, %mul3A_1237 : vector<16xf32>
        %get3A_1239 = arith.constant 1 : i32
        %get3A_1240 = arith.index_cast %get3A_1239 : i32 to index
        %get3A_1241 = arith.index_cast %add3A_1224 : i32 to index
        %get3A_1242 = arith.constant 16 : index
        %get3A_1243 = tpu.vector_load %arg10[%get3A_1240, %get3A_1241, %get3A_1242] {strides = array<i32>} : memref<2x64x128xf32, #tpu.memory_space<vmem>>, vector<1x1x16xf32>,
        %get3A_1244 = vector.shape_cast %get3A_1243 : vector<1x1x16xf32> to vector<16xf32>
        %add3A_1245 = arith.addf %scan3A_1206, %get3A_1244 : vector<16xf32>
        %mul3A_1246 = arith.mulf %get3A_1229, %get3A_1244 : vector<16xf32>
        %add3A_1247 = arith.addf %scan3A_1214, %mul3A_1246 : vector<16xf32>
        %get3A_1248 = arith.constant 1 : i32
        %get3A_1249 = arith.index_cast %get3A_1248 : i32 to index
        %get3A_1250 = arith.index_cast %add3A_1224 : i32 to index
        %get3A_1251 = arith.constant 32 : index
        %get3A_1252 = tpu.vector_load %arg10[%get3A_1249, %get3A_1250, %get3A_1251] {strides = array<i32>} : memref<2x64x128xf32, #tpu.memory_space<vmem>>, vector<1x1x16xf32>,
        %get3A_1253 = vector.shape_cast %get3A_1252 : vector<1x1x16xf32> to vector<16xf32>
        %add3A_1254 = arith.addf %scan3A_1207, %get3A_1253 : vector<16xf32>
        %mul3A_1255 = arith.mulf %get3A_1229, %get3A_1253 : vector<16xf32>
        %add3A_1256 = arith.addf %scan3A_1215, %mul3A_1255 : vector<16xf32>
        %get3A_1257 = arith.constant 1 : i32
        %get3A_1258 = arith.index_cast %get3A_1257 : i32 to index
        %get3A_1259 = arith.index_cast %add3A_1224 : i32 to index
        %get3A_1260 = arith.constant 48 : index
        %get3A_1261 = tpu.vector_load %arg10[%get3A_1258, %get3A_1259, %get3A_1260] {strides = array<i32>} : memref<2x64x128xf32, #tpu.memory_space<vmem>>, vector<1x1x16xf32>,
        %get3A_1262 = vector.shape_cast %get3A_1261 : vector<1x1x16xf32> to vector<16xf32>
        %add3A_1263 = arith.addf %scan3A_1208, %get3A_1262 : vector<16xf32>
        %mul3A_1264 = arith.mulf %get3A_1229, %get3A_1262 : vector<16xf32>
        %add3A_1265 = arith.addf %scan3A_1216, %mul3A_1264 : vector<16xf32>
        %get3A_1266 = arith.constant 1 : i32
        %get3A_1267 = arith.index_cast %get3A_1266 : i32 to index
        %get3A_1268 = arith.index_cast %add3A_1224 : i32 to index
        %get3A_1269 = arith.constant 64 : index
        %get3A_1270 = tpu.vector_load %arg10[%get3A_1267, %get3A_1268, %get3A_1269] {strides = array<i32>} : memref<2x64x128xf32, #tpu.memory_space<vmem>>, vector<1x1x16xf32>,
        %get3A_1271 = vector.shape_cast %get3A_1270 : vector<1x1x16xf32> to vector<16xf32>
        %add3A_1272 = arith.addf %scan3A_1209, %get3A_1271 : vector<16xf32>
        %mul3A_1273 = arith.mulf %get3A_1229, %get3A_1271 : vector<16xf32>
        %add3A_1274 = arith.addf %scan3A_1217, %mul3A_1273 : vector<16xf32>
        %get3A_1275 = arith.constant 1 : i32
        %get3A_1276 = arith.index_cast %get3A_1275 : i32 to index
        %get3A_1277 = arith.index_cast %add3A_1224 : i32 to index
        %get3A_1278 = arith.constant 80 : index
        %get3A_1279 = tpu.vector_load %arg10[%get3A_1276, %get3A_1277, %get3A_1278] {strides = array<i32>} : memref<2x64x128xf32, #tpu.memory_space<vmem>>, vector<1x1x16xf32>,
        %get3A_1280 = vector.shape_cast %get3A_1279 : vector<1x1x16xf32> to vector<16xf32>
        %add3A_1281 = arith.addf %scan3A_1210, %get3A_1280 : vector<16xf32>
        %mul3A_1282 = arith.mulf %get3A_1229, %get3A_1280 : vector<16xf32>
        %add3A_1283 = arith.addf %scan3A_1218, %mul3A_1282 : vector<16xf32>
        %get3A_1284 = arith.constant 1 : i32
        %get3A_1285 = arith.index_cast %get3A_1284 : i32 to index
        %get3A_1286 = arith.index_cast %add3A_1224 : i32 to index
        %get3A_1287 = arith.constant 96 : index
        %get3A_1288 = tpu.vector_load %arg10[%get3A_1285, %get3A_1286, %get3A_1287] {strides = array<i32>} : memref<2x64x128xf32, #tpu.memory_space<vmem>>, vector<1x1x16xf32>,
        %get3A_1289 = vector.shape_cast %get3A_1288 : vector<1x1x16xf32> to vector<16xf32>
        %add3A_1290 = arith.addf %scan3A_1211, %get3A_1289 : vector<16xf32>
        %mul3A_1291 = arith.mulf %get3A_1229, %get3A_1289 : vector<16xf32>
        %add3A_1292 = arith.addf %scan3A_1219, %mul3A_1291 : vector<16xf32>
        %get3A_1293 = arith.constant 1 : i32
        %get3A_1294 = arith.index_cast %get3A_1293 : i32 to index
        %get3A_1295 = arith.index_cast %add3A_1224 : i32 to index
        %get3A_1296 = arith.constant 112 : index
        %get3A_1297 = tpu.vector_load %arg10[%get3A_1294, %get3A_1295, %get3A_1296] {strides = array<i32>} : memref<2x64x128xf32, #tpu.memory_space<vmem>>, vector<1x1x16xf32>,
        %get3A_1298 = vector.shape_cast %get3A_1297 : vector<1x1x16xf32> to vector<16xf32>
        %add3A_1299 = arith.addf %scan3A_1212, %get3A_1298 : vector<16xf32>
        %mul3A_1300 = arith.mulf %get3A_1229, %get3A_1298 : vector<16xf32>
        %add3A_1301 = arith.addf %scan3A_1220, %mul3A_1300 : vector<16xf32>
        %mul3A_1302 = arith.constant 2 : i32
        %mul3A_1303 = arith.muli %mul3A_1302, %scan3A_1204 : i32
        %add3A_1304 = arith.constant 1 : i32
        %add3A_1305 = arith.addi %mul3A_1303, %add3A_1304 : i32
        %get3A_1306 = arith.constant 1 : i32
        %get3A_1307 = arith.index_cast %get3A_1306 : i32 to index
        %get3A_1308 = arith.index_cast %add3A_1305 : i32 to index
        %get3A_1309 = arith.constant 0 : index
        %get3A_1310 = tpu.vector_load %arg6[%get3A_1307, %get3A_1308, %get3A_1309] {strides = array<i32>} : memref<2x64x16xf32, #tpu.memory_space<vmem>>, vector<1x1x16xf32>,
        %get3A_1311 = vector.shape_cast %get3A_1310 : vector<1x1x16xf32> to vector<16xf32>
        %get3A_1312 = arith.constant 1 : i32
        %get3A_1313 = arith.index_cast %get3A_1312 : i32 to index
        %get3A_1314 = arith.index_cast %add3A_1305 : i32 to index
        %get3A_1315 = arith.constant 0 : index
        %get3A_1316 = tpu.vector_load %arg10[%get3A_1313, %get3A_1314, %get3A_1315] {strides = array<i32>} : memref<2x64x128xf32, #tpu.memory_space<vmem>>, vector<1x1x16xf32>,
        %get3A_1317 = vector.shape_cast %get3A_1316 : vector<1x1x16xf32> to vector<16xf32>
        %add3A_1318 = arith.addf %add3A_1236, %get3A_1317 : vector<16xf32>
        %mul3A_1319 = arith.mulf %get3A_1311, %get3A_1317 : vector<16xf32>
        %add3A_1320 = arith.addf %add3A_1238, %mul3A_1319 : vector<16xf32>
        %get3A_1321 = arith.constant 1 : i32
        %get3A_1322 = arith.index_cast %get3A_1321 : i32 to index
        %get3A_1323 = arith.index_cast %add3A_1305 : i32 to index
        %get3A_1324 = arith.constant 16 : index
        %get3A_1325 = tpu.vector_load %arg10[%get3A_1322, %get3A_1323, %get3A_1324] {strides = array<i32>} : memref<2x64x128xf32, #tpu.memory_space<vmem>>, vector<1x1x16xf32>,
        %get3A_1326 = vector.shape_cast %get3A_1325 : vector<1x1x16xf32> to vector<16xf32>
        %add3A_1327 = arith.addf %add3A_1245, %get3A_1326 : vector<16xf32>
        %mul3A_1328 = arith.mulf %get3A_1311, %get3A_1326 : vector<16xf32>
        %add3A_1329 = arith.addf %add3A_1247, %mul3A_1328 : vector<16xf32>
        %get3A_1330 = arith.constant 1 : i32
        %get3A_1331 = arith.index_cast %get3A_1330 : i32 to index
        %get3A_1332 = arith.index_cast %add3A_1305 : i32 to index
        %get3A_1333 = arith.constant 32 : index
        %get3A_1334 = tpu.vector_load %arg10[%get3A_1331, %get3A_1332, %get3A_1333] {strides = array<i32>} : memref<2x64x128xf32, #tpu.memory_space<vmem>>, vector<1x1x16xf32>,
        %get3A_1335 = vector.shape_cast %get3A_1334 : vector<1x1x16xf32> to vector<16xf32>
        %add3A_1336 = arith.addf %add3A_1254, %get3A_1335 : vector<16xf32>
        %mul3A_1337 = arith.mulf %get3A_1311, %get3A_1335 : vector<16xf32>
        %add3A_1338 = arith.addf %add3A_1256, %mul3A_1337 : vector<16xf32>
        %get3A_1339 = arith.constant 1 : i32
        %get3A_1340 = arith.index_cast %get3A_1339 : i32 to index
        %get3A_1341 = arith.index_cast %add3A_1305 : i32 to index
        %get3A_1342 = arith.constant 48 : index
        %get3A_1343 = tpu.vector_load %arg10[%get3A_1340, %get3A_1341, %get3A_1342] {strides = array<i32>} : memref<2x64x128xf32, #tpu.memory_space<vmem>>, vector<1x1x16xf32>,
        %get3A_1344 = vector.shape_cast %get3A_1343 : vector<1x1x16xf32> to vector<16xf32>
        %add3A_1345 = arith.addf %add3A_1263, %get3A_1344 : vector<16xf32>
        %mul3A_1346 = arith.mulf %get3A_1311, %get3A_1344 : vector<16xf32>
        %add3A_1347 = arith.addf %add3A_1265, %mul3A_1346 : vector<16xf32>
        %get3A_1348 = arith.constant 1 : i32
        %get3A_1349 = arith.index_cast %get3A_1348 : i32 to index
        %get3A_1350 = arith.index_cast %add3A_1305 : i32 to index
        %get3A_1351 = arith.constant 64 : index
        %get3A_1352 = tpu.vector_load %arg10[%get3A_1349, %get3A_1350, %get3A_1351] {strides = array<i32>} : memref<2x64x128xf32, #tpu.memory_space<vmem>>, vector<1x1x16xf32>,
        %get3A_1353 = vector.shape_cast %get3A_1352 : vector<1x1x16xf32> to vector<16xf32>
        %add3A_1354 = arith.addf %add3A_1272, %get3A_1353 : vector<16xf32>
        %mul3A_1355 = arith.mulf %get3A_1311, %get3A_1353 : vector<16xf32>
        %add3A_1356 = arith.addf %add3A_1274, %mul3A_1355 : vector<16xf32>
        %get3A_1357 = arith.constant 1 : i32
        %get3A_1358 = arith.index_cast %get3A_1357 : i32 to index
        %get3A_1359 = arith.index_cast %add3A_1305 : i32 to index
        %get3A_1360 = arith.constant 80 : index
        %get3A_1361 = tpu.vector_load %arg10[%get3A_1358, %get3A_1359, %get3A_1360] {strides = array<i32>} : memref<2x64x128xf32, #tpu.memory_space<vmem>>, vector<1x1x16xf32>,
        %get3A_1362 = vector.shape_cast %get3A_1361 : vector<1x1x16xf32> to vector<16xf32>
        %add3A_1363 = arith.addf %add3A_1281, %get3A_1362 : vector<16xf32>
        %mul3A_1364 = arith.mulf %get3A_1311, %get3A_1362 : vector<16xf32>
        %add3A_1365 = arith.addf %add3A_1283, %mul3A_1364 : vector<16xf32>
        %get3A_1366 = arith.constant 1 : i32
        %get3A_1367 = arith.index_cast %get3A_1366 : i32 to index
        %get3A_1368 = arith.index_cast %add3A_1305 : i32 to index
        %get3A_1369 = arith.constant 96 : index
        %get3A_1370 = tpu.vector_load %arg10[%get3A_1367, %get3A_1368, %get3A_1369] {strides = array<i32>} : memref<2x64x128xf32, #tpu.memory_space<vmem>>, vector<1x1x16xf32>,
        %get3A_1371 = vector.shape_cast %get3A_1370 : vector<1x1x16xf32> to vector<16xf32>
        %add3A_1372 = arith.addf %add3A_1290, %get3A_1371 : vector<16xf32>
        %mul3A_1373 = arith.mulf %get3A_1311, %get3A_1371 : vector<16xf32>
        %add3A_1374 = arith.addf %add3A_1292, %mul3A_1373 : vector<16xf32>
        %get3A_1375 = arith.constant 1 : i32
        %get3A_1376 = arith.index_cast %get3A_1375 : i32 to index
        %get3A_1377 = arith.index_cast %add3A_1305 : i32 to index
        %get3A_1378 = arith.constant 112 : index
        %get3A_1379 = tpu.vector_load %arg10[%get3A_1376, %get3A_1377, %get3A_1378] {strides = array<i32>} : memref<2x64x128xf32, #tpu.memory_space<vmem>>, vector<1x1x16xf32>,
        %get3A_1380 = vector.shape_cast %get3A_1379 : vector<1x1x16xf32> to vector<16xf32>
        %add3A_1381 = arith.addf %add3A_1299, %get3A_1380 : vector<16xf32>
        %mul3A_1382 = arith.mulf %get3A_1311, %get3A_1380 : vector<16xf32>
        %add3A_1383 = arith.addf %add3A_1301, %mul3A_1382 : vector<16xf32>
        scf.yield %add3A_1318, %add3A_1327, %add3A_1336, %add3A_1345, %add3A_1354, %add3A_1363, %add3A_1372, %add3A_1381, %add3A_1320, %add3A_1329, %add3A_1338, %add3A_1347, %add3A_1356, %add3A_1365, %add3A_1374, %add3A_1383 : vector<16xf32>, vector<16xf32>, vector<16xf32>, vector<16xf32>, vector<16xf32>, vector<16xf32>, vector<16xf32>, vector<16xf32>, vector<16xf32>, vector<16xf32>, vector<16xf32>, vector<16xf32>, vector<16xf32>, vector<16xf32>, vector<16xf32>, vector<16xf32>
      }
      %scan3A_1066 = arith.constant 32 : i32
      %mul3A_1067 = arith.constant 128 : i32
      %mul3A_1068 = arith.muli %add3A_916, %mul3A_1067 : i32
      %add3A_1069 = arith.constant 0 : i32
      %add3A_1070 = arith.addi %mul3A_1068, %add3A_1069 : i32
      %swap3A_1071 = arith.constant 1 : i32
      %swap3A_1072 = arith.index_cast %swap3A_1071 : i32 to index
      %swap3A_1073 = arith.index_cast %add3A_1070 : i32 to index
      %swap3A_1074 = tpu.vector_load %arg11[%swap3A_1072, %swap3A_1073] {strides = array<i32>} : memref<2x4096xf32, #tpu.memory_space<vmem>>, vector<1x16xf32>,
      %swap3A_1075 = vector.shape_cast %swap3A_1074 : vector<1x16xf32> to vector<16xf32>
      %swap3A_1076 = vector.shape_cast %scan3A_1065#0 : vector<16xf32> to vector<1x16xf32>
      tpu.vector_store %arg11[%swap3A_1072, %swap3A_1073], %swap3A_1076 {strides = array<i32>} : memref<2x4096xf32, #tpu.memory_space<vmem>>, vector<1x16xf32>,
      %add3A_1077 = arith.constant 0 : i32
      %add3A_1078 = arith.addi %mul3A_1068, %add3A_1077 : i32
      %swap3A_1079 = arith.constant 1 : i32
      %swap3A_1080 = arith.index_cast %swap3A_1079 : i32 to index
      %swap3A_1081 = arith.index_cast %add3A_1078 : i32 to index
      %swap3A_1082 = tpu.vector_load %arg12[%swap3A_1080, %swap3A_1081] {strides = array<i32>} : memref<2x4096xf32, #tpu.memory_space<vmem>>, vector<1x16xf32>,
      %swap3A_1083 = vector.shape_cast %swap3A_1082 : vector<1x16xf32> to vector<16xf32>
      %swap3A_1084 = vector.shape_cast %scan3A_1065#8 : vector<16xf32> to vector<1x16xf32>
      tpu.vector_store %arg12[%swap3A_1080, %swap3A_1081], %swap3A_1084 {strides = array<i32>} : memref<2x4096xf32, #tpu.memory_space<vmem>>, vector<1x16xf32>,
      %add3A_1085 = arith.constant 16 : i32
      %add3A_1086 = arith.addi %mul3A_1068, %add3A_1085 : i32
      %swap3A_1087 = arith.constant 1 : i32
      %swap3A_1088 = arith.index_cast %swap3A_1087 : i32 to index
      %swap3A_1089 = arith.index_cast %add3A_1086 : i32 to index
      %swap3A_1090 = tpu.vector_load %arg11[%swap3A_1088, %swap3A_1089] {strides = array<i32>} : memref<2x4096xf32, #tpu.memory_space<vmem>>, vector<1x16xf32>,
      %swap3A_1091 = vector.shape_cast %swap3A_1090 : vector<1x16xf32> to vector<16xf32>
      %swap3A_1092 = vector.shape_cast %scan3A_1065#1 : vector<16xf32> to vector<1x16xf32>
      tpu.vector_store %arg11[%swap3A_1088, %swap3A_1089], %swap3A_1092 {strides = array<i32>} : memref<2x4096xf32, #tpu.memory_space<vmem>>, vector<1x16xf32>,
      %add3A_1093 = arith.constant 16 : i32
      %add3A_1094 = arith.addi %mul3A_1068, %add3A_1093 : i32
      %swap3A_1095 = arith.constant 1 : i32
      %swap3A_1096 = arith.index_cast %swap3A_1095 : i32 to index
      %swap3A_1097 = arith.index_cast %add3A_1094 : i32 to index
      %swap3A_1098 = tpu.vector_load %arg12[%swap3A_1096, %swap3A_1097] {strides = array<i32>} : memref<2x4096xf32, #tpu.memory_space<vmem>>, vector<1x16xf32>,
      %swap3A_1099 = vector.shape_cast %swap3A_1098 : vector<1x16xf32> to vector<16xf32>
      %swap3A_1100 = vector.shape_cast %scan3A_1065#9 : vector<16xf32> to vector<1x16xf32>
      tpu.vector_store %arg12[%swap3A_1096, %swap3A_1097], %swap3A_1100 {strides = array<i32>} : memref<2x4096xf32, #tpu.memory_space<vmem>>, vector<1x16xf32>,
      %add3A_1101 = arith.constant 32 : i32
      %add3A_1102 = arith.addi %mul3A_1068, %add3A_1101 : i32
      %swap3A_1103 = arith.constant 1 : i32
      %swap3A_1104 = arith.index_cast %swap3A_1103 : i32 to index
      %swap3A_1105 = arith.index_cast %add3A_1102 : i32 to index
      %swap3A_1106 = tpu.vector_load %arg11[%swap3A_1104, %swap3A_1105] {strides = array<i32>} : memref<2x4096xf32, #tpu.memory_space<vmem>>, vector<1x16xf32>,
      %swap3A_1107 = vector.shape_cast %swap3A_1106 : vector<1x16xf32> to vector<16xf32>
      %swap3A_1108 = vector.shape_cast %scan3A_1065#2 : vector<16xf32> to vector<1x16xf32>
      tpu.vector_store %arg11[%swap3A_1104, %swap3A_1105], %swap3A_1108 {strides = array<i32>} : memref<2x4096xf32, #tpu.memory_space<vmem>>, vector<1x16xf32>,
      %add3A_1109 = arith.constant 32 : i32
      %add3A_1110 = arith.addi %mul3A_1068, %add3A_1109 : i32
      %swap3A_1111 = arith.constant 1 : i32
      %swap3A_1112 = arith.index_cast %swap3A_1111 : i32 to index
      %swap3A_1113 = arith.index_cast %add3A_1110 : i32 to index
      %swap3A_1114 = tpu.vector_load %arg12[%swap3A_1112, %swap3A_1113] {strides = array<i32>} : memref<2x4096xf32, #tpu.memory_space<vmem>>, vector<1x16xf32>,
      %swap3A_1115 = vector.shape_cast %swap3A_1114 : vector<1x16xf32> to vector<16xf32>
      %swap3A_1116 = vector.shape_cast %scan3A_1065#10 : vector<16xf32> to vector<1x16xf32>
      tpu.vector_store %arg12[%swap3A_1112, %swap3A_1113], %swap3A_1116 {strides = array<i32>} : memref<2x4096xf32, #tpu.memory_space<vmem>>, vector<1x16xf32>,
      %add3A_1117 = arith.constant 48 : i32
      %add3A_1118 = arith.addi %mul3A_1068, %add3A_1117 : i32
      %swap3A_1119 = arith.constant 1 : i32
      %swap3A_1120 = arith.index_cast %swap3A_1119 : i32 to index
      %swap3A_1121 = arith.index_cast %add3A_1118 : i32 to index
      %swap3A_1122 = tpu.vector_load %arg11[%swap3A_1120, %swap3A_1121] {strides = array<i32>} : memref<2x4096xf32, #tpu.memory_space<vmem>>, vector<1x16xf32>,
      %swap3A_1123 = vector.shape_cast %swap3A_1122 : vector<1x16xf32> to vector<16xf32>
      %swap3A_1124 = vector.shape_cast %scan3A_1065#3 : vector<16xf32> to vector<1x16xf32>
      tpu.vector_store %arg11[%swap3A_1120, %swap3A_1121], %swap3A_1124 {strides = array<i32>} : memref<2x4096xf32, #tpu.memory_space<vmem>>, vector<1x16xf32>,
      %add3A_1125 = arith.constant 48 : i32
      %add3A_1126 = arith.addi %mul3A_1068, %add3A_1125 : i32
      %swap3A_1127 = arith.constant 1 : i32
      %swap3A_1128 = arith.index_cast %swap3A_1127 : i32 to index
      %swap3A_1129 = arith.index_cast %add3A_1126 : i32 to index
      %swap3A_1130 = tpu.vector_load %arg12[%swap3A_1128, %swap3A_1129] {strides = array<i32>} : memref<2x4096xf32, #tpu.memory_space<vmem>>, vector<1x16xf32>,
      %swap3A_1131 = vector.shape_cast %swap3A_1130 : vector<1x16xf32> to vector<16xf32>
      %swap3A_1132 = vector.shape_cast %scan3A_1065#11 : vector<16xf32> to vector<1x16xf32>
      tpu.vector_store %arg12[%swap3A_1128, %swap3A_1129], %swap3A_1132 {strides = array<i32>} : memref<2x4096xf32, #tpu.memory_space<vmem>>, vector<1x16xf32>,
      %add3A_1133 = arith.constant 64 : i32
      %add3A_1134 = arith.addi %mul3A_1068, %add3A_1133 : i32
      %swap3A_1135 = arith.constant 1 : i32
      %swap3A_1136 = arith.index_cast %swap3A_1135 : i32 to index
      %swap3A_1137 = arith.index_cast %add3A_1134 : i32 to index
      %swap3A_1138 = tpu.vector_load %arg11[%swap3A_1136, %swap3A_1137] {strides = array<i32>} : memref<2x4096xf32, #tpu.memory_space<vmem>>, vector<1x16xf32>,
      %swap3A_1139 = vector.shape_cast %swap3A_1138 : vector<1x16xf32> to vector<16xf32>
      %swap3A_1140 = vector.shape_cast %scan3A_1065#4 : vector<16xf32> to vector<1x16xf32>
      tpu.vector_store %arg11[%swap3A_1136, %swap3A_1137], %swap3A_1140 {strides = array<i32>} : memref<2x4096xf32, #tpu.memory_space<vmem>>, vector<1x16xf32>,
      %add3A_1141 = arith.constant 64 : i32
      %add3A_1142 = arith.addi %mul3A_1068, %add3A_1141 : i32
      %swap3A_1143 = arith.constant 1 : i32
      %swap3A_1144 = arith.index_cast %swap3A_1143 : i32 to index
      %swap3A_1145 = arith.index_cast %add3A_1142 : i32 to index
      %swap3A_1146 = tpu.vector_load %arg12[%swap3A_1144, %swap3A_1145] {strides = array<i32>} : memref<2x4096xf32, #tpu.memory_space<vmem>>, vector<1x16xf32>,
      %swap3A_1147 = vector.shape_cast %swap3A_1146 : vector<1x16xf32> to vector<16xf32>
      %swap3A_1148 = vector.shape_cast %scan3A_1065#12 : vector<16xf32> to vector<1x16xf32>
      tpu.vector_store %arg12[%swap3A_1144, %swap3A_1145], %swap3A_1148 {strides = array<i32>} : memref<2x4096xf32, #tpu.memory_space<vmem>>, vector<1x16xf32>,
      %add3A_1149 = arith.constant 80 : i32
      %add3A_1150 = arith.addi %mul3A_1068, %add3A_1149 : i32
      %swap3A_1151 = arith.constant 1 : i32
      %swap3A_1152 = arith.index_cast %swap3A_1151 : i32 to index
      %swap3A_1153 = arith.index_cast %add3A_1150 : i32 to index
      %swap3A_1154 = tpu.vector_load %arg11[%swap3A_1152, %swap3A_1153] {strides = array<i32>} : memref<2x4096xf32, #tpu.memory_space<vmem>>, vector<1x16xf32>,
      %swap3A_1155 = vector.shape_cast %swap3A_1154 : vector<1x16xf32> to vector<16xf32>
      %swap3A_1156 = vector.shape_cast %scan3A_1065#5 : vector<16xf32> to vector<1x16xf32>
      tpu.vector_store %arg11[%swap3A_1152, %swap3A_1153], %swap3A_1156 {strides = array<i32>} : memref<2x4096xf32, #tpu.memory_space<vmem>>, vector<1x16xf32>,
      %add3A_1157 = arith.constant 80 : i32
      %add3A_1158 = arith.addi %mul3A_1068, %add3A_1157 : i32
      %swap3A_1159 = arith.constant 1 : i32
      %swap3A_1160 = arith.index_cast %swap3A_1159 : i32 to index
      %swap3A_1161 = arith.index_cast %add3A_1158 : i32 to index
      %swap3A_1162 = tpu.vector_load %arg12[%swap3A_1160, %swap3A_1161] {strides = array<i32>} : memref<2x4096xf32, #tpu.memory_space<vmem>>, vector<1x16xf32>,
      %swap3A_1163 = vector.shape_cast %swap3A_1162 : vector<1x16xf32> to vector<16xf32>
      %swap3A_1164 = vector.shape_cast %scan3A_1065#13 : vector<16xf32> to vector<1x16xf32>
      tpu.vector_store %arg12[%swap3A_1160, %swap3A_1161], %swap3A_1164 {strides = array<i32>} : memref<2x4096xf32, #tpu.memory_space<vmem>>, vector<1x16xf32>,
      %add3A_1165 = arith.constant 96 : i32
      %add3A_1166 = arith.addi %mul3A_1068, %add3A_1165 : i32
      %swap3A_1167 = arith.constant 1 : i32
      %swap3A_1168 = arith.index_cast %swap3A_1167 : i32 to index
      %swap3A_1169 = arith.index_cast %add3A_1166 : i32 to index
      %swap3A_1170 = tpu.vector_load %arg11[%swap3A_1168, %swap3A_1169] {strides = array<i32>} : memref<2x4096xf32, #tpu.memory_space<vmem>>, vector<1x16xf32>,
      %swap3A_1171 = vector.shape_cast %swap3A_1170 : vector<1x16xf32> to vector<16xf32>
      %swap3A_1172 = vector.shape_cast %scan3A_1065#6 : vector<16xf32> to vector<1x16xf32>
      tpu.vector_store %arg11[%swap3A_1168, %swap3A_1169], %swap3A_1172 {strides = array<i32>} : memref<2x4096xf32, #tpu.memory_space<vmem>>, vector<1x16xf32>,
      %add3A_1173 = arith.constant 96 : i32
      %add3A_1174 = arith.addi %mul3A_1068, %add3A_1173 : i32
      %swap3A_1175 = arith.constant 1 : i32
      %swap3A_1176 = arith.index_cast %swap3A_1175 : i32 to index
      %swap3A_1177 = arith.index_cast %add3A_1174 : i32 to index
      %swap3A_1178 = tpu.vector_load %arg12[%swap3A_1176, %swap3A_1177] {strides = array<i32>} : memref<2x4096xf32, #tpu.memory_space<vmem>>, vector<1x16xf32>,
      %swap3A_1179 = vector.shape_cast %swap3A_1178 : vector<1x16xf32> to vector<16xf32>
      %swap3A_1180 = vector.shape_cast %scan3A_1065#14 : vector<16xf32> to vector<1x16xf32>
      tpu.vector_store %arg12[%swap3A_1176, %swap3A_1177], %swap3A_1180 {strides = array<i32>} : memref<2x4096xf32, #tpu.memory_space<vmem>>, vector<1x16xf32>,
      %add3A_1181 = arith.constant 112 : i32
      %add3A_1182 = arith.addi %mul3A_1068, %add3A_1181 : i32
      %swap3A_1183 = arith.constant 1 : i32
      %swap3A_1184 = arith.index_cast %swap3A_1183 : i32 to index
      %swap3A_1185 = arith.index_cast %add3A_1182 : i32 to index
      %swap3A_1186 = tpu.vector_load %arg11[%swap3A_1184, %swap3A_1185] {strides = array<i32>} : memref<2x4096xf32, #tpu.memory_space<vmem>>, vector<1x16xf32>,
      %swap3A_1187 = vector.shape_cast %swap3A_1186 : vector<1x16xf32> to vector<16xf32>
      %swap3A_1188 = vector.shape_cast %scan3A_1065#7 : vector<16xf32> to vector<1x16xf32>
      tpu.vector_store %arg11[%swap3A_1184, %swap3A_1185], %swap3A_1188 {strides = array<i32>} : memref<2x4096xf32, #tpu.memory_space<vmem>>, vector<1x16xf32>,
      %add3A_1189 = arith.constant 112 : i32
      %add3A_1190 = arith.addi %mul3A_1068, %add3A_1189 : i32
      %swap3A_1191 = arith.constant 1 : i32
      %swap3A_1192 = arith.index_cast %swap3A_1191 : i32 to index
      %swap3A_1193 = arith.index_cast %add3A_1190 : i32 to index
      %swap3A_1194 = tpu.vector_load %arg12[%swap3A_1192, %swap3A_1193] {strides = array<i32>} : memref<2x4096xf32, #tpu.memory_space<vmem>>, vector<1x16xf32>,
      %swap3A_1195 = vector.shape_cast %swap3A_1194 : vector<1x16xf32> to vector<16xf32>
      %swap3A_1196 = vector.shape_cast %scan3A_1065#15 : vector<16xf32> to vector<1x16xf32>
      tpu.vector_store %arg12[%swap3A_1192, %swap3A_1193], %swap3A_1196 {strides = array<i32>} : memref<2x4096xf32, #tpu.memory_space<vmem>>, vector<1x16xf32>,
      %add3A_1197 = arith.constant 4 : i32
      %add3A_1198 = arith.addi %add3A_916, %add3A_1197 : i32
      %lt3A_1199 = arith.constant 32 : i32
      %lt3A_1200 = arith.cmpi slt, %add3A_1198, %lt3A_1199 : i32
      %convert_element_type3A_1201 = arith.extui %lt3A_1200 : i1 to i32
      %cond3A_1202 = arith.constant 0 : i32
      %cond3A_1203 = arith.cmpi ne, %convert_element_type3A_1201, %cond3A_1202 : i32
      scf.if %cond3A_1203 {
        %add3A_1204 = arith.constant 4 : i32
        %add3A_1205 = arith.addi %add3A_916, %add3A_1204 : i32
        %dma_start3A_1206 = arith.constant 0 : i32
        %dma_start3A_1207 = arith.constant 0 : i32
        %dma_start3A_1208 = tpu.memref_slice %arg2[%add3A_1205, %mul3A_2, %dma_start3A_1206, %dma_start3A_1207] : memref<32x64x64x128xf32, #tpu.memory_space<hbm>> -> memref<1x2x64x128xf32, #tpu.memory_space<hbm>>
        %dma_start3A_1209 = tpu.memref_squeeze %dma_start3A_1208 : memref<1x2x64x128xf32, #tpu.memory_space<hbm>> -> memref<2x64x128xf32, #tpu.memory_space<hbm>>
        %dma_start3A_1210 = arith.constant 0 : i32
        %dma_start3A_1211 = arith.constant 0 : i32
        %dma_start3A_1212 = tpu.memref_slice %arg2[%add3A_1205, %mul3A_2, %dma_start3A_1210, %dma_start3A_1211] : memref<32x64x64x128xf32, #tpu.memory_space<hbm>> -> memref<1x2x64x128xf32, #tpu.memory_space<hbm>>
        %dma_start3A_1213 = tpu.memref_squeeze %dma_start3A_1212 : memref<1x2x64x128xf32, #tpu.memory_space<hbm>> -> memref<2x64x128xf32, #tpu.memory_space<hbm>>
        tpu.enqueue_dma source(%dma_start3A_1213 : memref<2x64x128xf32, #tpu.memory_space<hbm>>) target(%arg10 : memref<2x64x128xf32, #tpu.memory_space<vmem>>) target_semaphore(%arg16 : memref<!tpu.dma_semaphore, #tpu.memory_space<semaphore_mem>>)
      } else {
      }
    }
    %scan3A_43 = arith.constant 8 : i32
    "tpu.region"() ({
      %run_scoped3A = tpu.sem_alloc : memref<!tpu.dma_semaphore, #tpu.memory_space<semaphore_mem>>
      %dma_start3A_44 = arith.constant 0 : i32
      %dma_start3A_45 = tpu.memref_slice %arg4[%mul3A_2, %dma_start3A_44] : memref<64x4096xf32, #tpu.memory_space<hbm>> -> memref<2x4096xf32, #tpu.memory_space<hbm>>
      %dma_start3A_46 = arith.constant 0 : i32
      %dma_start3A_47 = tpu.memref_slice %arg4[%mul3A_2, %dma_start3A_46] : memref<64x4096xf32, #tpu.memory_space<hbm>> -> memref<2x4096xf32, #tpu.memory_space<hbm>>
      tpu.enqueue_dma source(%arg11 : memref<2x4096xf32, #tpu.memory_space<vmem>>) target(%dma_start3A_47 : memref<2x4096xf32, #tpu.memory_space<hbm>>) target_semaphore(%run_scoped3A : memref<!tpu.dma_semaphore, #tpu.memory_space<semaphore_mem>>)
      %dma_wait3A = arith.constant 0 : i32
      %dma_wait3A_48 = tpu.memref_slice %arg4[%mul3A_2, %dma_wait3A] : memref<64x4096xf32, #tpu.memory_space<hbm>> -> memref<2x4096xf32, #tpu.memory_space<hbm>>
      %dma_wait3A_49 = arith.constant 0 : i32
      %dma_wait3A_50 = tpu.memref_slice %arg4[%mul3A_2, %dma_wait3A_49] : memref<64x4096xf32, #tpu.memory_space<hbm>> -> memref<2x4096xf32, #tpu.memory_space<hbm>>
      tpu.wait_dma2 semaphore(%run_scoped3A : memref<!tpu.dma_semaphore, #tpu.memory_space<semaphore_mem>>) src(%arg11 : memref<2x4096xf32, #tpu.memory_space<vmem>>) dst(%dma_wait3A_50 : memref<2x4096xf32, #tpu.memory_space<hbm>>)
      tpu.yield
    }) : () -> ()
    "tpu.region"() ({
      %run_scoped3A = tpu.sem_alloc : memref<!tpu.dma_semaphore, #tpu.memory_space<semaphore_mem>>
      %dma_start3A_44 = arith.constant 0 : i32
      %dma_start3A_45 = tpu.memref_slice %arg5[%mul3A_2, %dma_start3A_44] : memref<64x4096xf32, #tpu.memory_space<hbm>> -> memref<2x4096xf32, #tpu.memory_space<hbm>>
      %dma_start3A_46 = arith.constant 0 : i32
      %dma_start3A_47 = tpu.memref_slice %arg5[%mul3A_2, %dma_start3A_46] : memref<64x4096xf32, #tpu.memory_space<hbm>> -> memref<2x4096xf32, #tpu.memory_space<hbm>>
      tpu.enqueue_dma source(%arg12 : memref<2x4096xf32, #tpu.memory_space<vmem>>) target(%dma_start3A_47 : memref<2x4096xf32, #tpu.memory_space<hbm>>) target_semaphore(%run_scoped3A : memref<!tpu.dma_semaphore, #tpu.memory_space<semaphore_mem>>)
      %dma_wait3A = arith.constant 0 : i32
      %dma_wait3A_48 = tpu.memref_slice %arg5[%mul3A_2, %dma_wait3A] : memref<64x4096xf32, #tpu.memory_space<hbm>> -> memref<2x4096xf32, #tpu.memory_space<hbm>>
      %dma_wait3A_49 = arith.constant 0 : i32
      %dma_wait3A_50 = tpu.memref_slice %arg5[%mul3A_2, %dma_wait3A_49] : memref<64x4096xf32, #tpu.memory_space<hbm>> -> memref<2x4096xf32, #tpu.memory_space<hbm>>
      tpu.wait_dma2 semaphore(%run_scoped3A : memref<!tpu.dma_semaphore, #tpu.memory_space<semaphore_mem>>) src(%arg12 : memref<2x4096xf32, #tpu.memory_space<vmem>>) dst(%dma_wait3A_50 : memref<2x4096xf32, #tpu.memory_space<hbm>>)
      tpu.yield
    }) : () -> ()
    return
  }
}

module attributes {stable_mosaic.version = 14 : i64} {
  func.func @_qside_body(%arg0: i32, %arg1: memref<1x64x64x128xf32, #tpu.memory_space<vmem>>, %arg2: memref<1x64x128xf32, #tpu.memory_space<vmem>>) attributes {dimension_semantics = [#tpu.dimension_semantics<arbitrary>], iteration_bounds = array<i64: 32>, scalar_prefetch = 0 : i64, scratch_operands = 0 : i64, tpu.core_type = #tpu.core_type<tc>, window_params = [{transform_indices = @transform_0, window_bounds = array<i64: 1, 64, 64, 128>}, {transform_indices = @transform_1, window_bounds = array<i64: 1, 64, 128>}]} {
    %get3A = arith.constant 0 : index
    %get3A_0 = arith.constant 0 : index
    %get3A_1 = arith.constant 0 : index
    %get3A_2 = arith.constant 0 : index
    %get3A_3 = vector.load %arg1[%get3A, %get3A_0, %get3A_1, %get3A_2] : memref<1x64x64x128xf32, #tpu.memory_space<vmem>>, vector<1x64x64x128xf32>
    %get3A_4 = vector.shape_cast %get3A_3 : vector<1x64x64x128xf32> to vector<64x64x128xf32>
    %iota3A = tpu.iota {dimensions = array<i32: 0>} : vector<64x64xi32>
    %iota3A_5 = tpu.iota {dimensions = array<i32: 1>} : vector<64x64xi32>
    %reduce_sum3A = arith.constant dense<0.000000e+00> : vector<64x128xf32>
    %reduce_sum3A_6 = vector.multi_reduction <add>, %get3A_4, %reduce_sum3A [1] : vector<64x64x128xf32> to vector<64x128xf32>
    %gt3A = arith.cmpi sgt, %iota3A, %iota3A_5 : vector<64x64xi32>
    %convert_element_type3A = arith.extui %gt3A : vector<64x64xi1> to vector<64x64xi32>
    %convert_element_type3A_7 = arith.sitofp %convert_element_type3A : vector<64x64xi32> to vector<64x64xf32>
    %dot_general3A = arith.constant dense<0.000000e+00> : vector<64x128xf32>
    %dot_general3A_8 = tpu.matmul %convert_element_type3A_7, %reduce_sum3A_6, %dot_general3A {dimension_numbers = #tpu.dot_dimension_numbers<[1], [0], [0], [1], [0, 0, 1, 1], [], []>, precision = #tpu.contract_precision<fp32>, transpose_lhs_hint = false} : vector<64x64xf32>, vector<64x128xf32>, vector<64x128xf32> -> vector<64x128xf32>
    %slice3A = vector.extract_strided_slice %iota3A {offsets = [0, 0], sizes = [64, 1], strides = [1, 1]} : vector<64x64xi32> to vector<64x1xi32>
    %mul3A = arith.constant 64 : i32
    %mul3A_9 = vector.broadcast %mul3A : i32 to vector<64x1xi32>
    %mul3A_10 = arith.muli %mul3A_9, %slice3A : vector<64x1xi32>
    %add3A = arith.constant 1 : i32
    %add3A_11 = vector.broadcast %add3A : i32 to vector<64x1xi32>
    %add3A_12 = arith.addi %mul3A_10, %add3A_11 : vector<64x1xi32>
    %convert_element_type3A_13 = arith.sitofp %add3A_12 : vector<64x1xi32> to vector<64x1xf32>
    %div3A = arith.constant 1.000000e+00 : f32
    %div3A_14 = vector.broadcast %div3A : f32 to vector<64x1xf32>
    %div3A_15 = arith.divf %div3A_14, %convert_element_type3A_13 : vector<64x1xf32>
    %slice3A_16 = vector.extract_strided_slice %get3A_4 {offsets = [0, 0, 0], sizes = [64, 1, 128], strides = [1, 1, 1]} : vector<64x64x128xf32> to vector<64x1x128xf32>
    %squeeze3A = vector.shape_cast %slice3A_16 : vector<64x1x128xf32> to vector<64x128xf32>
    %add3A_17 = arith.addf %dot_general3A_8, %squeeze3A : vector<64x128xf32>
    %mul3A_18 = vector.broadcast %div3A_15 : vector<64x1xf32> to vector<64x128xf32>
    %mul3A_19 = arith.mulf %add3A_17, %mul3A_18 : vector<64x128xf32>
    %swap3A = arith.constant 0 : index
    %swap3A_20 = arith.constant 0 : index
    %swap3A_21 = arith.constant 0 : index
    %swap3A_22 = vector.load %arg2[%swap3A, %swap3A_20, %swap3A_21] : memref<1x64x128xf32, #tpu.memory_space<vmem>>, vector<1x64x128xf32>
    %swap3A_23 = vector.shape_cast %swap3A_22 : vector<1x64x128xf32> to vector<64x128xf32>
    %swap3A_24 = vector.shape_cast %mul3A_19 : vector<64x128xf32> to vector<1x64x128xf32>
    tpu.vector_store %arg2[%swap3A, %swap3A_20, %swap3A_21], %swap3A_24 {strides = array<i32>} : memref<1x64x128xf32, #tpu.memory_space<vmem>>, vector<1x64x128xf32>,
    return
  }
  func.func @transform_0(%arg0: i32) -> (i32, i32, i32, i32) {
    %c0_i32 = arith.constant 0 : i32
    %c0_i32_0 = arith.constant 0 : i32
    %c0_i32_1 = arith.constant 0 : i32
    %c0_i32_2 = arith.constant 0 : i32
    return %arg0, %c0_i32, %c0_i32_0, %c0_i32_1 : i32, i32, i32, i32
  }
  func.func @transform_1(%arg0: i32) -> (i32, i32, i32) {
    %c0_i32 = arith.constant 0 : i32
    %c0_i32_0 = arith.constant 0 : i32
    %c0_i32_1 = arith.constant 0 : i32
    return %arg0, %c0_i32, %c0_i32_0 : i32, i32, i32
  }
}

module attributes {stable_mosaic.version = 14 : i64} {
  func.func @_tail_body(%arg0: memref<1xf32, #tpu.memory_space<smem>>, %arg1: memref<32x64x128xf32, #tpu.memory_space<vmem>>, %arg2: memref<64x4096xf32, #tpu.memory_space<vmem>>, %arg3: memref<64x4096xf32, #tpu.memory_space<vmem>>, %arg4: memref<32x64x128xf32, #tpu.memory_space<vmem>>) attributes {dimension_semantics = [], scalar_prefetch = 0 : i64, scratch_operands = 0 : i64, tpu.core_type = #tpu.core_type<tc>} {
    %get3A = arith.constant 0 : index
    %get3A_0 = memref.load %arg0[%get3A] : memref<1xf32, #tpu.memory_space<smem>>
    %iota3A = tpu.iota {dimensions = array<i32: 0>} : vector<64x64xi32>
    %iota3A_1 = tpu.iota {dimensions = array<i32: 1>} : vector<64x64xi32>
    %mul3A = arith.constant 64 : i32
    %mul3A_2 = vector.broadcast %mul3A : i32 to vector<64x64xi32>
    %mul3A_3 = arith.muli %mul3A_2, %iota3A : vector<64x64xi32>
    %add3A = arith.addi %mul3A_3, %iota3A_1 : vector<64x64xi32>
    %add3A_4 = arith.constant 1 : i32
    %add3A_5 = vector.broadcast %add3A_4 : i32 to vector<64x64xi32>
    %add3A_6 = arith.addi %add3A, %add3A_5 : vector<64x64xi32>
    %convert_element_type3A = arith.sitofp %add3A_6 : vector<64x64xi32> to vector<64x64xf32>
    %div3A = arith.constant 1.000000e+00 : f32
    %div3A_7 = vector.broadcast %div3A : f32 to vector<64x64xf32>
    %div3A_8 = arith.divf %div3A_7, %convert_element_type3A : vector<64x64xf32>
    %reduce_sum3A = arith.constant dense<0.000000e+00> : vector<64xf32>
    %reduce_sum3A_9 = vector.multi_reduction <add>, %div3A_8, %reduce_sum3A [1] : vector<64x64xf32> to vector<64xf32>
    %broadcast_in_dim3A = vector.shape_cast %reduce_sum3A_9 : vector<64xf32> to vector<64x1xf32>
    %gt3A = arith.cmpi sgt, %iota3A, %iota3A_1 : vector<64x64xi32>
    %convert_element_type3A_10 = arith.extui %gt3A : vector<64x64xi1> to vector<64x64xi32>
    %convert_element_type3A_11 = arith.sitofp %convert_element_type3A_10 : vector<64x64xi32> to vector<64x64xf32>
    %get3A_12 = arith.constant 0 : index
    %get3A_13 = arith.constant 0 : index
    %get3A_14 = vector.load %arg2[%get3A_12, %get3A_13] : memref<64x4096xf32, #tpu.memory_space<vmem>>, vector<64x4096xf32>
    %dot_general3A = arith.constant dense<0.000000e+00> : vector<64x4096xf32>
    %dot_general3A_15 = tpu.matmul %convert_element_type3A_11, %get3A_14, %dot_general3A {dimension_numbers = #tpu.dot_dimension_numbers<[1], [0], [0], [1], [0, 0, 1, 1], [], []>, precision = #tpu.contract_precision<fp32>, transpose_lhs_hint = false} : vector<64x64xf32>, vector<64x4096xf32>, vector<64x4096xf32> -> vector<64x4096xf32>
    %mul3A_16 = vector.broadcast %broadcast_in_dim3A : vector<64x1xf32> to vector<64x4096xf32>
    %mul3A_17 = arith.mulf %dot_general3A_15, %mul3A_16 : vector<64x4096xf32>
    %get3A_18 = arith.constant 0 : index
    %get3A_19 = arith.constant 0 : index
    %get3A_20 = vector.load %arg3[%get3A_18, %get3A_19] : memref<64x4096xf32, #tpu.memory_space<vmem>>, vector<64x4096xf32>
    %add3A_21 = arith.addf %mul3A_17, %get3A_20 : vector<64x4096xf32>
    %iota3A_22 = tpu.iota {dimensions = array<i32: 1>} : vector<64x128xi32>
    %get3A_23 = arith.constant 0 : index
    %get3A_24 = arith.constant 0 : index
    %get3A_25 = arith.constant 0 : index
    %get3A_26 = vector.load %arg1[%get3A_23, %get3A_24, %get3A_25] : memref<32x64x128xf32, #tpu.memory_space<vmem>>, vector<1x64x128xf32>
    %get3A_27 = vector.shape_cast %get3A_26 : vector<1x64x128xf32> to vector<64x128xf32>
    %slice3A = vector.extract_strided_slice %add3A_21 {offsets = [0, 0], sizes = [64, 128], strides = [1, 1]} : vector<64x4096xf32> to vector<64x128xf32>
    %dot_general3A_28 = arith.constant dense<0.000000e+00> : vector<64x64xf32>
    %dot_general3A_29 = tpu.matmul %get3A_27, %slice3A, %dot_general3A_28 {dimension_numbers = #tpu.dot_dimension_numbers<[1], [1], [0], [0], [0, 0, 1, 0], [], []>, transpose_lhs_hint = false} : vector<64x128xf32>, vector<64x128xf32>, vector<64x64xf32> -> vector<64x64xf32>
    %mul3A_30 = vector.broadcast %get3A_0 : f32 to vector<64x64xf32>
    %mul3A_31 = arith.mulf %dot_general3A_29, %mul3A_30 : vector<64x64xf32>
    %ge3A = arith.cmpi sge, %iota3A_1, %iota3A : vector<64x64xi32>
    %jit3A = arith.constant -3.40282347E+38 : f32
    %broadcast_in_dim3A_32 = vector.broadcast %jit3A : f32 to vector<64x64xf32>
    %select_n3A = arith.select %ge3A, %broadcast_in_dim3A_32, %mul3A_31 : vector<64x64xi1>, vector<64x64xf32>
    %reduce_max3A = arith.constant dense<0xFF800000> : vector<64xf32>
    %reduce_max3A_33 = vector.multi_reduction <maximumf>, %select_n3A, %reduce_max3A [1] : vector<64x64xf32> to vector<64xf32>
    %broadcast_in_dim3A_34 = vector.shape_cast %reduce_max3A_33 : vector<64xf32> to vector<64x1xf32>
    %max3A = arith.constant 0.000000e+00 : f32
    %max3A_35 = vector.broadcast %max3A : f32 to vector<64x1xf32>
    %max3A_36 = arith.maximumf %broadcast_in_dim3A_34, %max3A_35 : vector<64x1xf32>
    %sub3A = vector.broadcast %max3A_36 : vector<64x1xf32> to vector<64x64xf32>
    %sub3A_37 = arith.subf %select_n3A, %sub3A : vector<64x64xf32>
    %exp3A = math.exp %sub3A_37 : vector<64x64xf32>
    %neg3A = arith.constant 0.000000e+00 : f32
    %neg3A_38 = vector.broadcast %neg3A : f32 to vector<64x1xf32>
    %neg3A_39 = arith.subf %neg3A_38, %max3A_36 : vector<64x1xf32>
    %exp3A_40 = math.exp %neg3A_39 : vector<64x1xf32>
    %reduce_sum3A_41 = arith.constant dense<0.000000e+00> : vector<64xf32>
    %reduce_sum3A_42 = vector.multi_reduction <add>, %exp3A, %reduce_sum3A_41 [1] : vector<64x64xf32> to vector<64xf32>
    %broadcast_in_dim3A_43 = vector.shape_cast %reduce_sum3A_42 : vector<64xf32> to vector<64x1xf32>
    %add3A_44 = arith.addf %exp3A_40, %broadcast_in_dim3A_43 : vector<64x1xf32>
    %div3A_45 = vector.broadcast %add3A_44 : vector<64x1xf32> to vector<64x64xf32>
    %div3A_46 = arith.divf %exp3A, %div3A_45 : vector<64x64xf32>
    %div3A_47 = arith.divf %exp3A_40, %add3A_44 : vector<64x1xf32>
    %reduce_max3A_48 = arith.constant dense<0xFF800000> : vector<64xf32>
    %reduce_max3A_49 = vector.multi_reduction <maximumf>, %div3A_46, %reduce_max3A_48 [1] : vector<64x64xf32> to vector<64xf32>
    %broadcast_in_dim3A_50 = vector.shape_cast %reduce_max3A_49 : vector<64xf32> to vector<64x1xf32>
    %max3A_51 = arith.maximumf %broadcast_in_dim3A_50, %div3A_47 : vector<64x1xf32>
    %eq3A = vector.broadcast %max3A_51 : vector<64x1xf32> to vector<64x64xf32>
    %eq3A_52 = arith.cmpf oeq, %div3A_46, %eq3A : vector<64x64xf32>
    %add3A_53 = arith.constant 1 : i32
    %add3A_54 = vector.broadcast %add3A_53 : i32 to vector<64x64xi32>
    %add3A_55 = arith.addi %iota3A_1, %add3A_54 : vector<64x64xi32>
    %jit3A_56 = arith.constant 128 : i32
    %broadcast_in_dim3A_57 = vector.broadcast %jit3A_56 : i32 to vector<64x64xi32>
    %select_n3A_58 = arith.select %eq3A_52, %add3A_55, %broadcast_in_dim3A_57 : vector<64x64xi1>, vector<64x64xi32>
    %reduce_min3A = arith.constant dense<2147483647> : vector<64xi32>
    %reduce_min3A_59 = vector.multi_reduction <minsi>, %select_n3A_58, %reduce_min3A [1] : vector<64x64xi32> to vector<64xi32>
    %broadcast_in_dim3A_60 = vector.shape_cast %reduce_min3A_59 : vector<64xi32> to vector<64x1xi32>
    %eq3A_61 = arith.cmpf oeq, %div3A_47, %max3A_51 : vector<64x1xf32>
    %jit3A_62 = arith.constant 0 : i32
    %broadcast_in_dim3A_63 = vector.broadcast %jit3A_62 : i32 to vector<64x1xi32>
    %select_n3A_64 = arith.select %eq3A_61, %broadcast_in_dim3A_63, %broadcast_in_dim3A_60 : vector<64x1xi1>, vector<64x1xi32>
    %eq3A_65 = vector.broadcast %select_n3A_64 : vector<64x1xi32> to vector<64x128xi32>
    %eq3A_66 = arith.cmpi eq, %iota3A_22, %eq3A_65 : vector<64x128xi32>
    %jit3A_67 = arith.constant 0.000000e+00 : f32
    %broadcast_in_dim3A_68 = vector.shape_cast %max3A_51 : vector<64x1xf32> to vector<64x1xf32>
    %broadcast_in_dim3A_69 = vector.broadcast %broadcast_in_dim3A_68 : vector<64x1xf32> to vector<64x128xf32>
    %broadcast_in_dim3A_70 = vector.broadcast %jit3A_67 : f32 to vector<64x128xf32>
    %select_n3A_71 = arith.select %eq3A_66, %broadcast_in_dim3A_69, %broadcast_in_dim3A_70 : vector<64x128xi1>, vector<64x128xf32>
    %swap3A = arith.constant 0 : index
    %swap3A_72 = arith.constant 0 : index
    %swap3A_73 = arith.constant 0 : index
    %swap3A_74 = vector.load %arg4[%swap3A, %swap3A_72, %swap3A_73] : memref<32x64x128xf32, #tpu.memory_space<vmem>>, vector<1x64x128xf32>
    %swap3A_75 = vector.shape_cast %swap3A_74 : vector<1x64x128xf32> to vector<64x128xf32>
    %swap3A_76 = vector.shape_cast %select_n3A_71 : vector<64x128xf32> to vector<1x64x128xf32>
    tpu.vector_store %arg4[%swap3A, %swap3A_72, %swap3A_73], %swap3A_76 {strides = array<i32>} : memref<32x64x128xf32, #tpu.memory_space<vmem>>, vector<1x64x128xf32>,
    %get3A_77 = arith.constant 1 : index
    %get3A_78 = arith.constant 0 : index
    %get3A_79 = arith.constant 0 : index
    %get3A_80 = vector.load %arg1[%get3A_77, %get3A_78, %get3A_79] : memref<32x64x128xf32, #tpu.memory_space<vmem>>, vector<1x64x128xf32>
    %get3A_81 = vector.shape_cast %get3A_80 : vector<1x64x128xf32> to vector<64x128xf32>
    %slice3A_82 = vector.extract_strided_slice %add3A_21 {offsets = [0, 128], sizes = [64, 128], strides = [1, 1]} : vector<64x4096xf32> to vector<64x128xf32>
    %dot_general3A_83 = arith.constant dense<0.000000e+00> : vector<64x64xf32>
    %dot_general3A_84 = tpu.matmul %get3A_81, %slice3A_82, %dot_general3A_83 {dimension_numbers = #tpu.dot_dimension_numbers<[1], [1], [0], [0], [0, 0, 1, 0], [], []>, transpose_lhs_hint = false} : vector<64x128xf32>, vector<64x128xf32>, vector<64x64xf32> -> vector<64x64xf32>
    %mul3A_85 = vector.broadcast %get3A_0 : f32 to vector<64x64xf32>
    %mul3A_86 = arith.mulf %dot_general3A_84, %mul3A_85 : vector<64x64xf32>
    %ge3A_87 = arith.cmpi sge, %iota3A_1, %iota3A : vector<64x64xi32>
    %jit3A_88 = arith.constant -3.40282347E+38 : f32
    %broadcast_in_dim3A_89 = vector.broadcast %jit3A_88 : f32 to vector<64x64xf32>
    %select_n3A_90 = arith.select %ge3A_87, %broadcast_in_dim3A_89, %mul3A_86 : vector<64x64xi1>, vector<64x64xf32>
    %reduce_max3A_91 = arith.constant dense<0xFF800000> : vector<64xf32>
    %reduce_max3A_92 = vector.multi_reduction <maximumf>, %select_n3A_90, %reduce_max3A_91 [1] : vector<64x64xf32> to vector<64xf32>
    %broadcast_in_dim3A_93 = vector.shape_cast %reduce_max3A_92 : vector<64xf32> to vector<64x1xf32>
    %max3A_94 = arith.constant 0.000000e+00 : f32
    %max3A_95 = vector.broadcast %max3A_94 : f32 to vector<64x1xf32>
    %max3A_96 = arith.maximumf %broadcast_in_dim3A_93, %max3A_95 : vector<64x1xf32>
    %sub3A_97 = vector.broadcast %max3A_96 : vector<64x1xf32> to vector<64x64xf32>
    %sub3A_98 = arith.subf %select_n3A_90, %sub3A_97 : vector<64x64xf32>
    %exp3A_99 = math.exp %sub3A_98 : vector<64x64xf32>
    %neg3A_100 = arith.constant 0.000000e+00 : f32
    %neg3A_101 = vector.broadcast %neg3A_100 : f32 to vector<64x1xf32>
    %neg3A_102 = arith.subf %neg3A_101, %max3A_96 : vector<64x1xf32>
    %exp3A_103 = math.exp %neg3A_102 : vector<64x1xf32>
    %reduce_sum3A_104 = arith.constant dense<0.000000e+00> : vector<64xf32>
    %reduce_sum3A_105 = vector.multi_reduction <add>, %exp3A_99, %reduce_sum3A_104 [1] : vector<64x64xf32> to vector<64xf32>
    %broadcast_in_dim3A_106 = vector.shape_cast %reduce_sum3A_105 : vector<64xf32> to vector<64x1xf32>
    %add3A_107 = arith.addf %exp3A_103, %broadcast_in_dim3A_106 : vector<64x1xf32>
    %div3A_108 = vector.broadcast %add3A_107 : vector<64x1xf32> to vector<64x64xf32>
    %div3A_109 = arith.divf %exp3A_99, %div3A_108 : vector<64x64xf32>
    %div3A_110 = arith.divf %exp3A_103, %add3A_107 : vector<64x1xf32>
    %reduce_max3A_111 = arith.constant dense<0xFF800000> : vector<64xf32>
    %reduce_max3A_112 = vector.multi_reduction <maximumf>, %div3A_109, %reduce_max3A_111 [1] : vector<64x64xf32> to vector<64xf32>
    %broadcast_in_dim3A_113 = vector.shape_cast %reduce_max3A_112 : vector<64xf32> to vector<64x1xf32>
    %max3A_114 = arith.maximumf %broadcast_in_dim3A_113, %div3A_110 : vector<64x1xf32>
    %eq3A_115 = vector.broadcast %max3A_114 : vector<64x1xf32> to vector<64x64xf32>
    %eq3A_116 = arith.cmpf oeq, %div3A_109, %eq3A_115 : vector<64x64xf32>
    %add3A_117 = arith.constant 1 : i32
    %add3A_118 = vector.broadcast %add3A_117 : i32 to vector<64x64xi32>
    %add3A_119 = arith.addi %iota3A_1, %add3A_118 : vector<64x64xi32>
    %jit3A_120 = arith.constant 128 : i32
    %broadcast_in_dim3A_121 = vector.broadcast %jit3A_120 : i32 to vector<64x64xi32>
    %select_n3A_122 = arith.select %eq3A_116, %add3A_119, %broadcast_in_dim3A_121 : vector<64x64xi1>, vector<64x64xi32>
    %reduce_min3A_123 = arith.constant dense<2147483647> : vector<64xi32>
    %reduce_min3A_124 = vector.multi_reduction <minsi>, %select_n3A_122, %reduce_min3A_123 [1] : vector<64x64xi32> to vector<64xi32>
    %broadcast_in_dim3A_125 = vector.shape_cast %reduce_min3A_124 : vector<64xi32> to vector<64x1xi32>
    %eq3A_126 = arith.cmpf oeq, %div3A_110, %max3A_114 : vector<64x1xf32>
    %jit3A_127 = arith.constant 0 : i32
    %broadcast_in_dim3A_128 = vector.broadcast %jit3A_127 : i32 to vector<64x1xi32>
    %select_n3A_129 = arith.select %eq3A_126, %broadcast_in_dim3A_128, %broadcast_in_dim3A_125 : vector<64x1xi1>, vector<64x1xi32>
    %eq3A_130 = vector.broadcast %select_n3A_129 : vector<64x1xi32> to vector<64x128xi32>
    %eq3A_131 = arith.cmpi eq, %iota3A_22, %eq3A_130 : vector<64x128xi32>
    %jit3A_132 = arith.constant 0.000000e+00 : f32
    %broadcast_in_dim3A_133 = vector.shape_cast %max3A_114 : vector<64x1xf32> to vector<64x1xf32>
    %broadcast_in_dim3A_134 = vector.broadcast %broadcast_in_dim3A_133 : vector<64x1xf32> to vector<64x128xf32>
    %broadcast_in_dim3A_135 = vector.broadcast %jit3A_132 : f32 to vector<64x128xf32>
    %select_n3A_136 = arith.select %eq3A_131, %broadcast_in_dim3A_134, %broadcast_in_dim3A_135 : vector<64x128xi1>, vector<64x128xf32>
    %swap3A_137 = arith.constant 1 : index
    %swap3A_138 = arith.constant 0 : index
    %swap3A_139 = arith.constant 0 : index
    %swap3A_140 = vector.load %arg4[%swap3A_137, %swap3A_138, %swap3A_139] : memref<32x64x128xf32, #tpu.memory_space<vmem>>, vector<1x64x128xf32>
    %swap3A_141 = vector.shape_cast %swap3A_140 : vector<1x64x128xf32> to vector<64x128xf32>
    %swap3A_142 = vector.shape_cast %select_n3A_136 : vector<64x128xf32> to vector<1x64x128xf32>
    tpu.vector_store %arg4[%swap3A_137, %swap3A_138, %swap3A_139], %swap3A_142 {strides = array<i32>} : memref<32x64x128xf32, #tpu.memory_space<vmem>>, vector<1x64x128xf32>,
    %get3A_143 = arith.constant 2 : index
    %get3A_144 = arith.constant 0 : index
    %get3A_145 = arith.constant 0 : index
    %get3A_146 = vector.load %arg1[%get3A_143, %get3A_144, %get3A_145] : memref<32x64x128xf32, #tpu.memory_space<vmem>>, vector<1x64x128xf32>
    %get3A_147 = vector.shape_cast %get3A_146 : vector<1x64x128xf32> to vector<64x128xf32>
    %slice3A_148 = vector.extract_strided_slice %add3A_21 {offsets = [0, 256], sizes = [64, 128], strides = [1, 1]} : vector<64x4096xf32> to vector<64x128xf32>
    %dot_general3A_149 = arith.constant dense<0.000000e+00> : vector<64x64xf32>
    %dot_general3A_150 = tpu.matmul %get3A_147, %slice3A_148, %dot_general3A_149 {dimension_numbers = #tpu.dot_dimension_numbers<[1], [1], [0], [0], [0, 0, 1, 0], [], []>, transpose_lhs_hint = false} : vector<64x128xf32>, vector<64x128xf32>, vector<64x64xf32> -> vector<64x64xf32>
    %mul3A_151 = vector.broadcast %get3A_0 : f32 to vector<64x64xf32>
    %mul3A_152 = arith.mulf %dot_general3A_150, %mul3A_151 : vector<64x64xf32>
    %ge3A_153 = arith.cmpi sge, %iota3A_1, %iota3A : vector<64x64xi32>
    %jit3A_154 = arith.constant -3.40282347E+38 : f32
    %broadcast_in_dim3A_155 = vector.broadcast %jit3A_154 : f32 to vector<64x64xf32>
    %select_n3A_156 = arith.select %ge3A_153, %broadcast_in_dim3A_155, %mul3A_152 : vector<64x64xi1>, vector<64x64xf32>
    %reduce_max3A_157 = arith.constant dense<0xFF800000> : vector<64xf32>
    %reduce_max3A_158 = vector.multi_reduction <maximumf>, %select_n3A_156, %reduce_max3A_157 [1] : vector<64x64xf32> to vector<64xf32>
    %broadcast_in_dim3A_159 = vector.shape_cast %reduce_max3A_158 : vector<64xf32> to vector<64x1xf32>
    %max3A_160 = arith.constant 0.000000e+00 : f32
    %max3A_161 = vector.broadcast %max3A_160 : f32 to vector<64x1xf32>
    %max3A_162 = arith.maximumf %broadcast_in_dim3A_159, %max3A_161 : vector<64x1xf32>
    %sub3A_163 = vector.broadcast %max3A_162 : vector<64x1xf32> to vector<64x64xf32>
    %sub3A_164 = arith.subf %select_n3A_156, %sub3A_163 : vector<64x64xf32>
    %exp3A_165 = math.exp %sub3A_164 : vector<64x64xf32>
    %neg3A_166 = arith.constant 0.000000e+00 : f32
    %neg3A_167 = vector.broadcast %neg3A_166 : f32 to vector<64x1xf32>
    %neg3A_168 = arith.subf %neg3A_167, %max3A_162 : vector<64x1xf32>
    %exp3A_169 = math.exp %neg3A_168 : vector<64x1xf32>
    %reduce_sum3A_170 = arith.constant dense<0.000000e+00> : vector<64xf32>
    %reduce_sum3A_171 = vector.multi_reduction <add>, %exp3A_165, %reduce_sum3A_170 [1] : vector<64x64xf32> to vector<64xf32>
    %broadcast_in_dim3A_172 = vector.shape_cast %reduce_sum3A_171 : vector<64xf32> to vector<64x1xf32>
    %add3A_173 = arith.addf %exp3A_169, %broadcast_in_dim3A_172 : vector<64x1xf32>
    %div3A_174 = vector.broadcast %add3A_173 : vector<64x1xf32> to vector<64x64xf32>
    %div3A_175 = arith.divf %exp3A_165, %div3A_174 : vector<64x64xf32>
    %div3A_176 = arith.divf %exp3A_169, %add3A_173 : vector<64x1xf32>
    %reduce_max3A_177 = arith.constant dense<0xFF800000> : vector<64xf32>
    %reduce_max3A_178 = vector.multi_reduction <maximumf>, %div3A_175, %reduce_max3A_177 [1] : vector<64x64xf32> to vector<64xf32>
    %broadcast_in_dim3A_179 = vector.shape_cast %reduce_max3A_178 : vector<64xf32> to vector<64x1xf32>
    %max3A_180 = arith.maximumf %broadcast_in_dim3A_179, %div3A_176 : vector<64x1xf32>
    %eq3A_181 = vector.broadcast %max3A_180 : vector<64x1xf32> to vector<64x64xf32>
    %eq3A_182 = arith.cmpf oeq, %div3A_175, %eq3A_181 : vector<64x64xf32>
    %add3A_183 = arith.constant 1 : i32
    %add3A_184 = vector.broadcast %add3A_183 : i32 to vector<64x64xi32>
    %add3A_185 = arith.addi %iota3A_1, %add3A_184 : vector<64x64xi32>
    %jit3A_186 = arith.constant 128 : i32
    %broadcast_in_dim3A_187 = vector.broadcast %jit3A_186 : i32 to vector<64x64xi32>
    %select_n3A_188 = arith.select %eq3A_182, %add3A_185, %broadcast_in_dim3A_187 : vector<64x64xi1>, vector<64x64xi32>
    %reduce_min3A_189 = arith.constant dense<2147483647> : vector<64xi32>
    %reduce_min3A_190 = vector.multi_reduction <minsi>, %select_n3A_188, %reduce_min3A_189 [1] : vector<64x64xi32> to vector<64xi32>
    %broadcast_in_dim3A_191 = vector.shape_cast %reduce_min3A_190 : vector<64xi32> to vector<64x1xi32>
    %eq3A_192 = arith.cmpf oeq, %div3A_176, %max3A_180 : vector<64x1xf32>
    %jit3A_193 = arith.constant 0 : i32
    %broadcast_in_dim3A_194 = vector.broadcast %jit3A_193 : i32 to vector<64x1xi32>
    %select_n3A_195 = arith.select %eq3A_192, %broadcast_in_dim3A_194, %broadcast_in_dim3A_191 : vector<64x1xi1>, vector<64x1xi32>
    %eq3A_196 = vector.broadcast %select_n3A_195 : vector<64x1xi32> to vector<64x128xi32>
    %eq3A_197 = arith.cmpi eq, %iota3A_22, %eq3A_196 : vector<64x128xi32>
    %jit3A_198 = arith.constant 0.000000e+00 : f32
    %broadcast_in_dim3A_199 = vector.shape_cast %max3A_180 : vector<64x1xf32> to vector<64x1xf32>
    %broadcast_in_dim3A_200 = vector.broadcast %broadcast_in_dim3A_199 : vector<64x1xf32> to vector<64x128xf32>
    %broadcast_in_dim3A_201 = vector.broadcast %jit3A_198 : f32 to vector<64x128xf32>
    %select_n3A_202 = arith.select %eq3A_197, %broadcast_in_dim3A_200, %broadcast_in_dim3A_201 : vector<64x128xi1>, vector<64x128xf32>
    %swap3A_203 = arith.constant 2 : index
    %swap3A_204 = arith.constant 0 : index
    %swap3A_205 = arith.constant 0 : index
    %swap3A_206 = vector.load %arg4[%swap3A_203, %swap3A_204, %swap3A_205] : memref<32x64x128xf32, #tpu.memory_space<vmem>>, vector<1x64x128xf32>
    %swap3A_207 = vector.shape_cast %swap3A_206 : vector<1x64x128xf32> to vector<64x128xf32>
    %swap3A_208 = vector.shape_cast %select_n3A_202 : vector<64x128xf32> to vector<1x64x128xf32>
    tpu.vector_store %arg4[%swap3A_203, %swap3A_204, %swap3A_205], %swap3A_208 {strides = array<i32>} : memref<32x64x128xf32, #tpu.memory_space<vmem>>, vector<1x64x128xf32>,
    %get3A_209 = arith.constant 3 : index
    %get3A_210 = arith.constant 0 : index
    %get3A_211 = arith.constant 0 : index
    %get3A_212 = vector.load %arg1[%get3A_209, %get3A_210, %get3A_211] : memref<32x64x128xf32, #tpu.memory_space<vmem>>, vector<1x64x128xf32>
    %get3A_213 = vector.shape_cast %get3A_212 : vector<1x64x128xf32> to vector<64x128xf32>
    %slice3A_214 = vector.extract_strided_slice %add3A_21 {offsets = [0, 384], sizes = [64, 128], strides = [1, 1]} : vector<64x4096xf32> to vector<64x128xf32>
    %dot_general3A_215 = arith.constant dense<0.000000e+00> : vector<64x64xf32>
    %dot_general3A_216 = tpu.matmul %get3A_213, %slice3A_214, %dot_general3A_215 {dimension_numbers = #tpu.dot_dimension_numbers<[1], [1], [0], [0], [0, 0, 1, 0], [], []>, transpose_lhs_hint = false} : vector<64x128xf32>, vector<64x128xf32>, vector<64x64xf32> -> vector<64x64xf32>
    %mul3A_217 = vector.broadcast %get3A_0 : f32 to vector<64x64xf32>
    %mul3A_218 = arith.mulf %dot_general3A_216, %mul3A_217 : vector<64x64xf32>
    %ge3A_219 = arith.cmpi sge, %iota3A_1, %iota3A : vector<64x64xi32>
    %jit3A_220 = arith.constant -3.40282347E+38 : f32
    %broadcast_in_dim3A_221 = vector.broadcast %jit3A_220 : f32 to vector<64x64xf32>
    %select_n3A_222 = arith.select %ge3A_219, %broadcast_in_dim3A_221, %mul3A_218 : vector<64x64xi1>, vector<64x64xf32>
    %reduce_max3A_223 = arith.constant dense<0xFF800000> : vector<64xf32>
    %reduce_max3A_224 = vector.multi_reduction <maximumf>, %select_n3A_222, %reduce_max3A_223 [1] : vector<64x64xf32> to vector<64xf32>
    %broadcast_in_dim3A_225 = vector.shape_cast %reduce_max3A_224 : vector<64xf32> to vector<64x1xf32>
    %max3A_226 = arith.constant 0.000000e+00 : f32
    %max3A_227 = vector.broadcast %max3A_226 : f32 to vector<64x1xf32>
    %max3A_228 = arith.maximumf %broadcast_in_dim3A_225, %max3A_227 : vector<64x1xf32>
    %sub3A_229 = vector.broadcast %max3A_228 : vector<64x1xf32> to vector<64x64xf32>
    %sub3A_230 = arith.subf %select_n3A_222, %sub3A_229 : vector<64x64xf32>
    %exp3A_231 = math.exp %sub3A_230 : vector<64x64xf32>
    %neg3A_232 = arith.constant 0.000000e+00 : f32
    %neg3A_233 = vector.broadcast %neg3A_232 : f32 to vector<64x1xf32>
    %neg3A_234 = arith.subf %neg3A_233, %max3A_228 : vector<64x1xf32>
    %exp3A_235 = math.exp %neg3A_234 : vector<64x1xf32>
    %reduce_sum3A_236 = arith.constant dense<0.000000e+00> : vector<64xf32>
    %reduce_sum3A_237 = vector.multi_reduction <add>, %exp3A_231, %reduce_sum3A_236 [1] : vector<64x64xf32> to vector<64xf32>
    %broadcast_in_dim3A_238 = vector.shape_cast %reduce_sum3A_237 : vector<64xf32> to vector<64x1xf32>
    %add3A_239 = arith.addf %exp3A_235, %broadcast_in_dim3A_238 : vector<64x1xf32>
    %div3A_240 = vector.broadcast %add3A_239 : vector<64x1xf32> to vector<64x64xf32>
    %div3A_241 = arith.divf %exp3A_231, %div3A_240 : vector<64x64xf32>
    %div3A_242 = arith.divf %exp3A_235, %add3A_239 : vector<64x1xf32>
    %reduce_max3A_243 = arith.constant dense<0xFF800000> : vector<64xf32>
    %reduce_max3A_244 = vector.multi_reduction <maximumf>, %div3A_241, %reduce_max3A_243 [1] : vector<64x64xf32> to vector<64xf32>
    %broadcast_in_dim3A_245 = vector.shape_cast %reduce_max3A_244 : vector<64xf32> to vector<64x1xf32>
    %max3A_246 = arith.maximumf %broadcast_in_dim3A_245, %div3A_242 : vector<64x1xf32>
    %eq3A_247 = vector.broadcast %max3A_246 : vector<64x1xf32> to vector<64x64xf32>
    %eq3A_248 = arith.cmpf oeq, %div3A_241, %eq3A_247 : vector<64x64xf32>
    %add3A_249 = arith.constant 1 : i32
    %add3A_250 = vector.broadcast %add3A_249 : i32 to vector<64x64xi32>
    %add3A_251 = arith.addi %iota3A_1, %add3A_250 : vector<64x64xi32>
    %jit3A_252 = arith.constant 128 : i32
    %broadcast_in_dim3A_253 = vector.broadcast %jit3A_252 : i32 to vector<64x64xi32>
    %select_n3A_254 = arith.select %eq3A_248, %add3A_251, %broadcast_in_dim3A_253 : vector<64x64xi1>, vector<64x64xi32>
    %reduce_min3A_255 = arith.constant dense<2147483647> : vector<64xi32>
    %reduce_min3A_256 = vector.multi_reduction <minsi>, %select_n3A_254, %reduce_min3A_255 [1] : vector<64x64xi32> to vector<64xi32>
    %broadcast_in_dim3A_257 = vector.shape_cast %reduce_min3A_256 : vector<64xi32> to vector<64x1xi32>
    %eq3A_258 = arith.cmpf oeq, %div3A_242, %max3A_246 : vector<64x1xf32>
    %jit3A_259 = arith.constant 0 : i32
    %broadcast_in_dim3A_260 = vector.broadcast %jit3A_259 : i32 to vector<64x1xi32>
    %select_n3A_261 = arith.select %eq3A_258, %broadcast_in_dim3A_260, %broadcast_in_dim3A_257 : vector<64x1xi1>, vector<64x1xi32>
    %eq3A_262 = vector.broadcast %select_n3A_261 : vector<64x1xi32> to vector<64x128xi32>
    %eq3A_263 = arith.cmpi eq, %iota3A_22, %eq3A_262 : vector<64x128xi32>
    %jit3A_264 = arith.constant 0.000000e+00 : f32
    %broadcast_in_dim3A_265 = vector.shape_cast %max3A_246 : vector<64x1xf32> to vector<64x1xf32>
    %broadcast_in_dim3A_266 = vector.broadcast %broadcast_in_dim3A_265 : vector<64x1xf32> to vector<64x128xf32>
    %broadcast_in_dim3A_267 = vector.broadcast %jit3A_264 : f32 to vector<64x128xf32>
    %select_n3A_268 = arith.select %eq3A_263, %broadcast_in_dim3A_266, %broadcast_in_dim3A_267 : vector<64x128xi1>, vector<64x128xf32>
    %swap3A_269 = arith.constant 3 : index
    %swap3A_270 = arith.constant 0 : index
    %swap3A_271 = arith.constant 0 : index
    %swap3A_272 = vector.load %arg4[%swap3A_269, %swap3A_270, %swap3A_271] : memref<32x64x128xf32, #tpu.memory_space<vmem>>, vector<1x64x128xf32>
    %swap3A_273 = vector.shape_cast %swap3A_272 : vector<1x64x128xf32> to vector<64x128xf32>
    %swap3A_274 = vector.shape_cast %select_n3A_268 : vector<64x128xf32> to vector<1x64x128xf32>
    tpu.vector_store %arg4[%swap3A_269, %swap3A_270, %swap3A_271], %swap3A_274 {strides = array<i32>} : memref<32x64x128xf32, #tpu.memory_space<vmem>>, vector<1x64x128xf32>,
    %get3A_275 = arith.constant 4 : index
    %get3A_276 = arith.constant 0 : index
    %get3A_277 = arith.constant 0 : index
    %get3A_278 = vector.load %arg1[%get3A_275, %get3A_276, %get3A_277] : memref<32x64x128xf32, #tpu.memory_space<vmem>>, vector<1x64x128xf32>
    %get3A_279 = vector.shape_cast %get3A_278 : vector<1x64x128xf32> to vector<64x128xf32>
    %slice3A_280 = vector.extract_strided_slice %add3A_21 {offsets = [0, 512], sizes = [64, 128], strides = [1, 1]} : vector<64x4096xf32> to vector<64x128xf32>
    %dot_general3A_281 = arith.constant dense<0.000000e+00> : vector<64x64xf32>
    %dot_general3A_282 = tpu.matmul %get3A_279, %slice3A_280, %dot_general3A_281 {dimension_numbers = #tpu.dot_dimension_numbers<[1], [1], [0], [0], [0, 0, 1, 0], [], []>, transpose_lhs_hint = false} : vector<64x128xf32>, vector<64x128xf32>, vector<64x64xf32> -> vector<64x64xf32>
    %mul3A_283 = vector.broadcast %get3A_0 : f32 to vector<64x64xf32>
    %mul3A_284 = arith.mulf %dot_general3A_282, %mul3A_283 : vector<64x64xf32>
    %ge3A_285 = arith.cmpi sge, %iota3A_1, %iota3A : vector<64x64xi32>
    %jit3A_286 = arith.constant -3.40282347E+38 : f32
    %broadcast_in_dim3A_287 = vector.broadcast %jit3A_286 : f32 to vector<64x64xf32>
    %select_n3A_288 = arith.select %ge3A_285, %broadcast_in_dim3A_287, %mul3A_284 : vector<64x64xi1>, vector<64x64xf32>
    %reduce_max3A_289 = arith.constant dense<0xFF800000> : vector<64xf32>
    %reduce_max3A_290 = vector.multi_reduction <maximumf>, %select_n3A_288, %reduce_max3A_289 [1] : vector<64x64xf32> to vector<64xf32>
    %broadcast_in_dim3A_291 = vector.shape_cast %reduce_max3A_290 : vector<64xf32> to vector<64x1xf32>
    %max3A_292 = arith.constant 0.000000e+00 : f32
    %max3A_293 = vector.broadcast %max3A_292 : f32 to vector<64x1xf32>
    %max3A_294 = arith.maximumf %broadcast_in_dim3A_291, %max3A_293 : vector<64x1xf32>
    %sub3A_295 = vector.broadcast %max3A_294 : vector<64x1xf32> to vector<64x64xf32>
    %sub3A_296 = arith.subf %select_n3A_288, %sub3A_295 : vector<64x64xf32>
    %exp3A_297 = math.exp %sub3A_296 : vector<64x64xf32>
    %neg3A_298 = arith.constant 0.000000e+00 : f32
    %neg3A_299 = vector.broadcast %neg3A_298 : f32 to vector<64x1xf32>
    %neg3A_300 = arith.subf %neg3A_299, %max3A_294 : vector<64x1xf32>
    %exp3A_301 = math.exp %neg3A_300 : vector<64x1xf32>
    %reduce_sum3A_302 = arith.constant dense<0.000000e+00> : vector<64xf32>
    %reduce_sum3A_303 = vector.multi_reduction <add>, %exp3A_297, %reduce_sum3A_302 [1] : vector<64x64xf32> to vector<64xf32>
    %broadcast_in_dim3A_304 = vector.shape_cast %reduce_sum3A_303 : vector<64xf32> to vector<64x1xf32>
    %add3A_305 = arith.addf %exp3A_301, %broadcast_in_dim3A_304 : vector<64x1xf32>
    %div3A_306 = vector.broadcast %add3A_305 : vector<64x1xf32> to vector<64x64xf32>
    %div3A_307 = arith.divf %exp3A_297, %div3A_306 : vector<64x64xf32>
    %div3A_308 = arith.divf %exp3A_301, %add3A_305 : vector<64x1xf32>
    %reduce_max3A_309 = arith.constant dense<0xFF800000> : vector<64xf32>
    %reduce_max3A_310 = vector.multi_reduction <maximumf>, %div3A_307, %reduce_max3A_309 [1] : vector<64x64xf32> to vector<64xf32>
    %broadcast_in_dim3A_311 = vector.shape_cast %reduce_max3A_310 : vector<64xf32> to vector<64x1xf32>
    %max3A_312 = arith.maximumf %broadcast_in_dim3A_311, %div3A_308 : vector<64x1xf32>
    %eq3A_313 = vector.broadcast %max3A_312 : vector<64x1xf32> to vector<64x64xf32>
    %eq3A_314 = arith.cmpf oeq, %div3A_307, %eq3A_313 : vector<64x64xf32>
    %add3A_315 = arith.constant 1 : i32
    %add3A_316 = vector.broadcast %add3A_315 : i32 to vector<64x64xi32>
    %add3A_317 = arith.addi %iota3A_1, %add3A_316 : vector<64x64xi32>
    %jit3A_318 = arith.constant 128 : i32
    %broadcast_in_dim3A_319 = vector.broadcast %jit3A_318 : i32 to vector<64x64xi32>
    %select_n3A_320 = arith.select %eq3A_314, %add3A_317, %broadcast_in_dim3A_319 : vector<64x64xi1>, vector<64x64xi32>
    %reduce_min3A_321 = arith.constant dense<2147483647> : vector<64xi32>
    %reduce_min3A_322 = vector.multi_reduction <minsi>, %select_n3A_320, %reduce_min3A_321 [1] : vector<64x64xi32> to vector<64xi32>
    %broadcast_in_dim3A_323 = vector.shape_cast %reduce_min3A_322 : vector<64xi32> to vector<64x1xi32>
    %eq3A_324 = arith.cmpf oeq, %div3A_308, %max3A_312 : vector<64x1xf32>
    %jit3A_325 = arith.constant 0 : i32
    %broadcast_in_dim3A_326 = vector.broadcast %jit3A_325 : i32 to vector<64x1xi32>
    %select_n3A_327 = arith.select %eq3A_324, %broadcast_in_dim3A_326, %broadcast_in_dim3A_323 : vector<64x1xi1>, vector<64x1xi32>
    %eq3A_328 = vector.broadcast %select_n3A_327 : vector<64x1xi32> to vector<64x128xi32>
    %eq3A_329 = arith.cmpi eq, %iota3A_22, %eq3A_328 : vector<64x128xi32>
    %jit3A_330 = arith.constant 0.000000e+00 : f32
    %broadcast_in_dim3A_331 = vector.shape_cast %max3A_312 : vector<64x1xf32> to vector<64x1xf32>
    %broadcast_in_dim3A_332 = vector.broadcast %broadcast_in_dim3A_331 : vector<64x1xf32> to vector<64x128xf32>
    %broadcast_in_dim3A_333 = vector.broadcast %jit3A_330 : f32 to vector<64x128xf32>
    %select_n3A_334 = arith.select %eq3A_329, %broadcast_in_dim3A_332, %broadcast_in_dim3A_333 : vector<64x128xi1>, vector<64x128xf32>
    %swap3A_335 = arith.constant 4 : index
    %swap3A_336 = arith.constant 0 : index
    %swap3A_337 = arith.constant 0 : index
    %swap3A_338 = vector.load %arg4[%swap3A_335, %swap3A_336, %swap3A_337] : memref<32x64x128xf32, #tpu.memory_space<vmem>>, vector<1x64x128xf32>
    %swap3A_339 = vector.shape_cast %swap3A_338 : vector<1x64x128xf32> to vector<64x128xf32>
    %swap3A_340 = vector.shape_cast %select_n3A_334 : vector<64x128xf32> to vector<1x64x128xf32>
    tpu.vector_store %arg4[%swap3A_335, %swap3A_336, %swap3A_337], %swap3A_340 {strides = array<i32>} : memref<32x64x128xf32, #tpu.memory_space<vmem>>, vector<1x64x128xf32>,
    %get3A_341 = arith.constant 5 : index
    %get3A_342 = arith.constant 0 : index
    %get3A_343 = arith.constant 0 : index
    %get3A_344 = vector.load %arg1[%get3A_341, %get3A_342, %get3A_343] : memref<32x64x128xf32, #tpu.memory_space<vmem>>, vector<1x64x128xf32>
    %get3A_345 = vector.shape_cast %get3A_344 : vector<1x64x128xf32> to vector<64x128xf32>
    %slice3A_346 = vector.extract_strided_slice %add3A_21 {offsets = [0, 640], sizes = [64, 128], strides = [1, 1]} : vector<64x4096xf32> to vector<64x128xf32>
    %dot_general3A_347 = arith.constant dense<0.000000e+00> : vector<64x64xf32>
    %dot_general3A_348 = tpu.matmul %get3A_345, %slice3A_346, %dot_general3A_347 {dimension_numbers = #tpu.dot_dimension_numbers<[1], [1], [0], [0], [0, 0, 1, 0], [], []>, transpose_lhs_hint = false} : vector<64x128xf32>, vector<64x128xf32>, vector<64x64xf32> -> vector<64x64xf32>
    %mul3A_349 = vector.broadcast %get3A_0 : f32 to vector<64x64xf32>
    %mul3A_350 = arith.mulf %dot_general3A_348, %mul3A_349 : vector<64x64xf32>
    %ge3A_351 = arith.cmpi sge, %iota3A_1, %iota3A : vector<64x64xi32>
    %jit3A_352 = arith.constant -3.40282347E+38 : f32
    %broadcast_in_dim3A_353 = vector.broadcast %jit3A_352 : f32 to vector<64x64xf32>
    %select_n3A_354 = arith.select %ge3A_351, %broadcast_in_dim3A_353, %mul3A_350 : vector<64x64xi1>, vector<64x64xf32>
    %reduce_max3A_355 = arith.constant dense<0xFF800000> : vector<64xf32>
    %reduce_max3A_356 = vector.multi_reduction <maximumf>, %select_n3A_354, %reduce_max3A_355 [1] : vector<64x64xf32> to vector<64xf32>
    %broadcast_in_dim3A_357 = vector.shape_cast %reduce_max3A_356 : vector<64xf32> to vector<64x1xf32>
    %max3A_358 = arith.constant 0.000000e+00 : f32
    %max3A_359 = vector.broadcast %max3A_358 : f32 to vector<64x1xf32>
    %max3A_360 = arith.maximumf %broadcast_in_dim3A_357, %max3A_359 : vector<64x1xf32>
    %sub3A_361 = vector.broadcast %max3A_360 : vector<64x1xf32> to vector<64x64xf32>
    %sub3A_362 = arith.subf %select_n3A_354, %sub3A_361 : vector<64x64xf32>
    %exp3A_363 = math.exp %sub3A_362 : vector<64x64xf32>
    %neg3A_364 = arith.constant 0.000000e+00 : f32
    %neg3A_365 = vector.broadcast %neg3A_364 : f32 to vector<64x1xf32>
    %neg3A_366 = arith.subf %neg3A_365, %max3A_360 : vector<64x1xf32>
    %exp3A_367 = math.exp %neg3A_366 : vector<64x1xf32>
    %reduce_sum3A_368 = arith.constant dense<0.000000e+00> : vector<64xf32>
    %reduce_sum3A_369 = vector.multi_reduction <add>, %exp3A_363, %reduce_sum3A_368 [1] : vector<64x64xf32> to vector<64xf32>
    %broadcast_in_dim3A_370 = vector.shape_cast %reduce_sum3A_369 : vector<64xf32> to vector<64x1xf32>
    %add3A_371 = arith.addf %exp3A_367, %broadcast_in_dim3A_370 : vector<64x1xf32>
    %div3A_372 = vector.broadcast %add3A_371 : vector<64x1xf32> to vector<64x64xf32>
    %div3A_373 = arith.divf %exp3A_363, %div3A_372 : vector<64x64xf32>
    %div3A_374 = arith.divf %exp3A_367, %add3A_371 : vector<64x1xf32>
    %reduce_max3A_375 = arith.constant dense<0xFF800000> : vector<64xf32>
    %reduce_max3A_376 = vector.multi_reduction <maximumf>, %div3A_373, %reduce_max3A_375 [1] : vector<64x64xf32> to vector<64xf32>
    %broadcast_in_dim3A_377 = vector.shape_cast %reduce_max3A_376 : vector<64xf32> to vector<64x1xf32>
    %max3A_378 = arith.maximumf %broadcast_in_dim3A_377, %div3A_374 : vector<64x1xf32>
    %eq3A_379 = vector.broadcast %max3A_378 : vector<64x1xf32> to vector<64x64xf32>
    %eq3A_380 = arith.cmpf oeq, %div3A_373, %eq3A_379 : vector<64x64xf32>
    %add3A_381 = arith.constant 1 : i32
    %add3A_382 = vector.broadcast %add3A_381 : i32 to vector<64x64xi32>
    %add3A_383 = arith.addi %iota3A_1, %add3A_382 : vector<64x64xi32>
    %jit3A_384 = arith.constant 128 : i32
    %broadcast_in_dim3A_385 = vector.broadcast %jit3A_384 : i32 to vector<64x64xi32>
    %select_n3A_386 = arith.select %eq3A_380, %add3A_383, %broadcast_in_dim3A_385 : vector<64x64xi1>, vector<64x64xi32>
    %reduce_min3A_387 = arith.constant dense<2147483647> : vector<64xi32>
    %reduce_min3A_388 = vector.multi_reduction <minsi>, %select_n3A_386, %reduce_min3A_387 [1] : vector<64x64xi32> to vector<64xi32>
    %broadcast_in_dim3A_389 = vector.shape_cast %reduce_min3A_388 : vector<64xi32> to vector<64x1xi32>
    %eq3A_390 = arith.cmpf oeq, %div3A_374, %max3A_378 : vector<64x1xf32>
    %jit3A_391 = arith.constant 0 : i32
    %broadcast_in_dim3A_392 = vector.broadcast %jit3A_391 : i32 to vector<64x1xi32>
    %select_n3A_393 = arith.select %eq3A_390, %broadcast_in_dim3A_392, %broadcast_in_dim3A_389 : vector<64x1xi1>, vector<64x1xi32>
    %eq3A_394 = vector.broadcast %select_n3A_393 : vector<64x1xi32> to vector<64x128xi32>
    %eq3A_395 = arith.cmpi eq, %iota3A_22, %eq3A_394 : vector<64x128xi32>
    %jit3A_396 = arith.constant 0.000000e+00 : f32
    %broadcast_in_dim3A_397 = vector.shape_cast %max3A_378 : vector<64x1xf32> to vector<64x1xf32>
    %broadcast_in_dim3A_398 = vector.broadcast %broadcast_in_dim3A_397 : vector<64x1xf32> to vector<64x128xf32>
    %broadcast_in_dim3A_399 = vector.broadcast %jit3A_396 : f32 to vector<64x128xf32>
    %select_n3A_400 = arith.select %eq3A_395, %broadcast_in_dim3A_398, %broadcast_in_dim3A_399 : vector<64x128xi1>, vector<64x128xf32>
    %swap3A_401 = arith.constant 5 : index
    %swap3A_402 = arith.constant 0 : index
    %swap3A_403 = arith.constant 0 : index
    %swap3A_404 = vector.load %arg4[%swap3A_401, %swap3A_402, %swap3A_403] : memref<32x64x128xf32, #tpu.memory_space<vmem>>, vector<1x64x128xf32>
    %swap3A_405 = vector.shape_cast %swap3A_404 : vector<1x64x128xf32> to vector<64x128xf32>
    %swap3A_406 = vector.shape_cast %select_n3A_400 : vector<64x128xf32> to vector<1x64x128xf32>
    tpu.vector_store %arg4[%swap3A_401, %swap3A_402, %swap3A_403], %swap3A_406 {strides = array<i32>} : memref<32x64x128xf32, #tpu.memory_space<vmem>>, vector<1x64x128xf32>,
    %get3A_407 = arith.constant 6 : index
    %get3A_408 = arith.constant 0 : index
    %get3A_409 = arith.constant 0 : index
    %get3A_410 = vector.load %arg1[%get3A_407, %get3A_408, %get3A_409] : memref<32x64x128xf32, #tpu.memory_space<vmem>>, vector<1x64x128xf32>
    %get3A_411 = vector.shape_cast %get3A_410 : vector<1x64x128xf32> to vector<64x128xf32>
    %slice3A_412 = vector.extract_strided_slice %add3A_21 {offsets = [0, 768], sizes = [64, 128], strides = [1, 1]} : vector<64x4096xf32> to vector<64x128xf32>
    %dot_general3A_413 = arith.constant dense<0.000000e+00> : vector<64x64xf32>
    %dot_general3A_414 = tpu.matmul %get3A_411, %slice3A_412, %dot_general3A_413 {dimension_numbers = #tpu.dot_dimension_numbers<[1], [1], [0], [0], [0, 0, 1, 0], [], []>, transpose_lhs_hint = false} : vector<64x128xf32>, vector<64x128xf32>, vector<64x64xf32> -> vector<64x64xf32>
    %mul3A_415 = vector.broadcast %get3A_0 : f32 to vector<64x64xf32>
    %mul3A_416 = arith.mulf %dot_general3A_414, %mul3A_415 : vector<64x64xf32>
    %ge3A_417 = arith.cmpi sge, %iota3A_1, %iota3A : vector<64x64xi32>
    %jit3A_418 = arith.constant -3.40282347E+38 : f32
    %broadcast_in_dim3A_419 = vector.broadcast %jit3A_418 : f32 to vector<64x64xf32>
    %select_n3A_420 = arith.select %ge3A_417, %broadcast_in_dim3A_419, %mul3A_416 : vector<64x64xi1>, vector<64x64xf32>
    %reduce_max3A_421 = arith.constant dense<0xFF800000> : vector<64xf32>
    %reduce_max3A_422 = vector.multi_reduction <maximumf>, %select_n3A_420, %reduce_max3A_421 [1] : vector<64x64xf32> to vector<64xf32>
    %broadcast_in_dim3A_423 = vector.shape_cast %reduce_max3A_422 : vector<64xf32> to vector<64x1xf32>
    %max3A_424 = arith.constant 0.000000e+00 : f32
    %max3A_425 = vector.broadcast %max3A_424 : f32 to vector<64x1xf32>
    %max3A_426 = arith.maximumf %broadcast_in_dim3A_423, %max3A_425 : vector<64x1xf32>
    %sub3A_427 = vector.broadcast %max3A_426 : vector<64x1xf32> to vector<64x64xf32>
    %sub3A_428 = arith.subf %select_n3A_420, %sub3A_427 : vector<64x64xf32>
    %exp3A_429 = math.exp %sub3A_428 : vector<64x64xf32>
    %neg3A_430 = arith.constant 0.000000e+00 : f32
    %neg3A_431 = vector.broadcast %neg3A_430 : f32 to vector<64x1xf32>
    %neg3A_432 = arith.subf %neg3A_431, %max3A_426 : vector<64x1xf32>
    %exp3A_433 = math.exp %neg3A_432 : vector<64x1xf32>
    %reduce_sum3A_434 = arith.constant dense<0.000000e+00> : vector<64xf32>
    %reduce_sum3A_435 = vector.multi_reduction <add>, %exp3A_429, %reduce_sum3A_434 [1] : vector<64x64xf32> to vector<64xf32>
    %broadcast_in_dim3A_436 = vector.shape_cast %reduce_sum3A_435 : vector<64xf32> to vector<64x1xf32>
    %add3A_437 = arith.addf %exp3A_433, %broadcast_in_dim3A_436 : vector<64x1xf32>
    %div3A_438 = vector.broadcast %add3A_437 : vector<64x1xf32> to vector<64x64xf32>
    %div3A_439 = arith.divf %exp3A_429, %div3A_438 : vector<64x64xf32>
    %div3A_440 = arith.divf %exp3A_433, %add3A_437 : vector<64x1xf32>
    %reduce_max3A_441 = arith.constant dense<0xFF800000> : vector<64xf32>
    %reduce_max3A_442 = vector.multi_reduction <maximumf>, %div3A_439, %reduce_max3A_441 [1] : vector<64x64xf32> to vector<64xf32>
    %broadcast_in_dim3A_443 = vector.shape_cast %reduce_max3A_442 : vector<64xf32> to vector<64x1xf32>
    %max3A_444 = arith.maximumf %broadcast_in_dim3A_443, %div3A_440 : vector<64x1xf32>
    %eq3A_445 = vector.broadcast %max3A_444 : vector<64x1xf32> to vector<64x64xf32>
    %eq3A_446 = arith.cmpf oeq, %div3A_439, %eq3A_445 : vector<64x64xf32>
    %add3A_447 = arith.constant 1 : i32
    %add3A_448 = vector.broadcast %add3A_447 : i32 to vector<64x64xi32>
    %add3A_449 = arith.addi %iota3A_1, %add3A_448 : vector<64x64xi32>
    %jit3A_450 = arith.constant 128 : i32
    %broadcast_in_dim3A_451 = vector.broadcast %jit3A_450 : i32 to vector<64x64xi32>
    %select_n3A_452 = arith.select %eq3A_446, %add3A_449, %broadcast_in_dim3A_451 : vector<64x64xi1>, vector<64x64xi32>
    %reduce_min3A_453 = arith.constant dense<2147483647> : vector<64xi32>
    %reduce_min3A_454 = vector.multi_reduction <minsi>, %select_n3A_452, %reduce_min3A_453 [1] : vector<64x64xi32> to vector<64xi32>
    %broadcast_in_dim3A_455 = vector.shape_cast %reduce_min3A_454 : vector<64xi32> to vector<64x1xi32>
    %eq3A_456 = arith.cmpf oeq, %div3A_440, %max3A_444 : vector<64x1xf32>
    %jit3A_457 = arith.constant 0 : i32
    %broadcast_in_dim3A_458 = vector.broadcast %jit3A_457 : i32 to vector<64x1xi32>
    %select_n3A_459 = arith.select %eq3A_456, %broadcast_in_dim3A_458, %broadcast_in_dim3A_455 : vector<64x1xi1>, vector<64x1xi32>
    %eq3A_460 = vector.broadcast %select_n3A_459 : vector<64x1xi32> to vector<64x128xi32>
    %eq3A_461 = arith.cmpi eq, %iota3A_22, %eq3A_460 : vector<64x128xi32>
    %jit3A_462 = arith.constant 0.000000e+00 : f32
    %broadcast_in_dim3A_463 = vector.shape_cast %max3A_444 : vector<64x1xf32> to vector<64x1xf32>
    %broadcast_in_dim3A_464 = vector.broadcast %broadcast_in_dim3A_463 : vector<64x1xf32> to vector<64x128xf32>
    %broadcast_in_dim3A_465 = vector.broadcast %jit3A_462 : f32 to vector<64x128xf32>
    %select_n3A_466 = arith.select %eq3A_461, %broadcast_in_dim3A_464, %broadcast_in_dim3A_465 : vector<64x128xi1>, vector<64x128xf32>
    %swap3A_467 = arith.constant 6 : index
    %swap3A_468 = arith.constant 0 : index
    %swap3A_469 = arith.constant 0 : index
    %swap3A_470 = vector.load %arg4[%swap3A_467, %swap3A_468, %swap3A_469] : memref<32x64x128xf32, #tpu.memory_space<vmem>>, vector<1x64x128xf32>
    %swap3A_471 = vector.shape_cast %swap3A_470 : vector<1x64x128xf32> to vector<64x128xf32>
    %swap3A_472 = vector.shape_cast %select_n3A_466 : vector<64x128xf32> to vector<1x64x128xf32>
    tpu.vector_store %arg4[%swap3A_467, %swap3A_468, %swap3A_469], %swap3A_472 {strides = array<i32>} : memref<32x64x128xf32, #tpu.memory_space<vmem>>, vector<1x64x128xf32>,
    %get3A_473 = arith.constant 7 : index
    %get3A_474 = arith.constant 0 : index
    %get3A_475 = arith.constant 0 : index
    %get3A_476 = vector.load %arg1[%get3A_473, %get3A_474, %get3A_475] : memref<32x64x128xf32, #tpu.memory_space<vmem>>, vector<1x64x128xf32>
    %get3A_477 = vector.shape_cast %get3A_476 : vector<1x64x128xf32> to vector<64x128xf32>
    %slice3A_478 = vector.extract_strided_slice %add3A_21 {offsets = [0, 896], sizes = [64, 128], strides = [1, 1]} : vector<64x4096xf32> to vector<64x128xf32>
    %dot_general3A_479 = arith.constant dense<0.000000e+00> : vector<64x64xf32>
    %dot_general3A_480 = tpu.matmul %get3A_477, %slice3A_478, %dot_general3A_479 {dimension_numbers = #tpu.dot_dimension_numbers<[1], [1], [0], [0], [0, 0, 1, 0], [], []>, transpose_lhs_hint = false} : vector<64x128xf32>, vector<64x128xf32>, vector<64x64xf32> -> vector<64x64xf32>
    %mul3A_481 = vector.broadcast %get3A_0 : f32 to vector<64x64xf32>
    %mul3A_482 = arith.mulf %dot_general3A_480, %mul3A_481 : vector<64x64xf32>
    %ge3A_483 = arith.cmpi sge, %iota3A_1, %iota3A : vector<64x64xi32>
    %jit3A_484 = arith.constant -3.40282347E+38 : f32
    %broadcast_in_dim3A_485 = vector.broadcast %jit3A_484 : f32 to vector<64x64xf32>
    %select_n3A_486 = arith.select %ge3A_483, %broadcast_in_dim3A_485, %mul3A_482 : vector<64x64xi1>, vector<64x64xf32>
    %reduce_max3A_487 = arith.constant dense<0xFF800000> : vector<64xf32>
    %reduce_max3A_488 = vector.multi_reduction <maximumf>, %select_n3A_486, %reduce_max3A_487 [1] : vector<64x64xf32> to vector<64xf32>
    %broadcast_in_dim3A_489 = vector.shape_cast %reduce_max3A_488 : vector<64xf32> to vector<64x1xf32>
    %max3A_490 = arith.constant 0.000000e+00 : f32
    %max3A_491 = vector.broadcast %max3A_490 : f32 to vector<64x1xf32>
    %max3A_492 = arith.maximumf %broadcast_in_dim3A_489, %max3A_491 : vector<64x1xf32>
    %sub3A_493 = vector.broadcast %max3A_492 : vector<64x1xf32> to vector<64x64xf32>
    %sub3A_494 = arith.subf %select_n3A_486, %sub3A_493 : vector<64x64xf32>
    %exp3A_495 = math.exp %sub3A_494 : vector<64x64xf32>
    %neg3A_496 = arith.constant 0.000000e+00 : f32
    %neg3A_497 = vector.broadcast %neg3A_496 : f32 to vector<64x1xf32>
    %neg3A_498 = arith.subf %neg3A_497, %max3A_492 : vector<64x1xf32>
    %exp3A_499 = math.exp %neg3A_498 : vector<64x1xf32>
    %reduce_sum3A_500 = arith.constant dense<0.000000e+00> : vector<64xf32>
    %reduce_sum3A_501 = vector.multi_reduction <add>, %exp3A_495, %reduce_sum3A_500 [1] : vector<64x64xf32> to vector<64xf32>
    %broadcast_in_dim3A_502 = vector.shape_cast %reduce_sum3A_501 : vector<64xf32> to vector<64x1xf32>
    %add3A_503 = arith.addf %exp3A_499, %broadcast_in_dim3A_502 : vector<64x1xf32>
    %div3A_504 = vector.broadcast %add3A_503 : vector<64x1xf32> to vector<64x64xf32>
    %div3A_505 = arith.divf %exp3A_495, %div3A_504 : vector<64x64xf32>
    %div3A_506 = arith.divf %exp3A_499, %add3A_503 : vector<64x1xf32>
    %reduce_max3A_507 = arith.constant dense<0xFF800000> : vector<64xf32>
    %reduce_max3A_508 = vector.multi_reduction <maximumf>, %div3A_505, %reduce_max3A_507 [1] : vector<64x64xf32> to vector<64xf32>
    %broadcast_in_dim3A_509 = vector.shape_cast %reduce_max3A_508 : vector<64xf32> to vector<64x1xf32>
    %max3A_510 = arith.maximumf %broadcast_in_dim3A_509, %div3A_506 : vector<64x1xf32>
    %eq3A_511 = vector.broadcast %max3A_510 : vector<64x1xf32> to vector<64x64xf32>
    %eq3A_512 = arith.cmpf oeq, %div3A_505, %eq3A_511 : vector<64x64xf32>
    %add3A_513 = arith.constant 1 : i32
    %add3A_514 = vector.broadcast %add3A_513 : i32 to vector<64x64xi32>
    %add3A_515 = arith.addi %iota3A_1, %add3A_514 : vector<64x64xi32>
    %jit3A_516 = arith.constant 128 : i32
    %broadcast_in_dim3A_517 = vector.broadcast %jit3A_516 : i32 to vector<64x64xi32>
    %select_n3A_518 = arith.select %eq3A_512, %add3A_515, %broadcast_in_dim3A_517 : vector<64x64xi1>, vector<64x64xi32>
    %reduce_min3A_519 = arith.constant dense<2147483647> : vector<64xi32>
    %reduce_min3A_520 = vector.multi_reduction <minsi>, %select_n3A_518, %reduce_min3A_519 [1] : vector<64x64xi32> to vector<64xi32>
    %broadcast_in_dim3A_521 = vector.shape_cast %reduce_min3A_520 : vector<64xi32> to vector<64x1xi32>
    %eq3A_522 = arith.cmpf oeq, %div3A_506, %max3A_510 : vector<64x1xf32>
    %jit3A_523 = arith.constant 0 : i32
    %broadcast_in_dim3A_524 = vector.broadcast %jit3A_523 : i32 to vector<64x1xi32>
    %select_n3A_525 = arith.select %eq3A_522, %broadcast_in_dim3A_524, %broadcast_in_dim3A_521 : vector<64x1xi1>, vector<64x1xi32>
    %eq3A_526 = vector.broadcast %select_n3A_525 : vector<64x1xi32> to vector<64x128xi32>
    %eq3A_527 = arith.cmpi eq, %iota3A_22, %eq3A_526 : vector<64x128xi32>
    %jit3A_528 = arith.constant 0.000000e+00 : f32
    %broadcast_in_dim3A_529 = vector.shape_cast %max3A_510 : vector<64x1xf32> to vector<64x1xf32>
    %broadcast_in_dim3A_530 = vector.broadcast %broadcast_in_dim3A_529 : vector<64x1xf32> to vector<64x128xf32>
    %broadcast_in_dim3A_531 = vector.broadcast %jit3A_528 : f32 to vector<64x128xf32>
    %select_n3A_532 = arith.select %eq3A_527, %broadcast_in_dim3A_530, %broadcast_in_dim3A_531 : vector<64x128xi1>, vector<64x128xf32>
    %swap3A_533 = arith.constant 7 : index
    %swap3A_534 = arith.constant 0 : index
    %swap3A_535 = arith.constant 0 : index
    %swap3A_536 = vector.load %arg4[%swap3A_533, %swap3A_534, %swap3A_535] : memref<32x64x128xf32, #tpu.memory_space<vmem>>, vector<1x64x128xf32>
    %swap3A_537 = vector.shape_cast %swap3A_536 : vector<1x64x128xf32> to vector<64x128xf32>
    %swap3A_538 = vector.shape_cast %select_n3A_532 : vector<64x128xf32> to vector<1x64x128xf32>
    tpu.vector_store %arg4[%swap3A_533, %swap3A_534, %swap3A_535], %swap3A_538 {strides = array<i32>} : memref<32x64x128xf32, #tpu.memory_space<vmem>>, vector<1x64x128xf32>,
    %get3A_539 = arith.constant 8 : index
    %get3A_540 = arith.constant 0 : index
    %get3A_541 = arith.constant 0 : index
    %get3A_542 = vector.load %arg1[%get3A_539, %get3A_540, %get3A_541] : memref<32x64x128xf32, #tpu.memory_space<vmem>>, vector<1x64x128xf32>
    %get3A_543 = vector.shape_cast %get3A_542 : vector<1x64x128xf32> to vector<64x128xf32>
    %slice3A_544 = vector.extract_strided_slice %add3A_21 {offsets = [0, 1024], sizes = [64, 128], strides = [1, 1]} : vector<64x4096xf32> to vector<64x128xf32>
    %dot_general3A_545 = arith.constant dense<0.000000e+00> : vector<64x64xf32>
    %dot_general3A_546 = tpu.matmul %get3A_543, %slice3A_544, %dot_general3A_545 {dimension_numbers = #tpu.dot_dimension_numbers<[1], [1], [0], [0], [0, 0, 1, 0], [], []>, transpose_lhs_hint = false} : vector<64x128xf32>, vector<64x128xf32>, vector<64x64xf32> -> vector<64x64xf32>
    %mul3A_547 = vector.broadcast %get3A_0 : f32 to vector<64x64xf32>
    %mul3A_548 = arith.mulf %dot_general3A_546, %mul3A_547 : vector<64x64xf32>
    %ge3A_549 = arith.cmpi sge, %iota3A_1, %iota3A : vector<64x64xi32>
    %jit3A_550 = arith.constant -3.40282347E+38 : f32
    %broadcast_in_dim3A_551 = vector.broadcast %jit3A_550 : f32 to vector<64x64xf32>
    %select_n3A_552 = arith.select %ge3A_549, %broadcast_in_dim3A_551, %mul3A_548 : vector<64x64xi1>, vector<64x64xf32>
    %reduce_max3A_553 = arith.constant dense<0xFF800000> : vector<64xf32>
    %reduce_max3A_554 = vector.multi_reduction <maximumf>, %select_n3A_552, %reduce_max3A_553 [1] : vector<64x64xf32> to vector<64xf32>
    %broadcast_in_dim3A_555 = vector.shape_cast %reduce_max3A_554 : vector<64xf32> to vector<64x1xf32>
    %max3A_556 = arith.constant 0.000000e+00 : f32
    %max3A_557 = vector.broadcast %max3A_556 : f32 to vector<64x1xf32>
    %max3A_558 = arith.maximumf %broadcast_in_dim3A_555, %max3A_557 : vector<64x1xf32>
    %sub3A_559 = vector.broadcast %max3A_558 : vector<64x1xf32> to vector<64x64xf32>
    %sub3A_560 = arith.subf %select_n3A_552, %sub3A_559 : vector<64x64xf32>
    %exp3A_561 = math.exp %sub3A_560 : vector<64x64xf32>
    %neg3A_562 = arith.constant 0.000000e+00 : f32
    %neg3A_563 = vector.broadcast %neg3A_562 : f32 to vector<64x1xf32>
    %neg3A_564 = arith.subf %neg3A_563, %max3A_558 : vector<64x1xf32>
    %exp3A_565 = math.exp %neg3A_564 : vector<64x1xf32>
    %reduce_sum3A_566 = arith.constant dense<0.000000e+00> : vector<64xf32>
    %reduce_sum3A_567 = vector.multi_reduction <add>, %exp3A_561, %reduce_sum3A_566 [1] : vector<64x64xf32> to vector<64xf32>
    %broadcast_in_dim3A_568 = vector.shape_cast %reduce_sum3A_567 : vector<64xf32> to vector<64x1xf32>
    %add3A_569 = arith.addf %exp3A_565, %broadcast_in_dim3A_568 : vector<64x1xf32>
    %div3A_570 = vector.broadcast %add3A_569 : vector<64x1xf32> to vector<64x64xf32>
    %div3A_571 = arith.divf %exp3A_561, %div3A_570 : vector<64x64xf32>
    %div3A_572 = arith.divf %exp3A_565, %add3A_569 : vector<64x1xf32>
    %reduce_max3A_573 = arith.constant dense<0xFF800000> : vector<64xf32>
    %reduce_max3A_574 = vector.multi_reduction <maximumf>, %div3A_571, %reduce_max3A_573 [1] : vector<64x64xf32> to vector<64xf32>
    %broadcast_in_dim3A_575 = vector.shape_cast %reduce_max3A_574 : vector<64xf32> to vector<64x1xf32>
    %max3A_576 = arith.maximumf %broadcast_in_dim3A_575, %div3A_572 : vector<64x1xf32>
    %eq3A_577 = vector.broadcast %max3A_576 : vector<64x1xf32> to vector<64x64xf32>
    %eq3A_578 = arith.cmpf oeq, %div3A_571, %eq3A_577 : vector<64x64xf32>
    %add3A_579 = arith.constant 1 : i32
    %add3A_580 = vector.broadcast %add3A_579 : i32 to vector<64x64xi32>
    %add3A_581 = arith.addi %iota3A_1, %add3A_580 : vector<64x64xi32>
    %jit3A_582 = arith.constant 128 : i32
    %broadcast_in_dim3A_583 = vector.broadcast %jit3A_582 : i32 to vector<64x64xi32>
    %select_n3A_584 = arith.select %eq3A_578, %add3A_581, %broadcast_in_dim3A_583 : vector<64x64xi1>, vector<64x64xi32>
    %reduce_min3A_585 = arith.constant dense<2147483647> : vector<64xi32>
    %reduce_min3A_586 = vector.multi_reduction <minsi>, %select_n3A_584, %reduce_min3A_585 [1] : vector<64x64xi32> to vector<64xi32>
    %broadcast_in_dim3A_587 = vector.shape_cast %reduce_min3A_586 : vector<64xi32> to vector<64x1xi32>
    %eq3A_588 = arith.cmpf oeq, %div3A_572, %max3A_576 : vector<64x1xf32>
    %jit3A_589 = arith.constant 0 : i32
    %broadcast_in_dim3A_590 = vector.broadcast %jit3A_589 : i32 to vector<64x1xi32>
    %select_n3A_591 = arith.select %eq3A_588, %broadcast_in_dim3A_590, %broadcast_in_dim3A_587 : vector<64x1xi1>, vector<64x1xi32>
    %eq3A_592 = vector.broadcast %select_n3A_591 : vector<64x1xi32> to vector<64x128xi32>
    %eq3A_593 = arith.cmpi eq, %iota3A_22, %eq3A_592 : vector<64x128xi32>
    %jit3A_594 = arith.constant 0.000000e+00 : f32
    %broadcast_in_dim3A_595 = vector.shape_cast %max3A_576 : vector<64x1xf32> to vector<64x1xf32>
    %broadcast_in_dim3A_596 = vector.broadcast %broadcast_in_dim3A_595 : vector<64x1xf32> to vector<64x128xf32>
    %broadcast_in_dim3A_597 = vector.broadcast %jit3A_594 : f32 to vector<64x128xf32>
    %select_n3A_598 = arith.select %eq3A_593, %broadcast_in_dim3A_596, %broadcast_in_dim3A_597 : vector<64x128xi1>, vector<64x128xf32>
    %swap3A_599 = arith.constant 8 : index
    %swap3A_600 = arith.constant 0 : index
    %swap3A_601 = arith.constant 0 : index
    %swap3A_602 = vector.load %arg4[%swap3A_599, %swap3A_600, %swap3A_601] : memref<32x64x128xf32, #tpu.memory_space<vmem>>, vector<1x64x128xf32>
    %swap3A_603 = vector.shape_cast %swap3A_602 : vector<1x64x128xf32> to vector<64x128xf32>
    %swap3A_604 = vector.shape_cast %select_n3A_598 : vector<64x128xf32> to vector<1x64x128xf32>
    tpu.vector_store %arg4[%swap3A_599, %swap3A_600, %swap3A_601], %swap3A_604 {strides = array<i32>} : memref<32x64x128xf32, #tpu.memory_space<vmem>>, vector<1x64x128xf32>,
    %get3A_605 = arith.constant 9 : index
    %get3A_606 = arith.constant 0 : index
    %get3A_607 = arith.constant 0 : index
    %get3A_608 = vector.load %arg1[%get3A_605, %get3A_606, %get3A_607] : memref<32x64x128xf32, #tpu.memory_space<vmem>>, vector<1x64x128xf32>
    %get3A_609 = vector.shape_cast %get3A_608 : vector<1x64x128xf32> to vector<64x128xf32>
    %slice3A_610 = vector.extract_strided_slice %add3A_21 {offsets = [0, 1152], sizes = [64, 128], strides = [1, 1]} : vector<64x4096xf32> to vector<64x128xf32>
    %dot_general3A_611 = arith.constant dense<0.000000e+00> : vector<64x64xf32>
    %dot_general3A_612 = tpu.matmul %get3A_609, %slice3A_610, %dot_general3A_611 {dimension_numbers = #tpu.dot_dimension_numbers<[1], [1], [0], [0], [0, 0, 1, 0], [], []>, transpose_lhs_hint = false} : vector<64x128xf32>, vector<64x128xf32>, vector<64x64xf32> -> vector<64x64xf32>
    %mul3A_613 = vector.broadcast %get3A_0 : f32 to vector<64x64xf32>
    %mul3A_614 = arith.mulf %dot_general3A_612, %mul3A_613 : vector<64x64xf32>
    %ge3A_615 = arith.cmpi sge, %iota3A_1, %iota3A : vector<64x64xi32>
    %jit3A_616 = arith.constant -3.40282347E+38 : f32
    %broadcast_in_dim3A_617 = vector.broadcast %jit3A_616 : f32 to vector<64x64xf32>
    %select_n3A_618 = arith.select %ge3A_615, %broadcast_in_dim3A_617, %mul3A_614 : vector<64x64xi1>, vector<64x64xf32>
    %reduce_max3A_619 = arith.constant dense<0xFF800000> : vector<64xf32>
    %reduce_max3A_620 = vector.multi_reduction <maximumf>, %select_n3A_618, %reduce_max3A_619 [1] : vector<64x64xf32> to vector<64xf32>
    %broadcast_in_dim3A_621 = vector.shape_cast %reduce_max3A_620 : vector<64xf32> to vector<64x1xf32>
    %max3A_622 = arith.constant 0.000000e+00 : f32
    %max3A_623 = vector.broadcast %max3A_622 : f32 to vector<64x1xf32>
    %max3A_624 = arith.maximumf %broadcast_in_dim3A_621, %max3A_623 : vector<64x1xf32>
    %sub3A_625 = vector.broadcast %max3A_624 : vector<64x1xf32> to vector<64x64xf32>
    %sub3A_626 = arith.subf %select_n3A_618, %sub3A_625 : vector<64x64xf32>
    %exp3A_627 = math.exp %sub3A_626 : vector<64x64xf32>
    %neg3A_628 = arith.constant 0.000000e+00 : f32
    %neg3A_629 = vector.broadcast %neg3A_628 : f32 to vector<64x1xf32>
    %neg3A_630 = arith.subf %neg3A_629, %max3A_624 : vector<64x1xf32>
    %exp3A_631 = math.exp %neg3A_630 : vector<64x1xf32>
    %reduce_sum3A_632 = arith.constant dense<0.000000e+00> : vector<64xf32>
    %reduce_sum3A_633 = vector.multi_reduction <add>, %exp3A_627, %reduce_sum3A_632 [1] : vector<64x64xf32> to vector<64xf32>
    %broadcast_in_dim3A_634 = vector.shape_cast %reduce_sum3A_633 : vector<64xf32> to vector<64x1xf32>
    %add3A_635 = arith.addf %exp3A_631, %broadcast_in_dim3A_634 : vector<64x1xf32>
    %div3A_636 = vector.broadcast %add3A_635 : vector<64x1xf32> to vector<64x64xf32>
    %div3A_637 = arith.divf %exp3A_627, %div3A_636 : vector<64x64xf32>
    %div3A_638 = arith.divf %exp3A_631, %add3A_635 : vector<64x1xf32>
    %reduce_max3A_639 = arith.constant dense<0xFF800000> : vector<64xf32>
    %reduce_max3A_640 = vector.multi_reduction <maximumf>, %div3A_637, %reduce_max3A_639 [1] : vector<64x64xf32> to vector<64xf32>
    %broadcast_in_dim3A_641 = vector.shape_cast %reduce_max3A_640 : vector<64xf32> to vector<64x1xf32>
    %max3A_642 = arith.maximumf %broadcast_in_dim3A_641, %div3A_638 : vector<64x1xf32>
    %eq3A_643 = vector.broadcast %max3A_642 : vector<64x1xf32> to vector<64x64xf32>
    %eq3A_644 = arith.cmpf oeq, %div3A_637, %eq3A_643 : vector<64x64xf32>
    %add3A_645 = arith.constant 1 : i32
    %add3A_646 = vector.broadcast %add3A_645 : i32 to vector<64x64xi32>
    %add3A_647 = arith.addi %iota3A_1, %add3A_646 : vector<64x64xi32>
    %jit3A_648 = arith.constant 128 : i32
    %broadcast_in_dim3A_649 = vector.broadcast %jit3A_648 : i32 to vector<64x64xi32>
    %select_n3A_650 = arith.select %eq3A_644, %add3A_647, %broadcast_in_dim3A_649 : vector<64x64xi1>, vector<64x64xi32>
    %reduce_min3A_651 = arith.constant dense<2147483647> : vector<64xi32>
    %reduce_min3A_652 = vector.multi_reduction <minsi>, %select_n3A_650, %reduce_min3A_651 [1] : vector<64x64xi32> to vector<64xi32>
    %broadcast_in_dim3A_653 = vector.shape_cast %reduce_min3A_652 : vector<64xi32> to vector<64x1xi32>
    %eq3A_654 = arith.cmpf oeq, %div3A_638, %max3A_642 : vector<64x1xf32>
    %jit3A_655 = arith.constant 0 : i32
    %broadcast_in_dim3A_656 = vector.broadcast %jit3A_655 : i32 to vector<64x1xi32>
    %select_n3A_657 = arith.select %eq3A_654, %broadcast_in_dim3A_656, %broadcast_in_dim3A_653 : vector<64x1xi1>, vector<64x1xi32>
    %eq3A_658 = vector.broadcast %select_n3A_657 : vector<64x1xi32> to vector<64x128xi32>
    %eq3A_659 = arith.cmpi eq, %iota3A_22, %eq3A_658 : vector<64x128xi32>
    %jit3A_660 = arith.constant 0.000000e+00 : f32
    %broadcast_in_dim3A_661 = vector.shape_cast %max3A_642 : vector<64x1xf32> to vector<64x1xf32>
    %broadcast_in_dim3A_662 = vector.broadcast %broadcast_in_dim3A_661 : vector<64x1xf32> to vector<64x128xf32>
    %broadcast_in_dim3A_663 = vector.broadcast %jit3A_660 : f32 to vector<64x128xf32>
    %select_n3A_664 = arith.select %eq3A_659, %broadcast_in_dim3A_662, %broadcast_in_dim3A_663 : vector<64x128xi1>, vector<64x128xf32>
    %swap3A_665 = arith.constant 9 : index
    %swap3A_666 = arith.constant 0 : index
    %swap3A_667 = arith.constant 0 : index
    %swap3A_668 = vector.load %arg4[%swap3A_665, %swap3A_666, %swap3A_667] : memref<32x64x128xf32, #tpu.memory_space<vmem>>, vector<1x64x128xf32>
    %swap3A_669 = vector.shape_cast %swap3A_668 : vector<1x64x128xf32> to vector<64x128xf32>
    %swap3A_670 = vector.shape_cast %select_n3A_664 : vector<64x128xf32> to vector<1x64x128xf32>
    tpu.vector_store %arg4[%swap3A_665, %swap3A_666, %swap3A_667], %swap3A_670 {strides = array<i32>} : memref<32x64x128xf32, #tpu.memory_space<vmem>>, vector<1x64x128xf32>,
    %get3A_671 = arith.constant 10 : index
    %get3A_672 = arith.constant 0 : index
    %get3A_673 = arith.constant 0 : index
    %get3A_674 = vector.load %arg1[%get3A_671, %get3A_672, %get3A_673] : memref<32x64x128xf32, #tpu.memory_space<vmem>>, vector<1x64x128xf32>
    %get3A_675 = vector.shape_cast %get3A_674 : vector<1x64x128xf32> to vector<64x128xf32>
    %slice3A_676 = vector.extract_strided_slice %add3A_21 {offsets = [0, 1280], sizes = [64, 128], strides = [1, 1]} : vector<64x4096xf32> to vector<64x128xf32>
    %dot_general3A_677 = arith.constant dense<0.000000e+00> : vector<64x64xf32>
    %dot_general3A_678 = tpu.matmul %get3A_675, %slice3A_676, %dot_general3A_677 {dimension_numbers = #tpu.dot_dimension_numbers<[1], [1], [0], [0], [0, 0, 1, 0], [], []>, transpose_lhs_hint = false} : vector<64x128xf32>, vector<64x128xf32>, vector<64x64xf32> -> vector<64x64xf32>
    %mul3A_679 = vector.broadcast %get3A_0 : f32 to vector<64x64xf32>
    %mul3A_680 = arith.mulf %dot_general3A_678, %mul3A_679 : vector<64x64xf32>
    %ge3A_681 = arith.cmpi sge, %iota3A_1, %iota3A : vector<64x64xi32>
    %jit3A_682 = arith.constant -3.40282347E+38 : f32
    %broadcast_in_dim3A_683 = vector.broadcast %jit3A_682 : f32 to vector<64x64xf32>
    %select_n3A_684 = arith.select %ge3A_681, %broadcast_in_dim3A_683, %mul3A_680 : vector<64x64xi1>, vector<64x64xf32>
    %reduce_max3A_685 = arith.constant dense<0xFF800000> : vector<64xf32>
    %reduce_max3A_686 = vector.multi_reduction <maximumf>, %select_n3A_684, %reduce_max3A_685 [1] : vector<64x64xf32> to vector<64xf32>
    %broadcast_in_dim3A_687 = vector.shape_cast %reduce_max3A_686 : vector<64xf32> to vector<64x1xf32>
    %max3A_688 = arith.constant 0.000000e+00 : f32
    %max3A_689 = vector.broadcast %max3A_688 : f32 to vector<64x1xf32>
    %max3A_690 = arith.maximumf %broadcast_in_dim3A_687, %max3A_689 : vector<64x1xf32>
    %sub3A_691 = vector.broadcast %max3A_690 : vector<64x1xf32> to vector<64x64xf32>
    %sub3A_692 = arith.subf %select_n3A_684, %sub3A_691 : vector<64x64xf32>
    %exp3A_693 = math.exp %sub3A_692 : vector<64x64xf32>
    %neg3A_694 = arith.constant 0.000000e+00 : f32
    %neg3A_695 = vector.broadcast %neg3A_694 : f32 to vector<64x1xf32>
    %neg3A_696 = arith.subf %neg3A_695, %max3A_690 : vector<64x1xf32>
    %exp3A_697 = math.exp %neg3A_696 : vector<64x1xf32>
    %reduce_sum3A_698 = arith.constant dense<0.000000e+00> : vector<64xf32>
    %reduce_sum3A_699 = vector.multi_reduction <add>, %exp3A_693, %reduce_sum3A_698 [1] : vector<64x64xf32> to vector<64xf32>
    %broadcast_in_dim3A_700 = vector.shape_cast %reduce_sum3A_699 : vector<64xf32> to vector<64x1xf32>
    %add3A_701 = arith.addf %exp3A_697, %broadcast_in_dim3A_700 : vector<64x1xf32>
    %div3A_702 = vector.broadcast %add3A_701 : vector<64x1xf32> to vector<64x64xf32>
    %div3A_703 = arith.divf %exp3A_693, %div3A_702 : vector<64x64xf32>
    %div3A_704 = arith.divf %exp3A_697, %add3A_701 : vector<64x1xf32>
    %reduce_max3A_705 = arith.constant dense<0xFF800000> : vector<64xf32>
    %reduce_max3A_706 = vector.multi_reduction <maximumf>, %div3A_703, %reduce_max3A_705 [1] : vector<64x64xf32> to vector<64xf32>
    %broadcast_in_dim3A_707 = vector.shape_cast %reduce_max3A_706 : vector<64xf32> to vector<64x1xf32>
    %max3A_708 = arith.maximumf %broadcast_in_dim3A_707, %div3A_704 : vector<64x1xf32>
    %eq3A_709 = vector.broadcast %max3A_708 : vector<64x1xf32> to vector<64x64xf32>
    %eq3A_710 = arith.cmpf oeq, %div3A_703, %eq3A_709 : vector<64x64xf32>
    %add3A_711 = arith.constant 1 : i32
    %add3A_712 = vector.broadcast %add3A_711 : i32 to vector<64x64xi32>
    %add3A_713 = arith.addi %iota3A_1, %add3A_712 : vector<64x64xi32>
    %jit3A_714 = arith.constant 128 : i32
    %broadcast_in_dim3A_715 = vector.broadcast %jit3A_714 : i32 to vector<64x64xi32>
    %select_n3A_716 = arith.select %eq3A_710, %add3A_713, %broadcast_in_dim3A_715 : vector<64x64xi1>, vector<64x64xi32>
    %reduce_min3A_717 = arith.constant dense<2147483647> : vector<64xi32>
    %reduce_min3A_718 = vector.multi_reduction <minsi>, %select_n3A_716, %reduce_min3A_717 [1] : vector<64x64xi32> to vector<64xi32>
    %broadcast_in_dim3A_719 = vector.shape_cast %reduce_min3A_718 : vector<64xi32> to vector<64x1xi32>
    %eq3A_720 = arith.cmpf oeq, %div3A_704, %max3A_708 : vector<64x1xf32>
    %jit3A_721 = arith.constant 0 : i32
    %broadcast_in_dim3A_722 = vector.broadcast %jit3A_721 : i32 to vector<64x1xi32>
    %select_n3A_723 = arith.select %eq3A_720, %broadcast_in_dim3A_722, %broadcast_in_dim3A_719 : vector<64x1xi1>, vector<64x1xi32>
    %eq3A_724 = vector.broadcast %select_n3A_723 : vector<64x1xi32> to vector<64x128xi32>
    %eq3A_725 = arith.cmpi eq, %iota3A_22, %eq3A_724 : vector<64x128xi32>
    %jit3A_726 = arith.constant 0.000000e+00 : f32
    %broadcast_in_dim3A_727 = vector.shape_cast %max3A_708 : vector<64x1xf32> to vector<64x1xf32>
    %broadcast_in_dim3A_728 = vector.broadcast %broadcast_in_dim3A_727 : vector<64x1xf32> to vector<64x128xf32>
    %broadcast_in_dim3A_729 = vector.broadcast %jit3A_726 : f32 to vector<64x128xf32>
    %select_n3A_730 = arith.select %eq3A_725, %broadcast_in_dim3A_728, %broadcast_in_dim3A_729 : vector<64x128xi1>, vector<64x128xf32>
    %swap3A_731 = arith.constant 10 : index
    %swap3A_732 = arith.constant 0 : index
    %swap3A_733 = arith.constant 0 : index
    %swap3A_734 = vector.load %arg4[%swap3A_731, %swap3A_732, %swap3A_733] : memref<32x64x128xf32, #tpu.memory_space<vmem>>, vector<1x64x128xf32>
    %swap3A_735 = vector.shape_cast %swap3A_734 : vector<1x64x128xf32> to vector<64x128xf32>
    %swap3A_736 = vector.shape_cast %select_n3A_730 : vector<64x128xf32> to vector<1x64x128xf32>
    tpu.vector_store %arg4[%swap3A_731, %swap3A_732, %swap3A_733], %swap3A_736 {strides = array<i32>} : memref<32x64x128xf32, #tpu.memory_space<vmem>>, vector<1x64x128xf32>,
    %get3A_737 = arith.constant 11 : index
    %get3A_738 = arith.constant 0 : index
    %get3A_739 = arith.constant 0 : index
    %get3A_740 = vector.load %arg1[%get3A_737, %get3A_738, %get3A_739] : memref<32x64x128xf32, #tpu.memory_space<vmem>>, vector<1x64x128xf32>
    %get3A_741 = vector.shape_cast %get3A_740 : vector<1x64x128xf32> to vector<64x128xf32>
    %slice3A_742 = vector.extract_strided_slice %add3A_21 {offsets = [0, 1408], sizes = [64, 128], strides = [1, 1]} : vector<64x4096xf32> to vector<64x128xf32>
    %dot_general3A_743 = arith.constant dense<0.000000e+00> : vector<64x64xf32>
    %dot_general3A_744 = tpu.matmul %get3A_741, %slice3A_742, %dot_general3A_743 {dimension_numbers = #tpu.dot_dimension_numbers<[1], [1], [0], [0], [0, 0, 1, 0], [], []>, transpose_lhs_hint = false} : vector<64x128xf32>, vector<64x128xf32>, vector<64x64xf32> -> vector<64x64xf32>
    %mul3A_745 = vector.broadcast %get3A_0 : f32 to vector<64x64xf32>
    %mul3A_746 = arith.mulf %dot_general3A_744, %mul3A_745 : vector<64x64xf32>
    %ge3A_747 = arith.cmpi sge, %iota3A_1, %iota3A : vector<64x64xi32>
    %jit3A_748 = arith.constant -3.40282347E+38 : f32
    %broadcast_in_dim3A_749 = vector.broadcast %jit3A_748 : f32 to vector<64x64xf32>
    %select_n3A_750 = arith.select %ge3A_747, %broadcast_in_dim3A_749, %mul3A_746 : vector<64x64xi1>, vector<64x64xf32>
    %reduce_max3A_751 = arith.constant dense<0xFF800000> : vector<64xf32>
    %reduce_max3A_752 = vector.multi_reduction <maximumf>, %select_n3A_750, %reduce_max3A_751 [1] : vector<64x64xf32> to vector<64xf32>
    %broadcast_in_dim3A_753 = vector.shape_cast %reduce_max3A_752 : vector<64xf32> to vector<64x1xf32>
    %max3A_754 = arith.constant 0.000000e+00 : f32
    %max3A_755 = vector.broadcast %max3A_754 : f32 to vector<64x1xf32>
    %max3A_756 = arith.maximumf %broadcast_in_dim3A_753, %max3A_755 : vector<64x1xf32>
    %sub3A_757 = vector.broadcast %max3A_756 : vector<64x1xf32> to vector<64x64xf32>
    %sub3A_758 = arith.subf %select_n3A_750, %sub3A_757 : vector<64x64xf32>
    %exp3A_759 = math.exp %sub3A_758 : vector<64x64xf32>
    %neg3A_760 = arith.constant 0.000000e+00 : f32
    %neg3A_761 = vector.broadcast %neg3A_760 : f32 to vector<64x1xf32>
    %neg3A_762 = arith.subf %neg3A_761, %max3A_756 : vector<64x1xf32>
    %exp3A_763 = math.exp %neg3A_762 : vector<64x1xf32>
    %reduce_sum3A_764 = arith.constant dense<0.000000e+00> : vector<64xf32>
    %reduce_sum3A_765 = vector.multi_reduction <add>, %exp3A_759, %reduce_sum3A_764 [1] : vector<64x64xf32> to vector<64xf32>
    %broadcast_in_dim3A_766 = vector.shape_cast %reduce_sum3A_765 : vector<64xf32> to vector<64x1xf32>
    %add3A_767 = arith.addf %exp3A_763, %broadcast_in_dim3A_766 : vector<64x1xf32>
    %div3A_768 = vector.broadcast %add3A_767 : vector<64x1xf32> to vector<64x64xf32>
    %div3A_769 = arith.divf %exp3A_759, %div3A_768 : vector<64x64xf32>
    %div3A_770 = arith.divf %exp3A_763, %add3A_767 : vector<64x1xf32>
    %reduce_max3A_771 = arith.constant dense<0xFF800000> : vector<64xf32>
    %reduce_max3A_772 = vector.multi_reduction <maximumf>, %div3A_769, %reduce_max3A_771 [1] : vector<64x64xf32> to vector<64xf32>
    %broadcast_in_dim3A_773 = vector.shape_cast %reduce_max3A_772 : vector<64xf32> to vector<64x1xf32>
    %max3A_774 = arith.maximumf %broadcast_in_dim3A_773, %div3A_770 : vector<64x1xf32>
    %eq3A_775 = vector.broadcast %max3A_774 : vector<64x1xf32> to vector<64x64xf32>
    %eq3A_776 = arith.cmpf oeq, %div3A_769, %eq3A_775 : vector<64x64xf32>
    %add3A_777 = arith.constant 1 : i32
    %add3A_778 = vector.broadcast %add3A_777 : i32 to vector<64x64xi32>
    %add3A_779 = arith.addi %iota3A_1, %add3A_778 : vector<64x64xi32>
    %jit3A_780 = arith.constant 128 : i32
    %broadcast_in_dim3A_781 = vector.broadcast %jit3A_780 : i32 to vector<64x64xi32>
    %select_n3A_782 = arith.select %eq3A_776, %add3A_779, %broadcast_in_dim3A_781 : vector<64x64xi1>, vector<64x64xi32>
    %reduce_min3A_783 = arith.constant dense<2147483647> : vector<64xi32>
    %reduce_min3A_784 = vector.multi_reduction <minsi>, %select_n3A_782, %reduce_min3A_783 [1] : vector<64x64xi32> to vector<64xi32>
    %broadcast_in_dim3A_785 = vector.shape_cast %reduce_min3A_784 : vector<64xi32> to vector<64x1xi32>
    %eq3A_786 = arith.cmpf oeq, %div3A_770, %max3A_774 : vector<64x1xf32>
    %jit3A_787 = arith.constant 0 : i32
    %broadcast_in_dim3A_788 = vector.broadcast %jit3A_787 : i32 to vector<64x1xi32>
    %select_n3A_789 = arith.select %eq3A_786, %broadcast_in_dim3A_788, %broadcast_in_dim3A_785 : vector<64x1xi1>, vector<64x1xi32>
    %eq3A_790 = vector.broadcast %select_n3A_789 : vector<64x1xi32> to vector<64x128xi32>
    %eq3A_791 = arith.cmpi eq, %iota3A_22, %eq3A_790 : vector<64x128xi32>
    %jit3A_792 = arith.constant 0.000000e+00 : f32
    %broadcast_in_dim3A_793 = vector.shape_cast %max3A_774 : vector<64x1xf32> to vector<64x1xf32>
    %broadcast_in_dim3A_794 = vector.broadcast %broadcast_in_dim3A_793 : vector<64x1xf32> to vector<64x128xf32>
    %broadcast_in_dim3A_795 = vector.broadcast %jit3A_792 : f32 to vector<64x128xf32>
    %select_n3A_796 = arith.select %eq3A_791, %broadcast_in_dim3A_794, %broadcast_in_dim3A_795 : vector<64x128xi1>, vector<64x128xf32>
    %swap3A_797 = arith.constant 11 : index
    %swap3A_798 = arith.constant 0 : index
    %swap3A_799 = arith.constant 0 : index
    %swap3A_800 = vector.load %arg4[%swap3A_797, %swap3A_798, %swap3A_799] : memref<32x64x128xf32, #tpu.memory_space<vmem>>, vector<1x64x128xf32>
    %swap3A_801 = vector.shape_cast %swap3A_800 : vector<1x64x128xf32> to vector<64x128xf32>
    %swap3A_802 = vector.shape_cast %select_n3A_796 : vector<64x128xf32> to vector<1x64x128xf32>
    tpu.vector_store %arg4[%swap3A_797, %swap3A_798, %swap3A_799], %swap3A_802 {strides = array<i32>} : memref<32x64x128xf32, #tpu.memory_space<vmem>>, vector<1x64x128xf32>,
    %get3A_803 = arith.constant 12 : index
    %get3A_804 = arith.constant 0 : index
    %get3A_805 = arith.constant 0 : index
    %get3A_806 = vector.load %arg1[%get3A_803, %get3A_804, %get3A_805] : memref<32x64x128xf32, #tpu.memory_space<vmem>>, vector<1x64x128xf32>
    %get3A_807 = vector.shape_cast %get3A_806 : vector<1x64x128xf32> to vector<64x128xf32>
    %slice3A_808 = vector.extract_strided_slice %add3A_21 {offsets = [0, 1536], sizes = [64, 128], strides = [1, 1]} : vector<64x4096xf32> to vector<64x128xf32>
    %dot_general3A_809 = arith.constant dense<0.000000e+00> : vector<64x64xf32>
    %dot_general3A_810 = tpu.matmul %get3A_807, %slice3A_808, %dot_general3A_809 {dimension_numbers = #tpu.dot_dimension_numbers<[1], [1], [0], [0], [0, 0, 1, 0], [], []>, transpose_lhs_hint = false} : vector<64x128xf32>, vector<64x128xf32>, vector<64x64xf32> -> vector<64x64xf32>
    %mul3A_811 = vector.broadcast %get3A_0 : f32 to vector<64x64xf32>
    %mul3A_812 = arith.mulf %dot_general3A_810, %mul3A_811 : vector<64x64xf32>
    %ge3A_813 = arith.cmpi sge, %iota3A_1, %iota3A : vector<64x64xi32>
    %jit3A_814 = arith.constant -3.40282347E+38 : f32
    %broadcast_in_dim3A_815 = vector.broadcast %jit3A_814 : f32 to vector<64x64xf32>
    %select_n3A_816 = arith.select %ge3A_813, %broadcast_in_dim3A_815, %mul3A_812 : vector<64x64xi1>, vector<64x64xf32>
    %reduce_max3A_817 = arith.constant dense<0xFF800000> : vector<64xf32>
    %reduce_max3A_818 = vector.multi_reduction <maximumf>, %select_n3A_816, %reduce_max3A_817 [1] : vector<64x64xf32> to vector<64xf32>
    %broadcast_in_dim3A_819 = vector.shape_cast %reduce_max3A_818 : vector<64xf32> to vector<64x1xf32>
    %max3A_820 = arith.constant 0.000000e+00 : f32
    %max3A_821 = vector.broadcast %max3A_820 : f32 to vector<64x1xf32>
    %max3A_822 = arith.maximumf %broadcast_in_dim3A_819, %max3A_821 : vector<64x1xf32>
    %sub3A_823 = vector.broadcast %max3A_822 : vector<64x1xf32> to vector<64x64xf32>
    %sub3A_824 = arith.subf %select_n3A_816, %sub3A_823 : vector<64x64xf32>
    %exp3A_825 = math.exp %sub3A_824 : vector<64x64xf32>
    %neg3A_826 = arith.constant 0.000000e+00 : f32
    %neg3A_827 = vector.broadcast %neg3A_826 : f32 to vector<64x1xf32>
    %neg3A_828 = arith.subf %neg3A_827, %max3A_822 : vector<64x1xf32>
    %exp3A_829 = math.exp %neg3A_828 : vector<64x1xf32>
    %reduce_sum3A_830 = arith.constant dense<0.000000e+00> : vector<64xf32>
    %reduce_sum3A_831 = vector.multi_reduction <add>, %exp3A_825, %reduce_sum3A_830 [1] : vector<64x64xf32> to vector<64xf32>
    %broadcast_in_dim3A_832 = vector.shape_cast %reduce_sum3A_831 : vector<64xf32> to vector<64x1xf32>
    %add3A_833 = arith.addf %exp3A_829, %broadcast_in_dim3A_832 : vector<64x1xf32>
    %div3A_834 = vector.broadcast %add3A_833 : vector<64x1xf32> to vector<64x64xf32>
    %div3A_835 = arith.divf %exp3A_825, %div3A_834 : vector<64x64xf32>
    %div3A_836 = arith.divf %exp3A_829, %add3A_833 : vector<64x1xf32>
    %reduce_max3A_837 = arith.constant dense<0xFF800000> : vector<64xf32>
    %reduce_max3A_838 = vector.multi_reduction <maximumf>, %div3A_835, %reduce_max3A_837 [1] : vector<64x64xf32> to vector<64xf32>
    %broadcast_in_dim3A_839 = vector.shape_cast %reduce_max3A_838 : vector<64xf32> to vector<64x1xf32>
    %max3A_840 = arith.maximumf %broadcast_in_dim3A_839, %div3A_836 : vector<64x1xf32>
    %eq3A_841 = vector.broadcast %max3A_840 : vector<64x1xf32> to vector<64x64xf32>
    %eq3A_842 = arith.cmpf oeq, %div3A_835, %eq3A_841 : vector<64x64xf32>
    %add3A_843 = arith.constant 1 : i32
    %add3A_844 = vector.broadcast %add3A_843 : i32 to vector<64x64xi32>
    %add3A_845 = arith.addi %iota3A_1, %add3A_844 : vector<64x64xi32>
    %jit3A_846 = arith.constant 128 : i32
    %broadcast_in_dim3A_847 = vector.broadcast %jit3A_846 : i32 to vector<64x64xi32>
    %select_n3A_848 = arith.select %eq3A_842, %add3A_845, %broadcast_in_dim3A_847 : vector<64x64xi1>, vector<64x64xi32>
    %reduce_min3A_849 = arith.constant dense<2147483647> : vector<64xi32>
    %reduce_min3A_850 = vector.multi_reduction <minsi>, %select_n3A_848, %reduce_min3A_849 [1] : vector<64x64xi32> to vector<64xi32>
    %broadcast_in_dim3A_851 = vector.shape_cast %reduce_min3A_850 : vector<64xi32> to vector<64x1xi32>
    %eq3A_852 = arith.cmpf oeq, %div3A_836, %max3A_840 : vector<64x1xf32>
    %jit3A_853 = arith.constant 0 : i32
    %broadcast_in_dim3A_854 = vector.broadcast %jit3A_853 : i32 to vector<64x1xi32>
    %select_n3A_855 = arith.select %eq3A_852, %broadcast_in_dim3A_854, %broadcast_in_dim3A_851 : vector<64x1xi1>, vector<64x1xi32>
    %eq3A_856 = vector.broadcast %select_n3A_855 : vector<64x1xi32> to vector<64x128xi32>
    %eq3A_857 = arith.cmpi eq, %iota3A_22, %eq3A_856 : vector<64x128xi32>
    %jit3A_858 = arith.constant 0.000000e+00 : f32
    %broadcast_in_dim3A_859 = vector.shape_cast %max3A_840 : vector<64x1xf32> to vector<64x1xf32>
    %broadcast_in_dim3A_860 = vector.broadcast %broadcast_in_dim3A_859 : vector<64x1xf32> to vector<64x128xf32>
    %broadcast_in_dim3A_861 = vector.broadcast %jit3A_858 : f32 to vector<64x128xf32>
    %select_n3A_862 = arith.select %eq3A_857, %broadcast_in_dim3A_860, %broadcast_in_dim3A_861 : vector<64x128xi1>, vector<64x128xf32>
    %swap3A_863 = arith.constant 12 : index
    %swap3A_864 = arith.constant 0 : index
    %swap3A_865 = arith.constant 0 : index
    %swap3A_866 = vector.load %arg4[%swap3A_863, %swap3A_864, %swap3A_865] : memref<32x64x128xf32, #tpu.memory_space<vmem>>, vector<1x64x128xf32>
    %swap3A_867 = vector.shape_cast %swap3A_866 : vector<1x64x128xf32> to vector<64x128xf32>
    %swap3A_868 = vector.shape_cast %select_n3A_862 : vector<64x128xf32> to vector<1x64x128xf32>
    tpu.vector_store %arg4[%swap3A_863, %swap3A_864, %swap3A_865], %swap3A_868 {strides = array<i32>} : memref<32x64x128xf32, #tpu.memory_space<vmem>>, vector<1x64x128xf32>,
    %get3A_869 = arith.constant 13 : index
    %get3A_870 = arith.constant 0 : index
    %get3A_871 = arith.constant 0 : index
    %get3A_872 = vector.load %arg1[%get3A_869, %get3A_870, %get3A_871] : memref<32x64x128xf32, #tpu.memory_space<vmem>>, vector<1x64x128xf32>
    %get3A_873 = vector.shape_cast %get3A_872 : vector<1x64x128xf32> to vector<64x128xf32>
    %slice3A_874 = vector.extract_strided_slice %add3A_21 {offsets = [0, 1664], sizes = [64, 128], strides = [1, 1]} : vector<64x4096xf32> to vector<64x128xf32>
    %dot_general3A_875 = arith.constant dense<0.000000e+00> : vector<64x64xf32>
    %dot_general3A_876 = tpu.matmul %get3A_873, %slice3A_874, %dot_general3A_875 {dimension_numbers = #tpu.dot_dimension_numbers<[1], [1], [0], [0], [0, 0, 1, 0], [], []>, transpose_lhs_hint = false} : vector<64x128xf32>, vector<64x128xf32>, vector<64x64xf32> -> vector<64x64xf32>
    %mul3A_877 = vector.broadcast %get3A_0 : f32 to vector<64x64xf32>
    %mul3A_878 = arith.mulf %dot_general3A_876, %mul3A_877 : vector<64x64xf32>
    %ge3A_879 = arith.cmpi sge, %iota3A_1, %iota3A : vector<64x64xi32>
    %jit3A_880 = arith.constant -3.40282347E+38 : f32
    %broadcast_in_dim3A_881 = vector.broadcast %jit3A_880 : f32 to vector<64x64xf32>
    %select_n3A_882 = arith.select %ge3A_879, %broadcast_in_dim3A_881, %mul3A_878 : vector<64x64xi1>, vector<64x64xf32>
    %reduce_max3A_883 = arith.constant dense<0xFF800000> : vector<64xf32>
    %reduce_max3A_884 = vector.multi_reduction <maximumf>, %select_n3A_882, %reduce_max3A_883 [1] : vector<64x64xf32> to vector<64xf32>
    %broadcast_in_dim3A_885 = vector.shape_cast %reduce_max3A_884 : vector<64xf32> to vector<64x1xf32>
    %max3A_886 = arith.constant 0.000000e+00 : f32
    %max3A_887 = vector.broadcast %max3A_886 : f32 to vector<64x1xf32>
    %max3A_888 = arith.maximumf %broadcast_in_dim3A_885, %max3A_887 : vector<64x1xf32>
    %sub3A_889 = vector.broadcast %max3A_888 : vector<64x1xf32> to vector<64x64xf32>
    %sub3A_890 = arith.subf %select_n3A_882, %sub3A_889 : vector<64x64xf32>
    %exp3A_891 = math.exp %sub3A_890 : vector<64x64xf32>
    %neg3A_892 = arith.constant 0.000000e+00 : f32
    %neg3A_893 = vector.broadcast %neg3A_892 : f32 to vector<64x1xf32>
    %neg3A_894 = arith.subf %neg3A_893, %max3A_888 : vector<64x1xf32>
    %exp3A_895 = math.exp %neg3A_894 : vector<64x1xf32>
    %reduce_sum3A_896 = arith.constant dense<0.000000e+00> : vector<64xf32>
    %reduce_sum3A_897 = vector.multi_reduction <add>, %exp3A_891, %reduce_sum3A_896 [1] : vector<64x64xf32> to vector<64xf32>
    %broadcast_in_dim3A_898 = vector.shape_cast %reduce_sum3A_897 : vector<64xf32> to vector<64x1xf32>
    %add3A_899 = arith.addf %exp3A_895, %broadcast_in_dim3A_898 : vector<64x1xf32>
    %div3A_900 = vector.broadcast %add3A_899 : vector<64x1xf32> to vector<64x64xf32>
    %div3A_901 = arith.divf %exp3A_891, %div3A_900 : vector<64x64xf32>
    %div3A_902 = arith.divf %exp3A_895, %add3A_899 : vector<64x1xf32>
    %reduce_max3A_903 = arith.constant dense<0xFF800000> : vector<64xf32>
    %reduce_max3A_904 = vector.multi_reduction <maximumf>, %div3A_901, %reduce_max3A_903 [1] : vector<64x64xf32> to vector<64xf32>
    %broadcast_in_dim3A_905 = vector.shape_cast %reduce_max3A_904 : vector<64xf32> to vector<64x1xf32>
    %max3A_906 = arith.maximumf %broadcast_in_dim3A_905, %div3A_902 : vector<64x1xf32>
    %eq3A_907 = vector.broadcast %max3A_906 : vector<64x1xf32> to vector<64x64xf32>
    %eq3A_908 = arith.cmpf oeq, %div3A_901, %eq3A_907 : vector<64x64xf32>
    %add3A_909 = arith.constant 1 : i32
    %add3A_910 = vector.broadcast %add3A_909 : i32 to vector<64x64xi32>
    %add3A_911 = arith.addi %iota3A_1, %add3A_910 : vector<64x64xi32>
    %jit3A_912 = arith.constant 128 : i32
    %broadcast_in_dim3A_913 = vector.broadcast %jit3A_912 : i32 to vector<64x64xi32>
    %select_n3A_914 = arith.select %eq3A_908, %add3A_911, %broadcast_in_dim3A_913 : vector<64x64xi1>, vector<64x64xi32>
    %reduce_min3A_915 = arith.constant dense<2147483647> : vector<64xi32>
    %reduce_min3A_916 = vector.multi_reduction <minsi>, %select_n3A_914, %reduce_min3A_915 [1] : vector<64x64xi32> to vector<64xi32>
    %broadcast_in_dim3A_917 = vector.shape_cast %reduce_min3A_916 : vector<64xi32> to vector<64x1xi32>
    %eq3A_918 = arith.cmpf oeq, %div3A_902, %max3A_906 : vector<64x1xf32>
    %jit3A_919 = arith.constant 0 : i32
    %broadcast_in_dim3A_920 = vector.broadcast %jit3A_919 : i32 to vector<64x1xi32>
    %select_n3A_921 = arith.select %eq3A_918, %broadcast_in_dim3A_920, %broadcast_in_dim3A_917 : vector<64x1xi1>, vector<64x1xi32>
    %eq3A_922 = vector.broadcast %select_n3A_921 : vector<64x1xi32> to vector<64x128xi32>
    %eq3A_923 = arith.cmpi eq, %iota3A_22, %eq3A_922 : vector<64x128xi32>
    %jit3A_924 = arith.constant 0.000000e+00 : f32
    %broadcast_in_dim3A_925 = vector.shape_cast %max3A_906 : vector<64x1xf32> to vector<64x1xf32>
    %broadcast_in_dim3A_926 = vector.broadcast %broadcast_in_dim3A_925 : vector<64x1xf32> to vector<64x128xf32>
    %broadcast_in_dim3A_927 = vector.broadcast %jit3A_924 : f32 to vector<64x128xf32>
    %select_n3A_928 = arith.select %eq3A_923, %broadcast_in_dim3A_926, %broadcast_in_dim3A_927 : vector<64x128xi1>, vector<64x128xf32>
    %swap3A_929 = arith.constant 13 : index
    %swap3A_930 = arith.constant 0 : index
    %swap3A_931 = arith.constant 0 : index
    %swap3A_932 = vector.load %arg4[%swap3A_929, %swap3A_930, %swap3A_931] : memref<32x64x128xf32, #tpu.memory_space<vmem>>, vector<1x64x128xf32>
    %swap3A_933 = vector.shape_cast %swap3A_932 : vector<1x64x128xf32> to vector<64x128xf32>
    %swap3A_934 = vector.shape_cast %select_n3A_928 : vector<64x128xf32> to vector<1x64x128xf32>
    tpu.vector_store %arg4[%swap3A_929, %swap3A_930, %swap3A_931], %swap3A_934 {strides = array<i32>} : memref<32x64x128xf32, #tpu.memory_space<vmem>>, vector<1x64x128xf32>,
    %get3A_935 = arith.constant 14 : index
    %get3A_936 = arith.constant 0 : index
    %get3A_937 = arith.constant 0 : index
    %get3A_938 = vector.load %arg1[%get3A_935, %get3A_936, %get3A_937] : memref<32x64x128xf32, #tpu.memory_space<vmem>>, vector<1x64x128xf32>
    %get3A_939 = vector.shape_cast %get3A_938 : vector<1x64x128xf32> to vector<64x128xf32>
    %slice3A_940 = vector.extract_strided_slice %add3A_21 {offsets = [0, 1792], sizes = [64, 128], strides = [1, 1]} : vector<64x4096xf32> to vector<64x128xf32>
    %dot_general3A_941 = arith.constant dense<0.000000e+00> : vector<64x64xf32>
    %dot_general3A_942 = tpu.matmul %get3A_939, %slice3A_940, %dot_general3A_941 {dimension_numbers = #tpu.dot_dimension_numbers<[1], [1], [0], [0], [0, 0, 1, 0], [], []>, transpose_lhs_hint = false} : vector<64x128xf32>, vector<64x128xf32>, vector<64x64xf32> -> vector<64x64xf32>
    %mul3A_943 = vector.broadcast %get3A_0 : f32 to vector<64x64xf32>
    %mul3A_944 = arith.mulf %dot_general3A_942, %mul3A_943 : vector<64x64xf32>
    %ge3A_945 = arith.cmpi sge, %iota3A_1, %iota3A : vector<64x64xi32>
    %jit3A_946 = arith.constant -3.40282347E+38 : f32
    %broadcast_in_dim3A_947 = vector.broadcast %jit3A_946 : f32 to vector<64x64xf32>
    %select_n3A_948 = arith.select %ge3A_945, %broadcast_in_dim3A_947, %mul3A_944 : vector<64x64xi1>, vector<64x64xf32>
    %reduce_max3A_949 = arith.constant dense<0xFF800000> : vector<64xf32>
    %reduce_max3A_950 = vector.multi_reduction <maximumf>, %select_n3A_948, %reduce_max3A_949 [1] : vector<64x64xf32> to vector<64xf32>
    %broadcast_in_dim3A_951 = vector.shape_cast %reduce_max3A_950 : vector<64xf32> to vector<64x1xf32>
    %max3A_952 = arith.constant 0.000000e+00 : f32
    %max3A_953 = vector.broadcast %max3A_952 : f32 to vector<64x1xf32>
    %max3A_954 = arith.maximumf %broadcast_in_dim3A_951, %max3A_953 : vector<64x1xf32>
    %sub3A_955 = vector.broadcast %max3A_954 : vector<64x1xf32> to vector<64x64xf32>
    %sub3A_956 = arith.subf %select_n3A_948, %sub3A_955 : vector<64x64xf32>
    %exp3A_957 = math.exp %sub3A_956 : vector<64x64xf32>
    %neg3A_958 = arith.constant 0.000000e+00 : f32
    %neg3A_959 = vector.broadcast %neg3A_958 : f32 to vector<64x1xf32>
    %neg3A_960 = arith.subf %neg3A_959, %max3A_954 : vector<64x1xf32>
    %exp3A_961 = math.exp %neg3A_960 : vector<64x1xf32>
    %reduce_sum3A_962 = arith.constant dense<0.000000e+00> : vector<64xf32>
    %reduce_sum3A_963 = vector.multi_reduction <add>, %exp3A_957, %reduce_sum3A_962 [1] : vector<64x64xf32> to vector<64xf32>
    %broadcast_in_dim3A_964 = vector.shape_cast %reduce_sum3A_963 : vector<64xf32> to vector<64x1xf32>
    %add3A_965 = arith.addf %exp3A_961, %broadcast_in_dim3A_964 : vector<64x1xf32>
    %div3A_966 = vector.broadcast %add3A_965 : vector<64x1xf32> to vector<64x64xf32>
    %div3A_967 = arith.divf %exp3A_957, %div3A_966 : vector<64x64xf32>
    %div3A_968 = arith.divf %exp3A_961, %add3A_965 : vector<64x1xf32>
    %reduce_max3A_969 = arith.constant dense<0xFF800000> : vector<64xf32>
    %reduce_max3A_970 = vector.multi_reduction <maximumf>, %div3A_967, %reduce_max3A_969 [1] : vector<64x64xf32> to vector<64xf32>
    %broadcast_in_dim3A_971 = vector.shape_cast %reduce_max3A_970 : vector<64xf32> to vector<64x1xf32>
    %max3A_972 = arith.maximumf %broadcast_in_dim3A_971, %div3A_968 : vector<64x1xf32>
    %eq3A_973 = vector.broadcast %max3A_972 : vector<64x1xf32> to vector<64x64xf32>
    %eq3A_974 = arith.cmpf oeq, %div3A_967, %eq3A_973 : vector<64x64xf32>
    %add3A_975 = arith.constant 1 : i32
    %add3A_976 = vector.broadcast %add3A_975 : i32 to vector<64x64xi32>
    %add3A_977 = arith.addi %iota3A_1, %add3A_976 : vector<64x64xi32>
    %jit3A_978 = arith.constant 128 : i32
    %broadcast_in_dim3A_979 = vector.broadcast %jit3A_978 : i32 to vector<64x64xi32>
    %select_n3A_980 = arith.select %eq3A_974, %add3A_977, %broadcast_in_dim3A_979 : vector<64x64xi1>, vector<64x64xi32>
    %reduce_min3A_981 = arith.constant dense<2147483647> : vector<64xi32>
    %reduce_min3A_982 = vector.multi_reduction <minsi>, %select_n3A_980, %reduce_min3A_981 [1] : vector<64x64xi32> to vector<64xi32>
    %broadcast_in_dim3A_983 = vector.shape_cast %reduce_min3A_982 : vector<64xi32> to vector<64x1xi32>
    %eq3A_984 = arith.cmpf oeq, %div3A_968, %max3A_972 : vector<64x1xf32>
    %jit3A_985 = arith.constant 0 : i32
    %broadcast_in_dim3A_986 = vector.broadcast %jit3A_985 : i32 to vector<64x1xi32>
    %select_n3A_987 = arith.select %eq3A_984, %broadcast_in_dim3A_986, %broadcast_in_dim3A_983 : vector<64x1xi1>, vector<64x1xi32>
    %eq3A_988 = vector.broadcast %select_n3A_987 : vector<64x1xi32> to vector<64x128xi32>
    %eq3A_989 = arith.cmpi eq, %iota3A_22, %eq3A_988 : vector<64x128xi32>
    %jit3A_990 = arith.constant 0.000000e+00 : f32
    %broadcast_in_dim3A_991 = vector.shape_cast %max3A_972 : vector<64x1xf32> to vector<64x1xf32>
    %broadcast_in_dim3A_992 = vector.broadcast %broadcast_in_dim3A_991 : vector<64x1xf32> to vector<64x128xf32>
    %broadcast_in_dim3A_993 = vector.broadcast %jit3A_990 : f32 to vector<64x128xf32>
    %select_n3A_994 = arith.select %eq3A_989, %broadcast_in_dim3A_992, %broadcast_in_dim3A_993 : vector<64x128xi1>, vector<64x128xf32>
    %swap3A_995 = arith.constant 14 : index
    %swap3A_996 = arith.constant 0 : index
    %swap3A_997 = arith.constant 0 : index
    %swap3A_998 = vector.load %arg4[%swap3A_995, %swap3A_996, %swap3A_997] : memref<32x64x128xf32, #tpu.memory_space<vmem>>, vector<1x64x128xf32>
    %swap3A_999 = vector.shape_cast %swap3A_998 : vector<1x64x128xf32> to vector<64x128xf32>
    %swap3A_1000 = vector.shape_cast %select_n3A_994 : vector<64x128xf32> to vector<1x64x128xf32>
    tpu.vector_store %arg4[%swap3A_995, %swap3A_996, %swap3A_997], %swap3A_1000 {strides = array<i32>} : memref<32x64x128xf32, #tpu.memory_space<vmem>>, vector<1x64x128xf32>,
    %get3A_1001 = arith.constant 15 : index
    %get3A_1002 = arith.constant 0 : index
    %get3A_1003 = arith.constant 0 : index
    %get3A_1004 = vector.load %arg1[%get3A_1001, %get3A_1002, %get3A_1003] : memref<32x64x128xf32, #tpu.memory_space<vmem>>, vector<1x64x128xf32>
    %get3A_1005 = vector.shape_cast %get3A_1004 : vector<1x64x128xf32> to vector<64x128xf32>
    %slice3A_1006 = vector.extract_strided_slice %add3A_21 {offsets = [0, 1920], sizes = [64, 128], strides = [1, 1]} : vector<64x4096xf32> to vector<64x128xf32>
    %dot_general3A_1007 = arith.constant dense<0.000000e+00> : vector<64x64xf32>
    %dot_general3A_1008 = tpu.matmul %get3A_1005, %slice3A_1006, %dot_general3A_1007 {dimension_numbers = #tpu.dot_dimension_numbers<[1], [1], [0], [0], [0, 0, 1, 0], [], []>, transpose_lhs_hint = false} : vector<64x128xf32>, vector<64x128xf32>, vector<64x64xf32> -> vector<64x64xf32>
    %mul3A_1009 = vector.broadcast %get3A_0 : f32 to vector<64x64xf32>
    %mul3A_1010 = arith.mulf %dot_general3A_1008, %mul3A_1009 : vector<64x64xf32>
    %ge3A_1011 = arith.cmpi sge, %iota3A_1, %iota3A : vector<64x64xi32>
    %jit3A_1012 = arith.constant -3.40282347E+38 : f32
    %broadcast_in_dim3A_1013 = vector.broadcast %jit3A_1012 : f32 to vector<64x64xf32>
    %select_n3A_1014 = arith.select %ge3A_1011, %broadcast_in_dim3A_1013, %mul3A_1010 : vector<64x64xi1>, vector<64x64xf32>
    %reduce_max3A_1015 = arith.constant dense<0xFF800000> : vector<64xf32>
    %reduce_max3A_1016 = vector.multi_reduction <maximumf>, %select_n3A_1014, %reduce_max3A_1015 [1] : vector<64x64xf32> to vector<64xf32>
    %broadcast_in_dim3A_1017 = vector.shape_cast %reduce_max3A_1016 : vector<64xf32> to vector<64x1xf32>
    %max3A_1018 = arith.constant 0.000000e+00 : f32
    %max3A_1019 = vector.broadcast %max3A_1018 : f32 to vector<64x1xf32>
    %max3A_1020 = arith.maximumf %broadcast_in_dim3A_1017, %max3A_1019 : vector<64x1xf32>
    %sub3A_1021 = vector.broadcast %max3A_1020 : vector<64x1xf32> to vector<64x64xf32>
    %sub3A_1022 = arith.subf %select_n3A_1014, %sub3A_1021 : vector<64x64xf32>
    %exp3A_1023 = math.exp %sub3A_1022 : vector<64x64xf32>
    %neg3A_1024 = arith.constant 0.000000e+00 : f32
    %neg3A_1025 = vector.broadcast %neg3A_1024 : f32 to vector<64x1xf32>
    %neg3A_1026 = arith.subf %neg3A_1025, %max3A_1020 : vector<64x1xf32>
    %exp3A_1027 = math.exp %neg3A_1026 : vector<64x1xf32>
    %reduce_sum3A_1028 = arith.constant dense<0.000000e+00> : vector<64xf32>
    %reduce_sum3A_1029 = vector.multi_reduction <add>, %exp3A_1023, %reduce_sum3A_1028 [1] : vector<64x64xf32> to vector<64xf32>
    %broadcast_in_dim3A_1030 = vector.shape_cast %reduce_sum3A_1029 : vector<64xf32> to vector<64x1xf32>
    %add3A_1031 = arith.addf %exp3A_1027, %broadcast_in_dim3A_1030 : vector<64x1xf32>
    %div3A_1032 = vector.broadcast %add3A_1031 : vector<64x1xf32> to vector<64x64xf32>
    %div3A_1033 = arith.divf %exp3A_1023, %div3A_1032 : vector<64x64xf32>
    %div3A_1034 = arith.divf %exp3A_1027, %add3A_1031 : vector<64x1xf32>
    %reduce_max3A_1035 = arith.constant dense<0xFF800000> : vector<64xf32>
    %reduce_max3A_1036 = vector.multi_reduction <maximumf>, %div3A_1033, %reduce_max3A_1035 [1] : vector<64x64xf32> to vector<64xf32>
    %broadcast_in_dim3A_1037 = vector.shape_cast %reduce_max3A_1036 : vector<64xf32> to vector<64x1xf32>
    %max3A_1038 = arith.maximumf %broadcast_in_dim3A_1037, %div3A_1034 : vector<64x1xf32>
    %eq3A_1039 = vector.broadcast %max3A_1038 : vector<64x1xf32> to vector<64x64xf32>
    %eq3A_1040 = arith.cmpf oeq, %div3A_1033, %eq3A_1039 : vector<64x64xf32>
    %add3A_1041 = arith.constant 1 : i32
    %add3A_1042 = vector.broadcast %add3A_1041 : i32 to vector<64x64xi32>
    %add3A_1043 = arith.addi %iota3A_1, %add3A_1042 : vector<64x64xi32>
    %jit3A_1044 = arith.constant 128 : i32
    %broadcast_in_dim3A_1045 = vector.broadcast %jit3A_1044 : i32 to vector<64x64xi32>
    %select_n3A_1046 = arith.select %eq3A_1040, %add3A_1043, %broadcast_in_dim3A_1045 : vector<64x64xi1>, vector<64x64xi32>
    %reduce_min3A_1047 = arith.constant dense<2147483647> : vector<64xi32>
    %reduce_min3A_1048 = vector.multi_reduction <minsi>, %select_n3A_1046, %reduce_min3A_1047 [1] : vector<64x64xi32> to vector<64xi32>
    %broadcast_in_dim3A_1049 = vector.shape_cast %reduce_min3A_1048 : vector<64xi32> to vector<64x1xi32>
    %eq3A_1050 = arith.cmpf oeq, %div3A_1034, %max3A_1038 : vector<64x1xf32>
    %jit3A_1051 = arith.constant 0 : i32
    %broadcast_in_dim3A_1052 = vector.broadcast %jit3A_1051 : i32 to vector<64x1xi32>
    %select_n3A_1053 = arith.select %eq3A_1050, %broadcast_in_dim3A_1052, %broadcast_in_dim3A_1049 : vector<64x1xi1>, vector<64x1xi32>
    %eq3A_1054 = vector.broadcast %select_n3A_1053 : vector<64x1xi32> to vector<64x128xi32>
    %eq3A_1055 = arith.cmpi eq, %iota3A_22, %eq3A_1054 : vector<64x128xi32>
    %jit3A_1056 = arith.constant 0.000000e+00 : f32
    %broadcast_in_dim3A_1057 = vector.shape_cast %max3A_1038 : vector<64x1xf32> to vector<64x1xf32>
    %broadcast_in_dim3A_1058 = vector.broadcast %broadcast_in_dim3A_1057 : vector<64x1xf32> to vector<64x128xf32>
    %broadcast_in_dim3A_1059 = vector.broadcast %jit3A_1056 : f32 to vector<64x128xf32>
    %select_n3A_1060 = arith.select %eq3A_1055, %broadcast_in_dim3A_1058, %broadcast_in_dim3A_1059 : vector<64x128xi1>, vector<64x128xf32>
    %swap3A_1061 = arith.constant 15 : index
    %swap3A_1062 = arith.constant 0 : index
    %swap3A_1063 = arith.constant 0 : index
    %swap3A_1064 = vector.load %arg4[%swap3A_1061, %swap3A_1062, %swap3A_1063] : memref<32x64x128xf32, #tpu.memory_space<vmem>>, vector<1x64x128xf32>
    %swap3A_1065 = vector.shape_cast %swap3A_1064 : vector<1x64x128xf32> to vector<64x128xf32>
    %swap3A_1066 = vector.shape_cast %select_n3A_1060 : vector<64x128xf32> to vector<1x64x128xf32>
    tpu.vector_store %arg4[%swap3A_1061, %swap3A_1062, %swap3A_1063], %swap3A_1066 {strides = array<i32>} : memref<32x64x128xf32, #tpu.memory_space<vmem>>, vector<1x64x128xf32>,
    %get3A_1067 = arith.constant 16 : index
    %get3A_1068 = arith.constant 0 : index
    %get3A_1069 = arith.constant 0 : index
    %get3A_1070 = vector.load %arg1[%get3A_1067, %get3A_1068, %get3A_1069] : memref<32x64x128xf32, #tpu.memory_space<vmem>>, vector<1x64x128xf32>
    %get3A_1071 = vector.shape_cast %get3A_1070 : vector<1x64x128xf32> to vector<64x128xf32>
    %slice3A_1072 = vector.extract_strided_slice %add3A_21 {offsets = [0, 2048], sizes = [64, 128], strides = [1, 1]} : vector<64x4096xf32> to vector<64x128xf32>
    %dot_general3A_1073 = arith.constant dense<0.000000e+00> : vector<64x64xf32>
    %dot_general3A_1074 = tpu.matmul %get3A_1071, %slice3A_1072, %dot_general3A_1073 {dimension_numbers = #tpu.dot_dimension_numbers<[1], [1], [0], [0], [0, 0, 1, 0], [], []>, transpose_lhs_hint = false} : vector<64x128xf32>, vector<64x128xf32>, vector<64x64xf32> -> vector<64x64xf32>
    %mul3A_1075 = vector.broadcast %get3A_0 : f32 to vector<64x64xf32>
    %mul3A_1076 = arith.mulf %dot_general3A_1074, %mul3A_1075 : vector<64x64xf32>
    %ge3A_1077 = arith.cmpi sge, %iota3A_1, %iota3A : vector<64x64xi32>
    %jit3A_1078 = arith.constant -3.40282347E+38 : f32
    %broadcast_in_dim3A_1079 = vector.broadcast %jit3A_1078 : f32 to vector<64x64xf32>
    %select_n3A_1080 = arith.select %ge3A_1077, %broadcast_in_dim3A_1079, %mul3A_1076 : vector<64x64xi1>, vector<64x64xf32>
    %reduce_max3A_1081 = arith.constant dense<0xFF800000> : vector<64xf32>
    %reduce_max3A_1082 = vector.multi_reduction <maximumf>, %select_n3A_1080, %reduce_max3A_1081 [1] : vector<64x64xf32> to vector<64xf32>
    %broadcast_in_dim3A_1083 = vector.shape_cast %reduce_max3A_1082 : vector<64xf32> to vector<64x1xf32>
    %max3A_1084 = arith.constant 0.000000e+00 : f32
    %max3A_1085 = vector.broadcast %max3A_1084 : f32 to vector<64x1xf32>
    %max3A_1086 = arith.maximumf %broadcast_in_dim3A_1083, %max3A_1085 : vector<64x1xf32>
    %sub3A_1087 = vector.broadcast %max3A_1086 : vector<64x1xf32> to vector<64x64xf32>
    %sub3A_1088 = arith.subf %select_n3A_1080, %sub3A_1087 : vector<64x64xf32>
    %exp3A_1089 = math.exp %sub3A_1088 : vector<64x64xf32>
    %neg3A_1090 = arith.constant 0.000000e+00 : f32
    %neg3A_1091 = vector.broadcast %neg3A_1090 : f32 to vector<64x1xf32>
    %neg3A_1092 = arith.subf %neg3A_1091, %max3A_1086 : vector<64x1xf32>
    %exp3A_1093 = math.exp %neg3A_1092 : vector<64x1xf32>
    %reduce_sum3A_1094 = arith.constant dense<0.000000e+00> : vector<64xf32>
    %reduce_sum3A_1095 = vector.multi_reduction <add>, %exp3A_1089, %reduce_sum3A_1094 [1] : vector<64x64xf32> to vector<64xf32>
    %broadcast_in_dim3A_1096 = vector.shape_cast %reduce_sum3A_1095 : vector<64xf32> to vector<64x1xf32>
    %add3A_1097 = arith.addf %exp3A_1093, %broadcast_in_dim3A_1096 : vector<64x1xf32>
    %div3A_1098 = vector.broadcast %add3A_1097 : vector<64x1xf32> to vector<64x64xf32>
    %div3A_1099 = arith.divf %exp3A_1089, %div3A_1098 : vector<64x64xf32>
    %div3A_1100 = arith.divf %exp3A_1093, %add3A_1097 : vector<64x1xf32>
    %reduce_max3A_1101 = arith.constant dense<0xFF800000> : vector<64xf32>
    %reduce_max3A_1102 = vector.multi_reduction <maximumf>, %div3A_1099, %reduce_max3A_1101 [1] : vector<64x64xf32> to vector<64xf32>
    %broadcast_in_dim3A_1103 = vector.shape_cast %reduce_max3A_1102 : vector<64xf32> to vector<64x1xf32>
    %max3A_1104 = arith.maximumf %broadcast_in_dim3A_1103, %div3A_1100 : vector<64x1xf32>
    %eq3A_1105 = vector.broadcast %max3A_1104 : vector<64x1xf32> to vector<64x64xf32>
    %eq3A_1106 = arith.cmpf oeq, %div3A_1099, %eq3A_1105 : vector<64x64xf32>
    %add3A_1107 = arith.constant 1 : i32
    %add3A_1108 = vector.broadcast %add3A_1107 : i32 to vector<64x64xi32>
    %add3A_1109 = arith.addi %iota3A_1, %add3A_1108 : vector<64x64xi32>
    %jit3A_1110 = arith.constant 128 : i32
    %broadcast_in_dim3A_1111 = vector.broadcast %jit3A_1110 : i32 to vector<64x64xi32>
    %select_n3A_1112 = arith.select %eq3A_1106, %add3A_1109, %broadcast_in_dim3A_1111 : vector<64x64xi1>, vector<64x64xi32>
    %reduce_min3A_1113 = arith.constant dense<2147483647> : vector<64xi32>
    %reduce_min3A_1114 = vector.multi_reduction <minsi>, %select_n3A_1112, %reduce_min3A_1113 [1] : vector<64x64xi32> to vector<64xi32>
    %broadcast_in_dim3A_1115 = vector.shape_cast %reduce_min3A_1114 : vector<64xi32> to vector<64x1xi32>
    %eq3A_1116 = arith.cmpf oeq, %div3A_1100, %max3A_1104 : vector<64x1xf32>
    %jit3A_1117 = arith.constant 0 : i32
    %broadcast_in_dim3A_1118 = vector.broadcast %jit3A_1117 : i32 to vector<64x1xi32>
    %select_n3A_1119 = arith.select %eq3A_1116, %broadcast_in_dim3A_1118, %broadcast_in_dim3A_1115 : vector<64x1xi1>, vector<64x1xi32>
    %eq3A_1120 = vector.broadcast %select_n3A_1119 : vector<64x1xi32> to vector<64x128xi32>
    %eq3A_1121 = arith.cmpi eq, %iota3A_22, %eq3A_1120 : vector<64x128xi32>
    %jit3A_1122 = arith.constant 0.000000e+00 : f32
    %broadcast_in_dim3A_1123 = vector.shape_cast %max3A_1104 : vector<64x1xf32> to vector<64x1xf32>
    %broadcast_in_dim3A_1124 = vector.broadcast %broadcast_in_dim3A_1123 : vector<64x1xf32> to vector<64x128xf32>
    %broadcast_in_dim3A_1125 = vector.broadcast %jit3A_1122 : f32 to vector<64x128xf32>
    %select_n3A_1126 = arith.select %eq3A_1121, %broadcast_in_dim3A_1124, %broadcast_in_dim3A_1125 : vector<64x128xi1>, vector<64x128xf32>
    %swap3A_1127 = arith.constant 16 : index
    %swap3A_1128 = arith.constant 0 : index
    %swap3A_1129 = arith.constant 0 : index
    %swap3A_1130 = vector.load %arg4[%swap3A_1127, %swap3A_1128, %swap3A_1129] : memref<32x64x128xf32, #tpu.memory_space<vmem>>, vector<1x64x128xf32>
    %swap3A_1131 = vector.shape_cast %swap3A_1130 : vector<1x64x128xf32> to vector<64x128xf32>
    %swap3A_1132 = vector.shape_cast %select_n3A_1126 : vector<64x128xf32> to vector<1x64x128xf32>
    tpu.vector_store %arg4[%swap3A_1127, %swap3A_1128, %swap3A_1129], %swap3A_1132 {strides = array<i32>} : memref<32x64x128xf32, #tpu.memory_space<vmem>>, vector<1x64x128xf32>,
    %get3A_1133 = arith.constant 17 : index
    %get3A_1134 = arith.constant 0 : index
    %get3A_1135 = arith.constant 0 : index
    %get3A_1136 = vector.load %arg1[%get3A_1133, %get3A_1134, %get3A_1135] : memref<32x64x128xf32, #tpu.memory_space<vmem>>, vector<1x64x128xf32>
    %get3A_1137 = vector.shape_cast %get3A_1136 : vector<1x64x128xf32> to vector<64x128xf32>
    %slice3A_1138 = vector.extract_strided_slice %add3A_21 {offsets = [0, 2176], sizes = [64, 128], strides = [1, 1]} : vector<64x4096xf32> to vector<64x128xf32>
    %dot_general3A_1139 = arith.constant dense<0.000000e+00> : vector<64x64xf32>
    %dot_general3A_1140 = tpu.matmul %get3A_1137, %slice3A_1138, %dot_general3A_1139 {dimension_numbers = #tpu.dot_dimension_numbers<[1], [1], [0], [0], [0, 0, 1, 0], [], []>, transpose_lhs_hint = false} : vector<64x128xf32>, vector<64x128xf32>, vector<64x64xf32> -> vector<64x64xf32>
    %mul3A_1141 = vector.broadcast %get3A_0 : f32 to vector<64x64xf32>
    %mul3A_1142 = arith.mulf %dot_general3A_1140, %mul3A_1141 : vector<64x64xf32>
    %ge3A_1143 = arith.cmpi sge, %iota3A_1, %iota3A : vector<64x64xi32>
    %jit3A_1144 = arith.constant -3.40282347E+38 : f32
    %broadcast_in_dim3A_1145 = vector.broadcast %jit3A_1144 : f32 to vector<64x64xf32>
    %select_n3A_1146 = arith.select %ge3A_1143, %broadcast_in_dim3A_1145, %mul3A_1142 : vector<64x64xi1>, vector<64x64xf32>
    %reduce_max3A_1147 = arith.constant dense<0xFF800000> : vector<64xf32>
    %reduce_max3A_1148 = vector.multi_reduction <maximumf>, %select_n3A_1146, %reduce_max3A_1147 [1] : vector<64x64xf32> to vector<64xf32>
    %broadcast_in_dim3A_1149 = vector.shape_cast %reduce_max3A_1148 : vector<64xf32> to vector<64x1xf32>
    %max3A_1150 = arith.constant 0.000000e+00 : f32
    %max3A_1151 = vector.broadcast %max3A_1150 : f32 to vector<64x1xf32>
    %max3A_1152 = arith.maximumf %broadcast_in_dim3A_1149, %max3A_1151 : vector<64x1xf32>
    %sub3A_1153 = vector.broadcast %max3A_1152 : vector<64x1xf32> to vector<64x64xf32>
    %sub3A_1154 = arith.subf %select_n3A_1146, %sub3A_1153 : vector<64x64xf32>
    %exp3A_1155 = math.exp %sub3A_1154 : vector<64x64xf32>
    %neg3A_1156 = arith.constant 0.000000e+00 : f32
    %neg3A_1157 = vector.broadcast %neg3A_1156 : f32 to vector<64x1xf32>
    %neg3A_1158 = arith.subf %neg3A_1157, %max3A_1152 : vector<64x1xf32>
    %exp3A_1159 = math.exp %neg3A_1158 : vector<64x1xf32>
    %reduce_sum3A_1160 = arith.constant dense<0.000000e+00> : vector<64xf32>
    %reduce_sum3A_1161 = vector.multi_reduction <add>, %exp3A_1155, %reduce_sum3A_1160 [1] : vector<64x64xf32> to vector<64xf32>
    %broadcast_in_dim3A_1162 = vector.shape_cast %reduce_sum3A_1161 : vector<64xf32> to vector<64x1xf32>
    %add3A_1163 = arith.addf %exp3A_1159, %broadcast_in_dim3A_1162 : vector<64x1xf32>
    %div3A_1164 = vector.broadcast %add3A_1163 : vector<64x1xf32> to vector<64x64xf32>
    %div3A_1165 = arith.divf %exp3A_1155, %div3A_1164 : vector<64x64xf32>
    %div3A_1166 = arith.divf %exp3A_1159, %add3A_1163 : vector<64x1xf32>
    %reduce_max3A_1167 = arith.constant dense<0xFF800000> : vector<64xf32>
    %reduce_max3A_1168 = vector.multi_reduction <maximumf>, %div3A_1165, %reduce_max3A_1167 [1] : vector<64x64xf32> to vector<64xf32>
    %broadcast_in_dim3A_1169 = vector.shape_cast %reduce_max3A_1168 : vector<64xf32> to vector<64x1xf32>
    %max3A_1170 = arith.maximumf %broadcast_in_dim3A_1169, %div3A_1166 : vector<64x1xf32>
    %eq3A_1171 = vector.broadcast %max3A_1170 : vector<64x1xf32> to vector<64x64xf32>
    %eq3A_1172 = arith.cmpf oeq, %div3A_1165, %eq3A_1171 : vector<64x64xf32>
    %add3A_1173 = arith.constant 1 : i32
    %add3A_1174 = vector.broadcast %add3A_1173 : i32 to vector<64x64xi32>
    %add3A_1175 = arith.addi %iota3A_1, %add3A_1174 : vector<64x64xi32>
    %jit3A_1176 = arith.constant 128 : i32
    %broadcast_in_dim3A_1177 = vector.broadcast %jit3A_1176 : i32 to vector<64x64xi32>
    %select_n3A_1178 = arith.select %eq3A_1172, %add3A_1175, %broadcast_in_dim3A_1177 : vector<64x64xi1>, vector<64x64xi32>
    %reduce_min3A_1179 = arith.constant dense<2147483647> : vector<64xi32>
    %reduce_min3A_1180 = vector.multi_reduction <minsi>, %select_n3A_1178, %reduce_min3A_1179 [1] : vector<64x64xi32> to vector<64xi32>
    %broadcast_in_dim3A_1181 = vector.shape_cast %reduce_min3A_1180 : vector<64xi32> to vector<64x1xi32>
    %eq3A_1182 = arith.cmpf oeq, %div3A_1166, %max3A_1170 : vector<64x1xf32>
    %jit3A_1183 = arith.constant 0 : i32
    %broadcast_in_dim3A_1184 = vector.broadcast %jit3A_1183 : i32 to vector<64x1xi32>
    %select_n3A_1185 = arith.select %eq3A_1182, %broadcast_in_dim3A_1184, %broadcast_in_dim3A_1181 : vector<64x1xi1>, vector<64x1xi32>
    %eq3A_1186 = vector.broadcast %select_n3A_1185 : vector<64x1xi32> to vector<64x128xi32>
    %eq3A_1187 = arith.cmpi eq, %iota3A_22, %eq3A_1186 : vector<64x128xi32>
    %jit3A_1188 = arith.constant 0.000000e+00 : f32
    %broadcast_in_dim3A_1189 = vector.shape_cast %max3A_1170 : vector<64x1xf32> to vector<64x1xf32>
    %broadcast_in_dim3A_1190 = vector.broadcast %broadcast_in_dim3A_1189 : vector<64x1xf32> to vector<64x128xf32>
    %broadcast_in_dim3A_1191 = vector.broadcast %jit3A_1188 : f32 to vector<64x128xf32>
    %select_n3A_1192 = arith.select %eq3A_1187, %broadcast_in_dim3A_1190, %broadcast_in_dim3A_1191 : vector<64x128xi1>, vector<64x128xf32>
    %swap3A_1193 = arith.constant 17 : index
    %swap3A_1194 = arith.constant 0 : index
    %swap3A_1195 = arith.constant 0 : index
    %swap3A_1196 = vector.load %arg4[%swap3A_1193, %swap3A_1194, %swap3A_1195] : memref<32x64x128xf32, #tpu.memory_space<vmem>>, vector<1x64x128xf32>
    %swap3A_1197 = vector.shape_cast %swap3A_1196 : vector<1x64x128xf32> to vector<64x128xf32>
    %swap3A_1198 = vector.shape_cast %select_n3A_1192 : vector<64x128xf32> to vector<1x64x128xf32>
    tpu.vector_store %arg4[%swap3A_1193, %swap3A_1194, %swap3A_1195], %swap3A_1198 {strides = array<i32>} : memref<32x64x128xf32, #tpu.memory_space<vmem>>, vector<1x64x128xf32>,
    %get3A_1199 = arith.constant 18 : index
    %get3A_1200 = arith.constant 0 : index
    %get3A_1201 = arith.constant 0 : index
    %get3A_1202 = vector.load %arg1[%get3A_1199, %get3A_1200, %get3A_1201] : memref<32x64x128xf32, #tpu.memory_space<vmem>>, vector<1x64x128xf32>
    %get3A_1203 = vector.shape_cast %get3A_1202 : vector<1x64x128xf32> to vector<64x128xf32>
    %slice3A_1204 = vector.extract_strided_slice %add3A_21 {offsets = [0, 2304], sizes = [64, 128], strides = [1, 1]} : vector<64x4096xf32> to vector<64x128xf32>
    %dot_general3A_1205 = arith.constant dense<0.000000e+00> : vector<64x64xf32>
    %dot_general3A_1206 = tpu.matmul %get3A_1203, %slice3A_1204, %dot_general3A_1205 {dimension_numbers = #tpu.dot_dimension_numbers<[1], [1], [0], [0], [0, 0, 1, 0], [], []>, transpose_lhs_hint = false} : vector<64x128xf32>, vector<64x128xf32>, vector<64x64xf32> -> vector<64x64xf32>
    %mul3A_1207 = vector.broadcast %get3A_0 : f32 to vector<64x64xf32>
    %mul3A_1208 = arith.mulf %dot_general3A_1206, %mul3A_1207 : vector<64x64xf32>
    %ge3A_1209 = arith.cmpi sge, %iota3A_1, %iota3A : vector<64x64xi32>
    %jit3A_1210 = arith.constant -3.40282347E+38 : f32
    %broadcast_in_dim3A_1211 = vector.broadcast %jit3A_1210 : f32 to vector<64x64xf32>
    %select_n3A_1212 = arith.select %ge3A_1209, %broadcast_in_dim3A_1211, %mul3A_1208 : vector<64x64xi1>, vector<64x64xf32>
    %reduce_max3A_1213 = arith.constant dense<0xFF800000> : vector<64xf32>
    %reduce_max3A_1214 = vector.multi_reduction <maximumf>, %select_n3A_1212, %reduce_max3A_1213 [1] : vector<64x64xf32> to vector<64xf32>
    %broadcast_in_dim3A_1215 = vector.shape_cast %reduce_max3A_1214 : vector<64xf32> to vector<64x1xf32>
    %max3A_1216 = arith.constant 0.000000e+00 : f32
    %max3A_1217 = vector.broadcast %max3A_1216 : f32 to vector<64x1xf32>
    %max3A_1218 = arith.maximumf %broadcast_in_dim3A_1215, %max3A_1217 : vector<64x1xf32>
    %sub3A_1219 = vector.broadcast %max3A_1218 : vector<64x1xf32> to vector<64x64xf32>
    %sub3A_1220 = arith.subf %select_n3A_1212, %sub3A_1219 : vector<64x64xf32>
    %exp3A_1221 = math.exp %sub3A_1220 : vector<64x64xf32>
    %neg3A_1222 = arith.constant 0.000000e+00 : f32
    %neg3A_1223 = vector.broadcast %neg3A_1222 : f32 to vector<64x1xf32>
    %neg3A_1224 = arith.subf %neg3A_1223, %max3A_1218 : vector<64x1xf32>
    %exp3A_1225 = math.exp %neg3A_1224 : vector<64x1xf32>
    %reduce_sum3A_1226 = arith.constant dense<0.000000e+00> : vector<64xf32>
    %reduce_sum3A_1227 = vector.multi_reduction <add>, %exp3A_1221, %reduce_sum3A_1226 [1] : vector<64x64xf32> to vector<64xf32>
    %broadcast_in_dim3A_1228 = vector.shape_cast %reduce_sum3A_1227 : vector<64xf32> to vector<64x1xf32>
    %add3A_1229 = arith.addf %exp3A_1225, %broadcast_in_dim3A_1228 : vector<64x1xf32>
    %div3A_1230 = vector.broadcast %add3A_1229 : vector<64x1xf32> to vector<64x64xf32>
    %div3A_1231 = arith.divf %exp3A_1221, %div3A_1230 : vector<64x64xf32>
    %div3A_1232 = arith.divf %exp3A_1225, %add3A_1229 : vector<64x1xf32>
    %reduce_max3A_1233 = arith.constant dense<0xFF800000> : vector<64xf32>
    %reduce_max3A_1234 = vector.multi_reduction <maximumf>, %div3A_1231, %reduce_max3A_1233 [1] : vector<64x64xf32> to vector<64xf32>
    %broadcast_in_dim3A_1235 = vector.shape_cast %reduce_max3A_1234 : vector<64xf32> to vector<64x1xf32>
    %max3A_1236 = arith.maximumf %broadcast_in_dim3A_1235, %div3A_1232 : vector<64x1xf32>
    %eq3A_1237 = vector.broadcast %max3A_1236 : vector<64x1xf32> to vector<64x64xf32>
    %eq3A_1238 = arith.cmpf oeq, %div3A_1231, %eq3A_1237 : vector<64x64xf32>
    %add3A_1239 = arith.constant 1 : i32
    %add3A_1240 = vector.broadcast %add3A_1239 : i32 to vector<64x64xi32>
    %add3A_1241 = arith.addi %iota3A_1, %add3A_1240 : vector<64x64xi32>
    %jit3A_1242 = arith.constant 128 : i32
    %broadcast_in_dim3A_1243 = vector.broadcast %jit3A_1242 : i32 to vector<64x64xi32>
    %select_n3A_1244 = arith.select %eq3A_1238, %add3A_1241, %broadcast_in_dim3A_1243 : vector<64x64xi1>, vector<64x64xi32>
    %reduce_min3A_1245 = arith.constant dense<2147483647> : vector<64xi32>
    %reduce_min3A_1246 = vector.multi_reduction <minsi>, %select_n3A_1244, %reduce_min3A_1245 [1] : vector<64x64xi32> to vector<64xi32>
    %broadcast_in_dim3A_1247 = vector.shape_cast %reduce_min3A_1246 : vector<64xi32> to vector<64x1xi32>
    %eq3A_1248 = arith.cmpf oeq, %div3A_1232, %max3A_1236 : vector<64x1xf32>
    %jit3A_1249 = arith.constant 0 : i32
    %broadcast_in_dim3A_1250 = vector.broadcast %jit3A_1249 : i32 to vector<64x1xi32>
    %select_n3A_1251 = arith.select %eq3A_1248, %broadcast_in_dim3A_1250, %broadcast_in_dim3A_1247 : vector<64x1xi1>, vector<64x1xi32>
    %eq3A_1252 = vector.broadcast %select_n3A_1251 : vector<64x1xi32> to vector<64x128xi32>
    %eq3A_1253 = arith.cmpi eq, %iota3A_22, %eq3A_1252 : vector<64x128xi32>
    %jit3A_1254 = arith.constant 0.000000e+00 : f32
    %broadcast_in_dim3A_1255 = vector.shape_cast %max3A_1236 : vector<64x1xf32> to vector<64x1xf32>
    %broadcast_in_dim3A_1256 = vector.broadcast %broadcast_in_dim3A_1255 : vector<64x1xf32> to vector<64x128xf32>
    %broadcast_in_dim3A_1257 = vector.broadcast %jit3A_1254 : f32 to vector<64x128xf32>
    %select_n3A_1258 = arith.select %eq3A_1253, %broadcast_in_dim3A_1256, %broadcast_in_dim3A_1257 : vector<64x128xi1>, vector<64x128xf32>
    %swap3A_1259 = arith.constant 18 : index
    %swap3A_1260 = arith.constant 0 : index
    %swap3A_1261 = arith.constant 0 : index
    %swap3A_1262 = vector.load %arg4[%swap3A_1259, %swap3A_1260, %swap3A_1261] : memref<32x64x128xf32, #tpu.memory_space<vmem>>, vector<1x64x128xf32>
    %swap3A_1263 = vector.shape_cast %swap3A_1262 : vector<1x64x128xf32> to vector<64x128xf32>
    %swap3A_1264 = vector.shape_cast %select_n3A_1258 : vector<64x128xf32> to vector<1x64x128xf32>
    tpu.vector_store %arg4[%swap3A_1259, %swap3A_1260, %swap3A_1261], %swap3A_1264 {strides = array<i32>} : memref<32x64x128xf32, #tpu.memory_space<vmem>>, vector<1x64x128xf32>,
    %get3A_1265 = arith.constant 19 : index
    %get3A_1266 = arith.constant 0 : index
    %get3A_1267 = arith.constant 0 : index
    %get3A_1268 = vector.load %arg1[%get3A_1265, %get3A_1266, %get3A_1267] : memref<32x64x128xf32, #tpu.memory_space<vmem>>, vector<1x64x128xf32>
    %get3A_1269 = vector.shape_cast %get3A_1268 : vector<1x64x128xf32> to vector<64x128xf32>
    %slice3A_1270 = vector.extract_strided_slice %add3A_21 {offsets = [0, 2432], sizes = [64, 128], strides = [1, 1]} : vector<64x4096xf32> to vector<64x128xf32>
    %dot_general3A_1271 = arith.constant dense<0.000000e+00> : vector<64x64xf32>
    %dot_general3A_1272 = tpu.matmul %get3A_1269, %slice3A_1270, %dot_general3A_1271 {dimension_numbers = #tpu.dot_dimension_numbers<[1], [1], [0], [0], [0, 0, 1, 0], [], []>, transpose_lhs_hint = false} : vector<64x128xf32>, vector<64x128xf32>, vector<64x64xf32> -> vector<64x64xf32>
    %mul3A_1273 = vector.broadcast %get3A_0 : f32 to vector<64x64xf32>
    %mul3A_1274 = arith.mulf %dot_general3A_1272, %mul3A_1273 : vector<64x64xf32>
    %ge3A_1275 = arith.cmpi sge, %iota3A_1, %iota3A : vector<64x64xi32>
    %jit3A_1276 = arith.constant -3.40282347E+38 : f32
    %broadcast_in_dim3A_1277 = vector.broadcast %jit3A_1276 : f32 to vector<64x64xf32>
    %select_n3A_1278 = arith.select %ge3A_1275, %broadcast_in_dim3A_1277, %mul3A_1274 : vector<64x64xi1>, vector<64x64xf32>
    %reduce_max3A_1279 = arith.constant dense<0xFF800000> : vector<64xf32>
    %reduce_max3A_1280 = vector.multi_reduction <maximumf>, %select_n3A_1278, %reduce_max3A_1279 [1] : vector<64x64xf32> to vector<64xf32>
    %broadcast_in_dim3A_1281 = vector.shape_cast %reduce_max3A_1280 : vector<64xf32> to vector<64x1xf32>
    %max3A_1282 = arith.constant 0.000000e+00 : f32
    %max3A_1283 = vector.broadcast %max3A_1282 : f32 to vector<64x1xf32>
    %max3A_1284 = arith.maximumf %broadcast_in_dim3A_1281, %max3A_1283 : vector<64x1xf32>
    %sub3A_1285 = vector.broadcast %max3A_1284 : vector<64x1xf32> to vector<64x64xf32>
    %sub3A_1286 = arith.subf %select_n3A_1278, %sub3A_1285 : vector<64x64xf32>
    %exp3A_1287 = math.exp %sub3A_1286 : vector<64x64xf32>
    %neg3A_1288 = arith.constant 0.000000e+00 : f32
    %neg3A_1289 = vector.broadcast %neg3A_1288 : f32 to vector<64x1xf32>
    %neg3A_1290 = arith.subf %neg3A_1289, %max3A_1284 : vector<64x1xf32>
    %exp3A_1291 = math.exp %neg3A_1290 : vector<64x1xf32>
    %reduce_sum3A_1292 = arith.constant dense<0.000000e+00> : vector<64xf32>
    %reduce_sum3A_1293 = vector.multi_reduction <add>, %exp3A_1287, %reduce_sum3A_1292 [1] : vector<64x64xf32> to vector<64xf32>
    %broadcast_in_dim3A_1294 = vector.shape_cast %reduce_sum3A_1293 : vector<64xf32> to vector<64x1xf32>
    %add3A_1295 = arith.addf %exp3A_1291, %broadcast_in_dim3A_1294 : vector<64x1xf32>
    %div3A_1296 = vector.broadcast %add3A_1295 : vector<64x1xf32> to vector<64x64xf32>
    %div3A_1297 = arith.divf %exp3A_1287, %div3A_1296 : vector<64x64xf32>
    %div3A_1298 = arith.divf %exp3A_1291, %add3A_1295 : vector<64x1xf32>
    %reduce_max3A_1299 = arith.constant dense<0xFF800000> : vector<64xf32>
    %reduce_max3A_1300 = vector.multi_reduction <maximumf>, %div3A_1297, %reduce_max3A_1299 [1] : vector<64x64xf32> to vector<64xf32>
    %broadcast_in_dim3A_1301 = vector.shape_cast %reduce_max3A_1300 : vector<64xf32> to vector<64x1xf32>
    %max3A_1302 = arith.maximumf %broadcast_in_dim3A_1301, %div3A_1298 : vector<64x1xf32>
    %eq3A_1303 = vector.broadcast %max3A_1302 : vector<64x1xf32> to vector<64x64xf32>
    %eq3A_1304 = arith.cmpf oeq, %div3A_1297, %eq3A_1303 : vector<64x64xf32>
    %add3A_1305 = arith.constant 1 : i32
    %add3A_1306 = vector.broadcast %add3A_1305 : i32 to vector<64x64xi32>
    %add3A_1307 = arith.addi %iota3A_1, %add3A_1306 : vector<64x64xi32>
    %jit3A_1308 = arith.constant 128 : i32
    %broadcast_in_dim3A_1309 = vector.broadcast %jit3A_1308 : i32 to vector<64x64xi32>
    %select_n3A_1310 = arith.select %eq3A_1304, %add3A_1307, %broadcast_in_dim3A_1309 : vector<64x64xi1>, vector<64x64xi32>
    %reduce_min3A_1311 = arith.constant dense<2147483647> : vector<64xi32>
    %reduce_min3A_1312 = vector.multi_reduction <minsi>, %select_n3A_1310, %reduce_min3A_1311 [1] : vector<64x64xi32> to vector<64xi32>
    %broadcast_in_dim3A_1313 = vector.shape_cast %reduce_min3A_1312 : vector<64xi32> to vector<64x1xi32>
    %eq3A_1314 = arith.cmpf oeq, %div3A_1298, %max3A_1302 : vector<64x1xf32>
    %jit3A_1315 = arith.constant 0 : i32
    %broadcast_in_dim3A_1316 = vector.broadcast %jit3A_1315 : i32 to vector<64x1xi32>
    %select_n3A_1317 = arith.select %eq3A_1314, %broadcast_in_dim3A_1316, %broadcast_in_dim3A_1313 : vector<64x1xi1>, vector<64x1xi32>
    %eq3A_1318 = vector.broadcast %select_n3A_1317 : vector<64x1xi32> to vector<64x128xi32>
    %eq3A_1319 = arith.cmpi eq, %iota3A_22, %eq3A_1318 : vector<64x128xi32>
    %jit3A_1320 = arith.constant 0.000000e+00 : f32
    %broadcast_in_dim3A_1321 = vector.shape_cast %max3A_1302 : vector<64x1xf32> to vector<64x1xf32>
    %broadcast_in_dim3A_1322 = vector.broadcast %broadcast_in_dim3A_1321 : vector<64x1xf32> to vector<64x128xf32>
    %broadcast_in_dim3A_1323 = vector.broadcast %jit3A_1320 : f32 to vector<64x128xf32>
    %select_n3A_1324 = arith.select %eq3A_1319, %broadcast_in_dim3A_1322, %broadcast_in_dim3A_1323 : vector<64x128xi1>, vector<64x128xf32>
    %swap3A_1325 = arith.constant 19 : index
    %swap3A_1326 = arith.constant 0 : index
    %swap3A_1327 = arith.constant 0 : index
    %swap3A_1328 = vector.load %arg4[%swap3A_1325, %swap3A_1326, %swap3A_1327] : memref<32x64x128xf32, #tpu.memory_space<vmem>>, vector<1x64x128xf32>
    %swap3A_1329 = vector.shape_cast %swap3A_1328 : vector<1x64x128xf32> to vector<64x128xf32>
    %swap3A_1330 = vector.shape_cast %select_n3A_1324 : vector<64x128xf32> to vector<1x64x128xf32>
    tpu.vector_store %arg4[%swap3A_1325, %swap3A_1326, %swap3A_1327], %swap3A_1330 {strides = array<i32>} : memref<32x64x128xf32, #tpu.memory_space<vmem>>, vector<1x64x128xf32>,
    %get3A_1331 = arith.constant 20 : index
    %get3A_1332 = arith.constant 0 : index
    %get3A_1333 = arith.constant 0 : index
    %get3A_1334 = vector.load %arg1[%get3A_1331, %get3A_1332, %get3A_1333] : memref<32x64x128xf32, #tpu.memory_space<vmem>>, vector<1x64x128xf32>
    %get3A_1335 = vector.shape_cast %get3A_1334 : vector<1x64x128xf32> to vector<64x128xf32>
    %slice3A_1336 = vector.extract_strided_slice %add3A_21 {offsets = [0, 2560], sizes = [64, 128], strides = [1, 1]} : vector<64x4096xf32> to vector<64x128xf32>
    %dot_general3A_1337 = arith.constant dense<0.000000e+00> : vector<64x64xf32>
    %dot_general3A_1338 = tpu.matmul %get3A_1335, %slice3A_1336, %dot_general3A_1337 {dimension_numbers = #tpu.dot_dimension_numbers<[1], [1], [0], [0], [0, 0, 1, 0], [], []>, transpose_lhs_hint = false} : vector<64x128xf32>, vector<64x128xf32>, vector<64x64xf32> -> vector<64x64xf32>
    %mul3A_1339 = vector.broadcast %get3A_0 : f32 to vector<64x64xf32>
    %mul3A_1340 = arith.mulf %dot_general3A_1338, %mul3A_1339 : vector<64x64xf32>
    %ge3A_1341 = arith.cmpi sge, %iota3A_1, %iota3A : vector<64x64xi32>
    %jit3A_1342 = arith.constant -3.40282347E+38 : f32
    %broadcast_in_dim3A_1343 = vector.broadcast %jit3A_1342 : f32 to vector<64x64xf32>
    %select_n3A_1344 = arith.select %ge3A_1341, %broadcast_in_dim3A_1343, %mul3A_1340 : vector<64x64xi1>, vector<64x64xf32>
    %reduce_max3A_1345 = arith.constant dense<0xFF800000> : vector<64xf32>
    %reduce_max3A_1346 = vector.multi_reduction <maximumf>, %select_n3A_1344, %reduce_max3A_1345 [1] : vector<64x64xf32> to vector<64xf32>
    %broadcast_in_dim3A_1347 = vector.shape_cast %reduce_max3A_1346 : vector<64xf32> to vector<64x1xf32>
    %max3A_1348 = arith.constant 0.000000e+00 : f32
    %max3A_1349 = vector.broadcast %max3A_1348 : f32 to vector<64x1xf32>
    %max3A_1350 = arith.maximumf %broadcast_in_dim3A_1347, %max3A_1349 : vector<64x1xf32>
    %sub3A_1351 = vector.broadcast %max3A_1350 : vector<64x1xf32> to vector<64x64xf32>
    %sub3A_1352 = arith.subf %select_n3A_1344, %sub3A_1351 : vector<64x64xf32>
    %exp3A_1353 = math.exp %sub3A_1352 : vector<64x64xf32>
    %neg3A_1354 = arith.constant 0.000000e+00 : f32
    %neg3A_1355 = vector.broadcast %neg3A_1354 : f32 to vector<64x1xf32>
    %neg3A_1356 = arith.subf %neg3A_1355, %max3A_1350 : vector<64x1xf32>
    %exp3A_1357 = math.exp %neg3A_1356 : vector<64x1xf32>
    %reduce_sum3A_1358 = arith.constant dense<0.000000e+00> : vector<64xf32>
    %reduce_sum3A_1359 = vector.multi_reduction <add>, %exp3A_1353, %reduce_sum3A_1358 [1] : vector<64x64xf32> to vector<64xf32>
    %broadcast_in_dim3A_1360 = vector.shape_cast %reduce_sum3A_1359 : vector<64xf32> to vector<64x1xf32>
    %add3A_1361 = arith.addf %exp3A_1357, %broadcast_in_dim3A_1360 : vector<64x1xf32>
    %div3A_1362 = vector.broadcast %add3A_1361 : vector<64x1xf32> to vector<64x64xf32>
    %div3A_1363 = arith.divf %exp3A_1353, %div3A_1362 : vector<64x64xf32>
    %div3A_1364 = arith.divf %exp3A_1357, %add3A_1361 : vector<64x1xf32>
    %reduce_max3A_1365 = arith.constant dense<0xFF800000> : vector<64xf32>
    %reduce_max3A_1366 = vector.multi_reduction <maximumf>, %div3A_1363, %reduce_max3A_1365 [1] : vector<64x64xf32> to vector<64xf32>
    %broadcast_in_dim3A_1367 = vector.shape_cast %reduce_max3A_1366 : vector<64xf32> to vector<64x1xf32>
    %max3A_1368 = arith.maximumf %broadcast_in_dim3A_1367, %div3A_1364 : vector<64x1xf32>
    %eq3A_1369 = vector.broadcast %max3A_1368 : vector<64x1xf32> to vector<64x64xf32>
    %eq3A_1370 = arith.cmpf oeq, %div3A_1363, %eq3A_1369 : vector<64x64xf32>
    %add3A_1371 = arith.constant 1 : i32
    %add3A_1372 = vector.broadcast %add3A_1371 : i32 to vector<64x64xi32>
    %add3A_1373 = arith.addi %iota3A_1, %add3A_1372 : vector<64x64xi32>
    %jit3A_1374 = arith.constant 128 : i32
    %broadcast_in_dim3A_1375 = vector.broadcast %jit3A_1374 : i32 to vector<64x64xi32>
    %select_n3A_1376 = arith.select %eq3A_1370, %add3A_1373, %broadcast_in_dim3A_1375 : vector<64x64xi1>, vector<64x64xi32>
    %reduce_min3A_1377 = arith.constant dense<2147483647> : vector<64xi32>
    %reduce_min3A_1378 = vector.multi_reduction <minsi>, %select_n3A_1376, %reduce_min3A_1377 [1] : vector<64x64xi32> to vector<64xi32>
    %broadcast_in_dim3A_1379 = vector.shape_cast %reduce_min3A_1378 : vector<64xi32> to vector<64x1xi32>
    %eq3A_1380 = arith.cmpf oeq, %div3A_1364, %max3A_1368 : vector<64x1xf32>
    %jit3A_1381 = arith.constant 0 : i32
    %broadcast_in_dim3A_1382 = vector.broadcast %jit3A_1381 : i32 to vector<64x1xi32>
    %select_n3A_1383 = arith.select %eq3A_1380, %broadcast_in_dim3A_1382, %broadcast_in_dim3A_1379 : vector<64x1xi1>, vector<64x1xi32>
    %eq3A_1384 = vector.broadcast %select_n3A_1383 : vector<64x1xi32> to vector<64x128xi32>
    %eq3A_1385 = arith.cmpi eq, %iota3A_22, %eq3A_1384 : vector<64x128xi32>
    %jit3A_1386 = arith.constant 0.000000e+00 : f32
    %broadcast_in_dim3A_1387 = vector.shape_cast %max3A_1368 : vector<64x1xf32> to vector<64x1xf32>
    %broadcast_in_dim3A_1388 = vector.broadcast %broadcast_in_dim3A_1387 : vector<64x1xf32> to vector<64x128xf32>
    %broadcast_in_dim3A_1389 = vector.broadcast %jit3A_1386 : f32 to vector<64x128xf32>
    %select_n3A_1390 = arith.select %eq3A_1385, %broadcast_in_dim3A_1388, %broadcast_in_dim3A_1389 : vector<64x128xi1>, vector<64x128xf32>
    %swap3A_1391 = arith.constant 20 : index
    %swap3A_1392 = arith.constant 0 : index
    %swap3A_1393 = arith.constant 0 : index
    %swap3A_1394 = vector.load %arg4[%swap3A_1391, %swap3A_1392, %swap3A_1393] : memref<32x64x128xf32, #tpu.memory_space<vmem>>, vector<1x64x128xf32>
    %swap3A_1395 = vector.shape_cast %swap3A_1394 : vector<1x64x128xf32> to vector<64x128xf32>
    %swap3A_1396 = vector.shape_cast %select_n3A_1390 : vector<64x128xf32> to vector<1x64x128xf32>
    tpu.vector_store %arg4[%swap3A_1391, %swap3A_1392, %swap3A_1393], %swap3A_1396 {strides = array<i32>} : memref<32x64x128xf32, #tpu.memory_space<vmem>>, vector<1x64x128xf32>,
    %get3A_1397 = arith.constant 21 : index
    %get3A_1398 = arith.constant 0 : index
    %get3A_1399 = arith.constant 0 : index
    %get3A_1400 = vector.load %arg1[%get3A_1397, %get3A_1398, %get3A_1399] : memref<32x64x128xf32, #tpu.memory_space<vmem>>, vector<1x64x128xf32>
    %get3A_1401 = vector.shape_cast %get3A_1400 : vector<1x64x128xf32> to vector<64x128xf32>
    %slice3A_1402 = vector.extract_strided_slice %add3A_21 {offsets = [0, 2688], sizes = [64, 128], strides = [1, 1]} : vector<64x4096xf32> to vector<64x128xf32>
    %dot_general3A_1403 = arith.constant dense<0.000000e+00> : vector<64x64xf32>
    %dot_general3A_1404 = tpu.matmul %get3A_1401, %slice3A_1402, %dot_general3A_1403 {dimension_numbers = #tpu.dot_dimension_numbers<[1], [1], [0], [0], [0, 0, 1, 0], [], []>, transpose_lhs_hint = false} : vector<64x128xf32>, vector<64x128xf32>, vector<64x64xf32> -> vector<64x64xf32>
    %mul3A_1405 = vector.broadcast %get3A_0 : f32 to vector<64x64xf32>
    %mul3A_1406 = arith.mulf %dot_general3A_1404, %mul3A_1405 : vector<64x64xf32>
    %ge3A_1407 = arith.cmpi sge, %iota3A_1, %iota3A : vector<64x64xi32>
    %jit3A_1408 = arith.constant -3.40282347E+38 : f32
    %broadcast_in_dim3A_1409 = vector.broadcast %jit3A_1408 : f32 to vector<64x64xf32>
    %select_n3A_1410 = arith.select %ge3A_1407, %broadcast_in_dim3A_1409, %mul3A_1406 : vector<64x64xi1>, vector<64x64xf32>
    %reduce_max3A_1411 = arith.constant dense<0xFF800000> : vector<64xf32>
    %reduce_max3A_1412 = vector.multi_reduction <maximumf>, %select_n3A_1410, %reduce_max3A_1411 [1] : vector<64x64xf32> to vector<64xf32>
    %broadcast_in_dim3A_1413 = vector.shape_cast %reduce_max3A_1412 : vector<64xf32> to vector<64x1xf32>
    %max3A_1414 = arith.constant 0.000000e+00 : f32
    %max3A_1415 = vector.broadcast %max3A_1414 : f32 to vector<64x1xf32>
    %max3A_1416 = arith.maximumf %broadcast_in_dim3A_1413, %max3A_1415 : vector<64x1xf32>
    %sub3A_1417 = vector.broadcast %max3A_1416 : vector<64x1xf32> to vector<64x64xf32>
    %sub3A_1418 = arith.subf %select_n3A_1410, %sub3A_1417 : vector<64x64xf32>
    %exp3A_1419 = math.exp %sub3A_1418 : vector<64x64xf32>
    %neg3A_1420 = arith.constant 0.000000e+00 : f32
    %neg3A_1421 = vector.broadcast %neg3A_1420 : f32 to vector<64x1xf32>
    %neg3A_1422 = arith.subf %neg3A_1421, %max3A_1416 : vector<64x1xf32>
    %exp3A_1423 = math.exp %neg3A_1422 : vector<64x1xf32>
    %reduce_sum3A_1424 = arith.constant dense<0.000000e+00> : vector<64xf32>
    %reduce_sum3A_1425 = vector.multi_reduction <add>, %exp3A_1419, %reduce_sum3A_1424 [1] : vector<64x64xf32> to vector<64xf32>
    %broadcast_in_dim3A_1426 = vector.shape_cast %reduce_sum3A_1425 : vector<64xf32> to vector<64x1xf32>
    %add3A_1427 = arith.addf %exp3A_1423, %broadcast_in_dim3A_1426 : vector<64x1xf32>
    %div3A_1428 = vector.broadcast %add3A_1427 : vector<64x1xf32> to vector<64x64xf32>
    %div3A_1429 = arith.divf %exp3A_1419, %div3A_1428 : vector<64x64xf32>
    %div3A_1430 = arith.divf %exp3A_1423, %add3A_1427 : vector<64x1xf32>
    %reduce_max3A_1431 = arith.constant dense<0xFF800000> : vector<64xf32>
    %reduce_max3A_1432 = vector.multi_reduction <maximumf>, %div3A_1429, %reduce_max3A_1431 [1] : vector<64x64xf32> to vector<64xf32>
    %broadcast_in_dim3A_1433 = vector.shape_cast %reduce_max3A_1432 : vector<64xf32> to vector<64x1xf32>
    %max3A_1434 = arith.maximumf %broadcast_in_dim3A_1433, %div3A_1430 : vector<64x1xf32>
    %eq3A_1435 = vector.broadcast %max3A_1434 : vector<64x1xf32> to vector<64x64xf32>
    %eq3A_1436 = arith.cmpf oeq, %div3A_1429, %eq3A_1435 : vector<64x64xf32>
    %add3A_1437 = arith.constant 1 : i32
    %add3A_1438 = vector.broadcast %add3A_1437 : i32 to vector<64x64xi32>
    %add3A_1439 = arith.addi %iota3A_1, %add3A_1438 : vector<64x64xi32>
    %jit3A_1440 = arith.constant 128 : i32
    %broadcast_in_dim3A_1441 = vector.broadcast %jit3A_1440 : i32 to vector<64x64xi32>
    %select_n3A_1442 = arith.select %eq3A_1436, %add3A_1439, %broadcast_in_dim3A_1441 : vector<64x64xi1>, vector<64x64xi32>
    %reduce_min3A_1443 = arith.constant dense<2147483647> : vector<64xi32>
    %reduce_min3A_1444 = vector.multi_reduction <minsi>, %select_n3A_1442, %reduce_min3A_1443 [1] : vector<64x64xi32> to vector<64xi32>
    %broadcast_in_dim3A_1445 = vector.shape_cast %reduce_min3A_1444 : vector<64xi32> to vector<64x1xi32>
    %eq3A_1446 = arith.cmpf oeq, %div3A_1430, %max3A_1434 : vector<64x1xf32>
    %jit3A_1447 = arith.constant 0 : i32
    %broadcast_in_dim3A_1448 = vector.broadcast %jit3A_1447 : i32 to vector<64x1xi32>
    %select_n3A_1449 = arith.select %eq3A_1446, %broadcast_in_dim3A_1448, %broadcast_in_dim3A_1445 : vector<64x1xi1>, vector<64x1xi32>
    %eq3A_1450 = vector.broadcast %select_n3A_1449 : vector<64x1xi32> to vector<64x128xi32>
    %eq3A_1451 = arith.cmpi eq, %iota3A_22, %eq3A_1450 : vector<64x128xi32>
    %jit3A_1452 = arith.constant 0.000000e+00 : f32
    %broadcast_in_dim3A_1453 = vector.shape_cast %max3A_1434 : vector<64x1xf32> to vector<64x1xf32>
    %broadcast_in_dim3A_1454 = vector.broadcast %broadcast_in_dim3A_1453 : vector<64x1xf32> to vector<64x128xf32>
    %broadcast_in_dim3A_1455 = vector.broadcast %jit3A_1452 : f32 to vector<64x128xf32>
    %select_n3A_1456 = arith.select %eq3A_1451, %broadcast_in_dim3A_1454, %broadcast_in_dim3A_1455 : vector<64x128xi1>, vector<64x128xf32>
    %swap3A_1457 = arith.constant 21 : index
    %swap3A_1458 = arith.constant 0 : index
    %swap3A_1459 = arith.constant 0 : index
    %swap3A_1460 = vector.load %arg4[%swap3A_1457, %swap3A_1458, %swap3A_1459] : memref<32x64x128xf32, #tpu.memory_space<vmem>>, vector<1x64x128xf32>
    %swap3A_1461 = vector.shape_cast %swap3A_1460 : vector<1x64x128xf32> to vector<64x128xf32>
    %swap3A_1462 = vector.shape_cast %select_n3A_1456 : vector<64x128xf32> to vector<1x64x128xf32>
    tpu.vector_store %arg4[%swap3A_1457, %swap3A_1458, %swap3A_1459], %swap3A_1462 {strides = array<i32>} : memref<32x64x128xf32, #tpu.memory_space<vmem>>, vector<1x64x128xf32>,
    %get3A_1463 = arith.constant 22 : index
    %get3A_1464 = arith.constant 0 : index
    %get3A_1465 = arith.constant 0 : index
    %get3A_1466 = vector.load %arg1[%get3A_1463, %get3A_1464, %get3A_1465] : memref<32x64x128xf32, #tpu.memory_space<vmem>>, vector<1x64x128xf32>
    %get3A_1467 = vector.shape_cast %get3A_1466 : vector<1x64x128xf32> to vector<64x128xf32>
    %slice3A_1468 = vector.extract_strided_slice %add3A_21 {offsets = [0, 2816], sizes = [64, 128], strides = [1, 1]} : vector<64x4096xf32> to vector<64x128xf32>
    %dot_general3A_1469 = arith.constant dense<0.000000e+00> : vector<64x64xf32>
    %dot_general3A_1470 = tpu.matmul %get3A_1467, %slice3A_1468, %dot_general3A_1469 {dimension_numbers = #tpu.dot_dimension_numbers<[1], [1], [0], [0], [0, 0, 1, 0], [], []>, transpose_lhs_hint = false} : vector<64x128xf32>, vector<64x128xf32>, vector<64x64xf32> -> vector<64x64xf32>
    %mul3A_1471 = vector.broadcast %get3A_0 : f32 to vector<64x64xf32>
    %mul3A_1472 = arith.mulf %dot_general3A_1470, %mul3A_1471 : vector<64x64xf32>
    %ge3A_1473 = arith.cmpi sge, %iota3A_1, %iota3A : vector<64x64xi32>
    %jit3A_1474 = arith.constant -3.40282347E+38 : f32
    %broadcast_in_dim3A_1475 = vector.broadcast %jit3A_1474 : f32 to vector<64x64xf32>
    %select_n3A_1476 = arith.select %ge3A_1473, %broadcast_in_dim3A_1475, %mul3A_1472 : vector<64x64xi1>, vector<64x64xf32>
    %reduce_max3A_1477 = arith.constant dense<0xFF800000> : vector<64xf32>
    %reduce_max3A_1478 = vector.multi_reduction <maximumf>, %select_n3A_1476, %reduce_max3A_1477 [1] : vector<64x64xf32> to vector<64xf32>
    %broadcast_in_dim3A_1479 = vector.shape_cast %reduce_max3A_1478 : vector<64xf32> to vector<64x1xf32>
    %max3A_1480 = arith.constant 0.000000e+00 : f32
    %max3A_1481 = vector.broadcast %max3A_1480 : f32 to vector<64x1xf32>
    %max3A_1482 = arith.maximumf %broadcast_in_dim3A_1479, %max3A_1481 : vector<64x1xf32>
    %sub3A_1483 = vector.broadcast %max3A_1482 : vector<64x1xf32> to vector<64x64xf32>
    %sub3A_1484 = arith.subf %select_n3A_1476, %sub3A_1483 : vector<64x64xf32>
    %exp3A_1485 = math.exp %sub3A_1484 : vector<64x64xf32>
    %neg3A_1486 = arith.constant 0.000000e+00 : f32
    %neg3A_1487 = vector.broadcast %neg3A_1486 : f32 to vector<64x1xf32>
    %neg3A_1488 = arith.subf %neg3A_1487, %max3A_1482 : vector<64x1xf32>
    %exp3A_1489 = math.exp %neg3A_1488 : vector<64x1xf32>
    %reduce_sum3A_1490 = arith.constant dense<0.000000e+00> : vector<64xf32>
    %reduce_sum3A_1491 = vector.multi_reduction <add>, %exp3A_1485, %reduce_sum3A_1490 [1] : vector<64x64xf32> to vector<64xf32>
    %broadcast_in_dim3A_1492 = vector.shape_cast %reduce_sum3A_1491 : vector<64xf32> to vector<64x1xf32>
    %add3A_1493 = arith.addf %exp3A_1489, %broadcast_in_dim3A_1492 : vector<64x1xf32>
    %div3A_1494 = vector.broadcast %add3A_1493 : vector<64x1xf32> to vector<64x64xf32>
    %div3A_1495 = arith.divf %exp3A_1485, %div3A_1494 : vector<64x64xf32>
    %div3A_1496 = arith.divf %exp3A_1489, %add3A_1493 : vector<64x1xf32>
    %reduce_max3A_1497 = arith.constant dense<0xFF800000> : vector<64xf32>
    %reduce_max3A_1498 = vector.multi_reduction <maximumf>, %div3A_1495, %reduce_max3A_1497 [1] : vector<64x64xf32> to vector<64xf32>
    %broadcast_in_dim3A_1499 = vector.shape_cast %reduce_max3A_1498 : vector<64xf32> to vector<64x1xf32>
    %max3A_1500 = arith.maximumf %broadcast_in_dim3A_1499, %div3A_1496 : vector<64x1xf32>
    %eq3A_1501 = vector.broadcast %max3A_1500 : vector<64x1xf32> to vector<64x64xf32>
    %eq3A_1502 = arith.cmpf oeq, %div3A_1495, %eq3A_1501 : vector<64x64xf32>
    %add3A_1503 = arith.constant 1 : i32
    %add3A_1504 = vector.broadcast %add3A_1503 : i32 to vector<64x64xi32>
    %add3A_1505 = arith.addi %iota3A_1, %add3A_1504 : vector<64x64xi32>
    %jit3A_1506 = arith.constant 128 : i32
    %broadcast_in_dim3A_1507 = vector.broadcast %jit3A_1506 : i32 to vector<64x64xi32>
    %select_n3A_1508 = arith.select %eq3A_1502, %add3A_1505, %broadcast_in_dim3A_1507 : vector<64x64xi1>, vector<64x64xi32>
    %reduce_min3A_1509 = arith.constant dense<2147483647> : vector<64xi32>
    %reduce_min3A_1510 = vector.multi_reduction <minsi>, %select_n3A_1508, %reduce_min3A_1509 [1] : vector<64x64xi32> to vector<64xi32>
    %broadcast_in_dim3A_1511 = vector.shape_cast %reduce_min3A_1510 : vector<64xi32> to vector<64x1xi32>
    %eq3A_1512 = arith.cmpf oeq, %div3A_1496, %max3A_1500 : vector<64x1xf32>
    %jit3A_1513 = arith.constant 0 : i32
    %broadcast_in_dim3A_1514 = vector.broadcast %jit3A_1513 : i32 to vector<64x1xi32>
    %select_n3A_1515 = arith.select %eq3A_1512, %broadcast_in_dim3A_1514, %broadcast_in_dim3A_1511 : vector<64x1xi1>, vector<64x1xi32>
    %eq3A_1516 = vector.broadcast %select_n3A_1515 : vector<64x1xi32> to vector<64x128xi32>
    %eq3A_1517 = arith.cmpi eq, %iota3A_22, %eq3A_1516 : vector<64x128xi32>
    %jit3A_1518 = arith.constant 0.000000e+00 : f32
    %broadcast_in_dim3A_1519 = vector.shape_cast %max3A_1500 : vector<64x1xf32> to vector<64x1xf32>
    %broadcast_in_dim3A_1520 = vector.broadcast %broadcast_in_dim3A_1519 : vector<64x1xf32> to vector<64x128xf32>
    %broadcast_in_dim3A_1521 = vector.broadcast %jit3A_1518 : f32 to vector<64x128xf32>
    %select_n3A_1522 = arith.select %eq3A_1517, %broadcast_in_dim3A_1520, %broadcast_in_dim3A_1521 : vector<64x128xi1>, vector<64x128xf32>
    %swap3A_1523 = arith.constant 22 : index
    %swap3A_1524 = arith.constant 0 : index
    %swap3A_1525 = arith.constant 0 : index
    %swap3A_1526 = vector.load %arg4[%swap3A_1523, %swap3A_1524, %swap3A_1525] : memref<32x64x128xf32, #tpu.memory_space<vmem>>, vector<1x64x128xf32>
    %swap3A_1527 = vector.shape_cast %swap3A_1526 : vector<1x64x128xf32> to vector<64x128xf32>
    %swap3A_1528 = vector.shape_cast %select_n3A_1522 : vector<64x128xf32> to vector<1x64x128xf32>
    tpu.vector_store %arg4[%swap3A_1523, %swap3A_1524, %swap3A_1525], %swap3A_1528 {strides = array<i32>} : memref<32x64x128xf32, #tpu.memory_space<vmem>>, vector<1x64x128xf32>,
    %get3A_1529 = arith.constant 23 : index
    %get3A_1530 = arith.constant 0 : index
    %get3A_1531 = arith.constant 0 : index
    %get3A_1532 = vector.load %arg1[%get3A_1529, %get3A_1530, %get3A_1531] : memref<32x64x128xf32, #tpu.memory_space<vmem>>, vector<1x64x128xf32>
    %get3A_1533 = vector.shape_cast %get3A_1532 : vector<1x64x128xf32> to vector<64x128xf32>
    %slice3A_1534 = vector.extract_strided_slice %add3A_21 {offsets = [0, 2944], sizes = [64, 128], strides = [1, 1]} : vector<64x4096xf32> to vector<64x128xf32>
    %dot_general3A_1535 = arith.constant dense<0.000000e+00> : vector<64x64xf32>
    %dot_general3A_1536 = tpu.matmul %get3A_1533, %slice3A_1534, %dot_general3A_1535 {dimension_numbers = #tpu.dot_dimension_numbers<[1], [1], [0], [0], [0, 0, 1, 0], [], []>, transpose_lhs_hint = false} : vector<64x128xf32>, vector<64x128xf32>, vector<64x64xf32> -> vector<64x64xf32>
    %mul3A_1537 = vector.broadcast %get3A_0 : f32 to vector<64x64xf32>
    %mul3A_1538 = arith.mulf %dot_general3A_1536, %mul3A_1537 : vector<64x64xf32>
    %ge3A_1539 = arith.cmpi sge, %iota3A_1, %iota3A : vector<64x64xi32>
    %jit3A_1540 = arith.constant -3.40282347E+38 : f32
    %broadcast_in_dim3A_1541 = vector.broadcast %jit3A_1540 : f32 to vector<64x64xf32>
    %select_n3A_1542 = arith.select %ge3A_1539, %broadcast_in_dim3A_1541, %mul3A_1538 : vector<64x64xi1>, vector<64x64xf32>
    %reduce_max3A_1543 = arith.constant dense<0xFF800000> : vector<64xf32>
    %reduce_max3A_1544 = vector.multi_reduction <maximumf>, %select_n3A_1542, %reduce_max3A_1543 [1] : vector<64x64xf32> to vector<64xf32>
    %broadcast_in_dim3A_1545 = vector.shape_cast %reduce_max3A_1544 : vector<64xf32> to vector<64x1xf32>
    %max3A_1546 = arith.constant 0.000000e+00 : f32
    %max3A_1547 = vector.broadcast %max3A_1546 : f32 to vector<64x1xf32>
    %max3A_1548 = arith.maximumf %broadcast_in_dim3A_1545, %max3A_1547 : vector<64x1xf32>
    %sub3A_1549 = vector.broadcast %max3A_1548 : vector<64x1xf32> to vector<64x64xf32>
    %sub3A_1550 = arith.subf %select_n3A_1542, %sub3A_1549 : vector<64x64xf32>
    %exp3A_1551 = math.exp %sub3A_1550 : vector<64x64xf32>
    %neg3A_1552 = arith.constant 0.000000e+00 : f32
    %neg3A_1553 = vector.broadcast %neg3A_1552 : f32 to vector<64x1xf32>
    %neg3A_1554 = arith.subf %neg3A_1553, %max3A_1548 : vector<64x1xf32>
    %exp3A_1555 = math.exp %neg3A_1554 : vector<64x1xf32>
    %reduce_sum3A_1556 = arith.constant dense<0.000000e+00> : vector<64xf32>
    %reduce_sum3A_1557 = vector.multi_reduction <add>, %exp3A_1551, %reduce_sum3A_1556 [1] : vector<64x64xf32> to vector<64xf32>
    %broadcast_in_dim3A_1558 = vector.shape_cast %reduce_sum3A_1557 : vector<64xf32> to vector<64x1xf32>
    %add3A_1559 = arith.addf %exp3A_1555, %broadcast_in_dim3A_1558 : vector<64x1xf32>
    %div3A_1560 = vector.broadcast %add3A_1559 : vector<64x1xf32> to vector<64x64xf32>
    %div3A_1561 = arith.divf %exp3A_1551, %div3A_1560 : vector<64x64xf32>
    %div3A_1562 = arith.divf %exp3A_1555, %add3A_1559 : vector<64x1xf32>
    %reduce_max3A_1563 = arith.constant dense<0xFF800000> : vector<64xf32>
    %reduce_max3A_1564 = vector.multi_reduction <maximumf>, %div3A_1561, %reduce_max3A_1563 [1] : vector<64x64xf32> to vector<64xf32>
    %broadcast_in_dim3A_1565 = vector.shape_cast %reduce_max3A_1564 : vector<64xf32> to vector<64x1xf32>
    %max3A_1566 = arith.maximumf %broadcast_in_dim3A_1565, %div3A_1562 : vector<64x1xf32>
    %eq3A_1567 = vector.broadcast %max3A_1566 : vector<64x1xf32> to vector<64x64xf32>
    %eq3A_1568 = arith.cmpf oeq, %div3A_1561, %eq3A_1567 : vector<64x64xf32>
    %add3A_1569 = arith.constant 1 : i32
    %add3A_1570 = vector.broadcast %add3A_1569 : i32 to vector<64x64xi32>
    %add3A_1571 = arith.addi %iota3A_1, %add3A_1570 : vector<64x64xi32>
    %jit3A_1572 = arith.constant 128 : i32
    %broadcast_in_dim3A_1573 = vector.broadcast %jit3A_1572 : i32 to vector<64x64xi32>
    %select_n3A_1574 = arith.select %eq3A_1568, %add3A_1571, %broadcast_in_dim3A_1573 : vector<64x64xi1>, vector<64x64xi32>
    %reduce_min3A_1575 = arith.constant dense<2147483647> : vector<64xi32>
    %reduce_min3A_1576 = vector.multi_reduction <minsi>, %select_n3A_1574, %reduce_min3A_1575 [1] : vector<64x64xi32> to vector<64xi32>
    %broadcast_in_dim3A_1577 = vector.shape_cast %reduce_min3A_1576 : vector<64xi32> to vector<64x1xi32>
    %eq3A_1578 = arith.cmpf oeq, %div3A_1562, %max3A_1566 : vector<64x1xf32>
    %jit3A_1579 = arith.constant 0 : i32
    %broadcast_in_dim3A_1580 = vector.broadcast %jit3A_1579 : i32 to vector<64x1xi32>
    %select_n3A_1581 = arith.select %eq3A_1578, %broadcast_in_dim3A_1580, %broadcast_in_dim3A_1577 : vector<64x1xi1>, vector<64x1xi32>
    %eq3A_1582 = vector.broadcast %select_n3A_1581 : vector<64x1xi32> to vector<64x128xi32>
    %eq3A_1583 = arith.cmpi eq, %iota3A_22, %eq3A_1582 : vector<64x128xi32>
    %jit3A_1584 = arith.constant 0.000000e+00 : f32
    %broadcast_in_dim3A_1585 = vector.shape_cast %max3A_1566 : vector<64x1xf32> to vector<64x1xf32>
    %broadcast_in_dim3A_1586 = vector.broadcast %broadcast_in_dim3A_1585 : vector<64x1xf32> to vector<64x128xf32>
    %broadcast_in_dim3A_1587 = vector.broadcast %jit3A_1584 : f32 to vector<64x128xf32>
    %select_n3A_1588 = arith.select %eq3A_1583, %broadcast_in_dim3A_1586, %broadcast_in_dim3A_1587 : vector<64x128xi1>, vector<64x128xf32>
    %swap3A_1589 = arith.constant 23 : index
    %swap3A_1590 = arith.constant 0 : index
    %swap3A_1591 = arith.constant 0 : index
    %swap3A_1592 = vector.load %arg4[%swap3A_1589, %swap3A_1590, %swap3A_1591] : memref<32x64x128xf32, #tpu.memory_space<vmem>>, vector<1x64x128xf32>
    %swap3A_1593 = vector.shape_cast %swap3A_1592 : vector<1x64x128xf32> to vector<64x128xf32>
    %swap3A_1594 = vector.shape_cast %select_n3A_1588 : vector<64x128xf32> to vector<1x64x128xf32>
    tpu.vector_store %arg4[%swap3A_1589, %swap3A_1590, %swap3A_1591], %swap3A_1594 {strides = array<i32>} : memref<32x64x128xf32, #tpu.memory_space<vmem>>, vector<1x64x128xf32>,
    %get3A_1595 = arith.constant 24 : index
    %get3A_1596 = arith.constant 0 : index
    %get3A_1597 = arith.constant 0 : index
    %get3A_1598 = vector.load %arg1[%get3A_1595, %get3A_1596, %get3A_1597] : memref<32x64x128xf32, #tpu.memory_space<vmem>>, vector<1x64x128xf32>
    %get3A_1599 = vector.shape_cast %get3A_1598 : vector<1x64x128xf32> to vector<64x128xf32>
    %slice3A_1600 = vector.extract_strided_slice %add3A_21 {offsets = [0, 3072], sizes = [64, 128], strides = [1, 1]} : vector<64x4096xf32> to vector<64x128xf32>
    %dot_general3A_1601 = arith.constant dense<0.000000e+00> : vector<64x64xf32>
    %dot_general3A_1602 = tpu.matmul %get3A_1599, %slice3A_1600, %dot_general3A_1601 {dimension_numbers = #tpu.dot_dimension_numbers<[1], [1], [0], [0], [0, 0, 1, 0], [], []>, transpose_lhs_hint = false} : vector<64x128xf32>, vector<64x128xf32>, vector<64x64xf32> -> vector<64x64xf32>
    %mul3A_1603 = vector.broadcast %get3A_0 : f32 to vector<64x64xf32>
    %mul3A_1604 = arith.mulf %dot_general3A_1602, %mul3A_1603 : vector<64x64xf32>
    %ge3A_1605 = arith.cmpi sge, %iota3A_1, %iota3A : vector<64x64xi32>
    %jit3A_1606 = arith.constant -3.40282347E+38 : f32
    %broadcast_in_dim3A_1607 = vector.broadcast %jit3A_1606 : f32 to vector<64x64xf32>
    %select_n3A_1608 = arith.select %ge3A_1605, %broadcast_in_dim3A_1607, %mul3A_1604 : vector<64x64xi1>, vector<64x64xf32>
    %reduce_max3A_1609 = arith.constant dense<0xFF800000> : vector<64xf32>
    %reduce_max3A_1610 = vector.multi_reduction <maximumf>, %select_n3A_1608, %reduce_max3A_1609 [1] : vector<64x64xf32> to vector<64xf32>
    %broadcast_in_dim3A_1611 = vector.shape_cast %reduce_max3A_1610 : vector<64xf32> to vector<64x1xf32>
    %max3A_1612 = arith.constant 0.000000e+00 : f32
    %max3A_1613 = vector.broadcast %max3A_1612 : f32 to vector<64x1xf32>
    %max3A_1614 = arith.maximumf %broadcast_in_dim3A_1611, %max3A_1613 : vector<64x1xf32>
    %sub3A_1615 = vector.broadcast %max3A_1614 : vector<64x1xf32> to vector<64x64xf32>
    %sub3A_1616 = arith.subf %select_n3A_1608, %sub3A_1615 : vector<64x64xf32>
    %exp3A_1617 = math.exp %sub3A_1616 : vector<64x64xf32>
    %neg3A_1618 = arith.constant 0.000000e+00 : f32
    %neg3A_1619 = vector.broadcast %neg3A_1618 : f32 to vector<64x1xf32>
    %neg3A_1620 = arith.subf %neg3A_1619, %max3A_1614 : vector<64x1xf32>
    %exp3A_1621 = math.exp %neg3A_1620 : vector<64x1xf32>
    %reduce_sum3A_1622 = arith.constant dense<0.000000e+00> : vector<64xf32>
    %reduce_sum3A_1623 = vector.multi_reduction <add>, %exp3A_1617, %reduce_sum3A_1622 [1] : vector<64x64xf32> to vector<64xf32>
    %broadcast_in_dim3A_1624 = vector.shape_cast %reduce_sum3A_1623 : vector<64xf32> to vector<64x1xf32>
    %add3A_1625 = arith.addf %exp3A_1621, %broadcast_in_dim3A_1624 : vector<64x1xf32>
    %div3A_1626 = vector.broadcast %add3A_1625 : vector<64x1xf32> to vector<64x64xf32>
    %div3A_1627 = arith.divf %exp3A_1617, %div3A_1626 : vector<64x64xf32>
    %div3A_1628 = arith.divf %exp3A_1621, %add3A_1625 : vector<64x1xf32>
    %reduce_max3A_1629 = arith.constant dense<0xFF800000> : vector<64xf32>
    %reduce_max3A_1630 = vector.multi_reduction <maximumf>, %div3A_1627, %reduce_max3A_1629 [1] : vector<64x64xf32> to vector<64xf32>
    %broadcast_in_dim3A_1631 = vector.shape_cast %reduce_max3A_1630 : vector<64xf32> to vector<64x1xf32>
    %max3A_1632 = arith.maximumf %broadcast_in_dim3A_1631, %div3A_1628 : vector<64x1xf32>
    %eq3A_1633 = vector.broadcast %max3A_1632 : vector<64x1xf32> to vector<64x64xf32>
    %eq3A_1634 = arith.cmpf oeq, %div3A_1627, %eq3A_1633 : vector<64x64xf32>
    %add3A_1635 = arith.constant 1 : i32
    %add3A_1636 = vector.broadcast %add3A_1635 : i32 to vector<64x64xi32>
    %add3A_1637 = arith.addi %iota3A_1, %add3A_1636 : vector<64x64xi32>
    %jit3A_1638 = arith.constant 128 : i32
    %broadcast_in_dim3A_1639 = vector.broadcast %jit3A_1638 : i32 to vector<64x64xi32>
    %select_n3A_1640 = arith.select %eq3A_1634, %add3A_1637, %broadcast_in_dim3A_1639 : vector<64x64xi1>, vector<64x64xi32>
    %reduce_min3A_1641 = arith.constant dense<2147483647> : vector<64xi32>
    %reduce_min3A_1642 = vector.multi_reduction <minsi>, %select_n3A_1640, %reduce_min3A_1641 [1] : vector<64x64xi32> to vector<64xi32>
    %broadcast_in_dim3A_1643 = vector.shape_cast %reduce_min3A_1642 : vector<64xi32> to vector<64x1xi32>
    %eq3A_1644 = arith.cmpf oeq, %div3A_1628, %max3A_1632 : vector<64x1xf32>
    %jit3A_1645 = arith.constant 0 : i32
    %broadcast_in_dim3A_1646 = vector.broadcast %jit3A_1645 : i32 to vector<64x1xi32>
    %select_n3A_1647 = arith.select %eq3A_1644, %broadcast_in_dim3A_1646, %broadcast_in_dim3A_1643 : vector<64x1xi1>, vector<64x1xi32>
    %eq3A_1648 = vector.broadcast %select_n3A_1647 : vector<64x1xi32> to vector<64x128xi32>
    %eq3A_1649 = arith.cmpi eq, %iota3A_22, %eq3A_1648 : vector<64x128xi32>
    %jit3A_1650 = arith.constant 0.000000e+00 : f32
    %broadcast_in_dim3A_1651 = vector.shape_cast %max3A_1632 : vector<64x1xf32> to vector<64x1xf32>
    %broadcast_in_dim3A_1652 = vector.broadcast %broadcast_in_dim3A_1651 : vector<64x1xf32> to vector<64x128xf32>
    %broadcast_in_dim3A_1653 = vector.broadcast %jit3A_1650 : f32 to vector<64x128xf32>
    %select_n3A_1654 = arith.select %eq3A_1649, %broadcast_in_dim3A_1652, %broadcast_in_dim3A_1653 : vector<64x128xi1>, vector<64x128xf32>
    %swap3A_1655 = arith.constant 24 : index
    %swap3A_1656 = arith.constant 0 : index
    %swap3A_1657 = arith.constant 0 : index
    %swap3A_1658 = vector.load %arg4[%swap3A_1655, %swap3A_1656, %swap3A_1657] : memref<32x64x128xf32, #tpu.memory_space<vmem>>, vector<1x64x128xf32>
    %swap3A_1659 = vector.shape_cast %swap3A_1658 : vector<1x64x128xf32> to vector<64x128xf32>
    %swap3A_1660 = vector.shape_cast %select_n3A_1654 : vector<64x128xf32> to vector<1x64x128xf32>
    tpu.vector_store %arg4[%swap3A_1655, %swap3A_1656, %swap3A_1657], %swap3A_1660 {strides = array<i32>} : memref<32x64x128xf32, #tpu.memory_space<vmem>>, vector<1x64x128xf32>,
    %get3A_1661 = arith.constant 25 : index
    %get3A_1662 = arith.constant 0 : index
    %get3A_1663 = arith.constant 0 : index
    %get3A_1664 = vector.load %arg1[%get3A_1661, %get3A_1662, %get3A_1663] : memref<32x64x128xf32, #tpu.memory_space<vmem>>, vector<1x64x128xf32>
    %get3A_1665 = vector.shape_cast %get3A_1664 : vector<1x64x128xf32> to vector<64x128xf32>
    %slice3A_1666 = vector.extract_strided_slice %add3A_21 {offsets = [0, 3200], sizes = [64, 128], strides = [1, 1]} : vector<64x4096xf32> to vector<64x128xf32>
    %dot_general3A_1667 = arith.constant dense<0.000000e+00> : vector<64x64xf32>
    %dot_general3A_1668 = tpu.matmul %get3A_1665, %slice3A_1666, %dot_general3A_1667 {dimension_numbers = #tpu.dot_dimension_numbers<[1], [1], [0], [0], [0, 0, 1, 0], [], []>, transpose_lhs_hint = false} : vector<64x128xf32>, vector<64x128xf32>, vector<64x64xf32> -> vector<64x64xf32>
    %mul3A_1669 = vector.broadcast %get3A_0 : f32 to vector<64x64xf32>
    %mul3A_1670 = arith.mulf %dot_general3A_1668, %mul3A_1669 : vector<64x64xf32>
    %ge3A_1671 = arith.cmpi sge, %iota3A_1, %iota3A : vector<64x64xi32>
    %jit3A_1672 = arith.constant -3.40282347E+38 : f32
    %broadcast_in_dim3A_1673 = vector.broadcast %jit3A_1672 : f32 to vector<64x64xf32>
    %select_n3A_1674 = arith.select %ge3A_1671, %broadcast_in_dim3A_1673, %mul3A_1670 : vector<64x64xi1>, vector<64x64xf32>
    %reduce_max3A_1675 = arith.constant dense<0xFF800000> : vector<64xf32>
    %reduce_max3A_1676 = vector.multi_reduction <maximumf>, %select_n3A_1674, %reduce_max3A_1675 [1] : vector<64x64xf32> to vector<64xf32>
    %broadcast_in_dim3A_1677 = vector.shape_cast %reduce_max3A_1676 : vector<64xf32> to vector<64x1xf32>
    %max3A_1678 = arith.constant 0.000000e+00 : f32
    %max3A_1679 = vector.broadcast %max3A_1678 : f32 to vector<64x1xf32>
    %max3A_1680 = arith.maximumf %broadcast_in_dim3A_1677, %max3A_1679 : vector<64x1xf32>
    %sub3A_1681 = vector.broadcast %max3A_1680 : vector<64x1xf32> to vector<64x64xf32>
    %sub3A_1682 = arith.subf %select_n3A_1674, %sub3A_1681 : vector<64x64xf32>
    %exp3A_1683 = math.exp %sub3A_1682 : vector<64x64xf32>
    %neg3A_1684 = arith.constant 0.000000e+00 : f32
    %neg3A_1685 = vector.broadcast %neg3A_1684 : f32 to vector<64x1xf32>
    %neg3A_1686 = arith.subf %neg3A_1685, %max3A_1680 : vector<64x1xf32>
    %exp3A_1687 = math.exp %neg3A_1686 : vector<64x1xf32>
    %reduce_sum3A_1688 = arith.constant dense<0.000000e+00> : vector<64xf32>
    %reduce_sum3A_1689 = vector.multi_reduction <add>, %exp3A_1683, %reduce_sum3A_1688 [1] : vector<64x64xf32> to vector<64xf32>
    %broadcast_in_dim3A_1690 = vector.shape_cast %reduce_sum3A_1689 : vector<64xf32> to vector<64x1xf32>
    %add3A_1691 = arith.addf %exp3A_1687, %broadcast_in_dim3A_1690 : vector<64x1xf32>
    %div3A_1692 = vector.broadcast %add3A_1691 : vector<64x1xf32> to vector<64x64xf32>
    %div3A_1693 = arith.divf %exp3A_1683, %div3A_1692 : vector<64x64xf32>
    %div3A_1694 = arith.divf %exp3A_1687, %add3A_1691 : vector<64x1xf32>
    %reduce_max3A_1695 = arith.constant dense<0xFF800000> : vector<64xf32>
    %reduce_max3A_1696 = vector.multi_reduction <maximumf>, %div3A_1693, %reduce_max3A_1695 [1] : vector<64x64xf32> to vector<64xf32>
    %broadcast_in_dim3A_1697 = vector.shape_cast %reduce_max3A_1696 : vector<64xf32> to vector<64x1xf32>
    %max3A_1698 = arith.maximumf %broadcast_in_dim3A_1697, %div3A_1694 : vector<64x1xf32>
    %eq3A_1699 = vector.broadcast %max3A_1698 : vector<64x1xf32> to vector<64x64xf32>
    %eq3A_1700 = arith.cmpf oeq, %div3A_1693, %eq3A_1699 : vector<64x64xf32>
    %add3A_1701 = arith.constant 1 : i32
    %add3A_1702 = vector.broadcast %add3A_1701 : i32 to vector<64x64xi32>
    %add3A_1703 = arith.addi %iota3A_1, %add3A_1702 : vector<64x64xi32>
    %jit3A_1704 = arith.constant 128 : i32
    %broadcast_in_dim3A_1705 = vector.broadcast %jit3A_1704 : i32 to vector<64x64xi32>
    %select_n3A_1706 = arith.select %eq3A_1700, %add3A_1703, %broadcast_in_dim3A_1705 : vector<64x64xi1>, vector<64x64xi32>
    %reduce_min3A_1707 = arith.constant dense<2147483647> : vector<64xi32>
    %reduce_min3A_1708 = vector.multi_reduction <minsi>, %select_n3A_1706, %reduce_min3A_1707 [1] : vector<64x64xi32> to vector<64xi32>
    %broadcast_in_dim3A_1709 = vector.shape_cast %reduce_min3A_1708 : vector<64xi32> to vector<64x1xi32>
    %eq3A_1710 = arith.cmpf oeq, %div3A_1694, %max3A_1698 : vector<64x1xf32>
    %jit3A_1711 = arith.constant 0 : i32
    %broadcast_in_dim3A_1712 = vector.broadcast %jit3A_1711 : i32 to vector<64x1xi32>
    %select_n3A_1713 = arith.select %eq3A_1710, %broadcast_in_dim3A_1712, %broadcast_in_dim3A_1709 : vector<64x1xi1>, vector<64x1xi32>
    %eq3A_1714 = vector.broadcast %select_n3A_1713 : vector<64x1xi32> to vector<64x128xi32>
    %eq3A_1715 = arith.cmpi eq, %iota3A_22, %eq3A_1714 : vector<64x128xi32>
    %jit3A_1716 = arith.constant 0.000000e+00 : f32
    %broadcast_in_dim3A_1717 = vector.shape_cast %max3A_1698 : vector<64x1xf32> to vector<64x1xf32>
    %broadcast_in_dim3A_1718 = vector.broadcast %broadcast_in_dim3A_1717 : vector<64x1xf32> to vector<64x128xf32>
    %broadcast_in_dim3A_1719 = vector.broadcast %jit3A_1716 : f32 to vector<64x128xf32>
    %select_n3A_1720 = arith.select %eq3A_1715, %broadcast_in_dim3A_1718, %broadcast_in_dim3A_1719 : vector<64x128xi1>, vector<64x128xf32>
    %swap3A_1721 = arith.constant 25 : index
    %swap3A_1722 = arith.constant 0 : index
    %swap3A_1723 = arith.constant 0 : index
    %swap3A_1724 = vector.load %arg4[%swap3A_1721, %swap3A_1722, %swap3A_1723] : memref<32x64x128xf32, #tpu.memory_space<vmem>>, vector<1x64x128xf32>
    %swap3A_1725 = vector.shape_cast %swap3A_1724 : vector<1x64x128xf32> to vector<64x128xf32>
    %swap3A_1726 = vector.shape_cast %select_n3A_1720 : vector<64x128xf32> to vector<1x64x128xf32>
    tpu.vector_store %arg4[%swap3A_1721, %swap3A_1722, %swap3A_1723], %swap3A_1726 {strides = array<i32>} : memref<32x64x128xf32, #tpu.memory_space<vmem>>, vector<1x64x128xf32>,
    %get3A_1727 = arith.constant 26 : index
    %get3A_1728 = arith.constant 0 : index
    %get3A_1729 = arith.constant 0 : index
    %get3A_1730 = vector.load %arg1[%get3A_1727, %get3A_1728, %get3A_1729] : memref<32x64x128xf32, #tpu.memory_space<vmem>>, vector<1x64x128xf32>
    %get3A_1731 = vector.shape_cast %get3A_1730 : vector<1x64x128xf32> to vector<64x128xf32>
    %slice3A_1732 = vector.extract_strided_slice %add3A_21 {offsets = [0, 3328], sizes = [64, 128], strides = [1, 1]} : vector<64x4096xf32> to vector<64x128xf32>
    %dot_general3A_1733 = arith.constant dense<0.000000e+00> : vector<64x64xf32>
    %dot_general3A_1734 = tpu.matmul %get3A_1731, %slice3A_1732, %dot_general3A_1733 {dimension_numbers = #tpu.dot_dimension_numbers<[1], [1], [0], [0], [0, 0, 1, 0], [], []>, transpose_lhs_hint = false} : vector<64x128xf32>, vector<64x128xf32>, vector<64x64xf32> -> vector<64x64xf32>
    %mul3A_1735 = vector.broadcast %get3A_0 : f32 to vector<64x64xf32>
    %mul3A_1736 = arith.mulf %dot_general3A_1734, %mul3A_1735 : vector<64x64xf32>
    %ge3A_1737 = arith.cmpi sge, %iota3A_1, %iota3A : vector<64x64xi32>
    %jit3A_1738 = arith.constant -3.40282347E+38 : f32
    %broadcast_in_dim3A_1739 = vector.broadcast %jit3A_1738 : f32 to vector<64x64xf32>
    %select_n3A_1740 = arith.select %ge3A_1737, %broadcast_in_dim3A_1739, %mul3A_1736 : vector<64x64xi1>, vector<64x64xf32>
    %reduce_max3A_1741 = arith.constant dense<0xFF800000> : vector<64xf32>
    %reduce_max3A_1742 = vector.multi_reduction <maximumf>, %select_n3A_1740, %reduce_max3A_1741 [1] : vector<64x64xf32> to vector<64xf32>
    %broadcast_in_dim3A_1743 = vector.shape_cast %reduce_max3A_1742 : vector<64xf32> to vector<64x1xf32>
    %max3A_1744 = arith.constant 0.000000e+00 : f32
    %max3A_1745 = vector.broadcast %max3A_1744 : f32 to vector<64x1xf32>
    %max3A_1746 = arith.maximumf %broadcast_in_dim3A_1743, %max3A_1745 : vector<64x1xf32>
    %sub3A_1747 = vector.broadcast %max3A_1746 : vector<64x1xf32> to vector<64x64xf32>
    %sub3A_1748 = arith.subf %select_n3A_1740, %sub3A_1747 : vector<64x64xf32>
    %exp3A_1749 = math.exp %sub3A_1748 : vector<64x64xf32>
    %neg3A_1750 = arith.constant 0.000000e+00 : f32
    %neg3A_1751 = vector.broadcast %neg3A_1750 : f32 to vector<64x1xf32>
    %neg3A_1752 = arith.subf %neg3A_1751, %max3A_1746 : vector<64x1xf32>
    %exp3A_1753 = math.exp %neg3A_1752 : vector<64x1xf32>
    %reduce_sum3A_1754 = arith.constant dense<0.000000e+00> : vector<64xf32>
    %reduce_sum3A_1755 = vector.multi_reduction <add>, %exp3A_1749, %reduce_sum3A_1754 [1] : vector<64x64xf32> to vector<64xf32>
    %broadcast_in_dim3A_1756 = vector.shape_cast %reduce_sum3A_1755 : vector<64xf32> to vector<64x1xf32>
    %add3A_1757 = arith.addf %exp3A_1753, %broadcast_in_dim3A_1756 : vector<64x1xf32>
    %div3A_1758 = vector.broadcast %add3A_1757 : vector<64x1xf32> to vector<64x64xf32>
    %div3A_1759 = arith.divf %exp3A_1749, %div3A_1758 : vector<64x64xf32>
    %div3A_1760 = arith.divf %exp3A_1753, %add3A_1757 : vector<64x1xf32>
    %reduce_max3A_1761 = arith.constant dense<0xFF800000> : vector<64xf32>
    %reduce_max3A_1762 = vector.multi_reduction <maximumf>, %div3A_1759, %reduce_max3A_1761 [1] : vector<64x64xf32> to vector<64xf32>
    %broadcast_in_dim3A_1763 = vector.shape_cast %reduce_max3A_1762 : vector<64xf32> to vector<64x1xf32>
    %max3A_1764 = arith.maximumf %broadcast_in_dim3A_1763, %div3A_1760 : vector<64x1xf32>
    %eq3A_1765 = vector.broadcast %max3A_1764 : vector<64x1xf32> to vector<64x64xf32>
    %eq3A_1766 = arith.cmpf oeq, %div3A_1759, %eq3A_1765 : vector<64x64xf32>
    %add3A_1767 = arith.constant 1 : i32
    %add3A_1768 = vector.broadcast %add3A_1767 : i32 to vector<64x64xi32>
    %add3A_1769 = arith.addi %iota3A_1, %add3A_1768 : vector<64x64xi32>
    %jit3A_1770 = arith.constant 128 : i32
    %broadcast_in_dim3A_1771 = vector.broadcast %jit3A_1770 : i32 to vector<64x64xi32>
    %select_n3A_1772 = arith.select %eq3A_1766, %add3A_1769, %broadcast_in_dim3A_1771 : vector<64x64xi1>, vector<64x64xi32>
    %reduce_min3A_1773 = arith.constant dense<2147483647> : vector<64xi32>
    %reduce_min3A_1774 = vector.multi_reduction <minsi>, %select_n3A_1772, %reduce_min3A_1773 [1] : vector<64x64xi32> to vector<64xi32>
    %broadcast_in_dim3A_1775 = vector.shape_cast %reduce_min3A_1774 : vector<64xi32> to vector<64x1xi32>
    %eq3A_1776 = arith.cmpf oeq, %div3A_1760, %max3A_1764 : vector<64x1xf32>
    %jit3A_1777 = arith.constant 0 : i32
    %broadcast_in_dim3A_1778 = vector.broadcast %jit3A_1777 : i32 to vector<64x1xi32>
    %select_n3A_1779 = arith.select %eq3A_1776, %broadcast_in_dim3A_1778, %broadcast_in_dim3A_1775 : vector<64x1xi1>, vector<64x1xi32>
    %eq3A_1780 = vector.broadcast %select_n3A_1779 : vector<64x1xi32> to vector<64x128xi32>
    %eq3A_1781 = arith.cmpi eq, %iota3A_22, %eq3A_1780 : vector<64x128xi32>
    %jit3A_1782 = arith.constant 0.000000e+00 : f32
    %broadcast_in_dim3A_1783 = vector.shape_cast %max3A_1764 : vector<64x1xf32> to vector<64x1xf32>
    %broadcast_in_dim3A_1784 = vector.broadcast %broadcast_in_dim3A_1783 : vector<64x1xf32> to vector<64x128xf32>
    %broadcast_in_dim3A_1785 = vector.broadcast %jit3A_1782 : f32 to vector<64x128xf32>
    %select_n3A_1786 = arith.select %eq3A_1781, %broadcast_in_dim3A_1784, %broadcast_in_dim3A_1785 : vector<64x128xi1>, vector<64x128xf32>
    %swap3A_1787 = arith.constant 26 : index
    %swap3A_1788 = arith.constant 0 : index
    %swap3A_1789 = arith.constant 0 : index
    %swap3A_1790 = vector.load %arg4[%swap3A_1787, %swap3A_1788, %swap3A_1789] : memref<32x64x128xf32, #tpu.memory_space<vmem>>, vector<1x64x128xf32>
    %swap3A_1791 = vector.shape_cast %swap3A_1790 : vector<1x64x128xf32> to vector<64x128xf32>
    %swap3A_1792 = vector.shape_cast %select_n3A_1786 : vector<64x128xf32> to vector<1x64x128xf32>
    tpu.vector_store %arg4[%swap3A_1787, %swap3A_1788, %swap3A_1789], %swap3A_1792 {strides = array<i32>} : memref<32x64x128xf32, #tpu.memory_space<vmem>>, vector<1x64x128xf32>,
    %get3A_1793 = arith.constant 27 : index
    %get3A_1794 = arith.constant 0 : index
    %get3A_1795 = arith.constant 0 : index
    %get3A_1796 = vector.load %arg1[%get3A_1793, %get3A_1794, %get3A_1795] : memref<32x64x128xf32, #tpu.memory_space<vmem>>, vector<1x64x128xf32>
    %get3A_1797 = vector.shape_cast %get3A_1796 : vector<1x64x128xf32> to vector<64x128xf32>
    %slice3A_1798 = vector.extract_strided_slice %add3A_21 {offsets = [0, 3456], sizes = [64, 128], strides = [1, 1]} : vector<64x4096xf32> to vector<64x128xf32>
    %dot_general3A_1799 = arith.constant dense<0.000000e+00> : vector<64x64xf32>
    %dot_general3A_1800 = tpu.matmul %get3A_1797, %slice3A_1798, %dot_general3A_1799 {dimension_numbers = #tpu.dot_dimension_numbers<[1], [1], [0], [0], [0, 0, 1, 0], [], []>, transpose_lhs_hint = false} : vector<64x128xf32>, vector<64x128xf32>, vector<64x64xf32> -> vector<64x64xf32>
    %mul3A_1801 = vector.broadcast %get3A_0 : f32 to vector<64x64xf32>
    %mul3A_1802 = arith.mulf %dot_general3A_1800, %mul3A_1801 : vector<64x64xf32>
    %ge3A_1803 = arith.cmpi sge, %iota3A_1, %iota3A : vector<64x64xi32>
    %jit3A_1804 = arith.constant -3.40282347E+38 : f32
    %broadcast_in_dim3A_1805 = vector.broadcast %jit3A_1804 : f32 to vector<64x64xf32>
    %select_n3A_1806 = arith.select %ge3A_1803, %broadcast_in_dim3A_1805, %mul3A_1802 : vector<64x64xi1>, vector<64x64xf32>
    %reduce_max3A_1807 = arith.constant dense<0xFF800000> : vector<64xf32>
    %reduce_max3A_1808 = vector.multi_reduction <maximumf>, %select_n3A_1806, %reduce_max3A_1807 [1] : vector<64x64xf32> to vector<64xf32>
    %broadcast_in_dim3A_1809 = vector.shape_cast %reduce_max3A_1808 : vector<64xf32> to vector<64x1xf32>
    %max3A_1810 = arith.constant 0.000000e+00 : f32
    %max3A_1811 = vector.broadcast %max3A_1810 : f32 to vector<64x1xf32>
    %max3A_1812 = arith.maximumf %broadcast_in_dim3A_1809, %max3A_1811 : vector<64x1xf32>
    %sub3A_1813 = vector.broadcast %max3A_1812 : vector<64x1xf32> to vector<64x64xf32>
    %sub3A_1814 = arith.subf %select_n3A_1806, %sub3A_1813 : vector<64x64xf32>
    %exp3A_1815 = math.exp %sub3A_1814 : vector<64x64xf32>
    %neg3A_1816 = arith.constant 0.000000e+00 : f32
    %neg3A_1817 = vector.broadcast %neg3A_1816 : f32 to vector<64x1xf32>
    %neg3A_1818 = arith.subf %neg3A_1817, %max3A_1812 : vector<64x1xf32>
    %exp3A_1819 = math.exp %neg3A_1818 : vector<64x1xf32>
    %reduce_sum3A_1820 = arith.constant dense<0.000000e+00> : vector<64xf32>
    %reduce_sum3A_1821 = vector.multi_reduction <add>, %exp3A_1815, %reduce_sum3A_1820 [1] : vector<64x64xf32> to vector<64xf32>
    %broadcast_in_dim3A_1822 = vector.shape_cast %reduce_sum3A_1821 : vector<64xf32> to vector<64x1xf32>
    %add3A_1823 = arith.addf %exp3A_1819, %broadcast_in_dim3A_1822 : vector<64x1xf32>
    %div3A_1824 = vector.broadcast %add3A_1823 : vector<64x1xf32> to vector<64x64xf32>
    %div3A_1825 = arith.divf %exp3A_1815, %div3A_1824 : vector<64x64xf32>
    %div3A_1826 = arith.divf %exp3A_1819, %add3A_1823 : vector<64x1xf32>
    %reduce_max3A_1827 = arith.constant dense<0xFF800000> : vector<64xf32>
    %reduce_max3A_1828 = vector.multi_reduction <maximumf>, %div3A_1825, %reduce_max3A_1827 [1] : vector<64x64xf32> to vector<64xf32>
    %broadcast_in_dim3A_1829 = vector.shape_cast %reduce_max3A_1828 : vector<64xf32> to vector<64x1xf32>
    %max3A_1830 = arith.maximumf %broadcast_in_dim3A_1829, %div3A_1826 : vector<64x1xf32>
    %eq3A_1831 = vector.broadcast %max3A_1830 : vector<64x1xf32> to vector<64x64xf32>
    %eq3A_1832 = arith.cmpf oeq, %div3A_1825, %eq3A_1831 : vector<64x64xf32>
    %add3A_1833 = arith.constant 1 : i32
    %add3A_1834 = vector.broadcast %add3A_1833 : i32 to vector<64x64xi32>
    %add3A_1835 = arith.addi %iota3A_1, %add3A_1834 : vector<64x64xi32>
    %jit3A_1836 = arith.constant 128 : i32
    %broadcast_in_dim3A_1837 = vector.broadcast %jit3A_1836 : i32 to vector<64x64xi32>
    %select_n3A_1838 = arith.select %eq3A_1832, %add3A_1835, %broadcast_in_dim3A_1837 : vector<64x64xi1>, vector<64x64xi32>
    %reduce_min3A_1839 = arith.constant dense<2147483647> : vector<64xi32>
    %reduce_min3A_1840 = vector.multi_reduction <minsi>, %select_n3A_1838, %reduce_min3A_1839 [1] : vector<64x64xi32> to vector<64xi32>
    %broadcast_in_dim3A_1841 = vector.shape_cast %reduce_min3A_1840 : vector<64xi32> to vector<64x1xi32>
    %eq3A_1842 = arith.cmpf oeq, %div3A_1826, %max3A_1830 : vector<64x1xf32>
    %jit3A_1843 = arith.constant 0 : i32
    %broadcast_in_dim3A_1844 = vector.broadcast %jit3A_1843 : i32 to vector<64x1xi32>
    %select_n3A_1845 = arith.select %eq3A_1842, %broadcast_in_dim3A_1844, %broadcast_in_dim3A_1841 : vector<64x1xi1>, vector<64x1xi32>
    %eq3A_1846 = vector.broadcast %select_n3A_1845 : vector<64x1xi32> to vector<64x128xi32>
    %eq3A_1847 = arith.cmpi eq, %iota3A_22, %eq3A_1846 : vector<64x128xi32>
    %jit3A_1848 = arith.constant 0.000000e+00 : f32
    %broadcast_in_dim3A_1849 = vector.shape_cast %max3A_1830 : vector<64x1xf32> to vector<64x1xf32>
    %broadcast_in_dim3A_1850 = vector.broadcast %broadcast_in_dim3A_1849 : vector<64x1xf32> to vector<64x128xf32>
    %broadcast_in_dim3A_1851 = vector.broadcast %jit3A_1848 : f32 to vector<64x128xf32>
    %select_n3A_1852 = arith.select %eq3A_1847, %broadcast_in_dim3A_1850, %broadcast_in_dim3A_1851 : vector<64x128xi1>, vector<64x128xf32>
    %swap3A_1853 = arith.constant 27 : index
    %swap3A_1854 = arith.constant 0 : index
    %swap3A_1855 = arith.constant 0 : index
    %swap3A_1856 = vector.load %arg4[%swap3A_1853, %swap3A_1854, %swap3A_1855] : memref<32x64x128xf32, #tpu.memory_space<vmem>>, vector<1x64x128xf32>
    %swap3A_1857 = vector.shape_cast %swap3A_1856 : vector<1x64x128xf32> to vector<64x128xf32>
    %swap3A_1858 = vector.shape_cast %select_n3A_1852 : vector<64x128xf32> to vector<1x64x128xf32>
    tpu.vector_store %arg4[%swap3A_1853, %swap3A_1854, %swap3A_1855], %swap3A_1858 {strides = array<i32>} : memref<32x64x128xf32, #tpu.memory_space<vmem>>, vector<1x64x128xf32>,
    %get3A_1859 = arith.constant 28 : index
    %get3A_1860 = arith.constant 0 : index
    %get3A_1861 = arith.constant 0 : index
    %get3A_1862 = vector.load %arg1[%get3A_1859, %get3A_1860, %get3A_1861] : memref<32x64x128xf32, #tpu.memory_space<vmem>>, vector<1x64x128xf32>
    %get3A_1863 = vector.shape_cast %get3A_1862 : vector<1x64x128xf32> to vector<64x128xf32>
    %slice3A_1864 = vector.extract_strided_slice %add3A_21 {offsets = [0, 3584], sizes = [64, 128], strides = [1, 1]} : vector<64x4096xf32> to vector<64x128xf32>
    %dot_general3A_1865 = arith.constant dense<0.000000e+00> : vector<64x64xf32>
    %dot_general3A_1866 = tpu.matmul %get3A_1863, %slice3A_1864, %dot_general3A_1865 {dimension_numbers = #tpu.dot_dimension_numbers<[1], [1], [0], [0], [0, 0, 1, 0], [], []>, transpose_lhs_hint = false} : vector<64x128xf32>, vector<64x128xf32>, vector<64x64xf32> -> vector<64x64xf32>
    %mul3A_1867 = vector.broadcast %get3A_0 : f32 to vector<64x64xf32>
    %mul3A_1868 = arith.mulf %dot_general3A_1866, %mul3A_1867 : vector<64x64xf32>
    %ge3A_1869 = arith.cmpi sge, %iota3A_1, %iota3A : vector<64x64xi32>
    %jit3A_1870 = arith.constant -3.40282347E+38 : f32
    %broadcast_in_dim3A_1871 = vector.broadcast %jit3A_1870 : f32 to vector<64x64xf32>
    %select_n3A_1872 = arith.select %ge3A_1869, %broadcast_in_dim3A_1871, %mul3A_1868 : vector<64x64xi1>, vector<64x64xf32>
    %reduce_max3A_1873 = arith.constant dense<0xFF800000> : vector<64xf32>
    %reduce_max3A_1874 = vector.multi_reduction <maximumf>, %select_n3A_1872, %reduce_max3A_1873 [1] : vector<64x64xf32> to vector<64xf32>
    %broadcast_in_dim3A_1875 = vector.shape_cast %reduce_max3A_1874 : vector<64xf32> to vector<64x1xf32>
    %max3A_1876 = arith.constant 0.000000e+00 : f32
    %max3A_1877 = vector.broadcast %max3A_1876 : f32 to vector<64x1xf32>
    %max3A_1878 = arith.maximumf %broadcast_in_dim3A_1875, %max3A_1877 : vector<64x1xf32>
    %sub3A_1879 = vector.broadcast %max3A_1878 : vector<64x1xf32> to vector<64x64xf32>
    %sub3A_1880 = arith.subf %select_n3A_1872, %sub3A_1879 : vector<64x64xf32>
    %exp3A_1881 = math.exp %sub3A_1880 : vector<64x64xf32>
    %neg3A_1882 = arith.constant 0.000000e+00 : f32
    %neg3A_1883 = vector.broadcast %neg3A_1882 : f32 to vector<64x1xf32>
    %neg3A_1884 = arith.subf %neg3A_1883, %max3A_1878 : vector<64x1xf32>
    %exp3A_1885 = math.exp %neg3A_1884 : vector<64x1xf32>
    %reduce_sum3A_1886 = arith.constant dense<0.000000e+00> : vector<64xf32>
    %reduce_sum3A_1887 = vector.multi_reduction <add>, %exp3A_1881, %reduce_sum3A_1886 [1] : vector<64x64xf32> to vector<64xf32>
    %broadcast_in_dim3A_1888 = vector.shape_cast %reduce_sum3A_1887 : vector<64xf32> to vector<64x1xf32>
    %add3A_1889 = arith.addf %exp3A_1885, %broadcast_in_dim3A_1888 : vector<64x1xf32>
    %div3A_1890 = vector.broadcast %add3A_1889 : vector<64x1xf32> to vector<64x64xf32>
    %div3A_1891 = arith.divf %exp3A_1881, %div3A_1890 : vector<64x64xf32>
    %div3A_1892 = arith.divf %exp3A_1885, %add3A_1889 : vector<64x1xf32>
    %reduce_max3A_1893 = arith.constant dense<0xFF800000> : vector<64xf32>
    %reduce_max3A_1894 = vector.multi_reduction <maximumf>, %div3A_1891, %reduce_max3A_1893 [1] : vector<64x64xf32> to vector<64xf32>
    %broadcast_in_dim3A_1895 = vector.shape_cast %reduce_max3A_1894 : vector<64xf32> to vector<64x1xf32>
    %max3A_1896 = arith.maximumf %broadcast_in_dim3A_1895, %div3A_1892 : vector<64x1xf32>
    %eq3A_1897 = vector.broadcast %max3A_1896 : vector<64x1xf32> to vector<64x64xf32>
    %eq3A_1898 = arith.cmpf oeq, %div3A_1891, %eq3A_1897 : vector<64x64xf32>
    %add3A_1899 = arith.constant 1 : i32
    %add3A_1900 = vector.broadcast %add3A_1899 : i32 to vector<64x64xi32>
    %add3A_1901 = arith.addi %iota3A_1, %add3A_1900 : vector<64x64xi32>
    %jit3A_1902 = arith.constant 128 : i32
    %broadcast_in_dim3A_1903 = vector.broadcast %jit3A_1902 : i32 to vector<64x64xi32>
    %select_n3A_1904 = arith.select %eq3A_1898, %add3A_1901, %broadcast_in_dim3A_1903 : vector<64x64xi1>, vector<64x64xi32>
    %reduce_min3A_1905 = arith.constant dense<2147483647> : vector<64xi32>
    %reduce_min3A_1906 = vector.multi_reduction <minsi>, %select_n3A_1904, %reduce_min3A_1905 [1] : vector<64x64xi32> to vector<64xi32>
    %broadcast_in_dim3A_1907 = vector.shape_cast %reduce_min3A_1906 : vector<64xi32> to vector<64x1xi32>
    %eq3A_1908 = arith.cmpf oeq, %div3A_1892, %max3A_1896 : vector<64x1xf32>
    %jit3A_1909 = arith.constant 0 : i32
    %broadcast_in_dim3A_1910 = vector.broadcast %jit3A_1909 : i32 to vector<64x1xi32>
    %select_n3A_1911 = arith.select %eq3A_1908, %broadcast_in_dim3A_1910, %broadcast_in_dim3A_1907 : vector<64x1xi1>, vector<64x1xi32>
    %eq3A_1912 = vector.broadcast %select_n3A_1911 : vector<64x1xi32> to vector<64x128xi32>
    %eq3A_1913 = arith.cmpi eq, %iota3A_22, %eq3A_1912 : vector<64x128xi32>
    %jit3A_1914 = arith.constant 0.000000e+00 : f32
    %broadcast_in_dim3A_1915 = vector.shape_cast %max3A_1896 : vector<64x1xf32> to vector<64x1xf32>
    %broadcast_in_dim3A_1916 = vector.broadcast %broadcast_in_dim3A_1915 : vector<64x1xf32> to vector<64x128xf32>
    %broadcast_in_dim3A_1917 = vector.broadcast %jit3A_1914 : f32 to vector<64x128xf32>
    %select_n3A_1918 = arith.select %eq3A_1913, %broadcast_in_dim3A_1916, %broadcast_in_dim3A_1917 : vector<64x128xi1>, vector<64x128xf32>
    %swap3A_1919 = arith.constant 28 : index
    %swap3A_1920 = arith.constant 0 : index
    %swap3A_1921 = arith.constant 0 : index
    %swap3A_1922 = vector.load %arg4[%swap3A_1919, %swap3A_1920, %swap3A_1921] : memref<32x64x128xf32, #tpu.memory_space<vmem>>, vector<1x64x128xf32>
    %swap3A_1923 = vector.shape_cast %swap3A_1922 : vector<1x64x128xf32> to vector<64x128xf32>
    %swap3A_1924 = vector.shape_cast %select_n3A_1918 : vector<64x128xf32> to vector<1x64x128xf32>
    tpu.vector_store %arg4[%swap3A_1919, %swap3A_1920, %swap3A_1921], %swap3A_1924 {strides = array<i32>} : memref<32x64x128xf32, #tpu.memory_space<vmem>>, vector<1x64x128xf32>,
    %get3A_1925 = arith.constant 29 : index
    %get3A_1926 = arith.constant 0 : index
    %get3A_1927 = arith.constant 0 : index
    %get3A_1928 = vector.load %arg1[%get3A_1925, %get3A_1926, %get3A_1927] : memref<32x64x128xf32, #tpu.memory_space<vmem>>, vector<1x64x128xf32>
    %get3A_1929 = vector.shape_cast %get3A_1928 : vector<1x64x128xf32> to vector<64x128xf32>
    %slice3A_1930 = vector.extract_strided_slice %add3A_21 {offsets = [0, 3712], sizes = [64, 128], strides = [1, 1]} : vector<64x4096xf32> to vector<64x128xf32>
    %dot_general3A_1931 = arith.constant dense<0.000000e+00> : vector<64x64xf32>
    %dot_general3A_1932 = tpu.matmul %get3A_1929, %slice3A_1930, %dot_general3A_1931 {dimension_numbers = #tpu.dot_dimension_numbers<[1], [1], [0], [0], [0, 0, 1, 0], [], []>, transpose_lhs_hint = false} : vector<64x128xf32>, vector<64x128xf32>, vector<64x64xf32> -> vector<64x64xf32>
    %mul3A_1933 = vector.broadcast %get3A_0 : f32 to vector<64x64xf32>
    %mul3A_1934 = arith.mulf %dot_general3A_1932, %mul3A_1933 : vector<64x64xf32>
    %ge3A_1935 = arith.cmpi sge, %iota3A_1, %iota3A : vector<64x64xi32>
    %jit3A_1936 = arith.constant -3.40282347E+38 : f32
    %broadcast_in_dim3A_1937 = vector.broadcast %jit3A_1936 : f32 to vector<64x64xf32>
    %select_n3A_1938 = arith.select %ge3A_1935, %broadcast_in_dim3A_1937, %mul3A_1934 : vector<64x64xi1>, vector<64x64xf32>
    %reduce_max3A_1939 = arith.constant dense<0xFF800000> : vector<64xf32>
    %reduce_max3A_1940 = vector.multi_reduction <maximumf>, %select_n3A_1938, %reduce_max3A_1939 [1] : vector<64x64xf32> to vector<64xf32>
    %broadcast_in_dim3A_1941 = vector.shape_cast %reduce_max3A_1940 : vector<64xf32> to vector<64x1xf32>
    %max3A_1942 = arith.constant 0.000000e+00 : f32
    %max3A_1943 = vector.broadcast %max3A_1942 : f32 to vector<64x1xf32>
    %max3A_1944 = arith.maximumf %broadcast_in_dim3A_1941, %max3A_1943 : vector<64x1xf32>
    %sub3A_1945 = vector.broadcast %max3A_1944 : vector<64x1xf32> to vector<64x64xf32>
    %sub3A_1946 = arith.subf %select_n3A_1938, %sub3A_1945 : vector<64x64xf32>
    %exp3A_1947 = math.exp %sub3A_1946 : vector<64x64xf32>
    %neg3A_1948 = arith.constant 0.000000e+00 : f32
    %neg3A_1949 = vector.broadcast %neg3A_1948 : f32 to vector<64x1xf32>
    %neg3A_1950 = arith.subf %neg3A_1949, %max3A_1944 : vector<64x1xf32>
    %exp3A_1951 = math.exp %neg3A_1950 : vector<64x1xf32>
    %reduce_sum3A_1952 = arith.constant dense<0.000000e+00> : vector<64xf32>
    %reduce_sum3A_1953 = vector.multi_reduction <add>, %exp3A_1947, %reduce_sum3A_1952 [1] : vector<64x64xf32> to vector<64xf32>
    %broadcast_in_dim3A_1954 = vector.shape_cast %reduce_sum3A_1953 : vector<64xf32> to vector<64x1xf32>
    %add3A_1955 = arith.addf %exp3A_1951, %broadcast_in_dim3A_1954 : vector<64x1xf32>
    %div3A_1956 = vector.broadcast %add3A_1955 : vector<64x1xf32> to vector<64x64xf32>
    %div3A_1957 = arith.divf %exp3A_1947, %div3A_1956 : vector<64x64xf32>
    %div3A_1958 = arith.divf %exp3A_1951, %add3A_1955 : vector<64x1xf32>
    %reduce_max3A_1959 = arith.constant dense<0xFF800000> : vector<64xf32>
    %reduce_max3A_1960 = vector.multi_reduction <maximumf>, %div3A_1957, %reduce_max3A_1959 [1] : vector<64x64xf32> to vector<64xf32>
    %broadcast_in_dim3A_1961 = vector.shape_cast %reduce_max3A_1960 : vector<64xf32> to vector<64x1xf32>
    %max3A_1962 = arith.maximumf %broadcast_in_dim3A_1961, %div3A_1958 : vector<64x1xf32>
    %eq3A_1963 = vector.broadcast %max3A_1962 : vector<64x1xf32> to vector<64x64xf32>
    %eq3A_1964 = arith.cmpf oeq, %div3A_1957, %eq3A_1963 : vector<64x64xf32>
    %add3A_1965 = arith.constant 1 : i32
    %add3A_1966 = vector.broadcast %add3A_1965 : i32 to vector<64x64xi32>
    %add3A_1967 = arith.addi %iota3A_1, %add3A_1966 : vector<64x64xi32>
    %jit3A_1968 = arith.constant 128 : i32
    %broadcast_in_dim3A_1969 = vector.broadcast %jit3A_1968 : i32 to vector<64x64xi32>
    %select_n3A_1970 = arith.select %eq3A_1964, %add3A_1967, %broadcast_in_dim3A_1969 : vector<64x64xi1>, vector<64x64xi32>
    %reduce_min3A_1971 = arith.constant dense<2147483647> : vector<64xi32>
    %reduce_min3A_1972 = vector.multi_reduction <minsi>, %select_n3A_1970, %reduce_min3A_1971 [1] : vector<64x64xi32> to vector<64xi32>
    %broadcast_in_dim3A_1973 = vector.shape_cast %reduce_min3A_1972 : vector<64xi32> to vector<64x1xi32>
    %eq3A_1974 = arith.cmpf oeq, %div3A_1958, %max3A_1962 : vector<64x1xf32>
    %jit3A_1975 = arith.constant 0 : i32
    %broadcast_in_dim3A_1976 = vector.broadcast %jit3A_1975 : i32 to vector<64x1xi32>
    %select_n3A_1977 = arith.select %eq3A_1974, %broadcast_in_dim3A_1976, %broadcast_in_dim3A_1973 : vector<64x1xi1>, vector<64x1xi32>
    %eq3A_1978 = vector.broadcast %select_n3A_1977 : vector<64x1xi32> to vector<64x128xi32>
    %eq3A_1979 = arith.cmpi eq, %iota3A_22, %eq3A_1978 : vector<64x128xi32>
    %jit3A_1980 = arith.constant 0.000000e+00 : f32
    %broadcast_in_dim3A_1981 = vector.shape_cast %max3A_1962 : vector<64x1xf32> to vector<64x1xf32>
    %broadcast_in_dim3A_1982 = vector.broadcast %broadcast_in_dim3A_1981 : vector<64x1xf32> to vector<64x128xf32>
    %broadcast_in_dim3A_1983 = vector.broadcast %jit3A_1980 : f32 to vector<64x128xf32>
    %select_n3A_1984 = arith.select %eq3A_1979, %broadcast_in_dim3A_1982, %broadcast_in_dim3A_1983 : vector<64x128xi1>, vector<64x128xf32>
    %swap3A_1985 = arith.constant 29 : index
    %swap3A_1986 = arith.constant 0 : index
    %swap3A_1987 = arith.constant 0 : index
    %swap3A_1988 = vector.load %arg4[%swap3A_1985, %swap3A_1986, %swap3A_1987] : memref<32x64x128xf32, #tpu.memory_space<vmem>>, vector<1x64x128xf32>
    %swap3A_1989 = vector.shape_cast %swap3A_1988 : vector<1x64x128xf32> to vector<64x128xf32>
    %swap3A_1990 = vector.shape_cast %select_n3A_1984 : vector<64x128xf32> to vector<1x64x128xf32>
    tpu.vector_store %arg4[%swap3A_1985, %swap3A_1986, %swap3A_1987], %swap3A_1990 {strides = array<i32>} : memref<32x64x128xf32, #tpu.memory_space<vmem>>, vector<1x64x128xf32>,
    %get3A_1991 = arith.constant 30 : index
    %get3A_1992 = arith.constant 0 : index
    %get3A_1993 = arith.constant 0 : index
    %get3A_1994 = vector.load %arg1[%get3A_1991, %get3A_1992, %get3A_1993] : memref<32x64x128xf32, #tpu.memory_space<vmem>>, vector<1x64x128xf32>
    %get3A_1995 = vector.shape_cast %get3A_1994 : vector<1x64x128xf32> to vector<64x128xf32>
    %slice3A_1996 = vector.extract_strided_slice %add3A_21 {offsets = [0, 3840], sizes = [64, 128], strides = [1, 1]} : vector<64x4096xf32> to vector<64x128xf32>
    %dot_general3A_1997 = arith.constant dense<0.000000e+00> : vector<64x64xf32>
    %dot_general3A_1998 = tpu.matmul %get3A_1995, %slice3A_1996, %dot_general3A_1997 {dimension_numbers = #tpu.dot_dimension_numbers<[1], [1], [0], [0], [0, 0, 1, 0], [], []>, transpose_lhs_hint = false} : vector<64x128xf32>, vector<64x128xf32>, vector<64x64xf32> -> vector<64x64xf32>
    %mul3A_1999 = vector.broadcast %get3A_0 : f32 to vector<64x64xf32>
    %mul3A_2000 = arith.mulf %dot_general3A_1998, %mul3A_1999 : vector<64x64xf32>
    %ge3A_2001 = arith.cmpi sge, %iota3A_1, %iota3A : vector<64x64xi32>
    %jit3A_2002 = arith.constant -3.40282347E+38 : f32
    %broadcast_in_dim3A_2003 = vector.broadcast %jit3A_2002 : f32 to vector<64x64xf32>
    %select_n3A_2004 = arith.select %ge3A_2001, %broadcast_in_dim3A_2003, %mul3A_2000 : vector<64x64xi1>, vector<64x64xf32>
    %reduce_max3A_2005 = arith.constant dense<0xFF800000> : vector<64xf32>
    %reduce_max3A_2006 = vector.multi_reduction <maximumf>, %select_n3A_2004, %reduce_max3A_2005 [1] : vector<64x64xf32> to vector<64xf32>
    %broadcast_in_dim3A_2007 = vector.shape_cast %reduce_max3A_2006 : vector<64xf32> to vector<64x1xf32>
    %max3A_2008 = arith.constant 0.000000e+00 : f32
    %max3A_2009 = vector.broadcast %max3A_2008 : f32 to vector<64x1xf32>
    %max3A_2010 = arith.maximumf %broadcast_in_dim3A_2007, %max3A_2009 : vector<64x1xf32>
    %sub3A_2011 = vector.broadcast %max3A_2010 : vector<64x1xf32> to vector<64x64xf32>
    %sub3A_2012 = arith.subf %select_n3A_2004, %sub3A_2011 : vector<64x64xf32>
    %exp3A_2013 = math.exp %sub3A_2012 : vector<64x64xf32>
    %neg3A_2014 = arith.constant 0.000000e+00 : f32
    %neg3A_2015 = vector.broadcast %neg3A_2014 : f32 to vector<64x1xf32>
    %neg3A_2016 = arith.subf %neg3A_2015, %max3A_2010 : vector<64x1xf32>
    %exp3A_2017 = math.exp %neg3A_2016 : vector<64x1xf32>
    %reduce_sum3A_2018 = arith.constant dense<0.000000e+00> : vector<64xf32>
    %reduce_sum3A_2019 = vector.multi_reduction <add>, %exp3A_2013, %reduce_sum3A_2018 [1] : vector<64x64xf32> to vector<64xf32>
    %broadcast_in_dim3A_2020 = vector.shape_cast %reduce_sum3A_2019 : vector<64xf32> to vector<64x1xf32>
    %add3A_2021 = arith.addf %exp3A_2017, %broadcast_in_dim3A_2020 : vector<64x1xf32>
    %div3A_2022 = vector.broadcast %add3A_2021 : vector<64x1xf32> to vector<64x64xf32>
    %div3A_2023 = arith.divf %exp3A_2013, %div3A_2022 : vector<64x64xf32>
    %div3A_2024 = arith.divf %exp3A_2017, %add3A_2021 : vector<64x1xf32>
    %reduce_max3A_2025 = arith.constant dense<0xFF800000> : vector<64xf32>
    %reduce_max3A_2026 = vector.multi_reduction <maximumf>, %div3A_2023, %reduce_max3A_2025 [1] : vector<64x64xf32> to vector<64xf32>
    %broadcast_in_dim3A_2027 = vector.shape_cast %reduce_max3A_2026 : vector<64xf32> to vector<64x1xf32>
    %max3A_2028 = arith.maximumf %broadcast_in_dim3A_2027, %div3A_2024 : vector<64x1xf32>
    %eq3A_2029 = vector.broadcast %max3A_2028 : vector<64x1xf32> to vector<64x64xf32>
    %eq3A_2030 = arith.cmpf oeq, %div3A_2023, %eq3A_2029 : vector<64x64xf32>
    %add3A_2031 = arith.constant 1 : i32
    %add3A_2032 = vector.broadcast %add3A_2031 : i32 to vector<64x64xi32>
    %add3A_2033 = arith.addi %iota3A_1, %add3A_2032 : vector<64x64xi32>
    %jit3A_2034 = arith.constant 128 : i32
    %broadcast_in_dim3A_2035 = vector.broadcast %jit3A_2034 : i32 to vector<64x64xi32>
    %select_n3A_2036 = arith.select %eq3A_2030, %add3A_2033, %broadcast_in_dim3A_2035 : vector<64x64xi1>, vector<64x64xi32>
    %reduce_min3A_2037 = arith.constant dense<2147483647> : vector<64xi32>
    %reduce_min3A_2038 = vector.multi_reduction <minsi>, %select_n3A_2036, %reduce_min3A_2037 [1] : vector<64x64xi32> to vector<64xi32>
    %broadcast_in_dim3A_2039 = vector.shape_cast %reduce_min3A_2038 : vector<64xi32> to vector<64x1xi32>
    %eq3A_2040 = arith.cmpf oeq, %div3A_2024, %max3A_2028 : vector<64x1xf32>
    %jit3A_2041 = arith.constant 0 : i32
    %broadcast_in_dim3A_2042 = vector.broadcast %jit3A_2041 : i32 to vector<64x1xi32>
    %select_n3A_2043 = arith.select %eq3A_2040, %broadcast_in_dim3A_2042, %broadcast_in_dim3A_2039 : vector<64x1xi1>, vector<64x1xi32>
    %eq3A_2044 = vector.broadcast %select_n3A_2043 : vector<64x1xi32> to vector<64x128xi32>
    %eq3A_2045 = arith.cmpi eq, %iota3A_22, %eq3A_2044 : vector<64x128xi32>
    %jit3A_2046 = arith.constant 0.000000e+00 : f32
    %broadcast_in_dim3A_2047 = vector.shape_cast %max3A_2028 : vector<64x1xf32> to vector<64x1xf32>
    %broadcast_in_dim3A_2048 = vector.broadcast %broadcast_in_dim3A_2047 : vector<64x1xf32> to vector<64x128xf32>
    %broadcast_in_dim3A_2049 = vector.broadcast %jit3A_2046 : f32 to vector<64x128xf32>
    %select_n3A_2050 = arith.select %eq3A_2045, %broadcast_in_dim3A_2048, %broadcast_in_dim3A_2049 : vector<64x128xi1>, vector<64x128xf32>
    %swap3A_2051 = arith.constant 30 : index
    %swap3A_2052 = arith.constant 0 : index
    %swap3A_2053 = arith.constant 0 : index
    %swap3A_2054 = vector.load %arg4[%swap3A_2051, %swap3A_2052, %swap3A_2053] : memref<32x64x128xf32, #tpu.memory_space<vmem>>, vector<1x64x128xf32>
    %swap3A_2055 = vector.shape_cast %swap3A_2054 : vector<1x64x128xf32> to vector<64x128xf32>
    %swap3A_2056 = vector.shape_cast %select_n3A_2050 : vector<64x128xf32> to vector<1x64x128xf32>
    tpu.vector_store %arg4[%swap3A_2051, %swap3A_2052, %swap3A_2053], %swap3A_2056 {strides = array<i32>} : memref<32x64x128xf32, #tpu.memory_space<vmem>>, vector<1x64x128xf32>,
    %get3A_2057 = arith.constant 31 : index
    %get3A_2058 = arith.constant 0 : index
    %get3A_2059 = arith.constant 0 : index
    %get3A_2060 = vector.load %arg1[%get3A_2057, %get3A_2058, %get3A_2059] : memref<32x64x128xf32, #tpu.memory_space<vmem>>, vector<1x64x128xf32>
    %get3A_2061 = vector.shape_cast %get3A_2060 : vector<1x64x128xf32> to vector<64x128xf32>
    %slice3A_2062 = vector.extract_strided_slice %add3A_21 {offsets = [0, 3968], sizes = [64, 128], strides = [1, 1]} : vector<64x4096xf32> to vector<64x128xf32>
    %dot_general3A_2063 = arith.constant dense<0.000000e+00> : vector<64x64xf32>
    %dot_general3A_2064 = tpu.matmul %get3A_2061, %slice3A_2062, %dot_general3A_2063 {dimension_numbers = #tpu.dot_dimension_numbers<[1], [1], [0], [0], [0, 0, 1, 0], [], []>, transpose_lhs_hint = false} : vector<64x128xf32>, vector<64x128xf32>, vector<64x64xf32> -> vector<64x64xf32>
    %mul3A_2065 = vector.broadcast %get3A_0 : f32 to vector<64x64xf32>
    %mul3A_2066 = arith.mulf %dot_general3A_2064, %mul3A_2065 : vector<64x64xf32>
    %ge3A_2067 = arith.cmpi sge, %iota3A_1, %iota3A : vector<64x64xi32>
    %jit3A_2068 = arith.constant -3.40282347E+38 : f32
    %broadcast_in_dim3A_2069 = vector.broadcast %jit3A_2068 : f32 to vector<64x64xf32>
    %select_n3A_2070 = arith.select %ge3A_2067, %broadcast_in_dim3A_2069, %mul3A_2066 : vector<64x64xi1>, vector<64x64xf32>
    %reduce_max3A_2071 = arith.constant dense<0xFF800000> : vector<64xf32>
    %reduce_max3A_2072 = vector.multi_reduction <maximumf>, %select_n3A_2070, %reduce_max3A_2071 [1] : vector<64x64xf32> to vector<64xf32>
    %broadcast_in_dim3A_2073 = vector.shape_cast %reduce_max3A_2072 : vector<64xf32> to vector<64x1xf32>
    %max3A_2074 = arith.constant 0.000000e+00 : f32
    %max3A_2075 = vector.broadcast %max3A_2074 : f32 to vector<64x1xf32>
    %max3A_2076 = arith.maximumf %broadcast_in_dim3A_2073, %max3A_2075 : vector<64x1xf32>
    %sub3A_2077 = vector.broadcast %max3A_2076 : vector<64x1xf32> to vector<64x64xf32>
    %sub3A_2078 = arith.subf %select_n3A_2070, %sub3A_2077 : vector<64x64xf32>
    %exp3A_2079 = math.exp %sub3A_2078 : vector<64x64xf32>
    %neg3A_2080 = arith.constant 0.000000e+00 : f32
    %neg3A_2081 = vector.broadcast %neg3A_2080 : f32 to vector<64x1xf32>
    %neg3A_2082 = arith.subf %neg3A_2081, %max3A_2076 : vector<64x1xf32>
    %exp3A_2083 = math.exp %neg3A_2082 : vector<64x1xf32>
    %reduce_sum3A_2084 = arith.constant dense<0.000000e+00> : vector<64xf32>
    %reduce_sum3A_2085 = vector.multi_reduction <add>, %exp3A_2079, %reduce_sum3A_2084 [1] : vector<64x64xf32> to vector<64xf32>
    %broadcast_in_dim3A_2086 = vector.shape_cast %reduce_sum3A_2085 : vector<64xf32> to vector<64x1xf32>
    %add3A_2087 = arith.addf %exp3A_2083, %broadcast_in_dim3A_2086 : vector<64x1xf32>
    %div3A_2088 = vector.broadcast %add3A_2087 : vector<64x1xf32> to vector<64x64xf32>
    %div3A_2089 = arith.divf %exp3A_2079, %div3A_2088 : vector<64x64xf32>
    %div3A_2090 = arith.divf %exp3A_2083, %add3A_2087 : vector<64x1xf32>
    %reduce_max3A_2091 = arith.constant dense<0xFF800000> : vector<64xf32>
    %reduce_max3A_2092 = vector.multi_reduction <maximumf>, %div3A_2089, %reduce_max3A_2091 [1] : vector<64x64xf32> to vector<64xf32>
    %broadcast_in_dim3A_2093 = vector.shape_cast %reduce_max3A_2092 : vector<64xf32> to vector<64x1xf32>
    %max3A_2094 = arith.maximumf %broadcast_in_dim3A_2093, %div3A_2090 : vector<64x1xf32>
    %eq3A_2095 = vector.broadcast %max3A_2094 : vector<64x1xf32> to vector<64x64xf32>
    %eq3A_2096 = arith.cmpf oeq, %div3A_2089, %eq3A_2095 : vector<64x64xf32>
    %add3A_2097 = arith.constant 1 : i32
    %add3A_2098 = vector.broadcast %add3A_2097 : i32 to vector<64x64xi32>
    %add3A_2099 = arith.addi %iota3A_1, %add3A_2098 : vector<64x64xi32>
    %jit3A_2100 = arith.constant 128 : i32
    %broadcast_in_dim3A_2101 = vector.broadcast %jit3A_2100 : i32 to vector<64x64xi32>
    %select_n3A_2102 = arith.select %eq3A_2096, %add3A_2099, %broadcast_in_dim3A_2101 : vector<64x64xi1>, vector<64x64xi32>
    %reduce_min3A_2103 = arith.constant dense<2147483647> : vector<64xi32>
    %reduce_min3A_2104 = vector.multi_reduction <minsi>, %select_n3A_2102, %reduce_min3A_2103 [1] : vector<64x64xi32> to vector<64xi32>
    %broadcast_in_dim3A_2105 = vector.shape_cast %reduce_min3A_2104 : vector<64xi32> to vector<64x1xi32>
    %eq3A_2106 = arith.cmpf oeq, %div3A_2090, %max3A_2094 : vector<64x1xf32>
    %jit3A_2107 = arith.constant 0 : i32
    %broadcast_in_dim3A_2108 = vector.broadcast %jit3A_2107 : i32 to vector<64x1xi32>
    %select_n3A_2109 = arith.select %eq3A_2106, %broadcast_in_dim3A_2108, %broadcast_in_dim3A_2105 : vector<64x1xi1>, vector<64x1xi32>
    %eq3A_2110 = vector.broadcast %select_n3A_2109 : vector<64x1xi32> to vector<64x128xi32>
    %eq3A_2111 = arith.cmpi eq, %iota3A_22, %eq3A_2110 : vector<64x128xi32>
    %jit3A_2112 = arith.constant 0.000000e+00 : f32
    %broadcast_in_dim3A_2113 = vector.shape_cast %max3A_2094 : vector<64x1xf32> to vector<64x1xf32>
    %broadcast_in_dim3A_2114 = vector.broadcast %broadcast_in_dim3A_2113 : vector<64x1xf32> to vector<64x128xf32>
    %broadcast_in_dim3A_2115 = vector.broadcast %jit3A_2112 : f32 to vector<64x128xf32>
    %select_n3A_2116 = arith.select %eq3A_2111, %broadcast_in_dim3A_2114, %broadcast_in_dim3A_2115 : vector<64x128xi1>, vector<64x128xf32>
    %swap3A_2117 = arith.constant 31 : index
    %swap3A_2118 = arith.constant 0 : index
    %swap3A_2119 = arith.constant 0 : index
    %swap3A_2120 = vector.load %arg4[%swap3A_2117, %swap3A_2118, %swap3A_2119] : memref<32x64x128xf32, #tpu.memory_space<vmem>>, vector<1x64x128xf32>
    %swap3A_2121 = vector.shape_cast %swap3A_2120 : vector<1x64x128xf32> to vector<64x128xf32>
    %swap3A_2122 = vector.shape_cast %select_n3A_2116 : vector<64x128xf32> to vector<1x64x128xf32>
    tpu.vector_store %arg4[%swap3A_2117, %swap3A_2118, %swap3A_2119], %swap3A_2122 {strides = array<i32>} : memref<32x64x128xf32, #tpu.memory_space<vmem>>, vector<1x64x128xf32>,
    return
  }
}

</mosaic_0001>

<sc_bundles>
// kernel: kernel.5.cloned.1.call-start
scs
__scs_entry_jumppad:
0x0: {  	(pc) =	sbr.rel $0x88, $3  }
0x1: {  	(tag) =	ssettag $0x0;
	lr =	simm.s32 $0x1  }
0x2: {  	[smem:$0x3F9E] =	sst lr;
	_ =	strace $0xD0000000  }
0x3: {  	_ = 	snop  }
0x4: {  	_ = 	snop  }
0x5: {  	_ = 	snop  }
0x6: {  	_ = 	snop  }
0x7: {  	_ = 	snop  }
__scs_overlays_trampoline_lowered:
0x8: {  	[smem:$0x3FAD] =	sst s0  }
0x9: {  	[smem:$0x3FAE] =	sst s1  }
0xa: {  	[smem:$0x3FAF] =	sst s2  }
0xb: {  	[smem:$0x3FB0] =	sst s3  }
0xc: {  	[smem:$0x3FB1] =	sst s4  }
0xd: {  	[smem:$0x3FB2] =	sst s5  }
0xe: {  	[smem:$0x3FB3] =	sst s6  }
0xf: {  	[smem:$0x3FB4] =	sst s7  }
0x10: {  	[smem:$0x3FB5] =	sst s8  }
0x11: {  	[smem:$0x3FB6] =	sst s9;
	s0 =	simm.s32 @!p0 $0x0  }
0x12: {  	s1 =	sld [smem:$0x3F9C];
	s0 =	simm.s32 @p0 $0x1  }
0x13: {  	[smem:$0x3FB7] =	sst s0;
	s0 =	simm.s32 @!p1 $0x0  }
0x14: {  	s2 =	sld [smem:$0x3F9B];
	s0 =	simm.s32 @p1 $0x1  }
0x15: {  	[smem:$0x3FB8] =	sst s0;
	s0 =	simm.s32 @!p2 $0x0  }
0x16: {  	s3 =	sld [smem:$0x3FDB];
	s0 =	simm.s32 @p2 $0x1  }
0x17: {  	s4 =	simm.s32 $0x1BF5;
	[smem:$0x3FBA] =	sst s0  }
0x18: {  	s0 =	sld [smem:$0x3F9D];
	_ =	swait.ge [sflag:s4], $0x0  }
0x19: {  	s7 =	sld [smem:$0x3F9E]  }
0x1a: {  	s8 =	sadd.s32 $0xFFFFE003, lr  }
0x1b: {  	s9 =	sadd.s32 $0xFFFFFEF7, lr;
	s5 =	simm.s32 $0xFFFFFFFF;
	p2 =	slt.u32 s8, $0xFFFFF086  }
0x1c: {  	p1 =	slt.u32 s9, $0xF7A;
	s5 =	simm.s32 @!p2 $0x0  }
0x1d: {  	s5 =	simm.s32 @p1 $0x1;
	p0 =	seq.s32 s7, s2  }
0x1e: {  	s7 =	smul.u32 @!p0 $0xF7A, s2;
	p2 =	seq.s32 @!p0 s5, $0x0  }
0x1f: {  	s9 =	smul.u32 $0xF7A, s1;
	s8 =	simm.s32 @!p0 $0x1BF5;
	p2 =	por !p2, p0  }
0x20: {  	[sflag:s8] =	ssyncset.s32 @!p0 $0xFFFFF086;
	s6 =	sadd.s32 @!p0 s3, s7;
	s7 =	simm.s32 @!p0 $0x108  }
0x21: {  	s3 =	sadd.s32 s3, s9;
	s6 =	sadd.s32 @!p0 $0x88, s6;
	s7 =	simm.s32 @p2 $0x1082  }
0x22: {  	[simem:s7], [sflag:s8] =	dma.local @!p0 [hbm:s6], $0xF7A  }
0x23: {  	s9 =	sor.u32 $0xD0000000, s2;
	s6 =	simm.s32 $0x108;
	_ =	swait.ge @!p0 [sflag:s8], $0x0  }
0x24: {  	s3 =	sadd.s32 $0x88, s3;
	s6 =	simm.s32 @!p1 $0x1082;
	[sflag:s4] =	ssyncset.s32 $0xFFFFF086  }
0x25: {  	[simem:s6], [sflag:s4] =	dma.local [hbm:s3], $0xF7A  }
0x26: {  	[smem:$0x3F9E] =	sst s1;
	(tag) =	ssettag s2;
	_ =	strace s9  }
0x27: {  	s1 =	sld [smem:$0x3FAE]  }
0x28: {  	s2 =	sld [smem:$0x3FAF]  }
0x29: {  	s4 =	sld [smem:$0x3FB1]  }
0x2a: {  	p0 =	seq.s32 s5, $0x0;
	s5 =	sld [smem:$0x3FB2]  }
0x2b: {  	s6 =	sld [smem:$0x3FB3]  }
0x2c: {  	s7 =	sld [smem:$0x3FB4]  }
0x2d: {  	s3 =	simm.s32 $0x108;
	s8 =	sld [smem:$0x3FB5]  }
0x2e: {  	s3 =	simm.s32 @!p0 $0x1082;
	s9 =	sld [smem:$0x3FB6]  }
0x2f: {  	lr =	sadd.s32 s0, s3;
	s0 =	sld [smem:$0x3FAD]  }
0x30: {  	s3 =	sld [smem:$0x3FB0]  }
0x31: {  	[smem:$0x3FB9] =	sst s10  }
0x32: {  	s10 =	sld [smem:$0x3FB7];
	_ =	sdelay $0x3  }
0x33: {  	p0 =	seq.s32 s10, $0x1;
	s10 =	sld [smem:$0x3FB9];
	_ =	sdelay $0x3  }
0x34: {  	[smem:$0x3FB9] =	sst s10  }
0x35: {  	s10 =	sld [smem:$0x3FB8];
	_ =	sdelay $0x3  }
0x36: {  	p1 =	seq.s32 s10, $0x1;
	s10 =	sld [smem:$0x3FB9];
	_ =	sdelay $0x3  }
0x37: {  	[smem:$0x3FB9] =	sst s10  }
0x38: {  	s10 =	sld [smem:$0x3FBA]  }
0x39: {  	_ = 	snop;
	(pc) =	sbr.ind lr, $3  }
0x3a: {  	_ = 	snop  }
0x3b: {  	_ = 	snop  }
0x3c: {  	p2 =	seq.s32 s10, $0x1;
	s10 =	sld [smem:$0x3FB9]  }
0x3d: {  	_ =	shalt  }
0x3e: {  	_ =	shalt  }
0x3f: {  	_ =	shalt  }
0x40: {  	_ =	shalt  }
0x41: {  	_ =	shalt  }
0x42: {  	_ =	shalt  }
0x43: {  	_ =	shalt  }
0x44: {  	_ =	shalt  }
0x45: {  	_ =	shalt  }
0x46: {  	_ =	shalt  }
0x47: {  	_ =	shalt  }
0x48: {  	_ =	shalt  }
0x49: {  	_ =	shalt  }
0x4a: {  	_ =	shalt  }
0x4b: {  	_ =	shalt  }
0x4c: {  	_ =	shalt  }
0x4d: {  	_ =	shalt  }
0x4e: {  	_ =	shalt  }
0x4f: {  	_ =	shalt  }
0x50: {  	_ =	shalt  }
0x51: {  	_ =	shalt  }
0x52: {  	_ =	shalt  }
0x53: {  	_ =	shalt  }
0x54: {  	_ =	shalt  }
0x55: {  	_ =	shalt  }
0x56: {  	_ =	shalt  }
0x57: {  	_ =	shalt  }
0x58: {  	_ =	shalt  }
0x59: {  	_ =	shalt  }
0x5a: {  	_ =	shalt  }
0x5b: {  	_ =	shalt  }
0x5c: {  	_ =	shalt  }
0x5d: {  	_ =	shalt  }
0x5e: {  	_ =	shalt  }
0x5f: {  	_ =	shalt  }
0x60: {  	_ =	shalt  }
0x61: {  	_ =	shalt  }
0x62: {  	_ =	shalt  }
0x63: {  	_ =	shalt  }
0x64: {  	_ =	shalt  }
0x65: {  	_ =	shalt  }
0x66: {  	_ =	shalt  }
0x67: {  	_ =	shalt  }
0x68: {  	_ =	shalt  }
0x69: {  	_ =	shalt  }
0x6a: {  	_ =	shalt  }
0x6b: {  	_ =	shalt  }
0x6c: {  	_ =	shalt  }
0x6d: {  	_ =	shalt  }
0x6e: {  	_ =	shalt  }
0x6f: {  	_ =	shalt  }
0x70: {  	_ =	shalt  }
0x71: {  	_ =	shalt  }
0x72: {  	_ =	shalt  }
0x73: {  	_ =	shalt  }
0x74: {  	_ =	shalt  }
0x75: {  	_ =	shalt  }
0x76: {  	_ =	shalt  }
0x77: {  	_ =	shalt  }
0x78: {  	_ =	shalt  }
0x79: {  	_ =	shalt  }
0x7a: {  	_ =	shalt  }
0x7b: {  	_ =	shalt  }
0x7c: {  	_ =	shalt  }
0x7d: {  	_ =	shalt  }
0x7e: {  	_ =	shalt  }
0x7f: {  	_ =	shalt  }
0x80: {  	_ =	shalt  }
0x81: {  	_ =	shalt  }
0x82: {  	_ =	shalt  }
0x83: {  	_ =	shalt  }
0x84: {  	_ =	shalt  }
0x85: {  	_ =	shalt  }
0x86: {  	_ =	shalt  }
0x87: {  	_ =	shalt  }
.Lfunc_end0:
.L_simem_size_0:
called_computation_lowered:
.L_overlay_start_0:
0x88: {  	s2 =	sld [smem:$0x3FD9]  }
0x89: {  	s3 =	sld [smem:$0x3FFE];
	_ =	sdelay $0x1  }
0x8a: {  	s1 =	srdreg.scid  }
0x8b: {  	s0 =	sand.u32 $0x1, s1  }
0x8c: {  	s17 =	sshll.u32 s0, $0xA;
	s2 =	sadd.s32 s3, s2  }
0x8d: {  	s2 =	sadd.s32 s2, s17  }
0x8e: {  	[smem:$0x3FC5] =	sst s2  }
0x8f: {  	_ = 	snop  }
0x90: {  	s2 =	sld [smem:$0x3FC8]  }
0x91: {  	s18 =	sld [smem:$0x3FD0];
	(tm) =	ssettm $0x1  }
0x92: {  	s4 =	sld [smem:$0x3FFB];
	_ =	sdelay $0x3  }
0x93: {  	_ =	strace s4  }
0x94: {  	s4 =	sld [smem:$0x3FFC];
	_ =	sdelay $0x3  }
0x95: {  	_ =	strace s4  }
0x96: {  	s4 =	sld [smem:$0x3FFD];
	_ =	sdelay $0x3  }
0x97: {  	_ =	strace s4  }
0x98: {  	_ =	strace $0x8FFFFFFF  }
0x99: {  	s19 =	sld [smem:$0x3FDB];
	_ =	sdelay $0x1  }
0x9a: {  	s5 =	simm.s32 $_scs_section_size  }
0x9b: {  	s6 =	simm.s32 $_size__tile_overlayer_lowered;
	s7 =	simm.s32 $_tile_overlayer_lowered  }
0x9c: {  	s22 =	simm.s32 $0x1BFF;
	s21 =	sshll.u32 s7, $0x1;
	s4 =	sadd.s32 s5, s19  }
0x9d: {  	s8 =	simm.s32 $0x0;
	s20 =	sshll.u32 s6, $0x1;
	s6 =	sadd.s32 s21, s4  }
0x9e: {  	[timem:s8], [sflag:s22] =	dma.local [hbm:s6], s20  }
0x9f: {  	_ =	swait.ge [sflag:s22], s20  }
0xa0: {  	s5 =	ssub.s32 $0x0, s20;
	[sflag:s22] =	ssyncset.done $0x0  }
0xa1: {  	[sflag:s22] =	ssyncadd.s32 s5;
	_ =	sdelay $0x1  }
0xa2: {  	s23 =	simm.s32 $0x1B8B  }
0xa3: {  	_ =	swait.ge [sflag:s23], $0x1  }
0xa4: {  	[sflag:s23] =	ssyncset.done $0x0  }
0xa5: {  	s25 =	simm.s32 $0x1B8E;
	s24 =	sld [smem:$0x3FFE];
	[sflag:s23] =	ssyncadd.s32 $0xFFFFFFFF  }
0xa6: {  	s26 =	simm.s32 $execute0_lowered;
	[smem:$0x3FD2] =	sst s25  }
0xa7: {  	s6 =	sshll.u32 s26, $0x1;
	_ =	strace $0x80000046;
	[dreg:$0x1] =	wrdreg $0xFFFFFFFF  }
0xa8: {  	s28 =	simm.s32 $_size_execute0_lowered;
	s4 =	sadd.s32 s4, s6;
	[dreg:$0x0] =	wrdreg $0x0  }
0xa9: {  	s6 =	sshll.u32 s28, $0x1;
	[dreg:$0x2] =	wrdreg s4  }
0xaa: {  	[dreg:$0x3] =	wrdreg s6  }
0xab: {  	[dreg:$0x4] =	wrdreg $0xC0  }
0xac: {  	_ =	task [dreg:s8], $0x5FFFF  }
0xad: {  	[dreg:$0x1] =	wrdreg $0xFFFFFFFF  }
0xae: {  	[dreg:$0x0] =	wrdreg $0x60  }
0xaf: {  	[dreg:$0x2] =	wrdreg s2  }
0xb0: {  	[dreg:$0x3] =	wrdreg s24  }
0xb1: {  	[dreg:$0x4] =	wrdreg s18  }
0xb2: {  	[dreg:$0x5] =	wrdreg $0x9  }
0xb3: {  	_ =	task.clear_ibuf [dreg:s8], $0x6FFFF;
	_ =	strace $0x90000046  }
0xb4: {  	s29 =	simm.s32 $0x9;
	_ =	strace $0x80000048  }
0xb5: {  	_ =	swait.ge [sflag:s29], $0x1  }
0xb6: {  	[sflag:s29] =	ssyncadd.s32 $0xFFFFFFFF  }
0xb7: {  	_ =	strace $0x90000048  }
0xb8: {  	_ =	sfence  }
0xb9: {  	s30 =	sld [smem:$0x0];
	_ =	sdelay $0x2  }
0xba: {  	s31 =	sshll.u32 s1, $0xD;
	s1 =	sshrl.u32 s1, $0x2  }
0xbb: {  	s3 =	sand.u32 $0x4000, s31;
	s1 =	sadd.s32 s1, s30  }
0xbc: {  	s0 =	sor.u32 s3, s0;
	s1 =	sshll.u32 s1, $0x11  }
0xbd: {  	s0 =	sor.u32 s1, s0  }
0xbe: {  	s0 =	sadd.s32 $0x8F2B, s0  }
0xbf: {  	[sflag:s0] =	ssyncadd.remote.s32 $0x1  }
0xc0: {  	_ =	sfence.sel $0xFFFF  }
0xc1: {  	[dreg:$0x0] =	wrdreg $0xFFFFFFFF;
	(pc) =	sbr.abs _section_cstart, $3  }
0xc2: {  	[dreg:$0x1] =	wrdreg $0xFFFFFFFF  }
0xc3: {  	_ =	task.clear_ibuf [dreg:s8], $0x2FFFF;
	_ =	strace $0x9FFFFFFF  }
0xc4: {  	(tm) =	ssettm $0x7FFFFFFF  }
0xc5: {  	_ =	shalt  }
tec
execute0_lowered:
.L_overlay_start_1:
0x0: {  	(tag) =	ssettag $0x1  }
0x1: {  	s1 =	rddreg [dreg:$0x0]  }
0x2: {  	s0 =	srdreg.scid;
	s2 =	rddreg [dreg:$0x1]  }
0x3: {  	s6 =	stileid.u32;
	s13 =	rddreg [dreg:$0x2]  }
0x4: {  	s3 =	simm.s32 $0x0;
	s16 =	simm.s32 $0x5;
	s20 =	simm.s32 $0x10000  }
0x5: {  	s21 =	simm.s32 $0x1;
	s22 =	simm.s32 $0x2;
	s23 =	simm.s32 $0x3  }
0x6: {  	s28 =	simm.s32 $0x14000;
	s29 =	simm.s32 $0x16000;
	s30 =	simm.s32 $0x0  }
0x7: {  	s0 =	sand.u32 $0x1, s0;
	s4 =	sshll.u32 s6, $0x2;
	[smem:$0x7FF] =	sst s3  }
0x8: {  	s24 =	sshll.u32 s6, $0xB;
	s5 =	sshll.u32 s0, $0x1;
	s0 =	ssub.s32 $0x2, s0  }
0x9: {  	_ =	strace $0x80000047;
	s4 =	sor.u32 s5, s4;
	s31 =	sshrl.u32 s0, $0x1  }
0xa: {  	s25 =	sshll.u32 s4, $0x4;
	s26 =	sshll.u32 s4, $0xA;
	s0 =	ssub.s32 s0, s31  }
0xb: {  	s12 =	sshll.u32 s4, $0xD;
	s5 =	sor.u32 s24, s25;
	s7 =	sadd.s32 s26, s2  }
0xc: {  	s9 =	sor.u32 $0x200000, s12;
	s10 =	sor.u32 $0x280000, s12;
	s11 =	sor.u32 $0x300000, s12  }
.Ltmp0:
0xd: {  	s12 =	sor.u32 $0x380000, s12;
	s15 =	smax.u32 s0, $0x1;
	(pc) =	sbr.rel .LBB2_1-.Ltmp0, $4  }
0xe: {  	s24 =	simm.s32 $0x4;
	s25 =	simm.s32 $0x100;
	s14 =	sand.u32 $0x7060, s5  }
0xf: {  	s4 =	sadd.s32 $0xC00, s7;
	s5 =	sadd.s32 s1, s26;
	s26 =	simm.s32 $0x400  }
0x10: {  	s2 =	sadd.s32 s14, s2;
	s6 =	sadd.s32 $0x10000, s5;
	s7 =	sadd.s32 $0x20000, s5  }
0x11: {  	s8 =	sadd.s32 $0x30000, s5;
	s13 =	sadd.s32 s13, s14;
	s14 =	sadd.s32 $0x10C00, s2  }
.LBB2_20:
0x12: {  	[hbm4b:s13+s25] =	stream.strided.scatter [tilespmem:s28], [sflag:$0x5], $0x2000, s26, s25, $0x38;
	[tilespmem:$0x18000] =	vst v63  }
0x13: {  	s30 =	sadd.s32 $0x1, s30;
	_ =	swait.ge [sflag:s16], $0x2000  }
0x14: {  	p0 =	sne.s32 s30, s15;
	[sflag:s16] =	ssyncset.done $0x0  }
.Ltmp1:
0x15: {  	[sflag:s16] =	ssyncadd.s32 $0xFFFFE000;
	(pc) =	sbr.rel @!p0 .LBB2_21-.Ltmp1, $4  }
0x16: {  	[hbm4b:s14+s25] =	stream.strided.scatter [tilespmem:s29], [sflag:$0x5], $0x2000, s26, s25, $0x38;
	[tilespmem:$0x18000] =	vst v63  }
0x17: {  	_ =	swait.ge [sflag:s16], $0x2000  }
0x18: {  	[sflag:s16] =	ssyncset.done $0x0  }
0x19: {  	[sflag:s16] =	ssyncadd.s32 $0xFFFFE000  }
.LBB2_1:
0x1a: {  	[tilespmem:s3], [sflag:$0x5] =	stream.linear.gather [hbm4b:s4+s3], $0x4000, $0x38;
	[tilespmem:$0x18000] =	vst v63  }
0x1b: {  	_ =	swait.ge [sflag:s16], $0x4000  }
0x1c: {  	[sflag:s16] =	ssyncset.done $0x0  }
0x1d: {  	s0 =	simm.s32 $0x4000;
	[sflag:s16] =	ssyncadd.s32 $0xFFFFC000  }
0x1e: {  	[tilespmem:s0], [sflag:$0x1] =	stream.linear.gather [hbm4b:s5+s3], $0x4000, $0x38;
	[tilespmem:$0x18000] =	vst v63  }
0x1f: {  	s18 =	simm.s32 $0x8000  }
0x20: {  	[tilespmem:s18], [sflag:$0x2] =	stream.linear.gather [hbm4b:s6+s3], $0x4000, $0x38;
	[tilespmem:$0x18000] =	vst v63  }
0x21: {  	s19 =	simm.s32 $0xC000  }
0x22: {  	[tilespmem:s19], [sflag:$0x3] =	stream.linear.gather [hbm4b:s7+s3], $0x4000, $0x38;
	[tilespmem:$0x18000] =	vst v63  }
0x23: {  	s31 =	simm.s32 $0x0  }
0x24: {  	[tilespmem:s20], [sflag:$0x4] =	stream.linear.gather [hbm4b:s8+s3], $0x4000, $0x38;
	[tilespmem:$0x18000] =	vst v63  }
.LBB2_2:
0x25: {  	_ =	swait.ge [sflag:s21], $0x4000  }
0x26: {  	[sflag:s21] =	ssyncset.done $0x0  }
0x27: {  	s0 =	simm.s32 $0x0;
	[sflag:s21] =	ssyncadd.s32 $0xFFFFC000  }
0x28: {  	v0 =	vld [tilespmem:s0+$0x80]  }
0x29: {  	v1 =	vld [tilespmem:s0+$0x0]  }
0x2a: {  	v3 =	vld [tilespmem:s0+$0x4000]  }
0x2b: {  	v4 =	vld [tilespmem:s0+$0x4010]  }
0x2c: {  	v5 =	vld [tilespmem:s0+$0x4080]  }
0x2d: {  	v6 =	vld [tilespmem:s0+$0x4090]  }
0x2e: {  	v10 =	vld [tilespmem:s0+$0x4020]  }
0x2f: {  	v12 =	vld [tilespmem:s0+$0x4030]  }
0x30: {  	v14 =	vld [tilespmem:s0+$0x40A0]  }
0x31: {  	v15 =	vld [tilespmem:s0+$0x40B0]  }
0x32: {  	v2 =	vimm.f32 $0.0e+00  }
0x33: {  	v7 =	vmul.f32 v3, v1;
	v8 =	vmul.f32 v4, v1;
	v3 =	vadd.f32 v3, v2  }
0x34: {  	v11 =	vmul.f32 v5, v0;
	v4 =	vadd.f32 v4, v2;
	v16 =	vmul.f32 v6, v0  }
0x35: {  	v22 =	vadd.f32 v10, v2;
	v24 =	vmul.f32 v14, v0;
	v25 =	vadd.f32 v12, v2  }
0x36: {  	v26 =	vmul.f32 v15, v0;
	v7 =	vadd.f32 v7, v2;
	v13 =	vadd.f32 v8, v2  }
0x37: {  	v20 =	vld [tilespmem:s0+$0x4040];
	v9 =	vadd.f32 v5, v3;
	v3 =	vmul.f32 v10, v1;
	v8 =	vadd.f32 v6, v4  }
0x38: {  	v17 =	vld [tilespmem:s0+$0x4050];
	v4 =	vmul.f32 v12, v1;
	v12 =	vimm.f32 $0.0e+00;
	v10 =	vimm.f32 $0.0e+00  }
0x39: {  	v18 =	vld [tilespmem:s0+$0x40C0];
	v5 =	vimm.f32 $0.0e+00;
	v11 =	vadd.f32 v11, v7;
	v7 =	vadd.f32 v16, v13  }
0x3a: {  	v6 =	vimm.f32 $0.0e+00;
	v21 =	vadd.f32 v3, v2;
	v23 =	vadd.f32 v4, v2;
	v16 =	vld [tilespmem:s0+$0x40D0]  }
0x3b: {  	s2 =	simm.s32 $0x400;
	v19 =	vld [tilespmem:s0+$0x4060];
	v13 =	vimm.f32 $0.0e+00;
	v4 =	vimm.f32 $0.0e+00;
	v3 =	vimm.f32 $0.0e+00  }
.LBB2_3:
0x3c: {  	p0 =	sne.s32 s2, $0x7C00;
	v27 =	vmul.f32 v20, v1;
	v28 =	vld [tilespmem:s0+$0x4070];
	v22 =	vadd.f32 v14, v22;
	v21 =	vadd.f32 v24, v21  }
0x3d: {  	v14 =	vmul.f32 v17, v1;
	v25 =	vadd.f32 v15, v25;
	v23 =	vadd.f32 v26, v23;
	v15 =	vld [tilespmem:s0+$0x40E0]  }
0x3e: {  	v2 =	vadd.f32 v20, v2;
	v13 =	vadd.f32 v27, v13;
	v20 =	vmul.f32 v18, v0;
	v24 =	vld [tilespmem:s0+$0x40F0];
	s0 =	sshra.s32 s2, $0x2  }
0x3f: {  	v12 =	vadd.f32 v17, v12;
	v26 =	vld [tilespmem:s0+$0x80];
	v10 =	vadd.f32 v14, v10;
	v14 =	vmul.f32 v16, v0  }
0x40: {  	v2 =	vadd.f32 v18, v2;
	v17 =	vld [tilespmem:s0+$0x0];
	v27 =	vmul.f32 v19, v1;
	v13 =	vadd.f32 v20, v13  }
0x41: {  	v12 =	vadd.f32 v16, v12;
	v18 =	vld [tilespmem:s0+$0x4000];
	v1 =	vmul.f32 v28, v1;
	v10 =	vadd.f32 v14, v10  }
0x42: {  	v5 =	vadd.f32 v19, v5;
	v16 =	vld [tilespmem:s0+$0x4010];
	v6 =	vadd.f32 v27, v6;
	v14 =	vmul.f32 v15, v0  }
0x43: {  	v4 =	vadd.f32 v28, v4;
	v19 =	vld [tilespmem:s0+$0x4080];
	v20 =	vadd.f32 v1, v3;
	v3 =	vmul.f32 v24, v0  }
0x44: {  	v5 =	vadd.f32 v15, v5;
	v27 =	vld [tilespmem:s0+$0x4090];
	v6 =	vadd.f32 v14, v6;
	v0 =	vmov v26  }
0x45: {  	v4 =	vadd.f32 v24, v4;
	v26 =	vld [tilespmem:s0+$0x4020];
	v3 =	vadd.f32 v3, v20;
	v1 =	vmov v17  }
0x46: {  	v15 =	vmul.f32 v18, v1;
	v28 =	vld [tilespmem:s0+$0x4030]  }
0x47: {  	v17 =	vmul.f32 v16, v1;
	v14 =	vld [tilespmem:s0+$0x40A0]  }
0x48: {  	v9 =	vadd.f32 v18, v9;
	v11 =	vadd.f32 v15, v11;
	v18 =	vmul.f32 v19, v0;
	v15 =	vld [tilespmem:s0+$0x40B0]  }
.Ltmp2:
0x49: {  	v8 =	vadd.f32 v16, v8;
	v7 =	vadd.f32 v17, v7;
	v20 =	vld [tilespmem:s0+$0x4040];
	v16 =	vmul.f32 v27, v0;
	(pc) =	sbr.rel @p0 .LBB2_3-.Ltmp2, $4  }
0x4a: {  	v9 =	vadd.f32 v19, v9;
	v24 =	vmul.f32 v26, v1;
	v17 =	vld [tilespmem:s0+$0x4050];
	v11 =	vadd.f32 v18, v11  }
0x4b: {  	v8 =	vadd.f32 v27, v8;
	v19 =	vmul.f32 v28, v1;
	v7 =	vadd.f32 v16, v7;
	v18 =	vld [tilespmem:s0+$0x40C0]  }
0x4c: {  	v22 =	vadd.f32 v26, v22;
	v21 =	vadd.f32 v24, v21;
	v24 =	vmul.f32 v14, v0;
	v16 =	vld [tilespmem:s0+$0x40D0]  }
0x4d: {  	s2 =	sadd.s32 $0x400, s2;
	v25 =	vadd.f32 v28, v25;
	v23 =	vadd.f32 v19, v23;
	v19 =	vld [tilespmem:s0+$0x4060];
	v26 =	vmul.f32 v15, v0  }
0x4e: {  	v27 =	vld [tilespmem:s0+$0x4070]  }
0x4f: {  	v28 =	vld [tilespmem:s0+$0x40E0];
	s2 =	sshll.u32 s31, $0xA  }
0x50: {  	v29 =	vld [tilespmem:s0+$0x40F0];
	[tilespmem:s2+$0x14000] =	vst v9  }
0x51: {  	[tilespmem:s2+$0x16000] =	vst v11  }
0x52: {  	v9 =	vadd.f32 v14, v22;
	[tilespmem:s2+$0x14010] =	vst v8  }
0x53: {  	v8 =	vmul.f32 v20, v1;
	v11 =	vadd.f32 v24, v21;
	[tilespmem:s2+$0x16010] =	vst v7  }
0x54: {  	v2 =	vadd.f32 v20, v2;
	v14 =	vadd.f32 v15, v25;
	v7 =	vmul.f32 v17, v1;
	[tilespmem:s2+$0x14020] =	vst v9  }
0x55: {  	v15 =	vadd.f32 v26, v23;
	v8 =	vadd.f32 v8, v13;
	v9 =	vmul.f32 v18, v0;
	[tilespmem:s2+$0x16020] =	vst v11  }
0x56: {  	v12 =	vadd.f32 v17, v12;
	v2 =	vadd.f32 v18, v2;
	[tilespmem:s2+$0x14030] =	vst v14  }
0x57: {  	v7 =	vadd.f32 v7, v10;
	v10 =	vmul.f32 v16, v0;
	[tilespmem:s2+$0x16030] =	vst v15;
	v8 =	vadd.f32 v9, v8  }
0x58: {  	v11 =	vmul.f32 v19, v1;
	v5 =	vadd.f32 v19, v5;
	[tilespmem:s2+$0x14040] =	vst v2;
	v9 =	vadd.f32 v16, v12  }
0x59: {  	v1 =	vmul.f32 v27, v1;
	v2 =	vadd.f32 v10, v7;
	v4 =	vadd.f32 v27, v4;
	[tilespmem:s2+$0x16040] =	vst v8  }
0x5a: {  	v7 =	vmul.f32 v28, v0;
	v6 =	vadd.f32 v11, v6;
	v5 =	vadd.f32 v28, v5;
	[tilespmem:s2+$0x14050] =	vst v9  }
0x5b: {  	v0 =	vmul.f32 v29, v0;
	v1 =	vadd.f32 v1, v3;
	[tilespmem:s2+$0x16050] =	vst v2;
	v2 =	vadd.f32 v29, v4  }
0x5c: {  	v3 =	vadd.f32 v7, v6;
	[tilespmem:s2+$0x14060] =	vst v5  }
0x5d: {  	v0 =	vadd.f32 v0, v1;
	[tilespmem:s2+$0x14070] =	vst v2  }
0x5e: {  	[tilespmem:s2+$0x16060] =	vst v3  }
0x5f: {  	s0 =	simm.s32 $0x0;
	[tilespmem:s2+$0x16070] =	vst v0  }
0x60: {  	v0 =	vld [tilespmem:s0+$0x2080]  }
0x61: {  	v1 =	vld [tilespmem:s0+$0x2000]  }
0x62: {  	v3 =	vld [tilespmem:s0+$0x6000]  }
0x63: {  	v4 =	vld [tilespmem:s0+$0x6010]  }
0x64: {  	v5 =	vld [tilespmem:s0+$0x6080]  }
0x65: {  	v6 =	vld [tilespmem:s0+$0x6090]  }
0x66: {  	v10 =	vld [tilespmem:s0+$0x6020]  }
0x67: {  	v12 =	vld [tilespmem:s0+$0x6030]  }
0x68: {  	v14 =	vld [tilespmem:s0+$0x60A0]  }
0x69: {  	v15 =	vld [tilespmem:s0+$0x60B0]  }
0x6a: {  	v2 =	vimm.f32 $0.0e+00  }
0x6b: {  	v7 =	vmul.f32 v3, v1;
	v8 =	vmul.f32 v4, v1;
	v3 =	vadd.f32 v3, v2  }
0x6c: {  	v11 =	vmul.f32 v5, v0;
	v4 =	vadd.f32 v4, v2;
	v16 =	vmul.f32 v6, v0  }
0x6d: {  	v22 =	vadd.f32 v10, v2;
	v24 =	vmul.f32 v14, v0;
	v25 =	vadd.f32 v12, v2  }
0x6e: {  	v26 =	vmul.f32 v15, v0;
	v7 =	vadd.f32 v7, v2;
	v13 =	vadd.f32 v8, v2  }
0x6f: {  	v20 =	vld [tilespmem:s0+$0x6040];
	v9 =	vadd.f32 v5, v3;
	v3 =	vmul.f32 v10, v1;
	v8 =	vadd.f32 v6, v4  }
0x70: {  	v17 =	vld [tilespmem:s0+$0x6050];
	v4 =	vmul.f32 v12, v1;
	v12 =	vimm.f32 $0.0e+00;
	v10 =	vimm.f32 $0.0e+00  }
0x71: {  	v18 =	vld [tilespmem:s0+$0x60C0];
	v5 =	vimm.f32 $0.0e+00;
	v11 =	vadd.f32 v11, v7;
	v7 =	vadd.f32 v16, v13  }
0x72: {  	v6 =	vimm.f32 $0.0e+00;
	v21 =	vadd.f32 v3, v2;
	v23 =	vadd.f32 v4, v2;
	v16 =	vld [tilespmem:s0+$0x60D0]  }
0x73: {  	s17 =	simm.s32 $0x400;
	v19 =	vld [tilespmem:s0+$0x6060];
	v13 =	vimm.f32 $0.0e+00;
	v4 =	vimm.f32 $0.0e+00;
	v3 =	vimm.f32 $0.0e+00  }
.LBB2_5:
0x74: {  	p0 =	sne.s32 s17, $0x7C00;
	v27 =	vmul.f32 v20, v1;
	v28 =	vld [tilespmem:s0+$0x6070];
	v22 =	vadd.f32 v14, v22;
	v21 =	vadd.f32 v24, v21  }
0x75: {  	v14 =	vmul.f32 v17, v1;
	v25 =	vadd.f32 v15, v25;
	v23 =	vadd.f32 v26, v23;
	v15 =	vld [tilespmem:s0+$0x60E0]  }
0x76: {  	v2 =	vadd.f32 v20, v2;
	v13 =	vadd.f32 v27, v13;
	v20 =	vmul.f32 v18, v0;
	v24 =	vld [tilespmem:s0+$0x60F0];
	s0 =	sshra.s32 s17, $0x2  }
0x77: {  	v12 =	vadd.f32 v17, v12;
	v26 =	vld [tilespmem:s0+$0x2080];
	v10 =	vadd.f32 v14, v10;
	v14 =	vmul.f32 v16, v0  }
0x78: {  	v2 =	vadd.f32 v18, v2;
	v17 =	vld [tilespmem:s0+$0x2000];
	v27 =	vmul.f32 v19, v1;
	v13 =	vadd.f32 v20, v13  }
0x79: {  	v12 =	vadd.f32 v16, v12;
	v18 =	vld [tilespmem:s0+$0x6000];
	v1 =	vmul.f32 v28, v1;
	v10 =	vadd.f32 v14, v10  }
0x7a: {  	v5 =	vadd.f32 v19, v5;
	v16 =	vld [tilespmem:s0+$0x6010];
	v6 =	vadd.f32 v27, v6;
	v14 =	vmul.f32 v15, v0  }
0x7b: {  	v4 =	vadd.f32 v28, v4;
	v19 =	vld [tilespmem:s0+$0x6080];
	v20 =	vadd.f32 v1, v3;
	v3 =	vmul.f32 v24, v0  }
0x7c: {  	v5 =	vadd.f32 v15, v5;
	v27 =	vld [tilespmem:s0+$0x6090];
	v6 =	vadd.f32 v14, v6;
	v0 =	vmov v26  }
0x7d: {  	v4 =	vadd.f32 v24, v4;
	v26 =	vld [tilespmem:s0+$0x6020];
	v3 =	vadd.f32 v3, v20;
	v1 =	vmov v17  }
0x7e: {  	v15 =	vmul.f32 v18, v1;
	v28 =	vld [tilespmem:s0+$0x6030]  }
0x7f: {  	v17 =	vmul.f32 v16, v1;
	v14 =	vld [tilespmem:s0+$0x60A0]  }
0x80: {  	v9 =	vadd.f32 v18, v9;
	v11 =	vadd.f32 v15, v11;
	v18 =	vmul.f32 v19, v0;
	v15 =	vld [tilespmem:s0+$0x60B0]  }
.Ltmp3:
0x81: {  	v8 =	vadd.f32 v16, v8;
	v7 =	vadd.f32 v17, v7;
	v20 =	vld [tilespmem:s0+$0x6040];
	v16 =	vmul.f32 v27, v0;
	(pc) =	sbr.rel @p0 .LBB2_5-.Ltmp3, $4  }
0x82: {  	v9 =	vadd.f32 v19, v9;
	v24 =	vmul.f32 v26, v1;
	v17 =	vld [tilespmem:s0+$0x6050];
	v11 =	vadd.f32 v18, v11  }
0x83: {  	v8 =	vadd.f32 v27, v8;
	v19 =	vmul.f32 v28, v1;
	v7 =	vadd.f32 v16, v7;
	v18 =	vld [tilespmem:s0+$0x60C0]  }
0x84: {  	v22 =	vadd.f32 v26, v22;
	v21 =	vadd.f32 v24, v21;
	v24 =	vmul.f32 v14, v0;
	v16 =	vld [tilespmem:s0+$0x60D0]  }
0x85: {  	s17 =	sadd.s32 $0x400, s17;
	v25 =	vadd.f32 v28, v25;
	v23 =	vadd.f32 v19, v23;
	v19 =	vld [tilespmem:s0+$0x6060];
	v26 =	vmul.f32 v15, v0  }
0x86: {  	v27 =	vld [tilespmem:s0+$0x6070]  }
0x87: {  	v28 =	vld [tilespmem:s0+$0x60E0]  }
0x88: {  	v29 =	vld [tilespmem:s0+$0x60F0];
	[tilespmem:s2+$0x14080] =	vst v9  }
0x89: {  	[tilespmem:s2+$0x16080] =	vst v11  }
0x8a: {  	v9 =	vadd.f32 v14, v22;
	[tilespmem:s2+$0x14090] =	vst v8  }
0x8b: {  	v8 =	vmul.f32 v20, v1;
	v11 =	vadd.f32 v24, v21;
	[tilespmem:s2+$0x16090] =	vst v7  }
0x8c: {  	v2 =	vadd.f32 v20, v2;
	v14 =	vadd.f32 v15, v25;
	v7 =	vmul.f32 v17, v1;
	[tilespmem:s2+$0x140A0] =	vst v9  }
0x8d: {  	v15 =	vadd.f32 v26, v23;
	v8 =	vadd.f32 v8, v13;
	v9 =	vmul.f32 v18, v0;
	[tilespmem:s2+$0x160A0] =	vst v11  }
0x8e: {  	v12 =	vadd.f32 v17, v12;
	v2 =	vadd.f32 v18, v2;
	[tilespmem:s2+$0x140B0] =	vst v14  }
0x8f: {  	v7 =	vadd.f32 v7, v10;
	v10 =	vmul.f32 v16, v0;
	[tilespmem:s2+$0x160B0] =	vst v15;
	v8 =	vadd.f32 v9, v8  }
0x90: {  	v11 =	vmul.f32 v19, v1;
	v9 =	vadd.f32 v16, v12;
	v5 =	vadd.f32 v19, v5;
	[tilespmem:s2+$0x140C0] =	vst v2  }
0x91: {  	v1 =	vmul.f32 v27, v1;
	v2 =	vadd.f32 v10, v7;
	v4 =	vadd.f32 v27, v4;
	[tilespmem:s2+$0x160C0] =	vst v8  }
0x92: {  	v7 =	vmul.f32 v28, v0;
	v6 =	vadd.f32 v11, v6;
	v5 =	vadd.f32 v28, v5;
	[tilespmem:s2+$0x140D0] =	vst v9  }
0x93: {  	v0 =	vmul.f32 v29, v0;
	v1 =	vadd.f32 v1, v3;
	[tilespmem:s2+$0x160D0] =	vst v2;
	v2 =	vadd.f32 v29, v4  }
0x94: {  	s0 =	sshll.u32 s31, $0x15;
	p0 =	seq.s32 s31, $0x7;
	v3 =	vadd.f32 v7, v6;
	[tilespmem:s2+$0x140E0] =	vst v5  }
0x95: {  	s17 =	sadd.s32 @!p0 s9, s0;
	v0 =	vadd.f32 v0, v1;
	[tilespmem:s2+$0x140F0] =	vst v2  }
0x96: {  	s17 =	sshrl.u32 @!p0 s17, $0x3;
	[tilespmem:s2+$0x160E0] =	vst v3  }
0x97: {  	s18 =	simm.s32 @!p0 $0x0;
	s19 =	simm.s32 @!p0 $0x4000;
	s17 =	sadd.s32 @!p0 s1, s17;
	[tilespmem:s2+$0x160F0] =	vst v0  }
0x98: {  	[tilespmem:s19], [sflag:$0x1] =	stream.linear.gather @!p0 [hbm4b:s17+s18], $0x4000, $0x38;
	[tilespmem:$0x18000] =	vst v63  }
0x99: {  	_ =	swait.ge [sflag:s22], $0x4000  }
0x9a: {  	[sflag:s22] =	ssyncset.done $0x0  }
0x9b: {  	s17 =	simm.s32 $0x0;
	[sflag:s22] =	ssyncadd.s32 $0xFFFFC000  }
0x9c: {  	v0 =	vld [tilespmem:s17+$0x80]  }
0x9d: {  	v1 =	vld [tilespmem:s17+$0x0]  }
0x9e: {  	v3 =	vld [tilespmem:s17+$0x8000]  }
0x9f: {  	v4 =	vld [tilespmem:s17+$0x8010]  }
0xa0: {  	v5 =	vld [tilespmem:s17+$0x8080]  }
0xa1: {  	v6 =	vld [tilespmem:s17+$0x8090]  }
0xa2: {  	v10 =	vld [tilespmem:s17+$0x8020]  }
0xa3: {  	v12 =	vld [tilespmem:s17+$0x8030]  }
0xa4: {  	v14 =	vld [tilespmem:s17+$0x80A0]  }
0xa5: {  	v15 =	vld [tilespmem:s17+$0x80B0]  }
0xa6: {  	v2 =	vimm.f32 $0.0e+00  }
0xa7: {  	v7 =	vmul.f32 v3, v1;
	v8 =	vmul.f32 v4, v1;
	v3 =	vadd.f32 v3, v2  }
0xa8: {  	v11 =	vmul.f32 v5, v0;
	v4 =	vadd.f32 v4, v2;
	v16 =	vmul.f32 v6, v0  }
0xa9: {  	v22 =	vadd.f32 v10, v2;
	v24 =	vmul.f32 v14, v0;
	v25 =	vadd.f32 v12, v2  }
0xaa: {  	v26 =	vmul.f32 v15, v0;
	v7 =	vadd.f32 v7, v2;
	v13 =	vadd.f32 v8, v2  }
0xab: {  	v20 =	vld [tilespmem:s17+$0x8040];
	v9 =	vadd.f32 v5, v3;
	v3 =	vmul.f32 v10, v1;
	v8 =	vadd.f32 v6, v4  }
0xac: {  	v17 =	vld [tilespmem:s17+$0x8050];
	v4 =	vmul.f32 v12, v1;
	v12 =	vimm.f32 $0.0e+00;
	v10 =	vimm.f32 $0.0e+00  }
0xad: {  	v18 =	vld [tilespmem:s17+$0x80C0];
	v5 =	vimm.f32 $0.0e+00;
	v11 =	vadd.f32 v11, v7;
	v7 =	vadd.f32 v16, v13  }
0xae: {  	v6 =	vimm.f32 $0.0e+00;
	v21 =	vadd.f32 v3, v2;
	v23 =	vadd.f32 v4, v2;
	v16 =	vld [tilespmem:s17+$0x80D0]  }
0xaf: {  	s18 =	simm.s32 $0x400;
	v19 =	vld [tilespmem:s17+$0x8060];
	v13 =	vimm.f32 $0.0e+00;
	v4 =	vimm.f32 $0.0e+00;
	v3 =	vimm.f32 $0.0e+00  }
.LBB2_7:
0xb0: {  	p1 =	sne.s32 s18, $0x7C00;
	v27 =	vmul.f32 v20, v1;
	v28 =	vld [tilespmem:s17+$0x8070];
	v22 =	vadd.f32 v14, v22;
	v21 =	vadd.f32 v24, v21  }
0xb1: {  	v14 =	vmul.f32 v17, v1;
	v25 =	vadd.f32 v15, v25;
	v23 =	vadd.f32 v26, v23;
	v15 =	vld [tilespmem:s17+$0x80E0]  }
0xb2: {  	v2 =	vadd.f32 v20, v2;
	v13 =	vadd.f32 v27, v13;
	v20 =	vmul.f32 v18, v0;
	v24 =	vld [tilespmem:s17+$0x80F0];
	s17 =	sshra.s32 s18, $0x2  }
0xb3: {  	v12 =	vadd.f32 v17, v12;
	v26 =	vld [tilespmem:s17+$0x80];
	v10 =	vadd.f32 v14, v10;
	v14 =	vmul.f32 v16, v0  }
0xb4: {  	v2 =	vadd.f32 v18, v2;
	v17 =	vld [tilespmem:s17+$0x0];
	v27 =	vmul.f32 v19, v1;
	v13 =	vadd.f32 v20, v13  }
0xb5: {  	v12 =	vadd.f32 v16, v12;
	v18 =	vld [tilespmem:s17+$0x8000];
	v1 =	vmul.f32 v28, v1;
	v10 =	vadd.f32 v14, v10  }
0xb6: {  	v5 =	vadd.f32 v19, v5;
	v16 =	vld [tilespmem:s17+$0x8010];
	v6 =	vadd.f32 v27, v6;
	v14 =	vmul.f32 v15, v0  }
0xb7: {  	v4 =	vadd.f32 v28, v4;
	v19 =	vld [tilespmem:s17+$0x8080];
	v20 =	vadd.f32 v1, v3;
	v3 =	vmul.f32 v24, v0  }
0xb8: {  	v5 =	vadd.f32 v15, v5;
	v27 =	vld [tilespmem:s17+$0x8090];
	v6 =	vadd.f32 v14, v6;
	v0 =	vmov v26  }
0xb9: {  	v4 =	vadd.f32 v24, v4;
	v26 =	vld [tilespmem:s17+$0x8020];
	v3 =	vadd.f32 v3, v20;
	v1 =	vmov v17  }
0xba: {  	v15 =	vmul.f32 v18, v1;
	v28 =	vld [tilespmem:s17+$0x8030]  }
0xbb: {  	v17 =	vmul.f32 v16, v1;
	v14 =	vld [tilespmem:s17+$0x80A0]  }
0xbc: {  	v9 =	vadd.f32 v18, v9;
	v11 =	vadd.f32 v15, v11;
	v18 =	vmul.f32 v19, v0;
	v15 =	vld [tilespmem:s17+$0x80B0]  }
.Ltmp4:
0xbd: {  	v8 =	vadd.f32 v16, v8;
	v7 =	vadd.f32 v17, v7;
	v20 =	vld [tilespmem:s17+$0x8040];
	v16 =	vmul.f32 v27, v0;
	(pc) =	sbr.rel @p1 .LBB2_7-.Ltmp4, $4  }
0xbe: {  	v9 =	vadd.f32 v19, v9;
	v24 =	vmul.f32 v26, v1;
	v17 =	vld [tilespmem:s17+$0x8050];
	v11 =	vadd.f32 v18, v11  }
0xbf: {  	v8 =	vadd.f32 v27, v8;
	v19 =	vmul.f32 v28, v1;
	v7 =	vadd.f32 v16, v7;
	v18 =	vld [tilespmem:s17+$0x80C0]  }
0xc0: {  	v22 =	vadd.f32 v26, v22;
	v21 =	vadd.f32 v24, v21;
	v24 =	vmul.f32 v14, v0;
	v16 =	vld [tilespmem:s17+$0x80D0]  }
0xc1: {  	s18 =	sadd.s32 $0x400, s18;
	v25 =	vadd.f32 v28, v25;
	v23 =	vadd.f32 v19, v23;
	v19 =	vld [tilespmem:s17+$0x8060];
	v26 =	vmul.f32 v15, v0  }
0xc2: {  	v27 =	vld [tilespmem:s17+$0x8070]  }
0xc3: {  	v28 =	vld [tilespmem:s17+$0x80E0]  }
0xc4: {  	v29 =	vld [tilespmem:s17+$0x80F0];
	[tilespmem:s2+$0x14100] =	vst v9  }
0xc5: {  	[tilespmem:s2+$0x16100] =	vst v11  }
0xc6: {  	v9 =	vadd.f32 v14, v22;
	[tilespmem:s2+$0x14110] =	vst v8  }
0xc7: {  	v8 =	vmul.f32 v20, v1;
	v11 =	vadd.f32 v24, v21;
	[tilespmem:s2+$0x16110] =	vst v7  }
0xc8: {  	v2 =	vadd.f32 v20, v2;
	v14 =	vadd.f32 v15, v25;
	v7 =	vmul.f32 v17, v1;
	[tilespmem:s2+$0x14120] =	vst v9  }
0xc9: {  	v15 =	vadd.f32 v26, v23;
	v8 =	vadd.f32 v8, v13;
	v9 =	vmul.f32 v18, v0;
	[tilespmem:s2+$0x16120] =	vst v11  }
0xca: {  	v12 =	vadd.f32 v17, v12;
	v2 =	vadd.f32 v18, v2;
	[tilespmem:s2+$0x14130] =	vst v14  }
0xcb: {  	v7 =	vadd.f32 v7, v10;
	v10 =	vmul.f32 v16, v0;
	[tilespmem:s2+$0x16130] =	vst v15;
	v8 =	vadd.f32 v9, v8  }
0xcc: {  	v11 =	vmul.f32 v19, v1;
	v9 =	vadd.f32 v16, v12;
	v5 =	vadd.f32 v19, v5;
	[tilespmem:s2+$0x14140] =	vst v2  }
0xcd: {  	v1 =	vmul.f32 v27, v1;
	v2 =	vadd.f32 v10, v7;
	v4 =	vadd.f32 v27, v4;
	[tilespmem:s2+$0x16140] =	vst v8  }
0xce: {  	v7 =	vmul.f32 v28, v0;
	v6 =	vadd.f32 v11, v6;
	v5 =	vadd.f32 v28, v5;
	[tilespmem:s2+$0x14150] =	vst v9  }
0xcf: {  	v0 =	vmul.f32 v29, v0;
	v1 =	vadd.f32 v1, v3;
	[tilespmem:s2+$0x16150] =	vst v2;
	v2 =	vadd.f32 v29, v4  }
0xd0: {  	v3 =	vadd.f32 v7, v6;
	[tilespmem:s2+$0x14160] =	vst v5  }
0xd1: {  	v0 =	vadd.f32 v0, v1;
	[tilespmem:s2+$0x14170] =	vst v2  }
0xd2: {  	[tilespmem:s2+$0x16160] =	vst v3  }
0xd3: {  	s17 =	simm.s32 $0x0;
	[tilespmem:s2+$0x16170] =	vst v0  }
0xd4: {  	v0 =	vld [tilespmem:s17+$0x2080]  }
0xd5: {  	v1 =	vld [tilespmem:s17+$0x2000]  }
0xd6: {  	v3 =	vld [tilespmem:s17+$0xA000]  }
0xd7: {  	v4 =	vld [tilespmem:s17+$0xA010]  }
0xd8: {  	v5 =	vld [tilespmem:s17+$0xA080]  }
0xd9: {  	v6 =	vld [tilespmem:s17+$0xA090]  }
0xda: {  	v10 =	vld [tilespmem:s17+$0xA020]  }
0xdb: {  	v12 =	vld [tilespmem:s17+$0xA030]  }
0xdc: {  	v14 =	vld [tilespmem:s17+$0xA0A0]  }
0xdd: {  	v15 =	vld [tilespmem:s17+$0xA0B0]  }
0xde: {  	v2 =	vimm.f32 $0.0e+00  }
0xdf: {  	v7 =	vmul.f32 v3, v1;
	v8 =	vmul.f32 v4, v1;
	v3 =	vadd.f32 v3, v2  }
0xe0: {  	v11 =	vmul.f32 v5, v0;
	v4 =	vadd.f32 v4, v2;
	v16 =	vmul.f32 v6, v0  }
0xe1: {  	v22 =	vadd.f32 v10, v2;
	v24 =	vmul.f32 v14, v0;
	v25 =	vadd.f32 v12, v2  }
0xe2: {  	v26 =	vmul.f32 v15, v0;
	v7 =	vadd.f32 v7, v2;
	v13 =	vadd.f32 v8, v2  }
0xe3: {  	v20 =	vld [tilespmem:s17+$0xA040];
	v9 =	vadd.f32 v5, v3;
	v3 =	vmul.f32 v10, v1;
	v8 =	vadd.f32 v6, v4  }
0xe4: {  	v17 =	vld [tilespmem:s17+$0xA050];
	v4 =	vmul.f32 v12, v1;
	v12 =	vimm.f32 $0.0e+00;
	v10 =	vimm.f32 $0.0e+00  }
0xe5: {  	v18 =	vld [tilespmem:s17+$0xA0C0];
	v5 =	vimm.f32 $0.0e+00;
	v11 =	vadd.f32 v11, v7;
	v7 =	vadd.f32 v16, v13  }
0xe6: {  	v6 =	vimm.f32 $0.0e+00;
	v21 =	vadd.f32 v3, v2;
	v23 =	vadd.f32 v4, v2;
	v16 =	vld [tilespmem:s17+$0xA0D0]  }
0xe7: {  	s18 =	simm.s32 $0x400;
	v19 =	vld [tilespmem:s17+$0xA060];
	v13 =	vimm.f32 $0.0e+00;
	v4 =	vimm.f32 $0.0e+00;
	v3 =	vimm.f32 $0.0e+00  }
.LBB2_9:
0xe8: {  	p1 =	sne.s32 s18, $0x7C00;
	v27 =	vmul.f32 v20, v1;
	v28 =	vld [tilespmem:s17+$0xA070];
	v22 =	vadd.f32 v14, v22;
	v21 =	vadd.f32 v24, v21  }
0xe9: {  	v14 =	vmul.f32 v17, v1;
	v25 =	vadd.f32 v15, v25;
	v23 =	vadd.f32 v26, v23;
	v15 =	vld [tilespmem:s17+$0xA0E0]  }
0xea: {  	v2 =	vadd.f32 v20, v2;
	v13 =	vadd.f32 v27, v13;
	v20 =	vmul.f32 v18, v0;
	v24 =	vld [tilespmem:s17+$0xA0F0];
	s17 =	sshra.s32 s18, $0x2  }
0xeb: {  	v12 =	vadd.f32 v17, v12;
	v26 =	vld [tilespmem:s17+$0x2080];
	v10 =	vadd.f32 v14, v10;
	v14 =	vmul.f32 v16, v0  }
0xec: {  	v2 =	vadd.f32 v18, v2;
	v17 =	vld [tilespmem:s17+$0x2000];
	v27 =	vmul.f32 v19, v1;
	v13 =	vadd.f32 v20, v13  }
0xed: {  	v12 =	vadd.f32 v16, v12;
	v18 =	vld [tilespmem:s17+$0xA000];
	v1 =	vmul.f32 v28, v1;
	v10 =	vadd.f32 v14, v10  }
0xee: {  	v5 =	vadd.f32 v19, v5;
	v16 =	vld [tilespmem:s17+$0xA010];
	v6 =	vadd.f32 v27, v6;
	v14 =	vmul.f32 v15, v0  }
0xef: {  	v4 =	vadd.f32 v28, v4;
	v19 =	vld [tilespmem:s17+$0xA080];
	v20 =	vadd.f32 v1, v3;
	v3 =	vmul.f32 v24, v0  }
0xf0: {  	v5 =	vadd.f32 v15, v5;
	v27 =	vld [tilespmem:s17+$0xA090];
	v6 =	vadd.f32 v14, v6;
	v0 =	vmov v26  }
0xf1: {  	v4 =	vadd.f32 v24, v4;
	v26 =	vld [tilespmem:s17+$0xA020];
	v3 =	vadd.f32 v3, v20;
	v1 =	vmov v17  }
0xf2: {  	v15 =	vmul.f32 v18, v1;
	v28 =	vld [tilespmem:s17+$0xA030]  }
0xf3: {  	v17 =	vmul.f32 v16, v1;
	v14 =	vld [tilespmem:s17+$0xA0A0]  }
0xf4: {  	v9 =	vadd.f32 v18, v9;
	v11 =	vadd.f32 v15, v11;
	v18 =	vmul.f32 v19, v0;
	v15 =	vld [tilespmem:s17+$0xA0B0]  }
.Ltmp5:
0xf5: {  	v8 =	vadd.f32 v16, v8;
	v7 =	vadd.f32 v17, v7;
	v20 =	vld [tilespmem:s17+$0xA040];
	v16 =	vmul.f32 v27, v0;
	(pc) =	sbr.rel @p1 .LBB2_9-.Ltmp5, $4  }
0xf6: {  	v9 =	vadd.f32 v19, v9;
	v24 =	vmul.f32 v26, v1;
	v17 =	vld [tilespmem:s17+$0xA050];
	v11 =	vadd.f32 v18, v11  }
0xf7: {  	v8 =	vadd.f32 v27, v8;
	v19 =	vmul.f32 v28, v1;
	v7 =	vadd.f32 v16, v7;
	v18 =	vld [tilespmem:s17+$0xA0C0]  }
0xf8: {  	v22 =	vadd.f32 v26, v22;
	v21 =	vadd.f32 v24, v21;
	v24 =	vmul.f32 v14, v0;
	v16 =	vld [tilespmem:s17+$0xA0D0]  }
0xf9: {  	s18 =	sadd.s32 $0x400, s18;
	v25 =	vadd.f32 v28, v25;
	v23 =	vadd.f32 v19, v23;
	v19 =	vld [tilespmem:s17+$0xA060];
	v26 =	vmul.f32 v15, v0  }
0xfa: {  	v27 =	vld [tilespmem:s17+$0xA070]  }
0xfb: {  	v28 =	vld [tilespmem:s17+$0xA0E0]  }
0xfc: {  	v29 =	vld [tilespmem:s17+$0xA0F0];
	[tilespmem:s2+$0x14180] =	vst v9  }
0xfd: {  	[tilespmem:s2+$0x16180] =	vst v11  }
0xfe: {  	v9 =	vadd.f32 v14, v22;
	[tilespmem:s2+$0x14190] =	vst v8  }
0xff: {  	v8 =	vmul.f32 v20, v1;
	v11 =	vadd.f32 v24, v21;
	[tilespmem:s2+$0x16190] =	vst v7  }
0x100: {  	v2 =	vadd.f32 v20, v2;
	v14 =	vadd.f32 v15, v25;
	v7 =	vmul.f32 v17, v1;
	[tilespmem:s2+$0x141A0] =	vst v9  }
0x101: {  	v15 =	vadd.f32 v26, v23;
	v8 =	vadd.f32 v8, v13;
	v9 =	vmul.f32 v18, v0;
	[tilespmem:s2+$0x161A0] =	vst v11  }
0x102: {  	v12 =	vadd.f32 v17, v12;
	v2 =	vadd.f32 v18, v2;
	[tilespmem:s2+$0x141B0] =	vst v14  }
0x103: {  	v7 =	vadd.f32 v7, v10;
	v10 =	vmul.f32 v16, v0;
	[tilespmem:s2+$0x161B0] =	vst v15;
	v8 =	vadd.f32 v9, v8  }
0x104: {  	v11 =	vmul.f32 v19, v1;
	v9 =	vadd.f32 v16, v12;
	v5 =	vadd.f32 v19, v5;
	[tilespmem:s2+$0x141C0] =	vst v2  }
0x105: {  	v1 =	vmul.f32 v27, v1;
	v2 =	vadd.f32 v10, v7;
	v4 =	vadd.f32 v27, v4;
	[tilespmem:s2+$0x161C0] =	vst v8  }
0x106: {  	v7 =	vmul.f32 v28, v0;
	v6 =	vadd.f32 v11, v6;
	v5 =	vadd.f32 v28, v5;
	[tilespmem:s2+$0x141D0] =	vst v9  }
0x107: {  	v0 =	vmul.f32 v29, v0;
	v1 =	vadd.f32 v1, v3;
	[tilespmem:s2+$0x161D0] =	vst v2;
	v2 =	vadd.f32 v29, v4  }
0x108: {  	v3 =	vadd.f32 v7, v6;
	[tilespmem:s2+$0x141E0] =	vst v5  }
0x109: {  	s17 =	sadd.s32 @!p0 s10, s0;
	v0 =	vadd.f32 v0, v1;
	[tilespmem:s2+$0x141F0] =	vst v2  }
0x10a: {  	s17 =	sshrl.u32 @!p0 s17, $0x3;
	[tilespmem:s2+$0x161E0] =	vst v3  }
0x10b: {  	s18 =	simm.s32 @!p0 $0x0;
	s19 =	simm.s32 @!p0 $0x8000;
	s17 =	sadd.s32 @!p0 s1, s17;
	[tilespmem:s2+$0x161F0] =	vst v0  }
0x10c: {  	[tilespmem:s19], [sflag:$0x2] =	stream.linear.gather @!p0 [hbm4b:s17+s18], $0x4000, $0x38;
	[tilespmem:$0x18000] =	vst v63  }
0x10d: {  	_ =	swait.ge [sflag:s23], $0x4000  }
0x10e: {  	[sflag:s23] =	ssyncset.done $0x0  }
0x10f: {  	s17 =	simm.s32 $0x0;
	[sflag:s23] =	ssyncadd.s32 $0xFFFFC000  }
0x110: {  	v0 =	vld [tilespmem:s17+$0x80]  }
0x111: {  	v1 =	vld [tilespmem:s17+$0x0]  }
0x112: {  	v3 =	vld [tilespmem:s17+$0xC000]  }
0x113: {  	v4 =	vld [tilespmem:s17+$0xC010]  }
0x114: {  	v5 =	vld [tilespmem:s17+$0xC080]  }
0x115: {  	v6 =	vld [tilespmem:s17+$0xC090]  }
0x116: {  	v10 =	vld [tilespmem:s17+$0xC020]  }
0x117: {  	v12 =	vld [tilespmem:s17+$0xC030]  }
0x118: {  	v14 =	vld [tilespmem:s17+$0xC0A0]  }
0x119: {  	v15 =	vld [tilespmem:s17+$0xC0B0]  }
0x11a: {  	v2 =	vimm.f32 $0.0e+00  }
0x11b: {  	v7 =	vmul.f32 v3, v1;
	v8 =	vmul.f32 v4, v1;
	v3 =	vadd.f32 v3, v2  }
0x11c: {  	v11 =	vmul.f32 v5, v0;
	v4 =	vadd.f32 v4, v2;
	v16 =	vmul.f32 v6, v0  }
0x11d: {  	v22 =	vadd.f32 v10, v2;
	v24 =	vmul.f32 v14, v0;
	v25 =	vadd.f32 v12, v2  }
0x11e: {  	v26 =	vmul.f32 v15, v0;
	v7 =	vadd.f32 v7, v2;
	v13 =	vadd.f32 v8, v2  }
0x11f: {  	v20 =	vld [tilespmem:s17+$0xC040];
	v9 =	vadd.f32 v5, v3;
	v3 =	vmul.f32 v10, v1;
	v8 =	vadd.f32 v6, v4  }
0x120: {  	v17 =	vld [tilespmem:s17+$0xC050];
	v4 =	vmul.f32 v12, v1;
	v12 =	vimm.f32 $0.0e+00;
	v10 =	vimm.f32 $0.0e+00  }
0x121: {  	v18 =	vld [tilespmem:s17+$0xC0C0];
	v5 =	vimm.f32 $0.0e+00;
	v11 =	vadd.f32 v11, v7;
	v7 =	vadd.f32 v16, v13  }
0x122: {  	v6 =	vimm.f32 $0.0e+00;
	v21 =	vadd.f32 v3, v2;
	v23 =	vadd.f32 v4, v2;
	v16 =	vld [tilespmem:s17+$0xC0D0]  }
0x123: {  	s18 =	simm.s32 $0x400;
	v19 =	vld [tilespmem:s17+$0xC060];
	v13 =	vimm.f32 $0.0e+00;
	v4 =	vimm.f32 $0.0e+00;
	v3 =	vimm.f32 $0.0e+00  }
.LBB2_11:
0x124: {  	p1 =	sne.s32 s18, $0x7C00;
	v27 =	vmul.f32 v20, v1;
	v28 =	vld [tilespmem:s17+$0xC070];
	v22 =	vadd.f32 v14, v22;
	v21 =	vadd.f32 v24, v21  }
0x125: {  	v14 =	vmul.f32 v17, v1;
	v25 =	vadd.f32 v15, v25;
	v23 =	vadd.f32 v26, v23;
	v15 =	vld [tilespmem:s17+$0xC0E0]  }
0x126: {  	v2 =	vadd.f32 v20, v2;
	v13 =	vadd.f32 v27, v13;
	v20 =	vmul.f32 v18, v0;
	v24 =	vld [tilespmem:s17+$0xC0F0];
	s17 =	sshra.s32 s18, $0x2  }
0x127: {  	v12 =	vadd.f32 v17, v12;
	v26 =	vld [tilespmem:s17+$0x80];
	v10 =	vadd.f32 v14, v10;
	v14 =	vmul.f32 v16, v0  }
0x128: {  	v2 =	vadd.f32 v18, v2;
	v17 =	vld [tilespmem:s17+$0x0];
	v27 =	vmul.f32 v19, v1;
	v13 =	vadd.f32 v20, v13  }
0x129: {  	v12 =	vadd.f32 v16, v12;
	v18 =	vld [tilespmem:s17+$0xC000];
	v1 =	vmul.f32 v28, v1;
	v10 =	vadd.f32 v14, v10  }
0x12a: {  	v5 =	vadd.f32 v19, v5;
	v16 =	vld [tilespmem:s17+$0xC010];
	v6 =	vadd.f32 v27, v6;
	v14 =	vmul.f32 v15, v0  }
0x12b: {  	v4 =	vadd.f32 v28, v4;
	v19 =	vld [tilespmem:s17+$0xC080];
	v20 =	vadd.f32 v1, v3;
	v3 =	vmul.f32 v24, v0  }
0x12c: {  	v5 =	vadd.f32 v15, v5;
	v27 =	vld [tilespmem:s17+$0xC090];
	v6 =	vadd.f32 v14, v6;
	v0 =	vmov v26  }
0x12d: {  	v4 =	vadd.f32 v24, v4;
	v26 =	vld [tilespmem:s17+$0xC020];
	v3 =	vadd.f32 v3, v20;
	v1 =	vmov v17  }
0x12e: {  	v15 =	vmul.f32 v18, v1;
	v28 =	vld [tilespmem:s17+$0xC030]  }
0x12f: {  	v17 =	vmul.f32 v16, v1;
	v14 =	vld [tilespmem:s17+$0xC0A0]  }
0x130: {  	v9 =	vadd.f32 v18, v9;
	v11 =	vadd.f32 v15, v11;
	v18 =	vmul.f32 v19, v0;
	v15 =	vld [tilespmem:s17+$0xC0B0]  }
.Ltmp6:
0x131: {  	v8 =	vadd.f32 v16, v8;
	v7 =	vadd.f32 v17, v7;
	v20 =	vld [tilespmem:s17+$0xC040];
	v16 =	vmul.f32 v27, v0;
	(pc) =	sbr.rel @p1 .LBB2_11-.Ltmp6, $4  }
0x132: {  	v9 =	vadd.f32 v19, v9;
	v24 =	vmul.f32 v26, v1;
	v17 =	vld [tilespmem:s17+$0xC050];
	v11 =	vadd.f32 v18, v11  }
0x133: {  	v8 =	vadd.f32 v27, v8;
	v19 =	vmul.f32 v28, v1;
	v7 =	vadd.f32 v16, v7;
	v18 =	vld [tilespmem:s17+$0xC0C0]  }
0x134: {  	v22 =	vadd.f32 v26, v22;
	v21 =	vadd.f32 v24, v21;
	v24 =	vmul.f32 v14, v0;
	v16 =	vld [tilespmem:s17+$0xC0D0]  }
0x135: {  	s18 =	sadd.s32 $0x400, s18;
	v25 =	vadd.f32 v28, v25;
	v23 =	vadd.f32 v19, v23;
	v19 =	vld [tilespmem:s17+$0xC060];
	v26 =	vmul.f32 v15, v0  }
0x136: {  	v27 =	vld [tilespmem:s17+$0xC070]  }
0x137: {  	v28 =	vld [tilespmem:s17+$0xC0E0]  }
0x138: {  	v29 =	vld [tilespmem:s17+$0xC0F0];
	[tilespmem:s2+$0x14200] =	vst v9  }
0x139: {  	[tilespmem:s2+$0x16200] =	vst v11  }
0x13a: {  	v9 =	vadd.f32 v14, v22;
	[tilespmem:s2+$0x14210] =	vst v8  }
0x13b: {  	v8 =	vmul.f32 v20, v1;
	v11 =	vadd.f32 v24, v21;
	[tilespmem:s2+$0x16210] =	vst v7  }
0x13c: {  	v2 =	vadd.f32 v20, v2;
	v14 =	vadd.f32 v15, v25;
	v7 =	vmul.f32 v17, v1;
	[tilespmem:s2+$0x14220] =	vst v9  }
0x13d: {  	v15 =	vadd.f32 v26, v23;
	v8 =	vadd.f32 v8, v13;
	v9 =	vmul.f32 v18, v0;
	[tilespmem:s2+$0x16220] =	vst v11  }
0x13e: {  	v12 =	vadd.f32 v17, v12;
	v2 =	vadd.f32 v18, v2;
	[tilespmem:s2+$0x14230] =	vst v14  }
0x13f: {  	v7 =	vadd.f32 v7, v10;
	v10 =	vmul.f32 v16, v0;
	[tilespmem:s2+$0x16230] =	vst v15;
	v8 =	vadd.f32 v9, v8  }
0x140: {  	v11 =	vmul.f32 v19, v1;
	v9 =	vadd.f32 v16, v12;
	v5 =	vadd.f32 v19, v5;
	[tilespmem:s2+$0x14240] =	vst v2  }
0x141: {  	v1 =	vmul.f32 v27, v1;
	v2 =	vadd.f32 v10, v7;
	v4 =	vadd.f32 v27, v4;
	[tilespmem:s2+$0x16240] =	vst v8  }
0x142: {  	v7 =	vmul.f32 v28, v0;
	v6 =	vadd.f32 v11, v6;
	v5 =	vadd.f32 v28, v5;
	[tilespmem:s2+$0x14250] =	vst v9  }
0x143: {  	v0 =	vmul.f32 v29, v0;
	v1 =	vadd.f32 v1, v3;
	[tilespmem:s2+$0x16250] =	vst v2;
	v2 =	vadd.f32 v29, v4  }
0x144: {  	v3 =	vadd.f32 v7, v6;
	[tilespmem:s2+$0x14260] =	vst v5  }
0x145: {  	v0 =	vadd.f32 v0, v1;
	[tilespmem:s2+$0x14270] =	vst v2  }
0x146: {  	[tilespmem:s2+$0x16260] =	vst v3  }
0x147: {  	s17 =	simm.s32 $0x0;
	[tilespmem:s2+$0x16270] =	vst v0  }
0x148: {  	v0 =	vld [tilespmem:s17+$0x2080]  }
0x149: {  	v1 =	vld [tilespmem:s17+$0x2000]  }
0x14a: {  	v3 =	vld [tilespmem:s17+$0xE000]  }
0x14b: {  	v4 =	vld [tilespmem:s17+$0xE010]  }
0x14c: {  	v5 =	vld [tilespmem:s17+$0xE080]  }
0x14d: {  	v6 =	vld [tilespmem:s17+$0xE090]  }
0x14e: {  	v10 =	vld [tilespmem:s17+$0xE020]  }
0x14f: {  	v12 =	vld [tilespmem:s17+$0xE030]  }
0x150: {  	v14 =	vld [tilespmem:s17+$0xE0A0]  }
0x151: {  	v15 =	vld [tilespmem:s17+$0xE0B0]  }
0x152: {  	v2 =	vimm.f32 $0.0e+00  }
0x153: {  	v7 =	vmul.f32 v3, v1;
	v8 =	vmul.f32 v4, v1;
	v3 =	vadd.f32 v3, v2  }
0x154: {  	v11 =	vmul.f32 v5, v0;
	v4 =	vadd.f32 v4, v2;
	v16 =	vmul.f32 v6, v0  }
0x155: {  	v22 =	vadd.f32 v10, v2;
	v24 =	vmul.f32 v14, v0;
	v25 =	vadd.f32 v12, v2  }
0x156: {  	v26 =	vmul.f32 v15, v0;
	v7 =	vadd.f32 v7, v2;
	v13 =	vadd.f32 v8, v2  }
0x157: {  	v20 =	vld [tilespmem:s17+$0xE040];
	v9 =	vadd.f32 v5, v3;
	v3 =	vmul.f32 v10, v1;
	v8 =	vadd.f32 v6, v4  }
0x158: {  	v17 =	vld [tilespmem:s17+$0xE050];
	v4 =	vmul.f32 v12, v1;
	v12 =	vimm.f32 $0.0e+00;
	v10 =	vimm.f32 $0.0e+00  }
0x159: {  	v18 =	vld [tilespmem:s17+$0xE0C0];
	v5 =	vimm.f32 $0.0e+00;
	v11 =	vadd.f32 v11, v7;
	v7 =	vadd.f32 v16, v13  }
0x15a: {  	v6 =	vimm.f32 $0.0e+00;
	v21 =	vadd.f32 v3, v2;
	v23 =	vadd.f32 v4, v2;
	v16 =	vld [tilespmem:s17+$0xE0D0]  }
0x15b: {  	s18 =	simm.s32 $0x400;
	v19 =	vld [tilespmem:s17+$0xE060];
	v13 =	vimm.f32 $0.0e+00;
	v4 =	vimm.f32 $0.0e+00;
	v3 =	vimm.f32 $0.0e+00  }
.LBB2_13:
0x15c: {  	p1 =	sne.s32 s18, $0x7C00;
	v27 =	vmul.f32 v20, v1;
	v28 =	vld [tilespmem:s17+$0xE070];
	v22 =	vadd.f32 v14, v22;
	v21 =	vadd.f32 v24, v21  }
0x15d: {  	v14 =	vmul.f32 v17, v1;
	v25 =	vadd.f32 v15, v25;
	v23 =	vadd.f32 v26, v23;
	v15 =	vld [tilespmem:s17+$0xE0E0]  }
0x15e: {  	v2 =	vadd.f32 v20, v2;
	v13 =	vadd.f32 v27, v13;
	v20 =	vmul.f32 v18, v0;
	v24 =	vld [tilespmem:s17+$0xE0F0];
	s17 =	sshra.s32 s18, $0x2  }
0x15f: {  	v12 =	vadd.f32 v17, v12;
	v26 =	vld [tilespmem:s17+$0x2080];
	v10 =	vadd.f32 v14, v10;
	v14 =	vmul.f32 v16, v0  }
0x160: {  	v2 =	vadd.f32 v18, v2;
	v17 =	vld [tilespmem:s17+$0x2000];
	v27 =	vmul.f32 v19, v1;
	v13 =	vadd.f32 v20, v13  }
0x161: {  	v12 =	vadd.f32 v16, v12;
	v18 =	vld [tilespmem:s17+$0xE000];
	v1 =	vmul.f32 v28, v1;
	v10 =	vadd.f32 v14, v10  }
0x162: {  	v5 =	vadd.f32 v19, v5;
	v16 =	vld [tilespmem:s17+$0xE010];
	v6 =	vadd.f32 v27, v6;
	v14 =	vmul.f32 v15, v0  }
0x163: {  	v4 =	vadd.f32 v28, v4;
	v19 =	vld [tilespmem:s17+$0xE080];
	v20 =	vadd.f32 v1, v3;
	v3 =	vmul.f32 v24, v0  }
0x164: {  	v5 =	vadd.f32 v15, v5;
	v27 =	vld [tilespmem:s17+$0xE090];
	v6 =	vadd.f32 v14, v6;
	v0 =	vmov v26  }
0x165: {  	v4 =	vadd.f32 v24, v4;
	v26 =	vld [tilespmem:s17+$0xE020];
	v3 =	vadd.f32 v3, v20;
	v1 =	vmov v17  }
0x166: {  	v15 =	vmul.f32 v18, v1;
	v28 =	vld [tilespmem:s17+$0xE030]  }
0x167: {  	v17 =	vmul.f32 v16, v1;
	v14 =	vld [tilespmem:s17+$0xE0A0]  }
0x168: {  	v9 =	vadd.f32 v18, v9;
	v11 =	vadd.f32 v15, v11;
	v18 =	vmul.f32 v19, v0;
	v15 =	vld [tilespmem:s17+$0xE0B0]  }
.Ltmp7:
0x169: {  	v8 =	vadd.f32 v16, v8;
	v7 =	vadd.f32 v17, v7;
	v20 =	vld [tilespmem:s17+$0xE040];
	v16 =	vmul.f32 v27, v0;
	(pc) =	sbr.rel @p1 .LBB2_13-.Ltmp7, $4  }
0x16a: {  	v9 =	vadd.f32 v19, v9;
	v24 =	vmul.f32 v26, v1;
	v17 =	vld [tilespmem:s17+$0xE050];
	v11 =	vadd.f32 v18, v11  }
0x16b: {  	v8 =	vadd.f32 v27, v8;
	v19 =	vmul.f32 v28, v1;
	v7 =	vadd.f32 v16, v7;
	v18 =	vld [tilespmem:s17+$0xE0C0]  }
0x16c: {  	v22 =	vadd.f32 v26, v22;
	v21 =	vadd.f32 v24, v21;
	v24 =	vmul.f32 v14, v0;
	v16 =	vld [tilespmem:s17+$0xE0D0]  }
0x16d: {  	s18 =	sadd.s32 $0x400, s18;
	v25 =	vadd.f32 v28, v25;
	v23 =	vadd.f32 v19, v23;
	v19 =	vld [tilespmem:s17+$0xE060];
	v26 =	vmul.f32 v15, v0  }
0x16e: {  	v27 =	vld [tilespmem:s17+$0xE070]  }
0x16f: {  	v28 =	vld [tilespmem:s17+$0xE0E0]  }
0x170: {  	v29 =	vld [tilespmem:s17+$0xE0F0];
	[tilespmem:s2+$0x14280] =	vst v9  }
0x171: {  	[tilespmem:s2+$0x16280] =	vst v11  }
0x172: {  	v9 =	vadd.f32 v14, v22;
	[tilespmem:s2+$0x14290] =	vst v8  }
0x173: {  	v8 =	vmul.f32 v20, v1;
	v11 =	vadd.f32 v24, v21;
	[tilespmem:s2+$0x16290] =	vst v7  }
0x174: {  	v2 =	vadd.f32 v20, v2;
	v14 =	vadd.f32 v15, v25;
	v7 =	vmul.f32 v17, v1;
	[tilespmem:s2+$0x142A0] =	vst v9  }
0x175: {  	v15 =	vadd.f32 v26, v23;
	v8 =	vadd.f32 v8, v13;
	v9 =	vmul.f32 v18, v0;
	[tilespmem:s2+$0x162A0] =	vst v11  }
0x176: {  	v12 =	vadd.f32 v17, v12;
	v2 =	vadd.f32 v18, v2;
	[tilespmem:s2+$0x142B0] =	vst v14  }
0x177: {  	v7 =	vadd.f32 v7, v10;
	v10 =	vmul.f32 v16, v0;
	[tilespmem:s2+$0x162B0] =	vst v15;
	v8 =	vadd.f32 v9, v8  }
0x178: {  	v11 =	vmul.f32 v19, v1;
	v9 =	vadd.f32 v16, v12;
	v5 =	vadd.f32 v19, v5;
	[tilespmem:s2+$0x142C0] =	vst v2  }
0x179: {  	v1 =	vmul.f32 v27, v1;
	v2 =	vadd.f32 v10, v7;
	v4 =	vadd.f32 v27, v4;
	[tilespmem:s2+$0x162C0] =	vst v8  }
0x17a: {  	v7 =	vmul.f32 v28, v0;
	v6 =	vadd.f32 v11, v6;
	v5 =	vadd.f32 v28, v5;
	[tilespmem:s2+$0x142D0] =	vst v9  }
0x17b: {  	v0 =	vmul.f32 v29, v0;
	v1 =	vadd.f32 v1, v3;
	[tilespmem:s2+$0x162D0] =	vst v2;
	v2 =	vadd.f32 v29, v4  }
0x17c: {  	v3 =	vadd.f32 v7, v6;
	[tilespmem:s2+$0x142E0] =	vst v5  }
0x17d: {  	s17 =	sadd.s32 @!p0 s11, s0;
	v0 =	vadd.f32 v0, v1;
	[tilespmem:s2+$0x142F0] =	vst v2  }
0x17e: {  	s17 =	sshrl.u32 @!p0 s17, $0x3;
	[tilespmem:s2+$0x162E0] =	vst v3  }
0x17f: {  	s18 =	simm.s32 @!p0 $0x0;
	s19 =	simm.s32 @!p0 $0xC000;
	s17 =	sadd.s32 @!p0 s1, s17;
	[tilespmem:s2+$0x162F0] =	vst v0  }
0x180: {  	[tilespmem:s19], [sflag:$0x3] =	stream.linear.gather @!p0 [hbm4b:s17+s18], $0x4000, $0x38;
	[tilespmem:$0x18000] =	vst v63  }
0x181: {  	_ =	swait.ge [sflag:s24], $0x4000  }
0x182: {  	[sflag:s24] =	ssyncset.done $0x0  }
0x183: {  	s17 =	simm.s32 $0x0;
	[sflag:s24] =	ssyncadd.s32 $0xFFFFC000  }
0x184: {  	v0 =	vld [tilespmem:s17+$0x80]  }
0x185: {  	v1 =	vld [tilespmem:s17+$0x0]  }
0x186: {  	v3 =	vld [tilespmem:s17+$0x10000]  }
0x187: {  	v4 =	vld [tilespmem:s17+$0x10010]  }
0x188: {  	v5 =	vld [tilespmem:s17+$0x10080]  }
0x189: {  	v6 =	vld [tilespmem:s17+$0x10090]  }
0x18a: {  	v10 =	vld [tilespmem:s17+$0x10020]  }
0x18b: {  	v12 =	vld [tilespmem:s17+$0x10030]  }
0x18c: {  	v14 =	vld [tilespmem:s17+$0x100A0]  }
0x18d: {  	v15 =	vld [tilespmem:s17+$0x100B0]  }
0x18e: {  	v2 =	vimm.f32 $0.0e+00  }
0x18f: {  	v7 =	vmul.f32 v3, v1;
	v8 =	vmul.f32 v4, v1;
	v3 =	vadd.f32 v3, v2  }
0x190: {  	v11 =	vmul.f32 v5, v0;
	v4 =	vadd.f32 v4, v2;
	v16 =	vmul.f32 v6, v0  }
0x191: {  	v22 =	vadd.f32 v10, v2;
	v24 =	vmul.f32 v14, v0;
	v25 =	vadd.f32 v12, v2  }
0x192: {  	v26 =	vmul.f32 v15, v0;
	v7 =	vadd.f32 v7, v2;
	v13 =	vadd.f32 v8, v2  }
0x193: {  	v20 =	vld [tilespmem:s17+$0x10040];
	v9 =	vadd.f32 v5, v3;
	v3 =	vmul.f32 v10, v1;
	v8 =	vadd.f32 v6, v4  }
0x194: {  	v17 =	vld [tilespmem:s17+$0x10050];
	v4 =	vmul.f32 v12, v1;
	v12 =	vimm.f32 $0.0e+00;
	v10 =	vimm.f32 $0.0e+00  }
0x195: {  	v18 =	vld [tilespmem:s17+$0x100C0];
	v5 =	vimm.f32 $0.0e+00;
	v11 =	vadd.f32 v11, v7;
	v7 =	vadd.f32 v16, v13  }
0x196: {  	v6 =	vimm.f32 $0.0e+00;
	v21 =	vadd.f32 v3, v2;
	v23 =	vadd.f32 v4, v2;
	v16 =	vld [tilespmem:s17+$0x100D0]  }
0x197: {  	s18 =	simm.s32 $0x400;
	v19 =	vld [tilespmem:s17+$0x10060];
	v13 =	vimm.f32 $0.0e+00;
	v4 =	vimm.f32 $0.0e+00;
	v3 =	vimm.f32 $0.0e+00  }
.LBB2_15:
0x198: {  	p1 =	sne.s32 s18, $0x7C00;
	v27 =	vmul.f32 v20, v1;
	v28 =	vld [tilespmem:s17+$0x10070];
	v22 =	vadd.f32 v14, v22;
	v21 =	vadd.f32 v24, v21  }
0x199: {  	v14 =	vmul.f32 v17, v1;
	v25 =	vadd.f32 v15, v25;
	v23 =	vadd.f32 v26, v23;
	v15 =	vld [tilespmem:s17+$0x100E0]  }
0x19a: {  	v2 =	vadd.f32 v20, v2;
	v13 =	vadd.f32 v27, v13;
	v20 =	vmul.f32 v18, v0;
	v24 =	vld [tilespmem:s17+$0x100F0];
	s17 =	sshra.s32 s18, $0x2  }
0x19b: {  	v12 =	vadd.f32 v17, v12;
	v26 =	vld [tilespmem:s17+$0x80];
	v10 =	vadd.f32 v14, v10;
	v14 =	vmul.f32 v16, v0  }
0x19c: {  	v2 =	vadd.f32 v18, v2;
	v17 =	vld [tilespmem:s17+$0x0];
	v27 =	vmul.f32 v19, v1;
	v13 =	vadd.f32 v20, v13  }
0x19d: {  	v12 =	vadd.f32 v16, v12;
	v18 =	vld [tilespmem:s17+$0x10000];
	v1 =	vmul.f32 v28, v1;
	v10 =	vadd.f32 v14, v10  }
0x19e: {  	v5 =	vadd.f32 v19, v5;
	v16 =	vld [tilespmem:s17+$0x10010];
	v6 =	vadd.f32 v27, v6;
	v14 =	vmul.f32 v15, v0  }
0x19f: {  	v4 =	vadd.f32 v28, v4;
	v19 =	vld [tilespmem:s17+$0x10080];
	v20 =	vadd.f32 v1, v3;
	v3 =	vmul.f32 v24, v0  }
0x1a0: {  	v5 =	vadd.f32 v15, v5;
	v27 =	vld [tilespmem:s17+$0x10090];
	v6 =	vadd.f32 v14, v6;
	v0 =	vmov v26  }
0x1a1: {  	v4 =	vadd.f32 v24, v4;
	v26 =	vld [tilespmem:s17+$0x10020];
	v3 =	vadd.f32 v3, v20;
	v1 =	vmov v17  }
0x1a2: {  	v15 =	vmul.f32 v18, v1;
	v28 =	vld [tilespmem:s17+$0x10030]  }
0x1a3: {  	v17 =	vmul.f32 v16, v1;
	v14 =	vld [tilespmem:s17+$0x100A0]  }
0x1a4: {  	v9 =	vadd.f32 v18, v9;
	v11 =	vadd.f32 v15, v11;
	v18 =	vmul.f32 v19, v0;
	v15 =	vld [tilespmem:s17+$0x100B0]  }
.Ltmp8:
0x1a5: {  	v8 =	vadd.f32 v16, v8;
	v7 =	vadd.f32 v17, v7;
	v20 =	vld [tilespmem:s17+$0x10040];
	v16 =	vmul.f32 v27, v0;
	(pc) =	sbr.rel @p1 .LBB2_15-.Ltmp8, $4  }
0x1a6: {  	v9 =	vadd.f32 v19, v9;
	v24 =	vmul.f32 v26, v1;
	v17 =	vld [tilespmem:s17+$0x10050];
	v11 =	vadd.f32 v18, v11  }
0x1a7: {  	v8 =	vadd.f32 v27, v8;
	v19 =	vmul.f32 v28, v1;
	v7 =	vadd.f32 v16, v7;
	v18 =	vld [tilespmem:s17+$0x100C0]  }
0x1a8: {  	v22 =	vadd.f32 v26, v22;
	v21 =	vadd.f32 v24, v21;
	v24 =	vmul.f32 v14, v0;
	v16 =	vld [tilespmem:s17+$0x100D0]  }
0x1a9: {  	s18 =	sadd.s32 $0x400, s18;
	v25 =	vadd.f32 v28, v25;
	v23 =	vadd.f32 v19, v23;
	v19 =	vld [tilespmem:s17+$0x10060];
	v26 =	vmul.f32 v15, v0  }
0x1aa: {  	v27 =	vld [tilespmem:s17+$0x10070]  }
0x1ab: {  	v28 =	vld [tilespmem:s17+$0x100E0]  }
0x1ac: {  	v29 =	vld [tilespmem:s17+$0x100F0];
	[tilespmem:s2+$0x14300] =	vst v9  }
0x1ad: {  	[tilespmem:s2+$0x16300] =	vst v11  }
0x1ae: {  	v9 =	vadd.f32 v14, v22;
	[tilespmem:s2+$0x14310] =	vst v8  }
0x1af: {  	v8 =	vmul.f32 v20, v1;
	v11 =	vadd.f32 v24, v21;
	[tilespmem:s2+$0x16310] =	vst v7  }
0x1b0: {  	v2 =	vadd.f32 v20, v2;
	v14 =	vadd.f32 v15, v25;
	v7 =	vmul.f32 v17, v1;
	[tilespmem:s2+$0x14320] =	vst v9  }
0x1b1: {  	v15 =	vadd.f32 v26, v23;
	v8 =	vadd.f32 v8, v13;
	v9 =	vmul.f32 v18, v0;
	[tilespmem:s2+$0x16320] =	vst v11  }
0x1b2: {  	v12 =	vadd.f32 v17, v12;
	v2 =	vadd.f32 v18, v2;
	[tilespmem:s2+$0x14330] =	vst v14  }
0x1b3: {  	v7 =	vadd.f32 v7, v10;
	v10 =	vmul.f32 v16, v0;
	[tilespmem:s2+$0x16330] =	vst v15;
	v8 =	vadd.f32 v9, v8  }
0x1b4: {  	v11 =	vmul.f32 v19, v1;
	v9 =	vadd.f32 v16, v12;
	v5 =	vadd.f32 v19, v5;
	[tilespmem:s2+$0x14340] =	vst v2  }
0x1b5: {  	v1 =	vmul.f32 v27, v1;
	v2 =	vadd.f32 v10, v7;
	v4 =	vadd.f32 v27, v4;
	[tilespmem:s2+$0x16340] =	vst v8  }
0x1b6: {  	v7 =	vmul.f32 v28, v0;
	v6 =	vadd.f32 v11, v6;
	v5 =	vadd.f32 v28, v5;
	[tilespmem:s2+$0x14350] =	vst v9  }
0x1b7: {  	v0 =	vmul.f32 v29, v0;
	v1 =	vadd.f32 v1, v3;
	[tilespmem:s2+$0x16350] =	vst v2;
	v2 =	vadd.f32 v29, v4  }
0x1b8: {  	v3 =	vadd.f32 v7, v6;
	[tilespmem:s2+$0x14360] =	vst v5  }
0x1b9: {  	v0 =	vadd.f32 v0, v1;
	[tilespmem:s2+$0x14370] =	vst v2  }
0x1ba: {  	[tilespmem:s2+$0x16360] =	vst v3  }
0x1bb: {  	s17 =	simm.s32 $0x0;
	[tilespmem:s2+$0x16370] =	vst v0  }
0x1bc: {  	v0 =	vld [tilespmem:s17+$0x2080]  }
0x1bd: {  	v1 =	vld [tilespmem:s17+$0x2000]  }
0x1be: {  	v3 =	vld [tilespmem:s17+$0x12000]  }
0x1bf: {  	v4 =	vld [tilespmem:s17+$0x12010]  }
0x1c0: {  	v5 =	vld [tilespmem:s17+$0x12080]  }
0x1c1: {  	v6 =	vld [tilespmem:s17+$0x12090]  }
0x1c2: {  	v10 =	vld [tilespmem:s17+$0x12020]  }
0x1c3: {  	v12 =	vld [tilespmem:s17+$0x12030]  }
0x1c4: {  	v14 =	vld [tilespmem:s17+$0x120A0]  }
0x1c5: {  	v15 =	vld [tilespmem:s17+$0x120B0]  }
0x1c6: {  	v2 =	vimm.f32 $0.0e+00  }
0x1c7: {  	v7 =	vmul.f32 v3, v1;
	v8 =	vmul.f32 v4, v1;
	v3 =	vadd.f32 v3, v2  }
0x1c8: {  	v11 =	vmul.f32 v5, v0;
	v4 =	vadd.f32 v4, v2;
	v16 =	vmul.f32 v6, v0  }
0x1c9: {  	v22 =	vadd.f32 v10, v2;
	v24 =	vmul.f32 v14, v0;
	v25 =	vadd.f32 v12, v2  }
0x1ca: {  	v26 =	vmul.f32 v15, v0;
	v7 =	vadd.f32 v7, v2;
	v13 =	vadd.f32 v8, v2  }
0x1cb: {  	v20 =	vld [tilespmem:s17+$0x12040];
	v9 =	vadd.f32 v5, v3;
	v3 =	vmul.f32 v10, v1;
	v8 =	vadd.f32 v6, v4  }
0x1cc: {  	v17 =	vld [tilespmem:s17+$0x12050];
	v4 =	vmul.f32 v12, v1;
	v12 =	vimm.f32 $0.0e+00;
	v10 =	vimm.f32 $0.0e+00  }
0x1cd: {  	v18 =	vld [tilespmem:s17+$0x120C0];
	v5 =	vimm.f32 $0.0e+00;
	v11 =	vadd.f32 v11, v7;
	v7 =	vadd.f32 v16, v13  }
0x1ce: {  	v6 =	vimm.f32 $0.0e+00;
	v21 =	vadd.f32 v3, v2;
	v23 =	vadd.f32 v4, v2;
	v16 =	vld [tilespmem:s17+$0x120D0]  }
0x1cf: {  	s18 =	simm.s32 $0x400;
	v19 =	vld [tilespmem:s17+$0x12060];
	v13 =	vimm.f32 $0.0e+00;
	v4 =	vimm.f32 $0.0e+00;
	v3 =	vimm.f32 $0.0e+00  }
.LBB2_17:
0x1d0: {  	p1 =	sne.s32 s18, $0x7C00;
	v27 =	vmul.f32 v20, v1;
	v28 =	vld [tilespmem:s17+$0x12070];
	v22 =	vadd.f32 v14, v22;
	v21 =	vadd.f32 v24, v21  }
0x1d1: {  	v14 =	vmul.f32 v17, v1;
	v25 =	vadd.f32 v15, v25;
	v23 =	vadd.f32 v26, v23;
	v15 =	vld [tilespmem:s17+$0x120E0]  }
0x1d2: {  	v2 =	vadd.f32 v20, v2;
	v13 =	vadd.f32 v27, v13;
	v20 =	vmul.f32 v18, v0;
	v24 =	vld [tilespmem:s17+$0x120F0];
	s17 =	sshra.s32 s18, $0x2  }
0x1d3: {  	v12 =	vadd.f32 v17, v12;
	v26 =	vld [tilespmem:s17+$0x2080];
	v10 =	vadd.f32 v14, v10;
	v14 =	vmul.f32 v16, v0  }
0x1d4: {  	v2 =	vadd.f32 v18, v2;
	v17 =	vld [tilespmem:s17+$0x2000];
	v27 =	vmul.f32 v19, v1;
	v13 =	vadd.f32 v20, v13  }
0x1d5: {  	v12 =	vadd.f32 v16, v12;
	v18 =	vld [tilespmem:s17+$0x12000];
	v1 =	vmul.f32 v28, v1;
	v10 =	vadd.f32 v14, v10  }
0x1d6: {  	v5 =	vadd.f32 v19, v5;
	v16 =	vld [tilespmem:s17+$0x12010];
	v6 =	vadd.f32 v27, v6;
	v14 =	vmul.f32 v15, v0  }
0x1d7: {  	v4 =	vadd.f32 v28, v4;
	v19 =	vld [tilespmem:s17+$0x12080];
	v20 =	vadd.f32 v1, v3;
	v3 =	vmul.f32 v24, v0  }
0x1d8: {  	v5 =	vadd.f32 v15, v5;
	v27 =	vld [tilespmem:s17+$0x12090];
	v6 =	vadd.f32 v14, v6;
	v0 =	vmov v26  }
0x1d9: {  	v4 =	vadd.f32 v24, v4;
	v26 =	vld [tilespmem:s17+$0x12020];
	v3 =	vadd.f32 v3, v20;
	v1 =	vmov v17  }
0x1da: {  	v15 =	vmul.f32 v18, v1;
	v28 =	vld [tilespmem:s17+$0x12030]  }
0x1db: {  	v17 =	vmul.f32 v16, v1;
	v14 =	vld [tilespmem:s17+$0x120A0]  }
0x1dc: {  	v9 =	vadd.f32 v18, v9;
	v11 =	vadd.f32 v15, v11;
	v18 =	vmul.f32 v19, v0;
	v15 =	vld [tilespmem:s17+$0x120B0]  }
.Ltmp9:
0x1dd: {  	v8 =	vadd.f32 v16, v8;
	v7 =	vadd.f32 v17, v7;
	v20 =	vld [tilespmem:s17+$0x12040];
	v16 =	vmul.f32 v27, v0;
	(pc) =	sbr.rel @p1 .LBB2_17-.Ltmp9, $4  }
0x1de: {  	v9 =	vadd.f32 v19, v9;
	v24 =	vmul.f32 v26, v1;
	v17 =	vld [tilespmem:s17+$0x12050];
	v11 =	vadd.f32 v18, v11  }
0x1df: {  	v8 =	vadd.f32 v27, v8;
	v19 =	vmul.f32 v28, v1;
	v7 =	vadd.f32 v16, v7;
	v18 =	vld [tilespmem:s17+$0x120C0]  }
0x1e0: {  	v22 =	vadd.f32 v26, v22;
	v21 =	vadd.f32 v24, v21;
	v24 =	vmul.f32 v14, v0;
	v16 =	vld [tilespmem:s17+$0x120D0]  }
0x1e1: {  	s18 =	sadd.s32 $0x400, s18;
	v25 =	vadd.f32 v28, v25;
	v23 =	vadd.f32 v19, v23;
	v19 =	vld [tilespmem:s17+$0x12060];
	v26 =	vmul.f32 v15, v0  }
0x1e2: {  	v27 =	vld [tilespmem:s17+$0x12070]  }
0x1e3: {  	v28 =	vld [tilespmem:s17+$0x120E0]  }
0x1e4: {  	v29 =	vld [tilespmem:s17+$0x120F0];
	[tilespmem:s2+$0x14380] =	vst v9  }
0x1e5: {  	[tilespmem:s2+$0x16380] =	vst v11  }
0x1e6: {  	v48 =	vadd.f32 v14, v22;
	[tilespmem:s2+$0x14390] =	vst v8  }
0x1e7: {  	v50 =	vadd.f32 v24, v21;
	[tilespmem:s2+$0x16390] =	vst v7  }
0x1e8: {  	v49 =	vmul.f32 v20, v1;
	v2 =	vadd.f32 v20, v2;
	v51 =	vadd.f32 v15, v25;
	[tilespmem:s2+$0x143A0] =	vst v48  }
0x1e9: {  	v52 =	vmul.f32 v17, v1;
	v53 =	vadd.f32 v26, v23;
	v12 =	vadd.f32 v17, v12;
	[tilespmem:s2+$0x163A0] =	vst v50  }
0x1ea: {  	v8 =	vadd.f32 v49, v13;
	v54 =	vmul.f32 v18, v0;
	v2 =	vadd.f32 v18, v2;
	[tilespmem:s2+$0x143B0] =	vst v51  }
0x1eb: {  	v7 =	vadd.f32 v52, v10;
	v55 =	vmul.f32 v16, v0;
	[tilespmem:s2+$0x163B0] =	vst v53;
	v58 =	vadd.f32 v16, v12  }
0x1ec: {  	v56 =	vmul.f32 v19, v1;
	v8 =	vadd.f32 v54, v8;
	v5 =	vadd.f32 v19, v5;
	[tilespmem:s2+$0x143C0] =	vst v2  }
0x1ed: {  	v57 =	vmul.f32 v27, v1;
	v59 =	vadd.f32 v55, v7;
	v4 =	vadd.f32 v27, v4;
	[tilespmem:s2+$0x143D0] =	vst v58  }
0x1ee: {  	v60 =	vmul.f32 v28, v0;
	v6 =	vadd.f32 v56, v6;
	[tilespmem:s2+$0x163C0] =	vst v8;
	v5 =	vadd.f32 v28, v5  }
.Ltmp10:
0x1ef: {  	v61 =	vmul.f32 v29, v0;
	v1 =	vadd.f32 v57, v3;
	[tilespmem:s2+$0x163D0] =	vst v59;
	v63 =	vadd.f32 v29, v4;
	(pc) =	sbr.rel @p0 .LBB2_20-.Ltmp10, $4  }
0x1f0: {  	v62 =	vadd.f32 v60, v6;
	[tilespmem:s2+$0x143E0] =	vst v5  }
0x1f1: {  	v0 =	vadd.f32 v61, v1;
	[tilespmem:s2+$0x143F0] =	vst v63  }
0x1f2: {  	[tilespmem:s2+$0x163E0] =	vst v62  }
0x1f3: {  	[tilespmem:s2+$0x163F0] =	vst v0  }
.Ltmp11:
0x1f4: {  	(pc) =	sbr.rel .LBB2_2-.Ltmp11, $4  }
0x1f5: {  	s0 =	sadd.s32 s12, s0  }
0x1f6: {  	s0 =	sshrl.u32 s0, $0x3  }
0x1f7: {  	s31 =	sadd.s32 $0x1, s31;
	s0 =	sadd.s32 s1, s0  }
0x1f8: {  	[tilespmem:s20], [sflag:$0x4] =	stream.linear.gather [hbm4b:s0+s3], $0x4000, $0x38;
	[tilespmem:$0x18000] =	vst v63  }
.LBB2_21:
0x1f9: {  	_ =	sfence.sel $0x180000  }
0x1fa: {  	[bflag:$0x0] =	sbarrier.arrive $0xFFFF  }
0x1fb: {  	_ =	strace $0x90000047  }
0x1fc: {  	s0 =	stileid.u32;
	[bflag:$0x2] =	sbarrier.arrive $0xFFFF  }
0x1fd: {  	p0 =	sne.s32 s0, $0x0;
	s0 =	rddreg [dreg:$0x3]  }
0x1fe: {  	s0 =	sadd.s32 @!p0 $0x100000, s0  }
0x1ff: {  	[sflag:s0] =	ssyncadd.tile.s32 @!p0 $0x1;
	_ =	shalt  }
.Lfunc_end2:
_tile_overlayer_lowered:
.L_overlay_start_2:
0x200: {  	(tag) =	ssettag $0x2  }
0x201: {  	s0 =	rddreg [dreg:$0x0];
	s2 =	stileid.u32  }
0x202: {  	s1 =	rddreg [dreg:$0x1];
	p0 =	sne.s32 s2, $0x0  }
0x203: {  	s3 =	rddreg [dreg:$0x2];
	[bflag:$0x3] =	sbarrier.arrive $0xFFFF;
	s2 =	simm.s32 @!p0 $0x1C05  }
0x204: {  	[timem:s3], [sflag:s2] =	dma.local @!p0 [hbm:s0], s1  }
0x205: {  	s0 =	simm.s32 @!p0 $0x5  }
0x206: {  	_ =	swait.ge @!p0 [sflag:s0], s1  }
0x207: {  	s1 =	ssub.s32 @!p0 $0x0, s1;
	[sflag:s0] =	ssyncset.done @!p0 $0x0  }
0x208: {  	[sflag:s0] =	ssyncadd.s32 @!p0 s1  }
0x209: {  	[bflag:$0x3] =	sbarrier.arrive $0xFFFF  }
0x20a: {  	_ =	shalt  }

</sc_bundles>
